<compile_context>
chip_gen: v7x
topology: tpu7x:2x2x1
jax: 0.10.2.dev20260603
libtpu: 0.0.44.dev20260713+nightly
codegen_flags: <defaults>
</compile_context>

<pallas_src>
import functools

import jax
import jax.numpy as jnp
from jax import lax
from jax.experimental import pallas as pl
from jax.experimental.pallas import tpu as pltpu
from jax.experimental.pallas import tpu_sc as plsc

B = 10
NPG = 1000
N = B * NPG
C = 128
L = 3
E = 320000
EPG = E // B
EPS = 1e-5

PS = 1024
NC = 2
NS = 16
GPC = B // NC
IPT = EPG // NS
ICH = 125
NICH = IPT // ICH
ZROW = 16
ZCH = ZROW * PS
NZCH = PS * PS // ZCH
ZROUND = NZCH // NS


def _leaky(x):
    return jnp.where(x >= 0, x, 0.01 * x)



def _sc_body(idx_hbm, zeros_hbm, zeros2_hbm, ones_hbm, out_hbm, shared,
             idx_v, ones_v, zero_v, stage_a, stage_b,
             sem_s, sem_r, sem_w, sem_z):
    c = lax.axis_index("c")
    s = lax.axis_index("s")
    stages = (stage_a, stage_b)
    pltpu.sync_copy(ones_hbm, ones_v)
    pltpu.sync_copy(zeros_hbm, zero_v)
    zd = [pltpu.async_copy(zero_v, shared.at[pl.ds((k * NS + s) * ZCH, ZCH)],
                           sem_z) for k in range(ZROUND)]
    for d in zd:
        d.wait()
    plsc.subcore_barrier()
    for i in range(GPC):
        g = c * GPC + i
        pltpu.sync_copy(idx_hbm.at[g, s], idx_v)
        sd = [pltpu.async_copy(ones_v, shared.at[idx_v.at[j]], sem_s,
                               add=True) for j in range(NICH)]
        for d in sd:
            d.wait()
        plsc.subcore_barrier()
        wd = [None] * ZROUND
        zd = [None] * ZROUND
        for k in range(ZROUND):
            ch = k * NS + s
            if k >= 2:
                wd[k - 2].wait()
            st = stages[k % 2]

            def _row(r, carry):
                pltpu.async_copy(shared.at[pl.ds(ch * ZCH + r * PS, PS)],
                                 st.at[r], sem_r)
                return carry

            lax.fori_loop(0, ZROW, _row, 0)
            pltpu.make_async_copy(zeros2_hbm, st, sem_r).wait()
            wd[k] = pltpu.async_copy(
                st, out_hbm.at[pl.ds(g * PS + ch * ZROW, ZROW)], sem_w)
            zd[k] = pltpu.async_copy(zero_v, shared.at[pl.ds(ch * ZCH, ZCH)],
                                     sem_z)
        wd[ZROUND - 2].wait()
        wd[ZROUND - 1].wait()
        for d in zd:
            d.wait()
        plsc.subcore_barrier()


def _sc_build_adjacency(flat_idx):
    mesh = plsc.VectorSubcoreMesh(core_axis_name="c", subcore_axis_name="s",
                                  num_cores=NC, num_subcores=NS)
    zeros = jnp.zeros((ZCH,), jnp.float32)
    zeros2 = jnp.zeros((ZROW, PS), jnp.float32)
    ones = jnp.ones((ICH,), jnp.float32)
    f = pl.kernel(
        _sc_body,
        out_type=jax.ShapeDtypeStruct((B * PS, PS), jnp.float32),
        mesh=mesh,
        scratch_types=[
            pltpu.VMEM_SHARED((PS * PS,), jnp.float32),
            pltpu.VMEM((NICH, ICH), jnp.int32),
            pltpu.VMEM((ICH,), jnp.float32),
            pltpu.VMEM((ZCH,), jnp.float32),
            pltpu.VMEM((ZROW, PS), jnp.float32),
            pltpu.VMEM((ZROW, PS), jnp.float32),
            pltpu.SemaphoreType.DMA,
            pltpu.SemaphoreType.DMA,
            pltpu.SemaphoreType.DMA,
            pltpu.SemaphoreType.DMA,
        ],
    )
    return f(flat_idx, zeros, zeros2, ones)



def _tc_body(a_ref, h0_ref, wa_ref, w_ref, gam_ref, bet_ref, out_ref):
    A = a_ref[0]
    h0 = h0_ref[0]
    A_bf = A.astype(jnp.bfloat16)
    deg_in = jnp.sum(A, axis=1, keepdims=True)
    deg_out = jnp.sum(A, axis=0, keepdims=True)
    norm_dst = jax.lax.rsqrt(jnp.maximum(deg_in, 1.0))
    ns_col = jnp.reshape(jax.lax.rsqrt(jnp.maximum(deg_out, 1.0)), (PS, 1))
    wa = wa_ref[0]

    h = h0
    prev0 = None
    for l in range(L):
        hs = (h * ns_col).astype(jnp.bfloat16)
        agg = jnp.dot(A_bf, hs, preferred_element_type=jnp.float32)
        agg = agg * norm_dst
        h2 = jnp.dot(agg, w_ref[l], preferred_element_type=jnp.float32)
        mean = jnp.sum(h2, axis=0, keepdims=True) / NPG
        var = jnp.sum(h2 * h2, axis=0, keepdims=True) / NPG - mean * mean
        hn = (h2 - mean) * jax.lax.rsqrt(var + EPS)
        hn = hn * gam_ref[l][None, :] + bet_ref[l][None, :]
        hn = _leaky(hn)
        if l == 0:
            ro_src = hn
            prev0 = hn
            h = hn + h0
        else:
            h = hn + prev0
            prev0 = hn
            ro_src = h
        wa_l = jax.lax.slice(wa, (l, 0), (l + 1, PS))
        ro = jnp.dot(wa_l, ro_src, preferred_element_type=jnp.float32)
        out_ref[0, :, l * C:(l + 1) * C] = _leaky(ro)


def _tc_forward(A, h0, wa, W, gamma, beta):
    return pl.pallas_call(
        _tc_body,
        grid=(B,),
        in_specs=[
            pl.BlockSpec((1, PS, PS), lambda g: (g, 0, 0)),
            pl.BlockSpec((1, PS, C), lambda g: (g, 0, 0)),
            pl.BlockSpec((1, L, PS), lambda g: (g, 0, 0)),
            pl.BlockSpec((L, C, C), lambda g: (0, 0, 0)),
            pl.BlockSpec((L, C), lambda g: (0, 0)),
            pl.BlockSpec((L, C), lambda g: (0, 0)),
        ],
        out_specs=pl.BlockSpec((1, 1, L * C), lambda g: (g, 0, 0)),
        out_shape=jax.ShapeDtypeStruct((B, 1, L * C), jnp.float32),
    )(A, h0, wa, W, gamma, beta).reshape(B, L * C)


def kernel(node_feats, edge_index, weights, AR_weights, W, gamma, beta):
    src = edge_index[0].astype(jnp.int32).reshape(B, EPG)
    dst = edge_index[1].astype(jnp.int32).reshape(B, EPG)
    g_off = jnp.arange(B, dtype=jnp.int32)[:, None] * (NPG * PS + NPG)
    flat = dst * PS + src - g_off
    A = _sc_build_adjacency(flat.reshape(B, NS, NICH, ICH))
    A = A.reshape(B, PS, PS)

    h0 = jnp.pad(node_feats.reshape(B, NPG, C), ((0, 0), (0, PS - NPG), (0, 0)))
    wa = (weights.reshape(B, NPG)[:, None, :] * AR_weights[None, :, :]) / NPG
    wa = jnp.pad(wa, ((0, 0), (0, 0), (0, PS - NPG)))
    return _tc_forward(A, h0, wa, W, gamma, beta)

# --- scband reference (transcript-rebuilt; emitter-appended) ---
"""Pipeline reference for scband-weightspembedder-ar-21062519620290 (READ-ONLY COPY).

The authoritative reference and input builder live on the scoring server;
editing this copy changes nothing except your own understanding.
"""

import jax, jax.numpy as jnp
import numpy as np

B = 10          # graphs in the batch
NPG = 1000      # nodes_number per graph
N = B * NPG     # total nodes = 10000
C = 128         # in_channels = out_channels
L = 3           # layers_num
E = 320000      # total edges (avg_degree=32)
EPG = E // B    # edges per graph
EPS = 1e-5


def setup_inputs(seed: int = 0) -> dict:
    key = jax.random.key(seed)
    ks = jax.random.split(key, 8)
    node_feats = jax.random.normal(ks[0], (N, C), dtype=jnp.float32)
    # block-structured edges: each graph's edges stay inside its node range
    src = jax.random.randint(ks[1], (B, EPG), 0, NPG)
    dst = jax.random.randint(ks[2], (B, EPG), 0, NPG)
    off = jnp.arange(B)[:, None] * NPG
    edge_index = jnp.stack([(src + off).reshape(-1), (dst + off).reshape(-1)], axis=0)
    weights = jax.random.uniform(ks[3], (N,), dtype=jnp.float32)
    # learned parameters
    AR_weights = jnp.ones((L, NPG), dtype=jnp.float32)
    W = 0.1 * jax.random.normal(ks[4], (L, C, C), dtype=jnp.float32)  # GraphConv weights (no bias)
    gamma = jnp.ones((L, C), dtype=jnp.float32)   # GraphNorm scale per layer
    beta = jnp.zeros((L, C), dtype=jnp.float32)   # GraphNorm shift per layer
    return {"node_feats": node_feats, "edge_index": edge_index, "weights": weights,
            "AR_weights": AR_weights, "W": W, "gamma": gamma, "beta": beta}


def _leaky(x):
    return jnp.where(x >= 0, x, 0.01 * x)


def _graph_conv(x, src, dst, Wl):
    # DGL GraphConv, norm='both', bias=False:
    # out = D_in^{-1/2} A^T (D_out^{-1/2} x) W, degrees clamped at 1
    n = x.shape[0]
    ones = jnp.ones((src.shape[0],), dtype=x.dtype)
    deg_out = jnp.zeros((n,), x.dtype).at[src].add(ones)
    deg_in = jnp.zeros((n,), x.dtype).at[dst].add(ones)
    norm_src = jnp.power(jnp.clip(deg_out, 1.0, None), -0.5)
    norm_dst = jnp.power(jnp.clip(deg_in, 1.0, None), -0.5)
    h = x * norm_src[:, None]
    agg = jnp.zeros_like(x).at[dst].add(h[src])   # scatter-add message passing
    agg = agg * norm_dst[:, None]
    return agg @ Wl


def _graph_norm(x, g, b):
    # per-graph normalization over nodes, per channel
    xg = x.reshape(B, NPG, C)
    mean = xg.mean(axis=1, keepdims=True)
    var = ((xg - mean) ** 2).mean(axis=1, keepdims=True)
    out = (xg - mean) / jnp.sqrt(var + EPS) * g[None, None, :] + b[None, None, :]
    return out.reshape(N, C)


def _weighted_mean_nodes(h, weights, ar_row):
    # dgl.mean_nodes(g, feat, weight): (1/N_i) * sum_k w_k * x_k per graph
    w = weights.reshape(B, NPG) * ar_row[None, :]
    hg = h.reshape(B, NPG, C)
    return jnp.mean(w[:, :, None] * hg, axis=1)


def reference(node_feats, edge_index, weights, AR_weights, W, gamma, beta):
    src = edge_index[0]
    dst = edge_index[1]
    h = _graph_conv(node_feats, src, dst, W[0])
    h = _graph_norm(h, gamma[0], beta[0])
    h = _leaky(h)
    readout = _weighted_mean_nodes(h, weights, AR_weights[0])
    prev0 = h
    h = h + node_feats
    outs = [readout]
    for idx in range(1, L):
        h = _graph_conv(h, src, dst, W[idx])
        h = _graph_norm(h, gamma[idx], beta[idx])
        h = _leaky(h)
        prev1 = h
        h = h + prev0
        prev0 = prev1
        outs.append(_weighted_mean_nodes(h, weights, AR_weights[idx]))
    readout = jnp.concatenate(outs, axis=1)
    return _leaky(readout)

if __name__ == "__main__":
    import jax
    _d = setup_inputs()
    print(jax.jit(kernel)(*tuple(_d.values())))

</pallas_src>

<mosaic_0001>
#map = affine_map<(d0, d1) -> (0, 0, 0, 0)>
#map1 = affine_map<(d0, d1) -> (0)>
#map2 = affine_map<(d0, d1) -> (0, 0)>
module attributes {stable_mosaic.version = 14 : i64} {
  func.func @_sc_body(%arg0: i32, %arg1: i32, %arg2: memref<10x16x16x125xi32, #tpu.memory_space<hbm>>, %arg3: memref<16384xf32, #tpu.memory_space<hbm>>, %arg4: memref<16x1024xf32, #tpu.memory_space<hbm>>, %arg5: memref<125xf32, #tpu.memory_space<hbm>>, %arg6: memref<10240x1024xf32, #tpu.memory_space<hbm>>, %arg7: memref<1048576xf32, #tpu.memory_space<vmem_shared>>, %arg8: memref<16x125xi32, #tpu.memory_space<vmem>>, %arg9: memref<125xf32, #tpu.memory_space<vmem>>, %arg10: memref<16384xf32, #tpu.memory_space<vmem>>, %arg11: memref<16x1024xf32, #tpu.memory_space<vmem>>, %arg12: memref<16x1024xf32, #tpu.memory_space<vmem>>, %arg13: memref<!tpu.dma_semaphore, #tpu.memory_space<semaphore_mem>>, %arg14: memref<!tpu.dma_semaphore, #tpu.memory_space<semaphore_mem>>, %arg15: memref<!tpu.dma_semaphore, #tpu.memory_space<semaphore_mem>>, %arg16: memref<!tpu.dma_semaphore, #tpu.memory_space<semaphore_mem>>) attributes {dimension_semantics = [#tpu.dimension_semantics<core_parallel>, #tpu.dimension_semantics<subcore_parallel>], iteration_bounds = array<i64: 2, 16>, scalar_prefetch = 0 : i64, scratch_operands = 10 : i64, tpu.core_type = #tpu.core_type<sc_vector_subcore>, window_params = [{transform_indices = #map}, {transform_indices = #map1}, {transform_indices = #map2}, {transform_indices = #map1}, {transform_indices = #map2}]} {
    "tpu.region"() ({
      %run_scoped3A = tpu.sem_alloc : memref<!tpu.dma_semaphore, #tpu.memory_space<semaphore_mem>>
      tpu.enqueue_dma source(%arg5 : memref<125xf32, #tpu.memory_space<hbm>>) target(%arg9 : memref<125xf32, #tpu.memory_space<vmem>>) target_semaphore(%run_scoped3A : memref<!tpu.dma_semaphore, #tpu.memory_space<semaphore_mem>>)
      tpu.wait_dma2 semaphore(%run_scoped3A : memref<!tpu.dma_semaphore, #tpu.memory_space<semaphore_mem>>) src(%arg5 : memref<125xf32, #tpu.memory_space<hbm>>) dst(%arg9 : memref<125xf32, #tpu.memory_space<vmem>>)
      tpu.yield
    }) : () -> ()
    "tpu.region"() ({
      %run_scoped3A = tpu.sem_alloc : memref<!tpu.dma_semaphore, #tpu.memory_space<semaphore_mem>>
      tpu.enqueue_dma source(%arg3 : memref<16384xf32, #tpu.memory_space<hbm>>) target(%arg10 : memref<16384xf32, #tpu.memory_space<vmem>>) target_semaphore(%run_scoped3A : memref<!tpu.dma_semaphore, #tpu.memory_space<semaphore_mem>>)
      tpu.wait_dma2 semaphore(%run_scoped3A : memref<!tpu.dma_semaphore, #tpu.memory_space<semaphore_mem>>) src(%arg3 : memref<16384xf32, #tpu.memory_space<hbm>>) dst(%arg10 : memref<16384xf32, #tpu.memory_space<vmem>>)
      tpu.yield
    }) : () -> ()
    %add3A = arith.constant 0 : i32
    %add3A_0 = arith.addi %add3A, %arg1 : i32
    %mul3A = arith.constant 16384 : i32
    %mul3A_1 = arith.muli %add3A_0, %mul3A : i32
    %dma_start3A = tpu.memref_slice %arg7[%mul3A_1] : memref<1048576xf32, #tpu.memory_space<vmem_shared>> -> memref<16384xf32, #tpu.memory_space<vmem_shared>>
    %dma_start3A_2 = tpu.memref_slice %arg7[%mul3A_1] : memref<1048576xf32, #tpu.memory_space<vmem_shared>> -> memref<16384xf32, #tpu.memory_space<vmem_shared>>
    tpu.enqueue_dma source(%arg10 : memref<16384xf32, #tpu.memory_space<vmem>>) target(%dma_start3A_2 : memref<16384xf32, #tpu.memory_space<vmem_shared>>) target_semaphore(%arg16 : memref<!tpu.dma_semaphore, #tpu.memory_space<semaphore_mem>>)
    %add3A_3 = arith.constant 16 : i32
    %add3A_4 = arith.addi %add3A_3, %arg1 : i32
    %mul3A_5 = arith.constant 16384 : i32
    %mul3A_6 = arith.muli %add3A_4, %mul3A_5 : i32
    %dma_start3A_7 = tpu.memref_slice %arg7[%mul3A_6] : memref<1048576xf32, #tpu.memory_space<vmem_shared>> -> memref<16384xf32, #tpu.memory_space<vmem_shared>>
    %dma_start3A_8 = tpu.memref_slice %arg7[%mul3A_6] : memref<1048576xf32, #tpu.memory_space<vmem_shared>> -> memref<16384xf32, #tpu.memory_space<vmem_shared>>
    tpu.enqueue_dma source(%arg10 : memref<16384xf32, #tpu.memory_space<vmem>>) target(%dma_start3A_8 : memref<16384xf32, #tpu.memory_space<vmem_shared>>) target_semaphore(%arg16 : memref<!tpu.dma_semaphore, #tpu.memory_space<semaphore_mem>>)
    %add3A_9 = arith.constant 32 : i32
    %add3A_10 = arith.addi %add3A_9, %arg1 : i32
    %mul3A_11 = arith.constant 16384 : i32
    %mul3A_12 = arith.muli %add3A_10, %mul3A_11 : i32
    %dma_start3A_13 = tpu.memref_slice %arg7[%mul3A_12] : memref<1048576xf32, #tpu.memory_space<vmem_shared>> -> memref<16384xf32, #tpu.memory_space<vmem_shared>>
    %dma_start3A_14 = tpu.memref_slice %arg7[%mul3A_12] : memref<1048576xf32, #tpu.memory_space<vmem_shared>> -> memref<16384xf32, #tpu.memory_space<vmem_shared>>
    tpu.enqueue_dma source(%arg10 : memref<16384xf32, #tpu.memory_space<vmem>>) target(%dma_start3A_14 : memref<16384xf32, #tpu.memory_space<vmem_shared>>) target_semaphore(%arg16 : memref<!tpu.dma_semaphore, #tpu.memory_space<semaphore_mem>>)
    %add3A_15 = arith.constant 48 : i32
    %add3A_16 = arith.addi %add3A_15, %arg1 : i32
    %mul3A_17 = arith.constant 16384 : i32
    %mul3A_18 = arith.muli %add3A_16, %mul3A_17 : i32
    %dma_start3A_19 = tpu.memref_slice %arg7[%mul3A_18] : memref<1048576xf32, #tpu.memory_space<vmem_shared>> -> memref<16384xf32, #tpu.memory_space<vmem_shared>>
    %dma_start3A_20 = tpu.memref_slice %arg7[%mul3A_18] : memref<1048576xf32, #tpu.memory_space<vmem_shared>> -> memref<16384xf32, #tpu.memory_space<vmem_shared>>
    tpu.enqueue_dma source(%arg10 : memref<16384xf32, #tpu.memory_space<vmem>>) target(%dma_start3A_20 : memref<16384xf32, #tpu.memory_space<vmem_shared>>) target_semaphore(%arg16 : memref<!tpu.dma_semaphore, #tpu.memory_space<semaphore_mem>>)
    %dma_wait3A = tpu.memref_slice %arg7[%mul3A_1] : memref<1048576xf32, #tpu.memory_space<vmem_shared>> -> memref<16384xf32, #tpu.memory_space<vmem_shared>>
    %dma_wait3A_21 = tpu.memref_slice %arg7[%mul3A_1] : memref<1048576xf32, #tpu.memory_space<vmem_shared>> -> memref<16384xf32, #tpu.memory_space<vmem_shared>>
    tpu.wait_dma2 semaphore(%arg16 : memref<!tpu.dma_semaphore, #tpu.memory_space<semaphore_mem>>) src(%arg10 : memref<16384xf32, #tpu.memory_space<vmem>>) dst(%dma_wait3A_21 : memref<16384xf32, #tpu.memory_space<vmem_shared>>)
    %dma_wait3A_22 = tpu.memref_slice %arg7[%mul3A_6] : memref<1048576xf32, #tpu.memory_space<vmem_shared>> -> memref<16384xf32, #tpu.memory_space<vmem_shared>>
    %dma_wait3A_23 = tpu.memref_slice %arg7[%mul3A_6] : memref<1048576xf32, #tpu.memory_space<vmem_shared>> -> memref<16384xf32, #tpu.memory_space<vmem_shared>>
    tpu.wait_dma2 semaphore(%arg16 : memref<!tpu.dma_semaphore, #tpu.memory_space<semaphore_mem>>) src(%arg10 : memref<16384xf32, #tpu.memory_space<vmem>>) dst(%dma_wait3A_23 : memref<16384xf32, #tpu.memory_space<vmem_shared>>)
    %dma_wait3A_24 = tpu.memref_slice %arg7[%mul3A_12] : memref<1048576xf32, #tpu.memory_space<vmem_shared>> -> memref<16384xf32, #tpu.memory_space<vmem_shared>>
    %dma_wait3A_25 = tpu.memref_slice %arg7[%mul3A_12] : memref<1048576xf32, #tpu.memory_space<vmem_shared>> -> memref<16384xf32, #tpu.memory_space<vmem_shared>>
    tpu.wait_dma2 semaphore(%arg16 : memref<!tpu.dma_semaphore, #tpu.memory_space<semaphore_mem>>) src(%arg10 : memref<16384xf32, #tpu.memory_space<vmem>>) dst(%dma_wait3A_25 : memref<16384xf32, #tpu.memory_space<vmem_shared>>)
    %dma_wait3A_26 = tpu.memref_slice %arg7[%mul3A_18] : memref<1048576xf32, #tpu.memory_space<vmem_shared>> -> memref<16384xf32, #tpu.memory_space<vmem_shared>>
    %dma_wait3A_27 = tpu.memref_slice %arg7[%mul3A_18] : memref<1048576xf32, #tpu.memory_space<vmem_shared>> -> memref<16384xf32, #tpu.memory_space<vmem_shared>>
    tpu.wait_dma2 semaphore(%arg16 : memref<!tpu.dma_semaphore, #tpu.memory_space<semaphore_mem>>) src(%arg10 : memref<16384xf32, #tpu.memory_space<vmem>>) dst(%dma_wait3A_27 : memref<16384xf32, #tpu.memory_space<vmem_shared>>)
    %barrier3A = arith.constant 0 : index
    tpu.barrier barrier_id(%barrier3A)
    %mul3A_28 = arith.constant 5 : i32
    %mul3A_29 = arith.muli %arg0, %mul3A_28 : i32
    %add3A_30 = arith.constant 0 : i32
    %add3A_31 = arith.addi %mul3A_29, %add3A_30 : i32
    "tpu.region"() ({
      %run_scoped3A = tpu.sem_alloc : memref<!tpu.dma_semaphore, #tpu.memory_space<semaphore_mem>>
      %dma_start3A_1557 = arith.constant 0 : i32
      %dma_start3A_1558 = arith.constant 0 : i32
      %dma_start3A_1559 = tpu.memref_slice %arg2[%add3A_31, %arg1, %dma_start3A_1557, %dma_start3A_1558] : memref<10x16x16x125xi32, #tpu.memory_space<hbm>> -> memref<1x1x16x125xi32, #tpu.memory_space<hbm>>
      %dma_start3A_1560 = tpu.memref_squeeze %dma_start3A_1559 : memref<1x1x16x125xi32, #tpu.memory_space<hbm>> -> memref<16x125xi32, #tpu.memory_space<hbm>>
      %dma_start3A_1561 = arith.constant 0 : i32
      %dma_start3A_1562 = arith.constant 0 : i32
      %dma_start3A_1563 = tpu.memref_slice %arg2[%add3A_31, %arg1, %dma_start3A_1561, %dma_start3A_1562] : memref<10x16x16x125xi32, #tpu.memory_space<hbm>> -> memref<1x1x16x125xi32, #tpu.memory_space<hbm>>
      %dma_start3A_1564 = tpu.memref_squeeze %dma_start3A_1563 : memref<1x1x16x125xi32, #tpu.memory_space<hbm>> -> memref<16x125xi32, #tpu.memory_space<hbm>>
      tpu.enqueue_dma source(%dma_start3A_1564 : memref<16x125xi32, #tpu.memory_space<hbm>>) target(%arg8 : memref<16x125xi32, #tpu.memory_space<vmem>>) target_semaphore(%run_scoped3A : memref<!tpu.dma_semaphore, #tpu.memory_space<semaphore_mem>>)
      %dma_wait3A_1565 = arith.constant 0 : i32
      %dma_wait3A_1566 = arith.constant 0 : i32
      %dma_wait3A_1567 = tpu.memref_slice %arg2[%add3A_31, %arg1, %dma_wait3A_1565, %dma_wait3A_1566] : memref<10x16x16x125xi32, #tpu.memory_space<hbm>> -> memref<1x1x16x125xi32, #tpu.memory_space<hbm>>
      %dma_wait3A_1568 = tpu.memref_squeeze %dma_wait3A_1567 : memref<1x1x16x125xi32, #tpu.memory_space<hbm>> -> memref<16x125xi32, #tpu.memory_space<hbm>>
      %dma_wait3A_1569 = arith.constant 0 : i32
      %dma_wait3A_1570 = arith.constant 0 : i32
      %dma_wait3A_1571 = tpu.memref_slice %arg2[%add3A_31, %arg1, %dma_wait3A_1569, %dma_wait3A_1570] : memref<10x16x16x125xi32, #tpu.memory_space<hbm>> -> memref<1x1x16x125xi32, #tpu.memory_space<hbm>>
      %dma_wait3A_1572 = tpu.memref_squeeze %dma_wait3A_1571 : memref<1x1x16x125xi32, #tpu.memory_space<hbm>> -> memref<16x125xi32, #tpu.memory_space<hbm>>
      tpu.wait_dma2 semaphore(%run_scoped3A : memref<!tpu.dma_semaphore, #tpu.memory_space<semaphore_mem>>) src(%dma_wait3A_1572 : memref<16x125xi32, #tpu.memory_space<hbm>>) dst(%arg8 : memref<16x125xi32, #tpu.memory_space<vmem>>)
      tpu.yield
    }) : () -> ()
    %dma_start3A_32 = arith.constant 0 : i32
    %dma_start3A_33 = arith.constant 0 : i32
    %dma_start3A_34 = tpu.memref_slice %arg8[%dma_start3A_32, %dma_start3A_33] : memref<16x125xi32, #tpu.memory_space<vmem>> -> memref<1x125xi32, #tpu.memory_space<vmem>>
    %dma_start3A_35 = tpu.memref_squeeze %dma_start3A_34 : memref<1x125xi32, #tpu.memory_space<vmem>> -> memref<125xi32, #tpu.memory_space<vmem>>
    %dma_start3A_36 = arith.constant 0 : i32
    %dma_start3A_37 = tpu.memref_slice %arg7[%dma_start3A_36] : memref<1048576xf32, #tpu.memory_space<vmem_shared>> -> memref<1048576xf32, #tpu.memory_space<vmem_shared>>
    tpu.enqueue_indirect_dma source(%arg9 : memref<125xf32, #tpu.memory_space<vmem>>) target(%dma_start3A_37 : memref<1048576xf32, #tpu.memory_space<vmem_shared>>) offsets(%dma_start3A_35 : memref<125xi32, #tpu.memory_space<vmem>>) semaphore(%arg13 : memref<!tpu.dma_semaphore, #tpu.memory_space<semaphore_mem>>) {add = true}
    %dma_start3A_38 = arith.constant 1 : i32
    %dma_start3A_39 = arith.constant 0 : i32
    %dma_start3A_40 = tpu.memref_slice %arg8[%dma_start3A_38, %dma_start3A_39] : memref<16x125xi32, #tpu.memory_space<vmem>> -> memref<1x125xi32, #tpu.memory_space<vmem>>
    %dma_start3A_41 = tpu.memref_squeeze %dma_start3A_40 : memref<1x125xi32, #tpu.memory_space<vmem>> -> memref<125xi32, #tpu.memory_space<vmem>>
    %dma_start3A_42 = arith.constant 0 : i32
    %dma_start3A_43 = tpu.memref_slice %arg7[%dma_start3A_42] : memref<1048576xf32, #tpu.memory_space<vmem_shared>> -> memref<1048576xf32, #tpu.memory_space<vmem_shared>>
    tpu.enqueue_indirect_dma source(%arg9 : memref<125xf32, #tpu.memory_space<vmem>>) target(%dma_start3A_43 : memref<1048576xf32, #tpu.memory_space<vmem_shared>>) offsets(%dma_start3A_41 : memref<125xi32, #tpu.memory_space<vmem>>) semaphore(%arg13 : memref<!tpu.dma_semaphore, #tpu.memory_space<semaphore_mem>>) {add = true}
    %dma_start3A_44 = arith.constant 2 : i32
    %dma_start3A_45 = arith.constant 0 : i32
    %dma_start3A_46 = tpu.memref_slice %arg8[%dma_start3A_44, %dma_start3A_45] : memref<16x125xi32, #tpu.memory_space<vmem>> -> memref<1x125xi32, #tpu.memory_space<vmem>>
    %dma_start3A_47 = tpu.memref_squeeze %dma_start3A_46 : memref<1x125xi32, #tpu.memory_space<vmem>> -> memref<125xi32, #tpu.memory_space<vmem>>
    %dma_start3A_48 = arith.constant 0 : i32
    %dma_start3A_49 = tpu.memref_slice %arg7[%dma_start3A_48] : memref<1048576xf32, #tpu.memory_space<vmem_shared>> -> memref<1048576xf32, #tpu.memory_space<vmem_shared>>
    tpu.enqueue_indirect_dma source(%arg9 : memref<125xf32, #tpu.memory_space<vmem>>) target(%dma_start3A_49 : memref<1048576xf32, #tpu.memory_space<vmem_shared>>) offsets(%dma_start3A_47 : memref<125xi32, #tpu.memory_space<vmem>>) semaphore(%arg13 : memref<!tpu.dma_semaphore, #tpu.memory_space<semaphore_mem>>) {add = true}
    %dma_start3A_50 = arith.constant 3 : i32
    %dma_start3A_51 = arith.constant 0 : i32
    %dma_start3A_52 = tpu.memref_slice %arg8[%dma_start3A_50, %dma_start3A_51] : memref<16x125xi32, #tpu.memory_space<vmem>> -> memref<1x125xi32, #tpu.memory_space<vmem>>
    %dma_start3A_53 = tpu.memref_squeeze %dma_start3A_52 : memref<1x125xi32, #tpu.memory_space<vmem>> -> memref<125xi32, #tpu.memory_space<vmem>>
    %dma_start3A_54 = arith.constant 0 : i32
    %dma_start3A_55 = tpu.memref_slice %arg7[%dma_start3A_54] : memref<1048576xf32, #tpu.memory_space<vmem_shared>> -> memref<1048576xf32, #tpu.memory_space<vmem_shared>>
    tpu.enqueue_indirect_dma source(%arg9 : memref<125xf32, #tpu.memory_space<vmem>>) target(%dma_start3A_55 : memref<1048576xf32, #tpu.memory_space<vmem_shared>>) offsets(%dma_start3A_53 : memref<125xi32, #tpu.memory_space<vmem>>) semaphore(%arg13 : memref<!tpu.dma_semaphore, #tpu.memory_space<semaphore_mem>>) {add = true}
    %dma_start3A_56 = arith.constant 4 : i32
    %dma_start3A_57 = arith.constant 0 : i32
    %dma_start3A_58 = tpu.memref_slice %arg8[%dma_start3A_56, %dma_start3A_57] : memref<16x125xi32, #tpu.memory_space<vmem>> -> memref<1x125xi32, #tpu.memory_space<vmem>>
    %dma_start3A_59 = tpu.memref_squeeze %dma_start3A_58 : memref<1x125xi32, #tpu.memory_space<vmem>> -> memref<125xi32, #tpu.memory_space<vmem>>
    %dma_start3A_60 = arith.constant 0 : i32
    %dma_start3A_61 = tpu.memref_slice %arg7[%dma_start3A_60] : memref<1048576xf32, #tpu.memory_space<vmem_shared>> -> memref<1048576xf32, #tpu.memory_space<vmem_shared>>
    tpu.enqueue_indirect_dma source(%arg9 : memref<125xf32, #tpu.memory_space<vmem>>) target(%dma_start3A_61 : memref<1048576xf32, #tpu.memory_space<vmem_shared>>) offsets(%dma_start3A_59 : memref<125xi32, #tpu.memory_space<vmem>>) semaphore(%arg13 : memref<!tpu.dma_semaphore, #tpu.memory_space<semaphore_mem>>) {add = true}
    %dma_start3A_62 = arith.constant 5 : i32
    %dma_start3A_63 = arith.constant 0 : i32
    %dma_start3A_64 = tpu.memref_slice %arg8[%dma_start3A_62, %dma_start3A_63] : memref<16x125xi32, #tpu.memory_space<vmem>> -> memref<1x125xi32, #tpu.memory_space<vmem>>
    %dma_start3A_65 = tpu.memref_squeeze %dma_start3A_64 : memref<1x125xi32, #tpu.memory_space<vmem>> -> memref<125xi32, #tpu.memory_space<vmem>>
    %dma_start3A_66 = arith.constant 0 : i32
    %dma_start3A_67 = tpu.memref_slice %arg7[%dma_start3A_66] : memref<1048576xf32, #tpu.memory_space<vmem_shared>> -> memref<1048576xf32, #tpu.memory_space<vmem_shared>>
    tpu.enqueue_indirect_dma source(%arg9 : memref<125xf32, #tpu.memory_space<vmem>>) target(%dma_start3A_67 : memref<1048576xf32, #tpu.memory_space<vmem_shared>>) offsets(%dma_start3A_65 : memref<125xi32, #tpu.memory_space<vmem>>) semaphore(%arg13 : memref<!tpu.dma_semaphore, #tpu.memory_space<semaphore_mem>>) {add = true}
    %dma_start3A_68 = arith.constant 6 : i32
    %dma_start3A_69 = arith.constant 0 : i32
    %dma_start3A_70 = tpu.memref_slice %arg8[%dma_start3A_68, %dma_start3A_69] : memref<16x125xi32, #tpu.memory_space<vmem>> -> memref<1x125xi32, #tpu.memory_space<vmem>>
    %dma_start3A_71 = tpu.memref_squeeze %dma_start3A_70 : memref<1x125xi32, #tpu.memory_space<vmem>> -> memref<125xi32, #tpu.memory_space<vmem>>
    %dma_start3A_72 = arith.constant 0 : i32
    %dma_start3A_73 = tpu.memref_slice %arg7[%dma_start3A_72] : memref<1048576xf32, #tpu.memory_space<vmem_shared>> -> memref<1048576xf32, #tpu.memory_space<vmem_shared>>
    tpu.enqueue_indirect_dma source(%arg9 : memref<125xf32, #tpu.memory_space<vmem>>) target(%dma_start3A_73 : memref<1048576xf32, #tpu.memory_space<vmem_shared>>) offsets(%dma_start3A_71 : memref<125xi32, #tpu.memory_space<vmem>>) semaphore(%arg13 : memref<!tpu.dma_semaphore, #tpu.memory_space<semaphore_mem>>) {add = true}
    %dma_start3A_74 = arith.constant 7 : i32
    %dma_start3A_75 = arith.constant 0 : i32
    %dma_start3A_76 = tpu.memref_slice %arg8[%dma_start3A_74, %dma_start3A_75] : memref<16x125xi32, #tpu.memory_space<vmem>> -> memref<1x125xi32, #tpu.memory_space<vmem>>
    %dma_start3A_77 = tpu.memref_squeeze %dma_start3A_76 : memref<1x125xi32, #tpu.memory_space<vmem>> -> memref<125xi32, #tpu.memory_space<vmem>>
    %dma_start3A_78 = arith.constant 0 : i32
    %dma_start3A_79 = tpu.memref_slice %arg7[%dma_start3A_78] : memref<1048576xf32, #tpu.memory_space<vmem_shared>> -> memref<1048576xf32, #tpu.memory_space<vmem_shared>>
    tpu.enqueue_indirect_dma source(%arg9 : memref<125xf32, #tpu.memory_space<vmem>>) target(%dma_start3A_79 : memref<1048576xf32, #tpu.memory_space<vmem_shared>>) offsets(%dma_start3A_77 : memref<125xi32, #tpu.memory_space<vmem>>) semaphore(%arg13 : memref<!tpu.dma_semaphore, #tpu.memory_space<semaphore_mem>>) {add = true}
    %dma_start3A_80 = arith.constant 8 : i32
    %dma_start3A_81 = arith.constant 0 : i32
    %dma_start3A_82 = tpu.memref_slice %arg8[%dma_start3A_80, %dma_start3A_81] : memref<16x125xi32, #tpu.memory_space<vmem>> -> memref<1x125xi32, #tpu.memory_space<vmem>>
    %dma_start3A_83 = tpu.memref_squeeze %dma_start3A_82 : memref<1x125xi32, #tpu.memory_space<vmem>> -> memref<125xi32, #tpu.memory_space<vmem>>
    %dma_start3A_84 = arith.constant 0 : i32
    %dma_start3A_85 = tpu.memref_slice %arg7[%dma_start3A_84] : memref<1048576xf32, #tpu.memory_space<vmem_shared>> -> memref<1048576xf32, #tpu.memory_space<vmem_shared>>
    tpu.enqueue_indirect_dma source(%arg9 : memref<125xf32, #tpu.memory_space<vmem>>) target(%dma_start3A_85 : memref<1048576xf32, #tpu.memory_space<vmem_shared>>) offsets(%dma_start3A_83 : memref<125xi32, #tpu.memory_space<vmem>>) semaphore(%arg13 : memref<!tpu.dma_semaphore, #tpu.memory_space<semaphore_mem>>) {add = true}
    %dma_start3A_86 = arith.constant 9 : i32
    %dma_start3A_87 = arith.constant 0 : i32
    %dma_start3A_88 = tpu.memref_slice %arg8[%dma_start3A_86, %dma_start3A_87] : memref<16x125xi32, #tpu.memory_space<vmem>> -> memref<1x125xi32, #tpu.memory_space<vmem>>
    %dma_start3A_89 = tpu.memref_squeeze %dma_start3A_88 : memref<1x125xi32, #tpu.memory_space<vmem>> -> memref<125xi32, #tpu.memory_space<vmem>>
    %dma_start3A_90 = arith.constant 0 : i32
    %dma_start3A_91 = tpu.memref_slice %arg7[%dma_start3A_90] : memref<1048576xf32, #tpu.memory_space<vmem_shared>> -> memref<1048576xf32, #tpu.memory_space<vmem_shared>>
    tpu.enqueue_indirect_dma source(%arg9 : memref<125xf32, #tpu.memory_space<vmem>>) target(%dma_start3A_91 : memref<1048576xf32, #tpu.memory_space<vmem_shared>>) offsets(%dma_start3A_89 : memref<125xi32, #tpu.memory_space<vmem>>) semaphore(%arg13 : memref<!tpu.dma_semaphore, #tpu.memory_space<semaphore_mem>>) {add = true}
    %dma_start3A_92 = arith.constant 10 : i32
    %dma_start3A_93 = arith.constant 0 : i32
    %dma_start3A_94 = tpu.memref_slice %arg8[%dma_start3A_92, %dma_start3A_93] : memref<16x125xi32, #tpu.memory_space<vmem>> -> memref<1x125xi32, #tpu.memory_space<vmem>>
    %dma_start3A_95 = tpu.memref_squeeze %dma_start3A_94 : memref<1x125xi32, #tpu.memory_space<vmem>> -> memref<125xi32, #tpu.memory_space<vmem>>
    %dma_start3A_96 = arith.constant 0 : i32
    %dma_start3A_97 = tpu.memref_slice %arg7[%dma_start3A_96] : memref<1048576xf32, #tpu.memory_space<vmem_shared>> -> memref<1048576xf32, #tpu.memory_space<vmem_shared>>
    tpu.enqueue_indirect_dma source(%arg9 : memref<125xf32, #tpu.memory_space<vmem>>) target(%dma_start3A_97 : memref<1048576xf32, #tpu.memory_space<vmem_shared>>) offsets(%dma_start3A_95 : memref<125xi32, #tpu.memory_space<vmem>>) semaphore(%arg13 : memref<!tpu.dma_semaphore, #tpu.memory_space<semaphore_mem>>) {add = true}
    %dma_start3A_98 = arith.constant 11 : i32
    %dma_start3A_99 = arith.constant 0 : i32
    %dma_start3A_100 = tpu.memref_slice %arg8[%dma_start3A_98, %dma_start3A_99] : memref<16x125xi32, #tpu.memory_space<vmem>> -> memref<1x125xi32, #tpu.memory_space<vmem>>
    %dma_start3A_101 = tpu.memref_squeeze %dma_start3A_100 : memref<1x125xi32, #tpu.memory_space<vmem>> -> memref<125xi32, #tpu.memory_space<vmem>>
    %dma_start3A_102 = arith.constant 0 : i32
    %dma_start3A_103 = tpu.memref_slice %arg7[%dma_start3A_102] : memref<1048576xf32, #tpu.memory_space<vmem_shared>> -> memref<1048576xf32, #tpu.memory_space<vmem_shared>>
    tpu.enqueue_indirect_dma source(%arg9 : memref<125xf32, #tpu.memory_space<vmem>>) target(%dma_start3A_103 : memref<1048576xf32, #tpu.memory_space<vmem_shared>>) offsets(%dma_start3A_101 : memref<125xi32, #tpu.memory_space<vmem>>) semaphore(%arg13 : memref<!tpu.dma_semaphore, #tpu.memory_space<semaphore_mem>>) {add = true}
    %dma_start3A_104 = arith.constant 12 : i32
    %dma_start3A_105 = arith.constant 0 : i32
    %dma_start3A_106 = tpu.memref_slice %arg8[%dma_start3A_104, %dma_start3A_105] : memref<16x125xi32, #tpu.memory_space<vmem>> -> memref<1x125xi32, #tpu.memory_space<vmem>>
    %dma_start3A_107 = tpu.memref_squeeze %dma_start3A_106 : memref<1x125xi32, #tpu.memory_space<vmem>> -> memref<125xi32, #tpu.memory_space<vmem>>
    %dma_start3A_108 = arith.constant 0 : i32
    %dma_start3A_109 = tpu.memref_slice %arg7[%dma_start3A_108] : memref<1048576xf32, #tpu.memory_space<vmem_shared>> -> memref<1048576xf32, #tpu.memory_space<vmem_shared>>
    tpu.enqueue_indirect_dma source(%arg9 : memref<125xf32, #tpu.memory_space<vmem>>) target(%dma_start3A_109 : memref<1048576xf32, #tpu.memory_space<vmem_shared>>) offsets(%dma_start3A_107 : memref<125xi32, #tpu.memory_space<vmem>>) semaphore(%arg13 : memref<!tpu.dma_semaphore, #tpu.memory_space<semaphore_mem>>) {add = true}
    %dma_start3A_110 = arith.constant 13 : i32
    %dma_start3A_111 = arith.constant 0 : i32
    %dma_start3A_112 = tpu.memref_slice %arg8[%dma_start3A_110, %dma_start3A_111] : memref<16x125xi32, #tpu.memory_space<vmem>> -> memref<1x125xi32, #tpu.memory_space<vmem>>
    %dma_start3A_113 = tpu.memref_squeeze %dma_start3A_112 : memref<1x125xi32, #tpu.memory_space<vmem>> -> memref<125xi32, #tpu.memory_space<vmem>>
    %dma_start3A_114 = arith.constant 0 : i32
    %dma_start3A_115 = tpu.memref_slice %arg7[%dma_start3A_114] : memref<1048576xf32, #tpu.memory_space<vmem_shared>> -> memref<1048576xf32, #tpu.memory_space<vmem_shared>>
    tpu.enqueue_indirect_dma source(%arg9 : memref<125xf32, #tpu.memory_space<vmem>>) target(%dma_start3A_115 : memref<1048576xf32, #tpu.memory_space<vmem_shared>>) offsets(%dma_start3A_113 : memref<125xi32, #tpu.memory_space<vmem>>) semaphore(%arg13 : memref<!tpu.dma_semaphore, #tpu.memory_space<semaphore_mem>>) {add = true}
    %dma_start3A_116 = arith.constant 14 : i32
    %dma_start3A_117 = arith.constant 0 : i32
    %dma_start3A_118 = tpu.memref_slice %arg8[%dma_start3A_116, %dma_start3A_117] : memref<16x125xi32, #tpu.memory_space<vmem>> -> memref<1x125xi32, #tpu.memory_space<vmem>>
    %dma_start3A_119 = tpu.memref_squeeze %dma_start3A_118 : memref<1x125xi32, #tpu.memory_space<vmem>> -> memref<125xi32, #tpu.memory_space<vmem>>
    %dma_start3A_120 = arith.constant 0 : i32
    %dma_start3A_121 = tpu.memref_slice %arg7[%dma_start3A_120] : memref<1048576xf32, #tpu.memory_space<vmem_shared>> -> memref<1048576xf32, #tpu.memory_space<vmem_shared>>
    tpu.enqueue_indirect_dma source(%arg9 : memref<125xf32, #tpu.memory_space<vmem>>) target(%dma_start3A_121 : memref<1048576xf32, #tpu.memory_space<vmem_shared>>) offsets(%dma_start3A_119 : memref<125xi32, #tpu.memory_space<vmem>>) semaphore(%arg13 : memref<!tpu.dma_semaphore, #tpu.memory_space<semaphore_mem>>) {add = true}
    %dma_start3A_122 = arith.constant 15 : i32
    %dma_start3A_123 = arith.constant 0 : i32
    %dma_start3A_124 = tpu.memref_slice %arg8[%dma_start3A_122, %dma_start3A_123] : memref<16x125xi32, #tpu.memory_space<vmem>> -> memref<1x125xi32, #tpu.memory_space<vmem>>
    %dma_start3A_125 = tpu.memref_squeeze %dma_start3A_124 : memref<1x125xi32, #tpu.memory_space<vmem>> -> memref<125xi32, #tpu.memory_space<vmem>>
    %dma_start3A_126 = arith.constant 0 : i32
    %dma_start3A_127 = tpu.memref_slice %arg7[%dma_start3A_126] : memref<1048576xf32, #tpu.memory_space<vmem_shared>> -> memref<1048576xf32, #tpu.memory_space<vmem_shared>>
    tpu.enqueue_indirect_dma source(%arg9 : memref<125xf32, #tpu.memory_space<vmem>>) target(%dma_start3A_127 : memref<1048576xf32, #tpu.memory_space<vmem_shared>>) offsets(%dma_start3A_125 : memref<125xi32, #tpu.memory_space<vmem>>) semaphore(%arg13 : memref<!tpu.dma_semaphore, #tpu.memory_space<semaphore_mem>>) {add = true}
    %dma_wait3A_128 = arith.constant 0 : i32
    %dma_wait3A_129 = arith.constant 0 : i32
    %dma_wait3A_130 = tpu.memref_slice %arg8[%dma_wait3A_128, %dma_wait3A_129] : memref<16x125xi32, #tpu.memory_space<vmem>> -> memref<1x125xi32, #tpu.memory_space<vmem>>
    %dma_wait3A_131 = tpu.memref_squeeze %dma_wait3A_130 : memref<1x125xi32, #tpu.memory_space<vmem>> -> memref<125xi32, #tpu.memory_space<vmem>>
    %dma_wait3A_132 = arith.constant 0 : i32
    %dma_wait3A_133 = tpu.memref_slice %arg7[%dma_wait3A_132] : memref<1048576xf32, #tpu.memory_space<vmem_shared>> -> memref<1048576xf32, #tpu.memory_space<vmem_shared>>
    tpu.wait_indirect_dma semaphore(%arg13 : memref<!tpu.dma_semaphore, #tpu.memory_space<semaphore_mem>>) src(%arg9 : memref<125xf32, #tpu.memory_space<vmem>>) dst(%dma_wait3A_133 : memref<1048576xf32, #tpu.memory_space<vmem_shared>>)
    %dma_wait3A_134 = arith.constant 1 : i32
    %dma_wait3A_135 = arith.constant 0 : i32
    %dma_wait3A_136 = tpu.memref_slice %arg8[%dma_wait3A_134, %dma_wait3A_135] : memref<16x125xi32, #tpu.memory_space<vmem>> -> memref<1x125xi32, #tpu.memory_space<vmem>>
    %dma_wait3A_137 = tpu.memref_squeeze %dma_wait3A_136 : memref<1x125xi32, #tpu.memory_space<vmem>> -> memref<125xi32, #tpu.memory_space<vmem>>
    %dma_wait3A_138 = arith.constant 0 : i32
    %dma_wait3A_139 = tpu.memref_slice %arg7[%dma_wait3A_138] : memref<1048576xf32, #tpu.memory_space<vmem_shared>> -> memref<1048576xf32, #tpu.memory_space<vmem_shared>>
    tpu.wait_indirect_dma semaphore(%arg13 : memref<!tpu.dma_semaphore, #tpu.memory_space<semaphore_mem>>) src(%arg9 : memref<125xf32, #tpu.memory_space<vmem>>) dst(%dma_wait3A_139 : memref<1048576xf32, #tpu.memory_space<vmem_shared>>)
    %dma_wait3A_140 = arith.constant 2 : i32
    %dma_wait3A_141 = arith.constant 0 : i32
    %dma_wait3A_142 = tpu.memref_slice %arg8[%dma_wait3A_140, %dma_wait3A_141] : memref<16x125xi32, #tpu.memory_space<vmem>> -> memref<1x125xi32, #tpu.memory_space<vmem>>
    %dma_wait3A_143 = tpu.memref_squeeze %dma_wait3A_142 : memref<1x125xi32, #tpu.memory_space<vmem>> -> memref<125xi32, #tpu.memory_space<vmem>>
    %dma_wait3A_144 = arith.constant 0 : i32
    %dma_wait3A_145 = tpu.memref_slice %arg7[%dma_wait3A_144] : memref<1048576xf32, #tpu.memory_space<vmem_shared>> -> memref<1048576xf32, #tpu.memory_space<vmem_shared>>
    tpu.wait_indirect_dma semaphore(%arg13 : memref<!tpu.dma_semaphore, #tpu.memory_space<semaphore_mem>>) src(%arg9 : memref<125xf32, #tpu.memory_space<vmem>>) dst(%dma_wait3A_145 : memref<1048576xf32, #tpu.memory_space<vmem_shared>>)
    %dma_wait3A_146 = arith.constant 3 : i32
    %dma_wait3A_147 = arith.constant 0 : i32
    %dma_wait3A_148 = tpu.memref_slice %arg8[%dma_wait3A_146, %dma_wait3A_147] : memref<16x125xi32, #tpu.memory_space<vmem>> -> memref<1x125xi32, #tpu.memory_space<vmem>>
    %dma_wait3A_149 = tpu.memref_squeeze %dma_wait3A_148 : memref<1x125xi32, #tpu.memory_space<vmem>> -> memref<125xi32, #tpu.memory_space<vmem>>
    %dma_wait3A_150 = arith.constant 0 : i32
    %dma_wait3A_151 = tpu.memref_slice %arg7[%dma_wait3A_150] : memref<1048576xf32, #tpu.memory_space<vmem_shared>> -> memref<1048576xf32, #tpu.memory_space<vmem_shared>>
    tpu.wait_indirect_dma semaphore(%arg13 : memref<!tpu.dma_semaphore, #tpu.memory_space<semaphore_mem>>) src(%arg9 : memref<125xf32, #tpu.memory_space<vmem>>) dst(%dma_wait3A_151 : memref<1048576xf32, #tpu.memory_space<vmem_shared>>)
    %dma_wait3A_152 = arith.constant 4 : i32
    %dma_wait3A_153 = arith.constant 0 : i32
    %dma_wait3A_154 = tpu.memref_slice %arg8[%dma_wait3A_152, %dma_wait3A_153] : memref<16x125xi32, #tpu.memory_space<vmem>> -> memref<1x125xi32, #tpu.memory_space<vmem>>
    %dma_wait3A_155 = tpu.memref_squeeze %dma_wait3A_154 : memref<1x125xi32, #tpu.memory_space<vmem>> -> memref<125xi32, #tpu.memory_space<vmem>>
    %dma_wait3A_156 = arith.constant 0 : i32
    %dma_wait3A_157 = tpu.memref_slice %arg7[%dma_wait3A_156] : memref<1048576xf32, #tpu.memory_space<vmem_shared>> -> memref<1048576xf32, #tpu.memory_space<vmem_shared>>
    tpu.wait_indirect_dma semaphore(%arg13 : memref<!tpu.dma_semaphore, #tpu.memory_space<semaphore_mem>>) src(%arg9 : memref<125xf32, #tpu.memory_space<vmem>>) dst(%dma_wait3A_157 : memref<1048576xf32, #tpu.memory_space<vmem_shared>>)
    %dma_wait3A_158 = arith.constant 5 : i32
    %dma_wait3A_159 = arith.constant 0 : i32
    %dma_wait3A_160 = tpu.memref_slice %arg8[%dma_wait3A_158, %dma_wait3A_159] : memref<16x125xi32, #tpu.memory_space<vmem>> -> memref<1x125xi32, #tpu.memory_space<vmem>>
    %dma_wait3A_161 = tpu.memref_squeeze %dma_wait3A_160 : memref<1x125xi32, #tpu.memory_space<vmem>> -> memref<125xi32, #tpu.memory_space<vmem>>
    %dma_wait3A_162 = arith.constant 0 : i32
    %dma_wait3A_163 = tpu.memref_slice %arg7[%dma_wait3A_162] : memref<1048576xf32, #tpu.memory_space<vmem_shared>> -> memref<1048576xf32, #tpu.memory_space<vmem_shared>>
    tpu.wait_indirect_dma semaphore(%arg13 : memref<!tpu.dma_semaphore, #tpu.memory_space<semaphore_mem>>) src(%arg9 : memref<125xf32, #tpu.memory_space<vmem>>) dst(%dma_wait3A_163 : memref<1048576xf32, #tpu.memory_space<vmem_shared>>)
    %dma_wait3A_164 = arith.constant 6 : i32
    %dma_wait3A_165 = arith.constant 0 : i32
    %dma_wait3A_166 = tpu.memref_slice %arg8[%dma_wait3A_164, %dma_wait3A_165] : memref<16x125xi32, #tpu.memory_space<vmem>> -> memref<1x125xi32, #tpu.memory_space<vmem>>
    %dma_wait3A_167 = tpu.memref_squeeze %dma_wait3A_166 : memref<1x125xi32, #tpu.memory_space<vmem>> -> memref<125xi32, #tpu.memory_space<vmem>>
    %dma_wait3A_168 = arith.constant 0 : i32
    %dma_wait3A_169 = tpu.memref_slice %arg7[%dma_wait3A_168] : memref<1048576xf32, #tpu.memory_space<vmem_shared>> -> memref<1048576xf32, #tpu.memory_space<vmem_shared>>
    tpu.wait_indirect_dma semaphore(%arg13 : memref<!tpu.dma_semaphore, #tpu.memory_space<semaphore_mem>>) src(%arg9 : memref<125xf32, #tpu.memory_space<vmem>>) dst(%dma_wait3A_169 : memref<1048576xf32, #tpu.memory_space<vmem_shared>>)
    %dma_wait3A_170 = arith.constant 7 : i32
    %dma_wait3A_171 = arith.constant 0 : i32
    %dma_wait3A_172 = tpu.memref_slice %arg8[%dma_wait3A_170, %dma_wait3A_171] : memref<16x125xi32, #tpu.memory_space<vmem>> -> memref<1x125xi32, #tpu.memory_space<vmem>>
    %dma_wait3A_173 = tpu.memref_squeeze %dma_wait3A_172 : memref<1x125xi32, #tpu.memory_space<vmem>> -> memref<125xi32, #tpu.memory_space<vmem>>
    %dma_wait3A_174 = arith.constant 0 : i32
    %dma_wait3A_175 = tpu.memref_slice %arg7[%dma_wait3A_174] : memref<1048576xf32, #tpu.memory_space<vmem_shared>> -> memref<1048576xf32, #tpu.memory_space<vmem_shared>>
    tpu.wait_indirect_dma semaphore(%arg13 : memref<!tpu.dma_semaphore, #tpu.memory_space<semaphore_mem>>) src(%arg9 : memref<125xf32, #tpu.memory_space<vmem>>) dst(%dma_wait3A_175 : memref<1048576xf32, #tpu.memory_space<vmem_shared>>)
    %dma_wait3A_176 = arith.constant 8 : i32
    %dma_wait3A_177 = arith.constant 0 : i32
    %dma_wait3A_178 = tpu.memref_slice %arg8[%dma_wait3A_176, %dma_wait3A_177] : memref<16x125xi32, #tpu.memory_space<vmem>> -> memref<1x125xi32, #tpu.memory_space<vmem>>
    %dma_wait3A_179 = tpu.memref_squeeze %dma_wait3A_178 : memref<1x125xi32, #tpu.memory_space<vmem>> -> memref<125xi32, #tpu.memory_space<vmem>>
    %dma_wait3A_180 = arith.constant 0 : i32
    %dma_wait3A_181 = tpu.memref_slice %arg7[%dma_wait3A_180] : memref<1048576xf32, #tpu.memory_space<vmem_shared>> -> memref<1048576xf32, #tpu.memory_space<vmem_shared>>
    tpu.wait_indirect_dma semaphore(%arg13 : memref<!tpu.dma_semaphore, #tpu.memory_space<semaphore_mem>>) src(%arg9 : memref<125xf32, #tpu.memory_space<vmem>>) dst(%dma_wait3A_181 : memref<1048576xf32, #tpu.memory_space<vmem_shared>>)
    %dma_wait3A_182 = arith.constant 9 : i32
    %dma_wait3A_183 = arith.constant 0 : i32
    %dma_wait3A_184 = tpu.memref_slice %arg8[%dma_wait3A_182, %dma_wait3A_183] : memref<16x125xi32, #tpu.memory_space<vmem>> -> memref<1x125xi32, #tpu.memory_space<vmem>>
    %dma_wait3A_185 = tpu.memref_squeeze %dma_wait3A_184 : memref<1x125xi32, #tpu.memory_space<vmem>> -> memref<125xi32, #tpu.memory_space<vmem>>
    %dma_wait3A_186 = arith.constant 0 : i32
    %dma_wait3A_187 = tpu.memref_slice %arg7[%dma_wait3A_186] : memref<1048576xf32, #tpu.memory_space<vmem_shared>> -> memref<1048576xf32, #tpu.memory_space<vmem_shared>>
    tpu.wait_indirect_dma semaphore(%arg13 : memref<!tpu.dma_semaphore, #tpu.memory_space<semaphore_mem>>) src(%arg9 : memref<125xf32, #tpu.memory_space<vmem>>) dst(%dma_wait3A_187 : memref<1048576xf32, #tpu.memory_space<vmem_shared>>)
    %dma_wait3A_188 = arith.constant 10 : i32
    %dma_wait3A_189 = arith.constant 0 : i32
    %dma_wait3A_190 = tpu.memref_slice %arg8[%dma_wait3A_188, %dma_wait3A_189] : memref<16x125xi32, #tpu.memory_space<vmem>> -> memref<1x125xi32, #tpu.memory_space<vmem>>
    %dma_wait3A_191 = tpu.memref_squeeze %dma_wait3A_190 : memref<1x125xi32, #tpu.memory_space<vmem>> -> memref<125xi32, #tpu.memory_space<vmem>>
    %dma_wait3A_192 = arith.constant 0 : i32
    %dma_wait3A_193 = tpu.memref_slice %arg7[%dma_wait3A_192] : memref<1048576xf32, #tpu.memory_space<vmem_shared>> -> memref<1048576xf32, #tpu.memory_space<vmem_shared>>
    tpu.wait_indirect_dma semaphore(%arg13 : memref<!tpu.dma_semaphore, #tpu.memory_space<semaphore_mem>>) src(%arg9 : memref<125xf32, #tpu.memory_space<vmem>>) dst(%dma_wait3A_193 : memref<1048576xf32, #tpu.memory_space<vmem_shared>>)
    %dma_wait3A_194 = arith.constant 11 : i32
    %dma_wait3A_195 = arith.constant 0 : i32
    %dma_wait3A_196 = tpu.memref_slice %arg8[%dma_wait3A_194, %dma_wait3A_195] : memref<16x125xi32, #tpu.memory_space<vmem>> -> memref<1x125xi32, #tpu.memory_space<vmem>>
    %dma_wait3A_197 = tpu.memref_squeeze %dma_wait3A_196 : memref<1x125xi32, #tpu.memory_space<vmem>> -> memref<125xi32, #tpu.memory_space<vmem>>
    %dma_wait3A_198 = arith.constant 0 : i32
    %dma_wait3A_199 = tpu.memref_slice %arg7[%dma_wait3A_198] : memref<1048576xf32, #tpu.memory_space<vmem_shared>> -> memref<1048576xf32, #tpu.memory_space<vmem_shared>>
    tpu.wait_indirect_dma semaphore(%arg13 : memref<!tpu.dma_semaphore, #tpu.memory_space<semaphore_mem>>) src(%arg9 : memref<125xf32, #tpu.memory_space<vmem>>) dst(%dma_wait3A_199 : memref<1048576xf32, #tpu.memory_space<vmem_shared>>)
    %dma_wait3A_200 = arith.constant 12 : i32
    %dma_wait3A_201 = arith.constant 0 : i32
    %dma_wait3A_202 = tpu.memref_slice %arg8[%dma_wait3A_200, %dma_wait3A_201] : memref<16x125xi32, #tpu.memory_space<vmem>> -> memref<1x125xi32, #tpu.memory_space<vmem>>
    %dma_wait3A_203 = tpu.memref_squeeze %dma_wait3A_202 : memref<1x125xi32, #tpu.memory_space<vmem>> -> memref<125xi32, #tpu.memory_space<vmem>>
    %dma_wait3A_204 = arith.constant 0 : i32
    %dma_wait3A_205 = tpu.memref_slice %arg7[%dma_wait3A_204] : memref<1048576xf32, #tpu.memory_space<vmem_shared>> -> memref<1048576xf32, #tpu.memory_space<vmem_shared>>
    tpu.wait_indirect_dma semaphore(%arg13 : memref<!tpu.dma_semaphore, #tpu.memory_space<semaphore_mem>>) src(%arg9 : memref<125xf32, #tpu.memory_space<vmem>>) dst(%dma_wait3A_205 : memref<1048576xf32, #tpu.memory_space<vmem_shared>>)
    %dma_wait3A_206 = arith.constant 13 : i32
    %dma_wait3A_207 = arith.constant 0 : i32
    %dma_wait3A_208 = tpu.memref_slice %arg8[%dma_wait3A_206, %dma_wait3A_207] : memref<16x125xi32, #tpu.memory_space<vmem>> -> memref<1x125xi32, #tpu.memory_space<vmem>>
    %dma_wait3A_209 = tpu.memref_squeeze %dma_wait3A_208 : memref<1x125xi32, #tpu.memory_space<vmem>> -> memref<125xi32, #tpu.memory_space<vmem>>
    %dma_wait3A_210 = arith.constant 0 : i32
    %dma_wait3A_211 = tpu.memref_slice %arg7[%dma_wait3A_210] : memref<1048576xf32, #tpu.memory_space<vmem_shared>> -> memref<1048576xf32, #tpu.memory_space<vmem_shared>>
    tpu.wait_indirect_dma semaphore(%arg13 : memref<!tpu.dma_semaphore, #tpu.memory_space<semaphore_mem>>) src(%arg9 : memref<125xf32, #tpu.memory_space<vmem>>) dst(%dma_wait3A_211 : memref<1048576xf32, #tpu.memory_space<vmem_shared>>)
    %dma_wait3A_212 = arith.constant 14 : i32
    %dma_wait3A_213 = arith.constant 0 : i32
    %dma_wait3A_214 = tpu.memref_slice %arg8[%dma_wait3A_212, %dma_wait3A_213] : memref<16x125xi32, #tpu.memory_space<vmem>> -> memref<1x125xi32, #tpu.memory_space<vmem>>
    %dma_wait3A_215 = tpu.memref_squeeze %dma_wait3A_214 : memref<1x125xi32, #tpu.memory_space<vmem>> -> memref<125xi32, #tpu.memory_space<vmem>>
    %dma_wait3A_216 = arith.constant 0 : i32
    %dma_wait3A_217 = tpu.memref_slice %arg7[%dma_wait3A_216] : memref<1048576xf32, #tpu.memory_space<vmem_shared>> -> memref<1048576xf32, #tpu.memory_space<vmem_shared>>
    tpu.wait_indirect_dma semaphore(%arg13 : memref<!tpu.dma_semaphore, #tpu.memory_space<semaphore_mem>>) src(%arg9 : memref<125xf32, #tpu.memory_space<vmem>>) dst(%dma_wait3A_217 : memref<1048576xf32, #tpu.memory_space<vmem_shared>>)
    %dma_wait3A_218 = arith.constant 15 : i32
    %dma_wait3A_219 = arith.constant 0 : i32
    %dma_wait3A_220 = tpu.memref_slice %arg8[%dma_wait3A_218, %dma_wait3A_219] : memref<16x125xi32, #tpu.memory_space<vmem>> -> memref<1x125xi32, #tpu.memory_space<vmem>>
    %dma_wait3A_221 = tpu.memref_squeeze %dma_wait3A_220 : memref<1x125xi32, #tpu.memory_space<vmem>> -> memref<125xi32, #tpu.memory_space<vmem>>
    %dma_wait3A_222 = arith.constant 0 : i32
    %dma_wait3A_223 = tpu.memref_slice %arg7[%dma_wait3A_222] : memref<1048576xf32, #tpu.memory_space<vmem_shared>> -> memref<1048576xf32, #tpu.memory_space<vmem_shared>>
    tpu.wait_indirect_dma semaphore(%arg13 : memref<!tpu.dma_semaphore, #tpu.memory_space<semaphore_mem>>) src(%arg9 : memref<125xf32, #tpu.memory_space<vmem>>) dst(%dma_wait3A_223 : memref<1048576xf32, #tpu.memory_space<vmem_shared>>)
    %barrier3A_224 = arith.constant 0 : index
    tpu.barrier barrier_id(%barrier3A_224)
    %add3A_225 = arith.constant 0 : i32
    %add3A_226 = arith.addi %add3A_225, %arg1 : i32
    %scan3A = arith.constant 0 : i32
    %scan3A_227 = arith.constant 0 : i32
    %scan3A_228 = arith.constant 16 : i32
    %scan3A_229 = arith.addi %scan3A_227, %scan3A_228 : i32
    %scan3A_230 = arith.constant 1 : i32
    scf.for %scan3A_1557 = %scan3A_227 to %scan3A_229 step %scan3A_230  : i32 {
      %mul3A_1558 = arith.constant 16384 : i32
      %mul3A_1559 = arith.muli %add3A_226, %mul3A_1558 : i32
      %mul3A_1560 = arith.constant 1024 : i32
      %mul3A_1561 = arith.muli %scan3A_1557, %mul3A_1560 : i32
      %add3A_1562 = arith.addi %mul3A_1559, %mul3A_1561 : i32
      %dma_start3A_1563 = arith.constant 0 : i32
      %dma_start3A_1564 = tpu.memref_slice %arg11[%scan3A_1557, %dma_start3A_1563] : memref<16x1024xf32, #tpu.memory_space<vmem>> -> memref<1x1024xf32, #tpu.memory_space<vmem>>
      %dma_start3A_1565 = tpu.memref_squeeze %dma_start3A_1564 : memref<1x1024xf32, #tpu.memory_space<vmem>> -> memref<1024xf32, #tpu.memory_space<vmem>>
      %dma_start3A_1566 = tpu.memref_slice %arg7[%add3A_1562] : memref<1048576xf32, #tpu.memory_space<vmem_shared>> -> memref<1024xf32, #tpu.memory_space<vmem_shared>>
      %dma_start3A_1567 = arith.constant 0 : i32
      %dma_start3A_1568 = tpu.memref_slice %arg11[%scan3A_1557, %dma_start3A_1567] : memref<16x1024xf32, #tpu.memory_space<vmem>> -> memref<1x1024xf32, #tpu.memory_space<vmem>>
      %dma_start3A_1569 = tpu.memref_squeeze %dma_start3A_1568 : memref<1x1024xf32, #tpu.memory_space<vmem>> -> memref<1024xf32, #tpu.memory_space<vmem>>
      %dma_start3A_1570 = tpu.memref_slice %arg7[%add3A_1562] : memref<1048576xf32, #tpu.memory_space<vmem_shared>> -> memref<1024xf32, #tpu.memory_space<vmem_shared>>
      tpu.enqueue_dma source(%dma_start3A_1570 : memref<1024xf32, #tpu.memory_space<vmem_shared>>) target(%dma_start3A_1569 : memref<1024xf32, #tpu.memory_space<vmem>>) target_semaphore(%arg14 : memref<!tpu.dma_semaphore, #tpu.memory_space<semaphore_mem>>)
    }
    %scan3A_231 = arith.constant 16 : i32
    tpu.wait_dma2 semaphore(%arg14 : memref<!tpu.dma_semaphore, #tpu.memory_space<semaphore_mem>>) src(%arg4 : memref<16x1024xf32, #tpu.memory_space<hbm>>) dst(%arg11 : memref<16x1024xf32, #tpu.memory_space<vmem>>)
    %mul3A_232 = arith.constant 1024 : i32
    %mul3A_233 = arith.muli %add3A_31, %mul3A_232 : i32
    %mul3A_234 = arith.constant 16 : i32
    %mul3A_235 = arith.muli %add3A_226, %mul3A_234 : i32
    %add3A_236 = arith.addi %mul3A_233, %mul3A_235 : i32
    %dma_start3A_237 = arith.constant 0 : i32
    %dma_start3A_238 = tpu.memref_slice %arg6[%add3A_236, %dma_start3A_237] : memref<10240x1024xf32, #tpu.memory_space<hbm>> -> memref<16x1024xf32, #tpu.memory_space<hbm>>
    %dma_start3A_239 = arith.constant 0 : i32
    %dma_start3A_240 = tpu.memref_slice %arg6[%add3A_236, %dma_start3A_239] : memref<10240x1024xf32, #tpu.memory_space<hbm>> -> memref<16x1024xf32, #tpu.memory_space<hbm>>
    tpu.enqueue_dma source(%arg11 : memref<16x1024xf32, #tpu.memory_space<vmem>>) target(%dma_start3A_240 : memref<16x1024xf32, #tpu.memory_space<hbm>>) target_semaphore(%arg15 : memref<!tpu.dma_semaphore, #tpu.memory_space<semaphore_mem>>)
    %mul3A_241 = arith.constant 16384 : i32
    %mul3A_242 = arith.muli %add3A_226, %mul3A_241 : i32
    %dma_start3A_243 = tpu.memref_slice %arg7[%mul3A_242] : memref<1048576xf32, #tpu.memory_space<vmem_shared>> -> memref<16384xf32, #tpu.memory_space<vmem_shared>>
    %dma_start3A_244 = tpu.memref_slice %arg7[%mul3A_242] : memref<1048576xf32, #tpu.memory_space<vmem_shared>> -> memref<16384xf32, #tpu.memory_space<vmem_shared>>
    tpu.enqueue_dma source(%arg10 : memref<16384xf32, #tpu.memory_space<vmem>>) target(%dma_start3A_244 : memref<16384xf32, #tpu.memory_space<vmem_shared>>) target_semaphore(%arg16 : memref<!tpu.dma_semaphore, #tpu.memory_space<semaphore_mem>>)
    %add3A_245 = arith.constant 16 : i32
    %add3A_246 = arith.addi %add3A_245, %arg1 : i32
    %scan3A_247 = arith.constant 0 : i32
    %scan3A_248 = arith.constant 0 : i32
    %scan3A_249 = arith.constant 16 : i32
    %scan3A_250 = arith.addi %scan3A_248, %scan3A_249 : i32
    %scan3A_251 = arith.constant 1 : i32
    scf.for %scan3A_1557 = %scan3A_248 to %scan3A_250 step %scan3A_251  : i32 {
      %mul3A_1558 = arith.constant 16384 : i32
      %mul3A_1559 = arith.muli %add3A_246, %mul3A_1558 : i32
      %mul3A_1560 = arith.constant 1024 : i32
      %mul3A_1561 = arith.muli %scan3A_1557, %mul3A_1560 : i32
      %add3A_1562 = arith.addi %mul3A_1559, %mul3A_1561 : i32
      %dma_start3A_1563 = arith.constant 0 : i32
      %dma_start3A_1564 = tpu.memref_slice %arg12[%scan3A_1557, %dma_start3A_1563] : memref<16x1024xf32, #tpu.memory_space<vmem>> -> memref<1x1024xf32, #tpu.memory_space<vmem>>
      %dma_start3A_1565 = tpu.memref_squeeze %dma_start3A_1564 : memref<1x1024xf32, #tpu.memory_space<vmem>> -> memref<1024xf32, #tpu.memory_space<vmem>>
      %dma_start3A_1566 = tpu.memref_slice %arg7[%add3A_1562] : memref<1048576xf32, #tpu.memory_space<vmem_shared>> -> memref<1024xf32, #tpu.memory_space<vmem_shared>>
      %dma_start3A_1567 = arith.constant 0 : i32
      %dma_start3A_1568 = tpu.memref_slice %arg12[%scan3A_1557, %dma_start3A_1567] : memref<16x1024xf32, #tpu.memory_space<vmem>> -> memref<1x1024xf32, #tpu.memory_space<vmem>>
      %dma_start3A_1569 = tpu.memref_squeeze %dma_start3A_1568 : memref<1x1024xf32, #tpu.memory_space<vmem>> -> memref<1024xf32, #tpu.memory_space<vmem>>
      %dma_start3A_1570 = tpu.memref_slice %arg7[%add3A_1562] : memref<1048576xf32, #tpu.memory_space<vmem_shared>> -> memref<1024xf32, #tpu.memory_space<vmem_shared>>
      tpu.enqueue_dma source(%dma_start3A_1570 : memref<1024xf32, #tpu.memory_space<vmem_shared>>) target(%dma_start3A_1569 : memref<1024xf32, #tpu.memory_space<vmem>>) target_semaphore(%arg14 : memref<!tpu.dma_semaphore, #tpu.memory_space<semaphore_mem>>)
    }
    %scan3A_252 = arith.constant 16 : i32
    tpu.wait_dma2 semaphore(%arg14 : memref<!tpu.dma_semaphore, #tpu.memory_space<semaphore_mem>>) src(%arg4 : memref<16x1024xf32, #tpu.memory_space<hbm>>) dst(%arg12 : memref<16x1024xf32, #tpu.memory_space<vmem>>)
    %mul3A_253 = arith.constant 1024 : i32
    %mul3A_254 = arith.muli %add3A_31, %mul3A_253 : i32
    %mul3A_255 = arith.constant 16 : i32
    %mul3A_256 = arith.muli %add3A_246, %mul3A_255 : i32
    %add3A_257 = arith.addi %mul3A_254, %mul3A_256 : i32
    %dma_start3A_258 = arith.constant 0 : i32
    %dma_start3A_259 = tpu.memref_slice %arg6[%add3A_257, %dma_start3A_258] : memref<10240x1024xf32, #tpu.memory_space<hbm>> -> memref<16x1024xf32, #tpu.memory_space<hbm>>
    %dma_start3A_260 = arith.constant 0 : i32
    %dma_start3A_261 = tpu.memref_slice %arg6[%add3A_257, %dma_start3A_260] : memref<10240x1024xf32, #tpu.memory_space<hbm>> -> memref<16x1024xf32, #tpu.memory_space<hbm>>
    tpu.enqueue_dma source(%arg12 : memref<16x1024xf32, #tpu.memory_space<vmem>>) target(%dma_start3A_261 : memref<16x1024xf32, #tpu.memory_space<hbm>>) target_semaphore(%arg15 : memref<!tpu.dma_semaphore, #tpu.memory_space<semaphore_mem>>)
    %mul3A_262 = arith.constant 16384 : i32
    %mul3A_263 = arith.muli %add3A_246, %mul3A_262 : i32
    %dma_start3A_264 = tpu.memref_slice %arg7[%mul3A_263] : memref<1048576xf32, #tpu.memory_space<vmem_shared>> -> memref<16384xf32, #tpu.memory_space<vmem_shared>>
    %dma_start3A_265 = tpu.memref_slice %arg7[%mul3A_263] : memref<1048576xf32, #tpu.memory_space<vmem_shared>> -> memref<16384xf32, #tpu.memory_space<vmem_shared>>
    tpu.enqueue_dma source(%arg10 : memref<16384xf32, #tpu.memory_space<vmem>>) target(%dma_start3A_265 : memref<16384xf32, #tpu.memory_space<vmem_shared>>) target_semaphore(%arg16 : memref<!tpu.dma_semaphore, #tpu.memory_space<semaphore_mem>>)
    %add3A_266 = arith.constant 32 : i32
    %add3A_267 = arith.addi %add3A_266, %arg1 : i32
    %dma_wait3A_268 = arith.constant 0 : i32
    %dma_wait3A_269 = tpu.memref_slice %arg6[%add3A_236, %dma_wait3A_268] : memref<10240x1024xf32, #tpu.memory_space<hbm>> -> memref<16x1024xf32, #tpu.memory_space<hbm>>
    %dma_wait3A_270 = arith.constant 0 : i32
    %dma_wait3A_271 = tpu.memref_slice %arg6[%add3A_236, %dma_wait3A_270] : memref<10240x1024xf32, #tpu.memory_space<hbm>> -> memref<16x1024xf32, #tpu.memory_space<hbm>>
    tpu.wait_dma2 semaphore(%arg15 : memref<!tpu.dma_semaphore, #tpu.memory_space<semaphore_mem>>) src(%arg11 : memref<16x1024xf32, #tpu.memory_space<vmem>>) dst(%dma_wait3A_271 : memref<16x1024xf32, #tpu.memory_space<hbm>>)
    %scan3A_272 = arith.constant 0 : i32
    %scan3A_273 = arith.constant 0 : i32
    %scan3A_274 = arith.constant 16 : i32
    %scan3A_275 = arith.addi %scan3A_273, %scan3A_274 : i32
    %scan3A_276 = arith.constant 1 : i32
    scf.for %scan3A_1557 = %scan3A_273 to %scan3A_275 step %scan3A_276  : i32 {
      %mul3A_1558 = arith.constant 16384 : i32
      %mul3A_1559 = arith.muli %add3A_267, %mul3A_1558 : i32
      %mul3A_1560 = arith.constant 1024 : i32
      %mul3A_1561 = arith.muli %scan3A_1557, %mul3A_1560 : i32
      %add3A_1562 = arith.addi %mul3A_1559, %mul3A_1561 : i32
      %dma_start3A_1563 = arith.constant 0 : i32
      %dma_start3A_1564 = tpu.memref_slice %arg11[%scan3A_1557, %dma_start3A_1563] : memref<16x1024xf32, #tpu.memory_space<vmem>> -> memref<1x1024xf32, #tpu.memory_space<vmem>>
      %dma_start3A_1565 = tpu.memref_squeeze %dma_start3A_1564 : memref<1x1024xf32, #tpu.memory_space<vmem>> -> memref<1024xf32, #tpu.memory_space<vmem>>
      %dma_start3A_1566 = tpu.memref_slice %arg7[%add3A_1562] : memref<1048576xf32, #tpu.memory_space<vmem_shared>> -> memref<1024xf32, #tpu.memory_space<vmem_shared>>
      %dma_start3A_1567 = arith.constant 0 : i32
      %dma_start3A_1568 = tpu.memref_slice %arg11[%scan3A_1557, %dma_start3A_1567] : memref<16x1024xf32, #tpu.memory_space<vmem>> -> memref<1x1024xf32, #tpu.memory_space<vmem>>
      %dma_start3A_1569 = tpu.memref_squeeze %dma_start3A_1568 : memref<1x1024xf32, #tpu.memory_space<vmem>> -> memref<1024xf32, #tpu.memory_space<vmem>>
      %dma_start3A_1570 = tpu.memref_slice %arg7[%add3A_1562] : memref<1048576xf32, #tpu.memory_space<vmem_shared>> -> memref<1024xf32, #tpu.memory_space<vmem_shared>>
      tpu.enqueue_dma source(%dma_start3A_1570 : memref<1024xf32, #tpu.memory_space<vmem_shared>>) target(%dma_start3A_1569 : memref<1024xf32, #tpu.memory_space<vmem>>) target_semaphore(%arg14 : memref<!tpu.dma_semaphore, #tpu.memory_space<semaphore_mem>>)
    }
    %scan3A_277 = arith.constant 16 : i32
    tpu.wait_dma2 semaphore(%arg14 : memref<!tpu.dma_semaphore, #tpu.memory_space<semaphore_mem>>) src(%arg4 : memref<16x1024xf32, #tpu.memory_space<hbm>>) dst(%arg11 : memref<16x1024xf32, #tpu.memory_space<vmem>>)
    %mul3A_278 = arith.constant 1024 : i32
    %mul3A_279 = arith.muli %add3A_31, %mul3A_278 : i32
    %mul3A_280 = arith.constant 16 : i32
    %mul3A_281 = arith.muli %add3A_267, %mul3A_280 : i32
    %add3A_282 = arith.addi %mul3A_279, %mul3A_281 : i32
    %dma_start3A_283 = arith.constant 0 : i32
    %dma_start3A_284 = tpu.memref_slice %arg6[%add3A_282, %dma_start3A_283] : memref<10240x1024xf32, #tpu.memory_space<hbm>> -> memref<16x1024xf32, #tpu.memory_space<hbm>>
    %dma_start3A_285 = arith.constant 0 : i32
    %dma_start3A_286 = tpu.memref_slice %arg6[%add3A_282, %dma_start3A_285] : memref<10240x1024xf32, #tpu.memory_space<hbm>> -> memref<16x1024xf32, #tpu.memory_space<hbm>>
    tpu.enqueue_dma source(%arg11 : memref<16x1024xf32, #tpu.memory_space<vmem>>) target(%dma_start3A_286 : memref<16x1024xf32, #tpu.memory_space<hbm>>) target_semaphore(%arg15 : memref<!tpu.dma_semaphore, #tpu.memory_space<semaphore_mem>>)
    %mul3A_287 = arith.constant 16384 : i32
    %mul3A_288 = arith.muli %add3A_267, %mul3A_287 : i32
    %dma_start3A_289 = tpu.memref_slice %arg7[%mul3A_288] : memref<1048576xf32, #tpu.memory_space<vmem_shared>> -> memref<16384xf32, #tpu.memory_space<vmem_shared>>
    %dma_start3A_290 = tpu.memref_slice %arg7[%mul3A_288] : memref<1048576xf32, #tpu.memory_space<vmem_shared>> -> memref<16384xf32, #tpu.memory_space<vmem_shared>>
    tpu.enqueue_dma source(%arg10 : memref<16384xf32, #tpu.memory_space<vmem>>) target(%dma_start3A_290 : memref<16384xf32, #tpu.memory_space<vmem_shared>>) target_semaphore(%arg16 : memref<!tpu.dma_semaphore, #tpu.memory_space<semaphore_mem>>)
    %add3A_291 = arith.constant 48 : i32
    %add3A_292 = arith.addi %add3A_291, %arg1 : i32
    %dma_wait3A_293 = arith.constant 0 : i32
    %dma_wait3A_294 = tpu.memref_slice %arg6[%add3A_257, %dma_wait3A_293] : memref<10240x1024xf32, #tpu.memory_space<hbm>> -> memref<16x1024xf32, #tpu.memory_space<hbm>>
    %dma_wait3A_295 = arith.constant 0 : i32
    %dma_wait3A_296 = tpu.memref_slice %arg6[%add3A_257, %dma_wait3A_295] : memref<10240x1024xf32, #tpu.memory_space<hbm>> -> memref<16x1024xf32, #tpu.memory_space<hbm>>
    tpu.wait_dma2 semaphore(%arg15 : memref<!tpu.dma_semaphore, #tpu.memory_space<semaphore_mem>>) src(%arg12 : memref<16x1024xf32, #tpu.memory_space<vmem>>) dst(%dma_wait3A_296 : memref<16x1024xf32, #tpu.memory_space<hbm>>)
    %scan3A_297 = arith.constant 0 : i32
    %scan3A_298 = arith.constant 0 : i32
    %scan3A_299 = arith.constant 16 : i32
    %scan3A_300 = arith.addi %scan3A_298, %scan3A_299 : i32
    %scan3A_301 = arith.constant 1 : i32
    scf.for %scan3A_1557 = %scan3A_298 to %scan3A_300 step %scan3A_301  : i32 {
      %mul3A_1558 = arith.constant 16384 : i32
      %mul3A_1559 = arith.muli %add3A_292, %mul3A_1558 : i32
      %mul3A_1560 = arith.constant 1024 : i32
      %mul3A_1561 = arith.muli %scan3A_1557, %mul3A_1560 : i32
      %add3A_1562 = arith.addi %mul3A_1559, %mul3A_1561 : i32
      %dma_start3A_1563 = arith.constant 0 : i32
      %dma_start3A_1564 = tpu.memref_slice %arg12[%scan3A_1557, %dma_start3A_1563] : memref<16x1024xf32, #tpu.memory_space<vmem>> -> memref<1x1024xf32, #tpu.memory_space<vmem>>
      %dma_start3A_1565 = tpu.memref_squeeze %dma_start3A_1564 : memref<1x1024xf32, #tpu.memory_space<vmem>> -> memref<1024xf32, #tpu.memory_space<vmem>>
      %dma_start3A_1566 = tpu.memref_slice %arg7[%add3A_1562] : memref<1048576xf32, #tpu.memory_space<vmem_shared>> -> memref<1024xf32, #tpu.memory_space<vmem_shared>>
      %dma_start3A_1567 = arith.constant 0 : i32
      %dma_start3A_1568 = tpu.memref_slice %arg12[%scan3A_1557, %dma_start3A_1567] : memref<16x1024xf32, #tpu.memory_space<vmem>> -> memref<1x1024xf32, #tpu.memory_space<vmem>>
      %dma_start3A_1569 = tpu.memref_squeeze %dma_start3A_1568 : memref<1x1024xf32, #tpu.memory_space<vmem>> -> memref<1024xf32, #tpu.memory_space<vmem>>
      %dma_start3A_1570 = tpu.memref_slice %arg7[%add3A_1562] : memref<1048576xf32, #tpu.memory_space<vmem_shared>> -> memref<1024xf32, #tpu.memory_space<vmem_shared>>
      tpu.enqueue_dma source(%dma_start3A_1570 : memref<1024xf32, #tpu.memory_space<vmem_shared>>) target(%dma_start3A_1569 : memref<1024xf32, #tpu.memory_space<vmem>>) target_semaphore(%arg14 : memref<!tpu.dma_semaphore, #tpu.memory_space<semaphore_mem>>)
    }
    %scan3A_302 = arith.constant 16 : i32
    tpu.wait_dma2 semaphore(%arg14 : memref<!tpu.dma_semaphore, #tpu.memory_space<semaphore_mem>>) src(%arg4 : memref<16x1024xf32, #tpu.memory_space<hbm>>) dst(%arg12 : memref<16x1024xf32, #tpu.memory_space<vmem>>)
    %mul3A_303 = arith.constant 1024 : i32
    %mul3A_304 = arith.muli %add3A_31, %mul3A_303 : i32
    %mul3A_305 = arith.constant 16 : i32
    %mul3A_306 = arith.muli %add3A_292, %mul3A_305 : i32
    %add3A_307 = arith.addi %mul3A_304, %mul3A_306 : i32
    %dma_start3A_308 = arith.constant 0 : i32
    %dma_start3A_309 = tpu.memref_slice %arg6[%add3A_307, %dma_start3A_308] : memref<10240x1024xf32, #tpu.memory_space<hbm>> -> memref<16x1024xf32, #tpu.memory_space<hbm>>
    %dma_start3A_310 = arith.constant 0 : i32
    %dma_start3A_311 = tpu.memref_slice %arg6[%add3A_307, %dma_start3A_310] : memref<10240x1024xf32, #tpu.memory_space<hbm>> -> memref<16x1024xf32, #tpu.memory_space<hbm>>
    tpu.enqueue_dma source(%arg12 : memref<16x1024xf32, #tpu.memory_space<vmem>>) target(%dma_start3A_311 : memref<16x1024xf32, #tpu.memory_space<hbm>>) target_semaphore(%arg15 : memref<!tpu.dma_semaphore, #tpu.memory_space<semaphore_mem>>)
    %mul3A_312 = arith.constant 16384 : i32
    %mul3A_313 = arith.muli %add3A_292, %mul3A_312 : i32
    %dma_start3A_314 = tpu.memref_slice %arg7[%mul3A_313] : memref<1048576xf32, #tpu.memory_space<vmem_shared>> -> memref<16384xf32, #tpu.memory_space<vmem_shared>>
    %dma_start3A_315 = tpu.memref_slice %arg7[%mul3A_313] : memref<1048576xf32, #tpu.memory_space<vmem_shared>> -> memref<16384xf32, #tpu.memory_space<vmem_shared>>
    tpu.enqueue_dma source(%arg10 : memref<16384xf32, #tpu.memory_space<vmem>>) target(%dma_start3A_315 : memref<16384xf32, #tpu.memory_space<vmem_shared>>) target_semaphore(%arg16 : memref<!tpu.dma_semaphore, #tpu.memory_space<semaphore_mem>>)
    %dma_wait3A_316 = arith.constant 0 : i32
    %dma_wait3A_317 = tpu.memref_slice %arg6[%add3A_282, %dma_wait3A_316] : memref<10240x1024xf32, #tpu.memory_space<hbm>> -> memref<16x1024xf32, #tpu.memory_space<hbm>>
    %dma_wait3A_318 = arith.constant 0 : i32
    %dma_wait3A_319 = tpu.memref_slice %arg6[%add3A_282, %dma_wait3A_318] : memref<10240x1024xf32, #tpu.memory_space<hbm>> -> memref<16x1024xf32, #tpu.memory_space<hbm>>
    tpu.wait_dma2 semaphore(%arg15 : memref<!tpu.dma_semaphore, #tpu.memory_space<semaphore_mem>>) src(%arg11 : memref<16x1024xf32, #tpu.memory_space<vmem>>) dst(%dma_wait3A_319 : memref<16x1024xf32, #tpu.memory_space<hbm>>)
    %dma_wait3A_320 = arith.constant 0 : i32
    %dma_wait3A_321 = tpu.memref_slice %arg6[%add3A_307, %dma_wait3A_320] : memref<10240x1024xf32, #tpu.memory_space<hbm>> -> memref<16x1024xf32, #tpu.memory_space<hbm>>
    %dma_wait3A_322 = arith.constant 0 : i32
    %dma_wait3A_323 = tpu.memref_slice %arg6[%add3A_307, %dma_wait3A_322] : memref<10240x1024xf32, #tpu.memory_space<hbm>> -> memref<16x1024xf32, #tpu.memory_space<hbm>>
    tpu.wait_dma2 semaphore(%arg15 : memref<!tpu.dma_semaphore, #tpu.memory_space<semaphore_mem>>) src(%arg12 : memref<16x1024xf32, #tpu.memory_space<vmem>>) dst(%dma_wait3A_323 : memref<16x1024xf32, #tpu.memory_space<hbm>>)
    %dma_wait3A_324 = tpu.memref_slice %arg7[%mul3A_242] : memref<1048576xf32, #tpu.memory_space<vmem_shared>> -> memref<16384xf32, #tpu.memory_space<vmem_shared>>
    %dma_wait3A_325 = tpu.memref_slice %arg7[%mul3A_242] : memref<1048576xf32, #tpu.memory_space<vmem_shared>> -> memref<16384xf32, #tpu.memory_space<vmem_shared>>
    tpu.wait_dma2 semaphore(%arg16 : memref<!tpu.dma_semaphore, #tpu.memory_space<semaphore_mem>>) src(%arg10 : memref<16384xf32, #tpu.memory_space<vmem>>) dst(%dma_wait3A_325 : memref<16384xf32, #tpu.memory_space<vmem_shared>>)
    %dma_wait3A_326 = tpu.memref_slice %arg7[%mul3A_263] : memref<1048576xf32, #tpu.memory_space<vmem_shared>> -> memref<16384xf32, #tpu.memory_space<vmem_shared>>
    %dma_wait3A_327 = tpu.memref_slice %arg7[%mul3A_263] : memref<1048576xf32, #tpu.memory_space<vmem_shared>> -> memref<16384xf32, #tpu.memory_space<vmem_shared>>
    tpu.wait_dma2 semaphore(%arg16 : memref<!tpu.dma_semaphore, #tpu.memory_space<semaphore_mem>>) src(%arg10 : memref<16384xf32, #tpu.memory_space<vmem>>) dst(%dma_wait3A_327 : memref<16384xf32, #tpu.memory_space<vmem_shared>>)
    %dma_wait3A_328 = tpu.memref_slice %arg7[%mul3A_288] : memref<1048576xf32, #tpu.memory_space<vmem_shared>> -> memref<16384xf32, #tpu.memory_space<vmem_shared>>
    %dma_wait3A_329 = tpu.memref_slice %arg7[%mul3A_288] : memref<1048576xf32, #tpu.memory_space<vmem_shared>> -> memref<16384xf32, #tpu.memory_space<vmem_shared>>
    tpu.wait_dma2 semaphore(%arg16 : memref<!tpu.dma_semaphore, #tpu.memory_space<semaphore_mem>>) src(%arg10 : memref<16384xf32, #tpu.memory_space<vmem>>) dst(%dma_wait3A_329 : memref<16384xf32, #tpu.memory_space<vmem_shared>>)
    %dma_wait3A_330 = tpu.memref_slice %arg7[%mul3A_313] : memref<1048576xf32, #tpu.memory_space<vmem_shared>> -> memref<16384xf32, #tpu.memory_space<vmem_shared>>
    %dma_wait3A_331 = tpu.memref_slice %arg7[%mul3A_313] : memref<1048576xf32, #tpu.memory_space<vmem_shared>> -> memref<16384xf32, #tpu.memory_space<vmem_shared>>
    tpu.wait_dma2 semaphore(%arg16 : memref<!tpu.dma_semaphore, #tpu.memory_space<semaphore_mem>>) src(%arg10 : memref<16384xf32, #tpu.memory_space<vmem>>) dst(%dma_wait3A_331 : memref<16384xf32, #tpu.memory_space<vmem_shared>>)
    %barrier3A_332 = arith.constant 0 : index
    tpu.barrier barrier_id(%barrier3A_332)
    %mul3A_333 = arith.constant 5 : i32
    %mul3A_334 = arith.muli %arg0, %mul3A_333 : i32
    %add3A_335 = arith.constant 1 : i32
    %add3A_336 = arith.addi %mul3A_334, %add3A_335 : i32
    "tpu.region"() ({
      %run_scoped3A = tpu.sem_alloc : memref<!tpu.dma_semaphore, #tpu.memory_space<semaphore_mem>>
      %dma_start3A_1557 = arith.constant 0 : i32
      %dma_start3A_1558 = arith.constant 0 : i32
      %dma_start3A_1559 = tpu.memref_slice %arg2[%add3A_336, %arg1, %dma_start3A_1557, %dma_start3A_1558] : memref<10x16x16x125xi32, #tpu.memory_space<hbm>> -> memref<1x1x16x125xi32, #tpu.memory_space<hbm>>
      %dma_start3A_1560 = tpu.memref_squeeze %dma_start3A_1559 : memref<1x1x16x125xi32, #tpu.memory_space<hbm>> -> memref<16x125xi32, #tpu.memory_space<hbm>>
      %dma_start3A_1561 = arith.constant 0 : i32
      %dma_start3A_1562 = arith.constant 0 : i32
      %dma_start3A_1563 = tpu.memref_slice %arg2[%add3A_336, %arg1, %dma_start3A_1561, %dma_start3A_1562] : memref<10x16x16x125xi32, #tpu.memory_space<hbm>> -> memref<1x1x16x125xi32, #tpu.memory_space<hbm>>
      %dma_start3A_1564 = tpu.memref_squeeze %dma_start3A_1563 : memref<1x1x16x125xi32, #tpu.memory_space<hbm>> -> memref<16x125xi32, #tpu.memory_space<hbm>>
      tpu.enqueue_dma source(%dma_start3A_1564 : memref<16x125xi32, #tpu.memory_space<hbm>>) target(%arg8 : memref<16x125xi32, #tpu.memory_space<vmem>>) target_semaphore(%run_scoped3A : memref<!tpu.dma_semaphore, #tpu.memory_space<semaphore_mem>>)
      %dma_wait3A_1565 = arith.constant 0 : i32
      %dma_wait3A_1566 = arith.constant 0 : i32
      %dma_wait3A_1567 = tpu.memref_slice %arg2[%add3A_336, %arg1, %dma_wait3A_1565, %dma_wait3A_1566] : memref<10x16x16x125xi32, #tpu.memory_space<hbm>> -> memref<1x1x16x125xi32, #tpu.memory_space<hbm>>
      %dma_wait3A_1568 = tpu.memref_squeeze %dma_wait3A_1567 : memref<1x1x16x125xi32, #tpu.memory_space<hbm>> -> memref<16x125xi32, #tpu.memory_space<hbm>>
      %dma_wait3A_1569 = arith.constant 0 : i32
      %dma_wait3A_1570 = arith.constant 0 : i32
      %dma_wait3A_1571 = tpu.memref_slice %arg2[%add3A_336, %arg1, %dma_wait3A_1569, %dma_wait3A_1570] : memref<10x16x16x125xi32, #tpu.memory_space<hbm>> -> memref<1x1x16x125xi32, #tpu.memory_space<hbm>>
      %dma_wait3A_1572 = tpu.memref_squeeze %dma_wait3A_1571 : memref<1x1x16x125xi32, #tpu.memory_space<hbm>> -> memref<16x125xi32, #tpu.memory_space<hbm>>
      tpu.wait_dma2 semaphore(%run_scoped3A : memref<!tpu.dma_semaphore, #tpu.memory_space<semaphore_mem>>) src(%dma_wait3A_1572 : memref<16x125xi32, #tpu.memory_space<hbm>>) dst(%arg8 : memref<16x125xi32, #tpu.memory_space<vmem>>)
      tpu.yield
    }) : () -> ()
    %dma_start3A_337 = arith.constant 0 : i32
    %dma_start3A_338 = arith.constant 0 : i32
    %dma_start3A_339 = tpu.memref_slice %arg8[%dma_start3A_337, %dma_start3A_338] : memref<16x125xi32, #tpu.memory_space<vmem>> -> memref<1x125xi32, #tpu.memory_space<vmem>>
    %dma_start3A_340 = tpu.memref_squeeze %dma_start3A_339 : memref<1x125xi32, #tpu.memory_space<vmem>> -> memref<125xi32, #tpu.memory_space<vmem>>
    %dma_start3A_341 = arith.constant 0 : i32
    %dma_start3A_342 = tpu.memref_slice %arg7[%dma_start3A_341] : memref<1048576xf32, #tpu.memory_space<vmem_shared>> -> memref<1048576xf32, #tpu.memory_space<vmem_shared>>
    tpu.enqueue_indirect_dma source(%arg9 : memref<125xf32, #tpu.memory_space<vmem>>) target(%dma_start3A_342 : memref<1048576xf32, #tpu.memory_space<vmem_shared>>) offsets(%dma_start3A_340 : memref<125xi32, #tpu.memory_space<vmem>>) semaphore(%arg13 : memref<!tpu.dma_semaphore, #tpu.memory_space<semaphore_mem>>) {add = true}
    %dma_start3A_343 = arith.constant 1 : i32
    %dma_start3A_344 = arith.constant 0 : i32
    %dma_start3A_345 = tpu.memref_slice %arg8[%dma_start3A_343, %dma_start3A_344] : memref<16x125xi32, #tpu.memory_space<vmem>> -> memref<1x125xi32, #tpu.memory_space<vmem>>
    %dma_start3A_346 = tpu.memref_squeeze %dma_start3A_345 : memref<1x125xi32, #tpu.memory_space<vmem>> -> memref<125xi32, #tpu.memory_space<vmem>>
    %dma_start3A_347 = arith.constant 0 : i32
    %dma_start3A_348 = tpu.memref_slice %arg7[%dma_start3A_347] : memref<1048576xf32, #tpu.memory_space<vmem_shared>> -> memref<1048576xf32, #tpu.memory_space<vmem_shared>>
    tpu.enqueue_indirect_dma source(%arg9 : memref<125xf32, #tpu.memory_space<vmem>>) target(%dma_start3A_348 : memref<1048576xf32, #tpu.memory_space<vmem_shared>>) offsets(%dma_start3A_346 : memref<125xi32, #tpu.memory_space<vmem>>) semaphore(%arg13 : memref<!tpu.dma_semaphore, #tpu.memory_space<semaphore_mem>>) {add = true}
    %dma_start3A_349 = arith.constant 2 : i32
    %dma_start3A_350 = arith.constant 0 : i32
    %dma_start3A_351 = tpu.memref_slice %arg8[%dma_start3A_349, %dma_start3A_350] : memref<16x125xi32, #tpu.memory_space<vmem>> -> memref<1x125xi32, #tpu.memory_space<vmem>>
    %dma_start3A_352 = tpu.memref_squeeze %dma_start3A_351 : memref<1x125xi32, #tpu.memory_space<vmem>> -> memref<125xi32, #tpu.memory_space<vmem>>
    %dma_start3A_353 = arith.constant 0 : i32
    %dma_start3A_354 = tpu.memref_slice %arg7[%dma_start3A_353] : memref<1048576xf32, #tpu.memory_space<vmem_shared>> -> memref<1048576xf32, #tpu.memory_space<vmem_shared>>
    tpu.enqueue_indirect_dma source(%arg9 : memref<125xf32, #tpu.memory_space<vmem>>) target(%dma_start3A_354 : memref<1048576xf32, #tpu.memory_space<vmem_shared>>) offsets(%dma_start3A_352 : memref<125xi32, #tpu.memory_space<vmem>>) semaphore(%arg13 : memref<!tpu.dma_semaphore, #tpu.memory_space<semaphore_mem>>) {add = true}
    %dma_start3A_355 = arith.constant 3 : i32
    %dma_start3A_356 = arith.constant 0 : i32
    %dma_start3A_357 = tpu.memref_slice %arg8[%dma_start3A_355, %dma_start3A_356] : memref<16x125xi32, #tpu.memory_space<vmem>> -> memref<1x125xi32, #tpu.memory_space<vmem>>
    %dma_start3A_358 = tpu.memref_squeeze %dma_start3A_357 : memref<1x125xi32, #tpu.memory_space<vmem>> -> memref<125xi32, #tpu.memory_space<vmem>>
    %dma_start3A_359 = arith.constant 0 : i32
    %dma_start3A_360 = tpu.memref_slice %arg7[%dma_start3A_359] : memref<1048576xf32, #tpu.memory_space<vmem_shared>> -> memref<1048576xf32, #tpu.memory_space<vmem_shared>>
    tpu.enqueue_indirect_dma source(%arg9 : memref<125xf32, #tpu.memory_space<vmem>>) target(%dma_start3A_360 : memref<1048576xf32, #tpu.memory_space<vmem_shared>>) offsets(%dma_start3A_358 : memref<125xi32, #tpu.memory_space<vmem>>) semaphore(%arg13 : memref<!tpu.dma_semaphore, #tpu.memory_space<semaphore_mem>>) {add = true}
    %dma_start3A_361 = arith.constant 4 : i32
    %dma_start3A_362 = arith.constant 0 : i32
    %dma_start3A_363 = tpu.memref_slice %arg8[%dma_start3A_361, %dma_start3A_362] : memref<16x125xi32, #tpu.memory_space<vmem>> -> memref<1x125xi32, #tpu.memory_space<vmem>>
    %dma_start3A_364 = tpu.memref_squeeze %dma_start3A_363 : memref<1x125xi32, #tpu.memory_space<vmem>> -> memref<125xi32, #tpu.memory_space<vmem>>
    %dma_start3A_365 = arith.constant 0 : i32
    %dma_start3A_366 = tpu.memref_slice %arg7[%dma_start3A_365] : memref<1048576xf32, #tpu.memory_space<vmem_shared>> -> memref<1048576xf32, #tpu.memory_space<vmem_shared>>
    tpu.enqueue_indirect_dma source(%arg9 : memref<125xf32, #tpu.memory_space<vmem>>) target(%dma_start3A_366 : memref<1048576xf32, #tpu.memory_space<vmem_shared>>) offsets(%dma_start3A_364 : memref<125xi32, #tpu.memory_space<vmem>>) semaphore(%arg13 : memref<!tpu.dma_semaphore, #tpu.memory_space<semaphore_mem>>) {add = true}
    %dma_start3A_367 = arith.constant 5 : i32
    %dma_start3A_368 = arith.constant 0 : i32
    %dma_start3A_369 = tpu.memref_slice %arg8[%dma_start3A_367, %dma_start3A_368] : memref<16x125xi32, #tpu.memory_space<vmem>> -> memref<1x125xi32, #tpu.memory_space<vmem>>
    %dma_start3A_370 = tpu.memref_squeeze %dma_start3A_369 : memref<1x125xi32, #tpu.memory_space<vmem>> -> memref<125xi32, #tpu.memory_space<vmem>>
    %dma_start3A_371 = arith.constant 0 : i32
    %dma_start3A_372 = tpu.memref_slice %arg7[%dma_start3A_371] : memref<1048576xf32, #tpu.memory_space<vmem_shared>> -> memref<1048576xf32, #tpu.memory_space<vmem_shared>>
    tpu.enqueue_indirect_dma source(%arg9 : memref<125xf32, #tpu.memory_space<vmem>>) target(%dma_start3A_372 : memref<1048576xf32, #tpu.memory_space<vmem_shared>>) offsets(%dma_start3A_370 : memref<125xi32, #tpu.memory_space<vmem>>) semaphore(%arg13 : memref<!tpu.dma_semaphore, #tpu.memory_space<semaphore_mem>>) {add = true}
    %dma_start3A_373 = arith.constant 6 : i32
    %dma_start3A_374 = arith.constant 0 : i32
    %dma_start3A_375 = tpu.memref_slice %arg8[%dma_start3A_373, %dma_start3A_374] : memref<16x125xi32, #tpu.memory_space<vmem>> -> memref<1x125xi32, #tpu.memory_space<vmem>>
    %dma_start3A_376 = tpu.memref_squeeze %dma_start3A_375 : memref<1x125xi32, #tpu.memory_space<vmem>> -> memref<125xi32, #tpu.memory_space<vmem>>
    %dma_start3A_377 = arith.constant 0 : i32
    %dma_start3A_378 = tpu.memref_slice %arg7[%dma_start3A_377] : memref<1048576xf32, #tpu.memory_space<vmem_shared>> -> memref<1048576xf32, #tpu.memory_space<vmem_shared>>
    tpu.enqueue_indirect_dma source(%arg9 : memref<125xf32, #tpu.memory_space<vmem>>) target(%dma_start3A_378 : memref<1048576xf32, #tpu.memory_space<vmem_shared>>) offsets(%dma_start3A_376 : memref<125xi32, #tpu.memory_space<vmem>>) semaphore(%arg13 : memref<!tpu.dma_semaphore, #tpu.memory_space<semaphore_mem>>) {add = true}
    %dma_start3A_379 = arith.constant 7 : i32
    %dma_start3A_380 = arith.constant 0 : i32
    %dma_start3A_381 = tpu.memref_slice %arg8[%dma_start3A_379, %dma_start3A_380] : memref<16x125xi32, #tpu.memory_space<vmem>> -> memref<1x125xi32, #tpu.memory_space<vmem>>
    %dma_start3A_382 = tpu.memref_squeeze %dma_start3A_381 : memref<1x125xi32, #tpu.memory_space<vmem>> -> memref<125xi32, #tpu.memory_space<vmem>>
    %dma_start3A_383 = arith.constant 0 : i32
    %dma_start3A_384 = tpu.memref_slice %arg7[%dma_start3A_383] : memref<1048576xf32, #tpu.memory_space<vmem_shared>> -> memref<1048576xf32, #tpu.memory_space<vmem_shared>>
    tpu.enqueue_indirect_dma source(%arg9 : memref<125xf32, #tpu.memory_space<vmem>>) target(%dma_start3A_384 : memref<1048576xf32, #tpu.memory_space<vmem_shared>>) offsets(%dma_start3A_382 : memref<125xi32, #tpu.memory_space<vmem>>) semaphore(%arg13 : memref<!tpu.dma_semaphore, #tpu.memory_space<semaphore_mem>>) {add = true}
    %dma_start3A_385 = arith.constant 8 : i32
    %dma_start3A_386 = arith.constant 0 : i32
    %dma_start3A_387 = tpu.memref_slice %arg8[%dma_start3A_385, %dma_start3A_386] : memref<16x125xi32, #tpu.memory_space<vmem>> -> memref<1x125xi32, #tpu.memory_space<vmem>>
    %dma_start3A_388 = tpu.memref_squeeze %dma_start3A_387 : memref<1x125xi32, #tpu.memory_space<vmem>> -> memref<125xi32, #tpu.memory_space<vmem>>
    %dma_start3A_389 = arith.constant 0 : i32
    %dma_start3A_390 = tpu.memref_slice %arg7[%dma_start3A_389] : memref<1048576xf32, #tpu.memory_space<vmem_shared>> -> memref<1048576xf32, #tpu.memory_space<vmem_shared>>
    tpu.enqueue_indirect_dma source(%arg9 : memref<125xf32, #tpu.memory_space<vmem>>) target(%dma_start3A_390 : memref<1048576xf32, #tpu.memory_space<vmem_shared>>) offsets(%dma_start3A_388 : memref<125xi32, #tpu.memory_space<vmem>>) semaphore(%arg13 : memref<!tpu.dma_semaphore, #tpu.memory_space<semaphore_mem>>) {add = true}
    %dma_start3A_391 = arith.constant 9 : i32
    %dma_start3A_392 = arith.constant 0 : i32
    %dma_start3A_393 = tpu.memref_slice %arg8[%dma_start3A_391, %dma_start3A_392] : memref<16x125xi32, #tpu.memory_space<vmem>> -> memref<1x125xi32, #tpu.memory_space<vmem>>
    %dma_start3A_394 = tpu.memref_squeeze %dma_start3A_393 : memref<1x125xi32, #tpu.memory_space<vmem>> -> memref<125xi32, #tpu.memory_space<vmem>>
    %dma_start3A_395 = arith.constant 0 : i32
    %dma_start3A_396 = tpu.memref_slice %arg7[%dma_start3A_395] : memref<1048576xf32, #tpu.memory_space<vmem_shared>> -> memref<1048576xf32, #tpu.memory_space<vmem_shared>>
    tpu.enqueue_indirect_dma source(%arg9 : memref<125xf32, #tpu.memory_space<vmem>>) target(%dma_start3A_396 : memref<1048576xf32, #tpu.memory_space<vmem_shared>>) offsets(%dma_start3A_394 : memref<125xi32, #tpu.memory_space<vmem>>) semaphore(%arg13 : memref<!tpu.dma_semaphore, #tpu.memory_space<semaphore_mem>>) {add = true}
    %dma_start3A_397 = arith.constant 10 : i32
    %dma_start3A_398 = arith.constant 0 : i32
    %dma_start3A_399 = tpu.memref_slice %arg8[%dma_start3A_397, %dma_start3A_398] : memref<16x125xi32, #tpu.memory_space<vmem>> -> memref<1x125xi32, #tpu.memory_space<vmem>>
    %dma_start3A_400 = tpu.memref_squeeze %dma_start3A_399 : memref<1x125xi32, #tpu.memory_space<vmem>> -> memref<125xi32, #tpu.memory_space<vmem>>
    %dma_start3A_401 = arith.constant 0 : i32
    %dma_start3A_402 = tpu.memref_slice %arg7[%dma_start3A_401] : memref<1048576xf32, #tpu.memory_space<vmem_shared>> -> memref<1048576xf32, #tpu.memory_space<vmem_shared>>
    tpu.enqueue_indirect_dma source(%arg9 : memref<125xf32, #tpu.memory_space<vmem>>) target(%dma_start3A_402 : memref<1048576xf32, #tpu.memory_space<vmem_shared>>) offsets(%dma_start3A_400 : memref<125xi32, #tpu.memory_space<vmem>>) semaphore(%arg13 : memref<!tpu.dma_semaphore, #tpu.memory_space<semaphore_mem>>) {add = true}
    %dma_start3A_403 = arith.constant 11 : i32
    %dma_start3A_404 = arith.constant 0 : i32
    %dma_start3A_405 = tpu.memref_slice %arg8[%dma_start3A_403, %dma_start3A_404] : memref<16x125xi32, #tpu.memory_space<vmem>> -> memref<1x125xi32, #tpu.memory_space<vmem>>
    %dma_start3A_406 = tpu.memref_squeeze %dma_start3A_405 : memref<1x125xi32, #tpu.memory_space<vmem>> -> memref<125xi32, #tpu.memory_space<vmem>>
    %dma_start3A_407 = arith.constant 0 : i32
    %dma_start3A_408 = tpu.memref_slice %arg7[%dma_start3A_407] : memref<1048576xf32, #tpu.memory_space<vmem_shared>> -> memref<1048576xf32, #tpu.memory_space<vmem_shared>>
    tpu.enqueue_indirect_dma source(%arg9 : memref<125xf32, #tpu.memory_space<vmem>>) target(%dma_start3A_408 : memref<1048576xf32, #tpu.memory_space<vmem_shared>>) offsets(%dma_start3A_406 : memref<125xi32, #tpu.memory_space<vmem>>) semaphore(%arg13 : memref<!tpu.dma_semaphore, #tpu.memory_space<semaphore_mem>>) {add = true}
    %dma_start3A_409 = arith.constant 12 : i32
    %dma_start3A_410 = arith.constant 0 : i32
    %dma_start3A_411 = tpu.memref_slice %arg8[%dma_start3A_409, %dma_start3A_410] : memref<16x125xi32, #tpu.memory_space<vmem>> -> memref<1x125xi32, #tpu.memory_space<vmem>>
    %dma_start3A_412 = tpu.memref_squeeze %dma_start3A_411 : memref<1x125xi32, #tpu.memory_space<vmem>> -> memref<125xi32, #tpu.memory_space<vmem>>
    %dma_start3A_413 = arith.constant 0 : i32
    %dma_start3A_414 = tpu.memref_slice %arg7[%dma_start3A_413] : memref<1048576xf32, #tpu.memory_space<vmem_shared>> -> memref<1048576xf32, #tpu.memory_space<vmem_shared>>
    tpu.enqueue_indirect_dma source(%arg9 : memref<125xf32, #tpu.memory_space<vmem>>) target(%dma_start3A_414 : memref<1048576xf32, #tpu.memory_space<vmem_shared>>) offsets(%dma_start3A_412 : memref<125xi32, #tpu.memory_space<vmem>>) semaphore(%arg13 : memref<!tpu.dma_semaphore, #tpu.memory_space<semaphore_mem>>) {add = true}
    %dma_start3A_415 = arith.constant 13 : i32
    %dma_start3A_416 = arith.constant 0 : i32
    %dma_start3A_417 = tpu.memref_slice %arg8[%dma_start3A_415, %dma_start3A_416] : memref<16x125xi32, #tpu.memory_space<vmem>> -> memref<1x125xi32, #tpu.memory_space<vmem>>
    %dma_start3A_418 = tpu.memref_squeeze %dma_start3A_417 : memref<1x125xi32, #tpu.memory_space<vmem>> -> memref<125xi32, #tpu.memory_space<vmem>>
    %dma_start3A_419 = arith.constant 0 : i32
    %dma_start3A_420 = tpu.memref_slice %arg7[%dma_start3A_419] : memref<1048576xf32, #tpu.memory_space<vmem_shared>> -> memref<1048576xf32, #tpu.memory_space<vmem_shared>>
    tpu.enqueue_indirect_dma source(%arg9 : memref<125xf32, #tpu.memory_space<vmem>>) target(%dma_start3A_420 : memref<1048576xf32, #tpu.memory_space<vmem_shared>>) offsets(%dma_start3A_418 : memref<125xi32, #tpu.memory_space<vmem>>) semaphore(%arg13 : memref<!tpu.dma_semaphore, #tpu.memory_space<semaphore_mem>>) {add = true}
    %dma_start3A_421 = arith.constant 14 : i32
    %dma_start3A_422 = arith.constant 0 : i32
    %dma_start3A_423 = tpu.memref_slice %arg8[%dma_start3A_421, %dma_start3A_422] : memref<16x125xi32, #tpu.memory_space<vmem>> -> memref<1x125xi32, #tpu.memory_space<vmem>>
    %dma_start3A_424 = tpu.memref_squeeze %dma_start3A_423 : memref<1x125xi32, #tpu.memory_space<vmem>> -> memref<125xi32, #tpu.memory_space<vmem>>
    %dma_start3A_425 = arith.constant 0 : i32
    %dma_start3A_426 = tpu.memref_slice %arg7[%dma_start3A_425] : memref<1048576xf32, #tpu.memory_space<vmem_shared>> -> memref<1048576xf32, #tpu.memory_space<vmem_shared>>
    tpu.enqueue_indirect_dma source(%arg9 : memref<125xf32, #tpu.memory_space<vmem>>) target(%dma_start3A_426 : memref<1048576xf32, #tpu.memory_space<vmem_shared>>) offsets(%dma_start3A_424 : memref<125xi32, #tpu.memory_space<vmem>>) semaphore(%arg13 : memref<!tpu.dma_semaphore, #tpu.memory_space<semaphore_mem>>) {add = true}
    %dma_start3A_427 = arith.constant 15 : i32
    %dma_start3A_428 = arith.constant 0 : i32
    %dma_start3A_429 = tpu.memref_slice %arg8[%dma_start3A_427, %dma_start3A_428] : memref<16x125xi32, #tpu.memory_space<vmem>> -> memref<1x125xi32, #tpu.memory_space<vmem>>
    %dma_start3A_430 = tpu.memref_squeeze %dma_start3A_429 : memref<1x125xi32, #tpu.memory_space<vmem>> -> memref<125xi32, #tpu.memory_space<vmem>>
    %dma_start3A_431 = arith.constant 0 : i32
    %dma_start3A_432 = tpu.memref_slice %arg7[%dma_start3A_431] : memref<1048576xf32, #tpu.memory_space<vmem_shared>> -> memref<1048576xf32, #tpu.memory_space<vmem_shared>>
    tpu.enqueue_indirect_dma source(%arg9 : memref<125xf32, #tpu.memory_space<vmem>>) target(%dma_start3A_432 : memref<1048576xf32, #tpu.memory_space<vmem_shared>>) offsets(%dma_start3A_430 : memref<125xi32, #tpu.memory_space<vmem>>) semaphore(%arg13 : memref<!tpu.dma_semaphore, #tpu.memory_space<semaphore_mem>>) {add = true}
    %dma_wait3A_433 = arith.constant 0 : i32
    %dma_wait3A_434 = arith.constant 0 : i32
    %dma_wait3A_435 = tpu.memref_slice %arg8[%dma_wait3A_433, %dma_wait3A_434] : memref<16x125xi32, #tpu.memory_space<vmem>> -> memref<1x125xi32, #tpu.memory_space<vmem>>
    %dma_wait3A_436 = tpu.memref_squeeze %dma_wait3A_435 : memref<1x125xi32, #tpu.memory_space<vmem>> -> memref<125xi32, #tpu.memory_space<vmem>>
    %dma_wait3A_437 = arith.constant 0 : i32
    %dma_wait3A_438 = tpu.memref_slice %arg7[%dma_wait3A_437] : memref<1048576xf32, #tpu.memory_space<vmem_shared>> -> memref<1048576xf32, #tpu.memory_space<vmem_shared>>
    tpu.wait_indirect_dma semaphore(%arg13 : memref<!tpu.dma_semaphore, #tpu.memory_space<semaphore_mem>>) src(%arg9 : memref<125xf32, #tpu.memory_space<vmem>>) dst(%dma_wait3A_438 : memref<1048576xf32, #tpu.memory_space<vmem_shared>>)
    %dma_wait3A_439 = arith.constant 1 : i32
    %dma_wait3A_440 = arith.constant 0 : i32
    %dma_wait3A_441 = tpu.memref_slice %arg8[%dma_wait3A_439, %dma_wait3A_440] : memref<16x125xi32, #tpu.memory_space<vmem>> -> memref<1x125xi32, #tpu.memory_space<vmem>>
    %dma_wait3A_442 = tpu.memref_squeeze %dma_wait3A_441 : memref<1x125xi32, #tpu.memory_space<vmem>> -> memref<125xi32, #tpu.memory_space<vmem>>
    %dma_wait3A_443 = arith.constant 0 : i32
    %dma_wait3A_444 = tpu.memref_slice %arg7[%dma_wait3A_443] : memref<1048576xf32, #tpu.memory_space<vmem_shared>> -> memref<1048576xf32, #tpu.memory_space<vmem_shared>>
    tpu.wait_indirect_dma semaphore(%arg13 : memref<!tpu.dma_semaphore, #tpu.memory_space<semaphore_mem>>) src(%arg9 : memref<125xf32, #tpu.memory_space<vmem>>) dst(%dma_wait3A_444 : memref<1048576xf32, #tpu.memory_space<vmem_shared>>)
    %dma_wait3A_445 = arith.constant 2 : i32
    %dma_wait3A_446 = arith.constant 0 : i32
    %dma_wait3A_447 = tpu.memref_slice %arg8[%dma_wait3A_445, %dma_wait3A_446] : memref<16x125xi32, #tpu.memory_space<vmem>> -> memref<1x125xi32, #tpu.memory_space<vmem>>
    %dma_wait3A_448 = tpu.memref_squeeze %dma_wait3A_447 : memref<1x125xi32, #tpu.memory_space<vmem>> -> memref<125xi32, #tpu.memory_space<vmem>>
    %dma_wait3A_449 = arith.constant 0 : i32
    %dma_wait3A_450 = tpu.memref_slice %arg7[%dma_wait3A_449] : memref<1048576xf32, #tpu.memory_space<vmem_shared>> -> memref<1048576xf32, #tpu.memory_space<vmem_shared>>
    tpu.wait_indirect_dma semaphore(%arg13 : memref<!tpu.dma_semaphore, #tpu.memory_space<semaphore_mem>>) src(%arg9 : memref<125xf32, #tpu.memory_space<vmem>>) dst(%dma_wait3A_450 : memref<1048576xf32, #tpu.memory_space<vmem_shared>>)
    %dma_wait3A_451 = arith.constant 3 : i32
    %dma_wait3A_452 = arith.constant 0 : i32
    %dma_wait3A_453 = tpu.memref_slice %arg8[%dma_wait3A_451, %dma_wait3A_452] : memref<16x125xi32, #tpu.memory_space<vmem>> -> memref<1x125xi32, #tpu.memory_space<vmem>>
    %dma_wait3A_454 = tpu.memref_squeeze %dma_wait3A_453 : memref<1x125xi32, #tpu.memory_space<vmem>> -> memref<125xi32, #tpu.memory_space<vmem>>
    %dma_wait3A_455 = arith.constant 0 : i32
    %dma_wait3A_456 = tpu.memref_slice %arg7[%dma_wait3A_455] : memref<1048576xf32, #tpu.memory_space<vmem_shared>> -> memref<1048576xf32, #tpu.memory_space<vmem_shared>>
    tpu.wait_indirect_dma semaphore(%arg13 : memref<!tpu.dma_semaphore, #tpu.memory_space<semaphore_mem>>) src(%arg9 : memref<125xf32, #tpu.memory_space<vmem>>) dst(%dma_wait3A_456 : memref<1048576xf32, #tpu.memory_space<vmem_shared>>)
    %dma_wait3A_457 = arith.constant 4 : i32
    %dma_wait3A_458 = arith.constant 0 : i32
    %dma_wait3A_459 = tpu.memref_slice %arg8[%dma_wait3A_457, %dma_wait3A_458] : memref<16x125xi32, #tpu.memory_space<vmem>> -> memref<1x125xi32, #tpu.memory_space<vmem>>
    %dma_wait3A_460 = tpu.memref_squeeze %dma_wait3A_459 : memref<1x125xi32, #tpu.memory_space<vmem>> -> memref<125xi32, #tpu.memory_space<vmem>>
    %dma_wait3A_461 = arith.constant 0 : i32
    %dma_wait3A_462 = tpu.memref_slice %arg7[%dma_wait3A_461] : memref<1048576xf32, #tpu.memory_space<vmem_shared>> -> memref<1048576xf32, #tpu.memory_space<vmem_shared>>
    tpu.wait_indirect_dma semaphore(%arg13 : memref<!tpu.dma_semaphore, #tpu.memory_space<semaphore_mem>>) src(%arg9 : memref<125xf32, #tpu.memory_space<vmem>>) dst(%dma_wait3A_462 : memref<1048576xf32, #tpu.memory_space<vmem_shared>>)
    %dma_wait3A_463 = arith.constant 5 : i32
    %dma_wait3A_464 = arith.constant 0 : i32
    %dma_wait3A_465 = tpu.memref_slice %arg8[%dma_wait3A_463, %dma_wait3A_464] : memref<16x125xi32, #tpu.memory_space<vmem>> -> memref<1x125xi32, #tpu.memory_space<vmem>>
    %dma_wait3A_466 = tpu.memref_squeeze %dma_wait3A_465 : memref<1x125xi32, #tpu.memory_space<vmem>> -> memref<125xi32, #tpu.memory_space<vmem>>
    %dma_wait3A_467 = arith.constant 0 : i32
    %dma_wait3A_468 = tpu.memref_slice %arg7[%dma_wait3A_467] : memref<1048576xf32, #tpu.memory_space<vmem_shared>> -> memref<1048576xf32, #tpu.memory_space<vmem_shared>>
    tpu.wait_indirect_dma semaphore(%arg13 : memref<!tpu.dma_semaphore, #tpu.memory_space<semaphore_mem>>) src(%arg9 : memref<125xf32, #tpu.memory_space<vmem>>) dst(%dma_wait3A_468 : memref<1048576xf32, #tpu.memory_space<vmem_shared>>)
    %dma_wait3A_469 = arith.constant 6 : i32
    %dma_wait3A_470 = arith.constant 0 : i32
    %dma_wait3A_471 = tpu.memref_slice %arg8[%dma_wait3A_469, %dma_wait3A_470] : memref<16x125xi32, #tpu.memory_space<vmem>> -> memref<1x125xi32, #tpu.memory_space<vmem>>
    %dma_wait3A_472 = tpu.memref_squeeze %dma_wait3A_471 : memref<1x125xi32, #tpu.memory_space<vmem>> -> memref<125xi32, #tpu.memory_space<vmem>>
    %dma_wait3A_473 = arith.constant 0 : i32
    %dma_wait3A_474 = tpu.memref_slice %arg7[%dma_wait3A_473] : memref<1048576xf32, #tpu.memory_space<vmem_shared>> -> memref<1048576xf32, #tpu.memory_space<vmem_shared>>
    tpu.wait_indirect_dma semaphore(%arg13 : memref<!tpu.dma_semaphore, #tpu.memory_space<semaphore_mem>>) src(%arg9 : memref<125xf32, #tpu.memory_space<vmem>>) dst(%dma_wait3A_474 : memref<1048576xf32, #tpu.memory_space<vmem_shared>>)
    %dma_wait3A_475 = arith.constant 7 : i32
    %dma_wait3A_476 = arith.constant 0 : i32
    %dma_wait3A_477 = tpu.memref_slice %arg8[%dma_wait3A_475, %dma_wait3A_476] : memref<16x125xi32, #tpu.memory_space<vmem>> -> memref<1x125xi32, #tpu.memory_space<vmem>>
    %dma_wait3A_478 = tpu.memref_squeeze %dma_wait3A_477 : memref<1x125xi32, #tpu.memory_space<vmem>> -> memref<125xi32, #tpu.memory_space<vmem>>
    %dma_wait3A_479 = arith.constant 0 : i32
    %dma_wait3A_480 = tpu.memref_slice %arg7[%dma_wait3A_479] : memref<1048576xf32, #tpu.memory_space<vmem_shared>> -> memref<1048576xf32, #tpu.memory_space<vmem_shared>>
    tpu.wait_indirect_dma semaphore(%arg13 : memref<!tpu.dma_semaphore, #tpu.memory_space<semaphore_mem>>) src(%arg9 : memref<125xf32, #tpu.memory_space<vmem>>) dst(%dma_wait3A_480 : memref<1048576xf32, #tpu.memory_space<vmem_shared>>)
    %dma_wait3A_481 = arith.constant 8 : i32
    %dma_wait3A_482 = arith.constant 0 : i32
    %dma_wait3A_483 = tpu.memref_slice %arg8[%dma_wait3A_481, %dma_wait3A_482] : memref<16x125xi32, #tpu.memory_space<vmem>> -> memref<1x125xi32, #tpu.memory_space<vmem>>
    %dma_wait3A_484 = tpu.memref_squeeze %dma_wait3A_483 : memref<1x125xi32, #tpu.memory_space<vmem>> -> memref<125xi32, #tpu.memory_space<vmem>>
    %dma_wait3A_485 = arith.constant 0 : i32
    %dma_wait3A_486 = tpu.memref_slice %arg7[%dma_wait3A_485] : memref<1048576xf32, #tpu.memory_space<vmem_shared>> -> memref<1048576xf32, #tpu.memory_space<vmem_shared>>
    tpu.wait_indirect_dma semaphore(%arg13 : memref<!tpu.dma_semaphore, #tpu.memory_space<semaphore_mem>>) src(%arg9 : memref<125xf32, #tpu.memory_space<vmem>>) dst(%dma_wait3A_486 : memref<1048576xf32, #tpu.memory_space<vmem_shared>>)
    %dma_wait3A_487 = arith.constant 9 : i32
    %dma_wait3A_488 = arith.constant 0 : i32
    %dma_wait3A_489 = tpu.memref_slice %arg8[%dma_wait3A_487, %dma_wait3A_488] : memref<16x125xi32, #tpu.memory_space<vmem>> -> memref<1x125xi32, #tpu.memory_space<vmem>>
    %dma_wait3A_490 = tpu.memref_squeeze %dma_wait3A_489 : memref<1x125xi32, #tpu.memory_space<vmem>> -> memref<125xi32, #tpu.memory_space<vmem>>
    %dma_wait3A_491 = arith.constant 0 : i32
    %dma_wait3A_492 = tpu.memref_slice %arg7[%dma_wait3A_491] : memref<1048576xf32, #tpu.memory_space<vmem_shared>> -> memref<1048576xf32, #tpu.memory_space<vmem_shared>>
    tpu.wait_indirect_dma semaphore(%arg13 : memref<!tpu.dma_semaphore, #tpu.memory_space<semaphore_mem>>) src(%arg9 : memref<125xf32, #tpu.memory_space<vmem>>) dst(%dma_wait3A_492 : memref<1048576xf32, #tpu.memory_space<vmem_shared>>)
    %dma_wait3A_493 = arith.constant 10 : i32
    %dma_wait3A_494 = arith.constant 0 : i32
    %dma_wait3A_495 = tpu.memref_slice %arg8[%dma_wait3A_493, %dma_wait3A_494] : memref<16x125xi32, #tpu.memory_space<vmem>> -> memref<1x125xi32, #tpu.memory_space<vmem>>
    %dma_wait3A_496 = tpu.memref_squeeze %dma_wait3A_495 : memref<1x125xi32, #tpu.memory_space<vmem>> -> memref<125xi32, #tpu.memory_space<vmem>>
    %dma_wait3A_497 = arith.constant 0 : i32
    %dma_wait3A_498 = tpu.memref_slice %arg7[%dma_wait3A_497] : memref<1048576xf32, #tpu.memory_space<vmem_shared>> -> memref<1048576xf32, #tpu.memory_space<vmem_shared>>
    tpu.wait_indirect_dma semaphore(%arg13 : memref<!tpu.dma_semaphore, #tpu.memory_space<semaphore_mem>>) src(%arg9 : memref<125xf32, #tpu.memory_space<vmem>>) dst(%dma_wait3A_498 : memref<1048576xf32, #tpu.memory_space<vmem_shared>>)
    %dma_wait3A_499 = arith.constant 11 : i32
    %dma_wait3A_500 = arith.constant 0 : i32
    %dma_wait3A_501 = tpu.memref_slice %arg8[%dma_wait3A_499, %dma_wait3A_500] : memref<16x125xi32, #tpu.memory_space<vmem>> -> memref<1x125xi32, #tpu.memory_space<vmem>>
    %dma_wait3A_502 = tpu.memref_squeeze %dma_wait3A_501 : memref<1x125xi32, #tpu.memory_space<vmem>> -> memref<125xi32, #tpu.memory_space<vmem>>
    %dma_wait3A_503 = arith.constant 0 : i32
    %dma_wait3A_504 = tpu.memref_slice %arg7[%dma_wait3A_503] : memref<1048576xf32, #tpu.memory_space<vmem_shared>> -> memref<1048576xf32, #tpu.memory_space<vmem_shared>>
    tpu.wait_indirect_dma semaphore(%arg13 : memref<!tpu.dma_semaphore, #tpu.memory_space<semaphore_mem>>) src(%arg9 : memref<125xf32, #tpu.memory_space<vmem>>) dst(%dma_wait3A_504 : memref<1048576xf32, #tpu.memory_space<vmem_shared>>)
    %dma_wait3A_505 = arith.constant 12 : i32
    %dma_wait3A_506 = arith.constant 0 : i32
    %dma_wait3A_507 = tpu.memref_slice %arg8[%dma_wait3A_505, %dma_wait3A_506] : memref<16x125xi32, #tpu.memory_space<vmem>> -> memref<1x125xi32, #tpu.memory_space<vmem>>
    %dma_wait3A_508 = tpu.memref_squeeze %dma_wait3A_507 : memref<1x125xi32, #tpu.memory_space<vmem>> -> memref<125xi32, #tpu.memory_space<vmem>>
    %dma_wait3A_509 = arith.constant 0 : i32
    %dma_wait3A_510 = tpu.memref_slice %arg7[%dma_wait3A_509] : memref<1048576xf32, #tpu.memory_space<vmem_shared>> -> memref<1048576xf32, #tpu.memory_space<vmem_shared>>
    tpu.wait_indirect_dma semaphore(%arg13 : memref<!tpu.dma_semaphore, #tpu.memory_space<semaphore_mem>>) src(%arg9 : memref<125xf32, #tpu.memory_space<vmem>>) dst(%dma_wait3A_510 : memref<1048576xf32, #tpu.memory_space<vmem_shared>>)
    %dma_wait3A_511 = arith.constant 13 : i32
    %dma_wait3A_512 = arith.constant 0 : i32
    %dma_wait3A_513 = tpu.memref_slice %arg8[%dma_wait3A_511, %dma_wait3A_512] : memref<16x125xi32, #tpu.memory_space<vmem>> -> memref<1x125xi32, #tpu.memory_space<vmem>>
    %dma_wait3A_514 = tpu.memref_squeeze %dma_wait3A_513 : memref<1x125xi32, #tpu.memory_space<vmem>> -> memref<125xi32, #tpu.memory_space<vmem>>
    %dma_wait3A_515 = arith.constant 0 : i32
    %dma_wait3A_516 = tpu.memref_slice %arg7[%dma_wait3A_515] : memref<1048576xf32, #tpu.memory_space<vmem_shared>> -> memref<1048576xf32, #tpu.memory_space<vmem_shared>>
    tpu.wait_indirect_dma semaphore(%arg13 : memref<!tpu.dma_semaphore, #tpu.memory_space<semaphore_mem>>) src(%arg9 : memref<125xf32, #tpu.memory_space<vmem>>) dst(%dma_wait3A_516 : memref<1048576xf32, #tpu.memory_space<vmem_shared>>)
    %dma_wait3A_517 = arith.constant 14 : i32
    %dma_wait3A_518 = arith.constant 0 : i32
    %dma_wait3A_519 = tpu.memref_slice %arg8[%dma_wait3A_517, %dma_wait3A_518] : memref<16x125xi32, #tpu.memory_space<vmem>> -> memref<1x125xi32, #tpu.memory_space<vmem>>
    %dma_wait3A_520 = tpu.memref_squeeze %dma_wait3A_519 : memref<1x125xi32, #tpu.memory_space<vmem>> -> memref<125xi32, #tpu.memory_space<vmem>>
    %dma_wait3A_521 = arith.constant 0 : i32
    %dma_wait3A_522 = tpu.memref_slice %arg7[%dma_wait3A_521] : memref<1048576xf32, #tpu.memory_space<vmem_shared>> -> memref<1048576xf32, #tpu.memory_space<vmem_shared>>
    tpu.wait_indirect_dma semaphore(%arg13 : memref<!tpu.dma_semaphore, #tpu.memory_space<semaphore_mem>>) src(%arg9 : memref<125xf32, #tpu.memory_space<vmem>>) dst(%dma_wait3A_522 : memref<1048576xf32, #tpu.memory_space<vmem_shared>>)
    %dma_wait3A_523 = arith.constant 15 : i32
    %dma_wait3A_524 = arith.constant 0 : i32
    %dma_wait3A_525 = tpu.memref_slice %arg8[%dma_wait3A_523, %dma_wait3A_524] : memref<16x125xi32, #tpu.memory_space<vmem>> -> memref<1x125xi32, #tpu.memory_space<vmem>>
    %dma_wait3A_526 = tpu.memref_squeeze %dma_wait3A_525 : memref<1x125xi32, #tpu.memory_space<vmem>> -> memref<125xi32, #tpu.memory_space<vmem>>
    %dma_wait3A_527 = arith.constant 0 : i32
    %dma_wait3A_528 = tpu.memref_slice %arg7[%dma_wait3A_527] : memref<1048576xf32, #tpu.memory_space<vmem_shared>> -> memref<1048576xf32, #tpu.memory_space<vmem_shared>>
    tpu.wait_indirect_dma semaphore(%arg13 : memref<!tpu.dma_semaphore, #tpu.memory_space<semaphore_mem>>) src(%arg9 : memref<125xf32, #tpu.memory_space<vmem>>) dst(%dma_wait3A_528 : memref<1048576xf32, #tpu.memory_space<vmem_shared>>)
    %barrier3A_529 = arith.constant 0 : index
    tpu.barrier barrier_id(%barrier3A_529)
    %add3A_530 = arith.constant 0 : i32
    %add3A_531 = arith.addi %add3A_530, %arg1 : i32
    %scan3A_532 = arith.constant 0 : i32
    %scan3A_533 = arith.constant 0 : i32
    %scan3A_534 = arith.constant 16 : i32
    %scan3A_535 = arith.addi %scan3A_533, %scan3A_534 : i32
    %scan3A_536 = arith.constant 1 : i32
    scf.for %scan3A_1557 = %scan3A_533 to %scan3A_535 step %scan3A_536  : i32 {
      %mul3A_1558 = arith.constant 16384 : i32
      %mul3A_1559 = arith.muli %add3A_531, %mul3A_1558 : i32
      %mul3A_1560 = arith.constant 1024 : i32
      %mul3A_1561 = arith.muli %scan3A_1557, %mul3A_1560 : i32
      %add3A_1562 = arith.addi %mul3A_1559, %mul3A_1561 : i32
      %dma_start3A_1563 = arith.constant 0 : i32
      %dma_start3A_1564 = tpu.memref_slice %arg11[%scan3A_1557, %dma_start3A_1563] : memref<16x1024xf32, #tpu.memory_space<vmem>> -> memref<1x1024xf32, #tpu.memory_space<vmem>>
      %dma_start3A_1565 = tpu.memref_squeeze %dma_start3A_1564 : memref<1x1024xf32, #tpu.memory_space<vmem>> -> memref<1024xf32, #tpu.memory_space<vmem>>
      %dma_start3A_1566 = tpu.memref_slice %arg7[%add3A_1562] : memref<1048576xf32, #tpu.memory_space<vmem_shared>> -> memref<1024xf32, #tpu.memory_space<vmem_shared>>
      %dma_start3A_1567 = arith.constant 0 : i32
      %dma_start3A_1568 = tpu.memref_slice %arg11[%scan3A_1557, %dma_start3A_1567] : memref<16x1024xf32, #tpu.memory_space<vmem>> -> memref<1x1024xf32, #tpu.memory_space<vmem>>
      %dma_start3A_1569 = tpu.memref_squeeze %dma_start3A_1568 : memref<1x1024xf32, #tpu.memory_space<vmem>> -> memref<1024xf32, #tpu.memory_space<vmem>>
      %dma_start3A_1570 = tpu.memref_slice %arg7[%add3A_1562] : memref<1048576xf32, #tpu.memory_space<vmem_shared>> -> memref<1024xf32, #tpu.memory_space<vmem_shared>>
      tpu.enqueue_dma source(%dma_start3A_1570 : memref<1024xf32, #tpu.memory_space<vmem_shared>>) target(%dma_start3A_1569 : memref<1024xf32, #tpu.memory_space<vmem>>) target_semaphore(%arg14 : memref<!tpu.dma_semaphore, #tpu.memory_space<semaphore_mem>>)
    }
    %scan3A_537 = arith.constant 16 : i32
    tpu.wait_dma2 semaphore(%arg14 : memref<!tpu.dma_semaphore, #tpu.memory_space<semaphore_mem>>) src(%arg4 : memref<16x1024xf32, #tpu.memory_space<hbm>>) dst(%arg11 : memref<16x1024xf32, #tpu.memory_space<vmem>>)
    %mul3A_538 = arith.constant 1024 : i32
    %mul3A_539 = arith.muli %add3A_336, %mul3A_538 : i32
    %mul3A_540 = arith.constant 16 : i32
    %mul3A_541 = arith.muli %add3A_531, %mul3A_540 : i32
    %add3A_542 = arith.addi %mul3A_539, %mul3A_541 : i32
    %dma_start3A_543 = arith.constant 0 : i32
    %dma_start3A_544 = tpu.memref_slice %arg6[%add3A_542, %dma_start3A_543] : memref<10240x1024xf32, #tpu.memory_space<hbm>> -> memref<16x1024xf32, #tpu.memory_space<hbm>>
    %dma_start3A_545 = arith.constant 0 : i32
    %dma_start3A_546 = tpu.memref_slice %arg6[%add3A_542, %dma_start3A_545] : memref<10240x1024xf32, #tpu.memory_space<hbm>> -> memref<16x1024xf32, #tpu.memory_space<hbm>>
    tpu.enqueue_dma source(%arg11 : memref<16x1024xf32, #tpu.memory_space<vmem>>) target(%dma_start3A_546 : memref<16x1024xf32, #tpu.memory_space<hbm>>) target_semaphore(%arg15 : memref<!tpu.dma_semaphore, #tpu.memory_space<semaphore_mem>>)
    %mul3A_547 = arith.constant 16384 : i32
    %mul3A_548 = arith.muli %add3A_531, %mul3A_547 : i32
    %dma_start3A_549 = tpu.memref_slice %arg7[%mul3A_548] : memref<1048576xf32, #tpu.memory_space<vmem_shared>> -> memref<16384xf32, #tpu.memory_space<vmem_shared>>
    %dma_start3A_550 = tpu.memref_slice %arg7[%mul3A_548] : memref<1048576xf32, #tpu.memory_space<vmem_shared>> -> memref<16384xf32, #tpu.memory_space<vmem_shared>>
    tpu.enqueue_dma source(%arg10 : memref<16384xf32, #tpu.memory_space<vmem>>) target(%dma_start3A_550 : memref<16384xf32, #tpu.memory_space<vmem_shared>>) target_semaphore(%arg16 : memref<!tpu.dma_semaphore, #tpu.memory_space<semaphore_mem>>)
    %add3A_551 = arith.constant 16 : i32
    %add3A_552 = arith.addi %add3A_551, %arg1 : i32
    %scan3A_553 = arith.constant 0 : i32
    %scan3A_554 = arith.constant 0 : i32
    %scan3A_555 = arith.constant 16 : i32
    %scan3A_556 = arith.addi %scan3A_554, %scan3A_555 : i32
    %scan3A_557 = arith.constant 1 : i32
    scf.for %scan3A_1557 = %scan3A_554 to %scan3A_556 step %scan3A_557  : i32 {
      %mul3A_1558 = arith.constant 16384 : i32
      %mul3A_1559 = arith.muli %add3A_552, %mul3A_1558 : i32
      %mul3A_1560 = arith.constant 1024 : i32
      %mul3A_1561 = arith.muli %scan3A_1557, %mul3A_1560 : i32
      %add3A_1562 = arith.addi %mul3A_1559, %mul3A_1561 : i32
      %dma_start3A_1563 = arith.constant 0 : i32
      %dma_start3A_1564 = tpu.memref_slice %arg12[%scan3A_1557, %dma_start3A_1563] : memref<16x1024xf32, #tpu.memory_space<vmem>> -> memref<1x1024xf32, #tpu.memory_space<vmem>>
      %dma_start3A_1565 = tpu.memref_squeeze %dma_start3A_1564 : memref<1x1024xf32, #tpu.memory_space<vmem>> -> memref<1024xf32, #tpu.memory_space<vmem>>
      %dma_start3A_1566 = tpu.memref_slice %arg7[%add3A_1562] : memref<1048576xf32, #tpu.memory_space<vmem_shared>> -> memref<1024xf32, #tpu.memory_space<vmem_shared>>
      %dma_start3A_1567 = arith.constant 0 : i32
      %dma_start3A_1568 = tpu.memref_slice %arg12[%scan3A_1557, %dma_start3A_1567] : memref<16x1024xf32, #tpu.memory_space<vmem>> -> memref<1x1024xf32, #tpu.memory_space<vmem>>
      %dma_start3A_1569 = tpu.memref_squeeze %dma_start3A_1568 : memref<1x1024xf32, #tpu.memory_space<vmem>> -> memref<1024xf32, #tpu.memory_space<vmem>>
      %dma_start3A_1570 = tpu.memref_slice %arg7[%add3A_1562] : memref<1048576xf32, #tpu.memory_space<vmem_shared>> -> memref<1024xf32, #tpu.memory_space<vmem_shared>>
      tpu.enqueue_dma source(%dma_start3A_1570 : memref<1024xf32, #tpu.memory_space<vmem_shared>>) target(%dma_start3A_1569 : memref<1024xf32, #tpu.memory_space<vmem>>) target_semaphore(%arg14 : memref<!tpu.dma_semaphore, #tpu.memory_space<semaphore_mem>>)
    }
    %scan3A_558 = arith.constant 16 : i32
    tpu.wait_dma2 semaphore(%arg14 : memref<!tpu.dma_semaphore, #tpu.memory_space<semaphore_mem>>) src(%arg4 : memref<16x1024xf32, #tpu.memory_space<hbm>>) dst(%arg12 : memref<16x1024xf32, #tpu.memory_space<vmem>>)
    %mul3A_559 = arith.constant 1024 : i32
    %mul3A_560 = arith.muli %add3A_336, %mul3A_559 : i32
    %mul3A_561 = arith.constant 16 : i32
    %mul3A_562 = arith.muli %add3A_552, %mul3A_561 : i32
    %add3A_563 = arith.addi %mul3A_560, %mul3A_562 : i32
    %dma_start3A_564 = arith.constant 0 : i32
    %dma_start3A_565 = tpu.memref_slice %arg6[%add3A_563, %dma_start3A_564] : memref<10240x1024xf32, #tpu.memory_space<hbm>> -> memref<16x1024xf32, #tpu.memory_space<hbm>>
    %dma_start3A_566 = arith.constant 0 : i32
    %dma_start3A_567 = tpu.memref_slice %arg6[%add3A_563, %dma_start3A_566] : memref<10240x1024xf32, #tpu.memory_space<hbm>> -> memref<16x1024xf32, #tpu.memory_space<hbm>>
    tpu.enqueue_dma source(%arg12 : memref<16x1024xf32, #tpu.memory_space<vmem>>) target(%dma_start3A_567 : memref<16x1024xf32, #tpu.memory_space<hbm>>) target_semaphore(%arg15 : memref<!tpu.dma_semaphore, #tpu.memory_space<semaphore_mem>>)
    %mul3A_568 = arith.constant 16384 : i32
    %mul3A_569 = arith.muli %add3A_552, %mul3A_568 : i32
    %dma_start3A_570 = tpu.memref_slice %arg7[%mul3A_569] : memref<1048576xf32, #tpu.memory_space<vmem_shared>> -> memref<16384xf32, #tpu.memory_space<vmem_shared>>
    %dma_start3A_571 = tpu.memref_slice %arg7[%mul3A_569] : memref<1048576xf32, #tpu.memory_space<vmem_shared>> -> memref<16384xf32, #tpu.memory_space<vmem_shared>>
    tpu.enqueue_dma source(%arg10 : memref<16384xf32, #tpu.memory_space<vmem>>) target(%dma_start3A_571 : memref<16384xf32, #tpu.memory_space<vmem_shared>>) target_semaphore(%arg16 : memref<!tpu.dma_semaphore, #tpu.memory_space<semaphore_mem>>)
    %add3A_572 = arith.constant 32 : i32
    %add3A_573 = arith.addi %add3A_572, %arg1 : i32
    %dma_wait3A_574 = arith.constant 0 : i32
    %dma_wait3A_575 = tpu.memref_slice %arg6[%add3A_542, %dma_wait3A_574] : memref<10240x1024xf32, #tpu.memory_space<hbm>> -> memref<16x1024xf32, #tpu.memory_space<hbm>>
    %dma_wait3A_576 = arith.constant 0 : i32
    %dma_wait3A_577 = tpu.memref_slice %arg6[%add3A_542, %dma_wait3A_576] : memref<10240x1024xf32, #tpu.memory_space<hbm>> -> memref<16x1024xf32, #tpu.memory_space<hbm>>
    tpu.wait_dma2 semaphore(%arg15 : memref<!tpu.dma_semaphore, #tpu.memory_space<semaphore_mem>>) src(%arg11 : memref<16x1024xf32, #tpu.memory_space<vmem>>) dst(%dma_wait3A_577 : memref<16x1024xf32, #tpu.memory_space<hbm>>)
    %scan3A_578 = arith.constant 0 : i32
    %scan3A_579 = arith.constant 0 : i32
    %scan3A_580 = arith.constant 16 : i32
    %scan3A_581 = arith.addi %scan3A_579, %scan3A_580 : i32
    %scan3A_582 = arith.constant 1 : i32
    scf.for %scan3A_1557 = %scan3A_579 to %scan3A_581 step %scan3A_582  : i32 {
      %mul3A_1558 = arith.constant 16384 : i32
      %mul3A_1559 = arith.muli %add3A_573, %mul3A_1558 : i32
      %mul3A_1560 = arith.constant 1024 : i32
      %mul3A_1561 = arith.muli %scan3A_1557, %mul3A_1560 : i32
      %add3A_1562 = arith.addi %mul3A_1559, %mul3A_1561 : i32
      %dma_start3A_1563 = arith.constant 0 : i32
      %dma_start3A_1564 = tpu.memref_slice %arg11[%scan3A_1557, %dma_start3A_1563] : memref<16x1024xf32, #tpu.memory_space<vmem>> -> memref<1x1024xf32, #tpu.memory_space<vmem>>
      %dma_start3A_1565 = tpu.memref_squeeze %dma_start3A_1564 : memref<1x1024xf32, #tpu.memory_space<vmem>> -> memref<1024xf32, #tpu.memory_space<vmem>>
      %dma_start3A_1566 = tpu.memref_slice %arg7[%add3A_1562] : memref<1048576xf32, #tpu.memory_space<vmem_shared>> -> memref<1024xf32, #tpu.memory_space<vmem_shared>>
      %dma_start3A_1567 = arith.constant 0 : i32
      %dma_start3A_1568 = tpu.memref_slice %arg11[%scan3A_1557, %dma_start3A_1567] : memref<16x1024xf32, #tpu.memory_space<vmem>> -> memref<1x1024xf32, #tpu.memory_space<vmem>>
      %dma_start3A_1569 = tpu.memref_squeeze %dma_start3A_1568 : memref<1x1024xf32, #tpu.memory_space<vmem>> -> memref<1024xf32, #tpu.memory_space<vmem>>
      %dma_start3A_1570 = tpu.memref_slice %arg7[%add3A_1562] : memref<1048576xf32, #tpu.memory_space<vmem_shared>> -> memref<1024xf32, #tpu.memory_space<vmem_shared>>
      tpu.enqueue_dma source(%dma_start3A_1570 : memref<1024xf32, #tpu.memory_space<vmem_shared>>) target(%dma_start3A_1569 : memref<1024xf32, #tpu.memory_space<vmem>>) target_semaphore(%arg14 : memref<!tpu.dma_semaphore, #tpu.memory_space<semaphore_mem>>)
    }
    %scan3A_583 = arith.constant 16 : i32
    tpu.wait_dma2 semaphore(%arg14 : memref<!tpu.dma_semaphore, #tpu.memory_space<semaphore_mem>>) src(%arg4 : memref<16x1024xf32, #tpu.memory_space<hbm>>) dst(%arg11 : memref<16x1024xf32, #tpu.memory_space<vmem>>)
    %mul3A_584 = arith.constant 1024 : i32
    %mul3A_585 = arith.muli %add3A_336, %mul3A_584 : i32
    %mul3A_586 = arith.constant 16 : i32
    %mul3A_587 = arith.muli %add3A_573, %mul3A_586 : i32
    %add3A_588 = arith.addi %mul3A_585, %mul3A_587 : i32
    %dma_start3A_589 = arith.constant 0 : i32
    %dma_start3A_590 = tpu.memref_slice %arg6[%add3A_588, %dma_start3A_589] : memref<10240x1024xf32, #tpu.memory_space<hbm>> -> memref<16x1024xf32, #tpu.memory_space<hbm>>
    %dma_start3A_591 = arith.constant 0 : i32
    %dma_start3A_592 = tpu.memref_slice %arg6[%add3A_588, %dma_start3A_591] : memref<10240x1024xf32, #tpu.memory_space<hbm>> -> memref<16x1024xf32, #tpu.memory_space<hbm>>
    tpu.enqueue_dma source(%arg11 : memref<16x1024xf32, #tpu.memory_space<vmem>>) target(%dma_start3A_592 : memref<16x1024xf32, #tpu.memory_space<hbm>>) target_semaphore(%arg15 : memref<!tpu.dma_semaphore, #tpu.memory_space<semaphore_mem>>)
    %mul3A_593 = arith.constant 16384 : i32
    %mul3A_594 = arith.muli %add3A_573, %mul3A_593 : i32
    %dma_start3A_595 = tpu.memref_slice %arg7[%mul3A_594] : memref<1048576xf32, #tpu.memory_space<vmem_shared>> -> memref<16384xf32, #tpu.memory_space<vmem_shared>>
    %dma_start3A_596 = tpu.memref_slice %arg7[%mul3A_594] : memref<1048576xf32, #tpu.memory_space<vmem_shared>> -> memref<16384xf32, #tpu.memory_space<vmem_shared>>
    tpu.enqueue_dma source(%arg10 : memref<16384xf32, #tpu.memory_space<vmem>>) target(%dma_start3A_596 : memref<16384xf32, #tpu.memory_space<vmem_shared>>) target_semaphore(%arg16 : memref<!tpu.dma_semaphore, #tpu.memory_space<semaphore_mem>>)
    %add3A_597 = arith.constant 48 : i32
    %add3A_598 = arith.addi %add3A_597, %arg1 : i32
    %dma_wait3A_599 = arith.constant 0 : i32
    %dma_wait3A_600 = tpu.memref_slice %arg6[%add3A_563, %dma_wait3A_599] : memref<10240x1024xf32, #tpu.memory_space<hbm>> -> memref<16x1024xf32, #tpu.memory_space<hbm>>
    %dma_wait3A_601 = arith.constant 0 : i32
    %dma_wait3A_602 = tpu.memref_slice %arg6[%add3A_563, %dma_wait3A_601] : memref<10240x1024xf32, #tpu.memory_space<hbm>> -> memref<16x1024xf32, #tpu.memory_space<hbm>>
    tpu.wait_dma2 semaphore(%arg15 : memref<!tpu.dma_semaphore, #tpu.memory_space<semaphore_mem>>) src(%arg12 : memref<16x1024xf32, #tpu.memory_space<vmem>>) dst(%dma_wait3A_602 : memref<16x1024xf32, #tpu.memory_space<hbm>>)
    %scan3A_603 = arith.constant 0 : i32
    %scan3A_604 = arith.constant 0 : i32
    %scan3A_605 = arith.constant 16 : i32
    %scan3A_606 = arith.addi %scan3A_604, %scan3A_605 : i32
    %scan3A_607 = arith.constant 1 : i32
    scf.for %scan3A_1557 = %scan3A_604 to %scan3A_606 step %scan3A_607  : i32 {
      %mul3A_1558 = arith.constant 16384 : i32
      %mul3A_1559 = arith.muli %add3A_598, %mul3A_1558 : i32
      %mul3A_1560 = arith.constant 1024 : i32
      %mul3A_1561 = arith.muli %scan3A_1557, %mul3A_1560 : i32
      %add3A_1562 = arith.addi %mul3A_1559, %mul3A_1561 : i32
      %dma_start3A_1563 = arith.constant 0 : i32
      %dma_start3A_1564 = tpu.memref_slice %arg12[%scan3A_1557, %dma_start3A_1563] : memref<16x1024xf32, #tpu.memory_space<vmem>> -> memref<1x1024xf32, #tpu.memory_space<vmem>>
      %dma_start3A_1565 = tpu.memref_squeeze %dma_start3A_1564 : memref<1x1024xf32, #tpu.memory_space<vmem>> -> memref<1024xf32, #tpu.memory_space<vmem>>
      %dma_start3A_1566 = tpu.memref_slice %arg7[%add3A_1562] : memref<1048576xf32, #tpu.memory_space<vmem_shared>> -> memref<1024xf32, #tpu.memory_space<vmem_shared>>
      %dma_start3A_1567 = arith.constant 0 : i32
      %dma_start3A_1568 = tpu.memref_slice %arg12[%scan3A_1557, %dma_start3A_1567] : memref<16x1024xf32, #tpu.memory_space<vmem>> -> memref<1x1024xf32, #tpu.memory_space<vmem>>
      %dma_start3A_1569 = tpu.memref_squeeze %dma_start3A_1568 : memref<1x1024xf32, #tpu.memory_space<vmem>> -> memref<1024xf32, #tpu.memory_space<vmem>>
      %dma_start3A_1570 = tpu.memref_slice %arg7[%add3A_1562] : memref<1048576xf32, #tpu.memory_space<vmem_shared>> -> memref<1024xf32, #tpu.memory_space<vmem_shared>>
      tpu.enqueue_dma source(%dma_start3A_1570 : memref<1024xf32, #tpu.memory_space<vmem_shared>>) target(%dma_start3A_1569 : memref<1024xf32, #tpu.memory_space<vmem>>) target_semaphore(%arg14 : memref<!tpu.dma_semaphore, #tpu.memory_space<semaphore_mem>>)
    }
    %scan3A_608 = arith.constant 16 : i32
    tpu.wait_dma2 semaphore(%arg14 : memref<!tpu.dma_semaphore, #tpu.memory_space<semaphore_mem>>) src(%arg4 : memref<16x1024xf32, #tpu.memory_space<hbm>>) dst(%arg12 : memref<16x1024xf32, #tpu.memory_space<vmem>>)
    %mul3A_609 = arith.constant 1024 : i32
    %mul3A_610 = arith.muli %add3A_336, %mul3A_609 : i32
    %mul3A_611 = arith.constant 16 : i32
    %mul3A_612 = arith.muli %add3A_598, %mul3A_611 : i32
    %add3A_613 = arith.addi %mul3A_610, %mul3A_612 : i32
    %dma_start3A_614 = arith.constant 0 : i32
    %dma_start3A_615 = tpu.memref_slice %arg6[%add3A_613, %dma_start3A_614] : memref<10240x1024xf32, #tpu.memory_space<hbm>> -> memref<16x1024xf32, #tpu.memory_space<hbm>>
    %dma_start3A_616 = arith.constant 0 : i32
    %dma_start3A_617 = tpu.memref_slice %arg6[%add3A_613, %dma_start3A_616] : memref<10240x1024xf32, #tpu.memory_space<hbm>> -> memref<16x1024xf32, #tpu.memory_space<hbm>>
    tpu.enqueue_dma source(%arg12 : memref<16x1024xf32, #tpu.memory_space<vmem>>) target(%dma_start3A_617 : memref<16x1024xf32, #tpu.memory_space<hbm>>) target_semaphore(%arg15 : memref<!tpu.dma_semaphore, #tpu.memory_space<semaphore_mem>>)
    %mul3A_618 = arith.constant 16384 : i32
    %mul3A_619 = arith.muli %add3A_598, %mul3A_618 : i32
    %dma_start3A_620 = tpu.memref_slice %arg7[%mul3A_619] : memref<1048576xf32, #tpu.memory_space<vmem_shared>> -> memref<16384xf32, #tpu.memory_space<vmem_shared>>
    %dma_start3A_621 = tpu.memref_slice %arg7[%mul3A_619] : memref<1048576xf32, #tpu.memory_space<vmem_shared>> -> memref<16384xf32, #tpu.memory_space<vmem_shared>>
    tpu.enqueue_dma source(%arg10 : memref<16384xf32, #tpu.memory_space<vmem>>) target(%dma_start3A_621 : memref<16384xf32, #tpu.memory_space<vmem_shared>>) target_semaphore(%arg16 : memref<!tpu.dma_semaphore, #tpu.memory_space<semaphore_mem>>)
    %dma_wait3A_622 = arith.constant 0 : i32
    %dma_wait3A_623 = tpu.memref_slice %arg6[%add3A_588, %dma_wait3A_622] : memref<10240x1024xf32, #tpu.memory_space<hbm>> -> memref<16x1024xf32, #tpu.memory_space<hbm>>
    %dma_wait3A_624 = arith.constant 0 : i32
    %dma_wait3A_625 = tpu.memref_slice %arg6[%add3A_588, %dma_wait3A_624] : memref<10240x1024xf32, #tpu.memory_space<hbm>> -> memref<16x1024xf32, #tpu.memory_space<hbm>>
    tpu.wait_dma2 semaphore(%arg15 : memref<!tpu.dma_semaphore, #tpu.memory_space<semaphore_mem>>) src(%arg11 : memref<16x1024xf32, #tpu.memory_space<vmem>>) dst(%dma_wait3A_625 : memref<16x1024xf32, #tpu.memory_space<hbm>>)
    %dma_wait3A_626 = arith.constant 0 : i32
    %dma_wait3A_627 = tpu.memref_slice %arg6[%add3A_613, %dma_wait3A_626] : memref<10240x1024xf32, #tpu.memory_space<hbm>> -> memref<16x1024xf32, #tpu.memory_space<hbm>>
    %dma_wait3A_628 = arith.constant 0 : i32
    %dma_wait3A_629 = tpu.memref_slice %arg6[%add3A_613, %dma_wait3A_628] : memref<10240x1024xf32, #tpu.memory_space<hbm>> -> memref<16x1024xf32, #tpu.memory_space<hbm>>
    tpu.wait_dma2 semaphore(%arg15 : memref<!tpu.dma_semaphore, #tpu.memory_space<semaphore_mem>>) src(%arg12 : memref<16x1024xf32, #tpu.memory_space<vmem>>) dst(%dma_wait3A_629 : memref<16x1024xf32, #tpu.memory_space<hbm>>)
    %dma_wait3A_630 = tpu.memref_slice %arg7[%mul3A_548] : memref<1048576xf32, #tpu.memory_space<vmem_shared>> -> memref<16384xf32, #tpu.memory_space<vmem_shared>>
    %dma_wait3A_631 = tpu.memref_slice %arg7[%mul3A_548] : memref<1048576xf32, #tpu.memory_space<vmem_shared>> -> memref<16384xf32, #tpu.memory_space<vmem_shared>>
    tpu.wait_dma2 semaphore(%arg16 : memref<!tpu.dma_semaphore, #tpu.memory_space<semaphore_mem>>) src(%arg10 : memref<16384xf32, #tpu.memory_space<vmem>>) dst(%dma_wait3A_631 : memref<16384xf32, #tpu.memory_space<vmem_shared>>)
    %dma_wait3A_632 = tpu.memref_slice %arg7[%mul3A_569] : memref<1048576xf32, #tpu.memory_space<vmem_shared>> -> memref<16384xf32, #tpu.memory_space<vmem_shared>>
    %dma_wait3A_633 = tpu.memref_slice %arg7[%mul3A_569] : memref<1048576xf32, #tpu.memory_space<vmem_shared>> -> memref<16384xf32, #tpu.memory_space<vmem_shared>>
    tpu.wait_dma2 semaphore(%arg16 : memref<!tpu.dma_semaphore, #tpu.memory_space<semaphore_mem>>) src(%arg10 : memref<16384xf32, #tpu.memory_space<vmem>>) dst(%dma_wait3A_633 : memref<16384xf32, #tpu.memory_space<vmem_shared>>)
    %dma_wait3A_634 = tpu.memref_slice %arg7[%mul3A_594] : memref<1048576xf32, #tpu.memory_space<vmem_shared>> -> memref<16384xf32, #tpu.memory_space<vmem_shared>>
    %dma_wait3A_635 = tpu.memref_slice %arg7[%mul3A_594] : memref<1048576xf32, #tpu.memory_space<vmem_shared>> -> memref<16384xf32, #tpu.memory_space<vmem_shared>>
    tpu.wait_dma2 semaphore(%arg16 : memref<!tpu.dma_semaphore, #tpu.memory_space<semaphore_mem>>) src(%arg10 : memref<16384xf32, #tpu.memory_space<vmem>>) dst(%dma_wait3A_635 : memref<16384xf32, #tpu.memory_space<vmem_shared>>)
    %dma_wait3A_636 = tpu.memref_slice %arg7[%mul3A_619] : memref<1048576xf32, #tpu.memory_space<vmem_shared>> -> memref<16384xf32, #tpu.memory_space<vmem_shared>>
    %dma_wait3A_637 = tpu.memref_slice %arg7[%mul3A_619] : memref<1048576xf32, #tpu.memory_space<vmem_shared>> -> memref<16384xf32, #tpu.memory_space<vmem_shared>>
    tpu.wait_dma2 semaphore(%arg16 : memref<!tpu.dma_semaphore, #tpu.memory_space<semaphore_mem>>) src(%arg10 : memref<16384xf32, #tpu.memory_space<vmem>>) dst(%dma_wait3A_637 : memref<16384xf32, #tpu.memory_space<vmem_shared>>)
    %barrier3A_638 = arith.constant 0 : index
    tpu.barrier barrier_id(%barrier3A_638)
    %mul3A_639 = arith.constant 5 : i32
    %mul3A_640 = arith.muli %arg0, %mul3A_639 : i32
    %add3A_641 = arith.constant 2 : i32
    %add3A_642 = arith.addi %mul3A_640, %add3A_641 : i32
    "tpu.region"() ({
      %run_scoped3A = tpu.sem_alloc : memref<!tpu.dma_semaphore, #tpu.memory_space<semaphore_mem>>
      %dma_start3A_1557 = arith.constant 0 : i32
      %dma_start3A_1558 = arith.constant 0 : i32
      %dma_start3A_1559 = tpu.memref_slice %arg2[%add3A_642, %arg1, %dma_start3A_1557, %dma_start3A_1558] : memref<10x16x16x125xi32, #tpu.memory_space<hbm>> -> memref<1x1x16x125xi32, #tpu.memory_space<hbm>>
      %dma_start3A_1560 = tpu.memref_squeeze %dma_start3A_1559 : memref<1x1x16x125xi32, #tpu.memory_space<hbm>> -> memref<16x125xi32, #tpu.memory_space<hbm>>
      %dma_start3A_1561 = arith.constant 0 : i32
      %dma_start3A_1562 = arith.constant 0 : i32
      %dma_start3A_1563 = tpu.memref_slice %arg2[%add3A_642, %arg1, %dma_start3A_1561, %dma_start3A_1562] : memref<10x16x16x125xi32, #tpu.memory_space<hbm>> -> memref<1x1x16x125xi32, #tpu.memory_space<hbm>>
      %dma_start3A_1564 = tpu.memref_squeeze %dma_start3A_1563 : memref<1x1x16x125xi32, #tpu.memory_space<hbm>> -> memref<16x125xi32, #tpu.memory_space<hbm>>
      tpu.enqueue_dma source(%dma_start3A_1564 : memref<16x125xi32, #tpu.memory_space<hbm>>) target(%arg8 : memref<16x125xi32, #tpu.memory_space<vmem>>) target_semaphore(%run_scoped3A : memref<!tpu.dma_semaphore, #tpu.memory_space<semaphore_mem>>)
      %dma_wait3A_1565 = arith.constant 0 : i32
      %dma_wait3A_1566 = arith.constant 0 : i32
      %dma_wait3A_1567 = tpu.memref_slice %arg2[%add3A_642, %arg1, %dma_wait3A_1565, %dma_wait3A_1566] : memref<10x16x16x125xi32, #tpu.memory_space<hbm>> -> memref<1x1x16x125xi32, #tpu.memory_space<hbm>>
      %dma_wait3A_1568 = tpu.memref_squeeze %dma_wait3A_1567 : memref<1x1x16x125xi32, #tpu.memory_space<hbm>> -> memref<16x125xi32, #tpu.memory_space<hbm>>
      %dma_wait3A_1569 = arith.constant 0 : i32
      %dma_wait3A_1570 = arith.constant 0 : i32
      %dma_wait3A_1571 = tpu.memref_slice %arg2[%add3A_642, %arg1, %dma_wait3A_1569, %dma_wait3A_1570] : memref<10x16x16x125xi32, #tpu.memory_space<hbm>> -> memref<1x1x16x125xi32, #tpu.memory_space<hbm>>
      %dma_wait3A_1572 = tpu.memref_squeeze %dma_wait3A_1571 : memref<1x1x16x125xi32, #tpu.memory_space<hbm>> -> memref<16x125xi32, #tpu.memory_space<hbm>>
      tpu.wait_dma2 semaphore(%run_scoped3A : memref<!tpu.dma_semaphore, #tpu.memory_space<semaphore_mem>>) src(%dma_wait3A_1572 : memref<16x125xi32, #tpu.memory_space<hbm>>) dst(%arg8 : memref<16x125xi32, #tpu.memory_space<vmem>>)
      tpu.yield
    }) : () -> ()
    %dma_start3A_643 = arith.constant 0 : i32
    %dma_start3A_644 = arith.constant 0 : i32
    %dma_start3A_645 = tpu.memref_slice %arg8[%dma_start3A_643, %dma_start3A_644] : memref<16x125xi32, #tpu.memory_space<vmem>> -> memref<1x125xi32, #tpu.memory_space<vmem>>
    %dma_start3A_646 = tpu.memref_squeeze %dma_start3A_645 : memref<1x125xi32, #tpu.memory_space<vmem>> -> memref<125xi32, #tpu.memory_space<vmem>>
    %dma_start3A_647 = arith.constant 0 : i32
    %dma_start3A_648 = tpu.memref_slice %arg7[%dma_start3A_647] : memref<1048576xf32, #tpu.memory_space<vmem_shared>> -> memref<1048576xf32, #tpu.memory_space<vmem_shared>>
    tpu.enqueue_indirect_dma source(%arg9 : memref<125xf32, #tpu.memory_space<vmem>>) target(%dma_start3A_648 : memref<1048576xf32, #tpu.memory_space<vmem_shared>>) offsets(%dma_start3A_646 : memref<125xi32, #tpu.memory_space<vmem>>) semaphore(%arg13 : memref<!tpu.dma_semaphore, #tpu.memory_space<semaphore_mem>>) {add = true}
    %dma_start3A_649 = arith.constant 1 : i32
    %dma_start3A_650 = arith.constant 0 : i32
    %dma_start3A_651 = tpu.memref_slice %arg8[%dma_start3A_649, %dma_start3A_650] : memref<16x125xi32, #tpu.memory_space<vmem>> -> memref<1x125xi32, #tpu.memory_space<vmem>>
    %dma_start3A_652 = tpu.memref_squeeze %dma_start3A_651 : memref<1x125xi32, #tpu.memory_space<vmem>> -> memref<125xi32, #tpu.memory_space<vmem>>
    %dma_start3A_653 = arith.constant 0 : i32
    %dma_start3A_654 = tpu.memref_slice %arg7[%dma_start3A_653] : memref<1048576xf32, #tpu.memory_space<vmem_shared>> -> memref<1048576xf32, #tpu.memory_space<vmem_shared>>
    tpu.enqueue_indirect_dma source(%arg9 : memref<125xf32, #tpu.memory_space<vmem>>) target(%dma_start3A_654 : memref<1048576xf32, #tpu.memory_space<vmem_shared>>) offsets(%dma_start3A_652 : memref<125xi32, #tpu.memory_space<vmem>>) semaphore(%arg13 : memref<!tpu.dma_semaphore, #tpu.memory_space<semaphore_mem>>) {add = true}
    %dma_start3A_655 = arith.constant 2 : i32
    %dma_start3A_656 = arith.constant 0 : i32
    %dma_start3A_657 = tpu.memref_slice %arg8[%dma_start3A_655, %dma_start3A_656] : memref<16x125xi32, #tpu.memory_space<vmem>> -> memref<1x125xi32, #tpu.memory_space<vmem>>
    %dma_start3A_658 = tpu.memref_squeeze %dma_start3A_657 : memref<1x125xi32, #tpu.memory_space<vmem>> -> memref<125xi32, #tpu.memory_space<vmem>>
    %dma_start3A_659 = arith.constant 0 : i32
    %dma_start3A_660 = tpu.memref_slice %arg7[%dma_start3A_659] : memref<1048576xf32, #tpu.memory_space<vmem_shared>> -> memref<1048576xf32, #tpu.memory_space<vmem_shared>>
    tpu.enqueue_indirect_dma source(%arg9 : memref<125xf32, #tpu.memory_space<vmem>>) target(%dma_start3A_660 : memref<1048576xf32, #tpu.memory_space<vmem_shared>>) offsets(%dma_start3A_658 : memref<125xi32, #tpu.memory_space<vmem>>) semaphore(%arg13 : memref<!tpu.dma_semaphore, #tpu.memory_space<semaphore_mem>>) {add = true}
    %dma_start3A_661 = arith.constant 3 : i32
    %dma_start3A_662 = arith.constant 0 : i32
    %dma_start3A_663 = tpu.memref_slice %arg8[%dma_start3A_661, %dma_start3A_662] : memref<16x125xi32, #tpu.memory_space<vmem>> -> memref<1x125xi32, #tpu.memory_space<vmem>>
    %dma_start3A_664 = tpu.memref_squeeze %dma_start3A_663 : memref<1x125xi32, #tpu.memory_space<vmem>> -> memref<125xi32, #tpu.memory_space<vmem>>
    %dma_start3A_665 = arith.constant 0 : i32
    %dma_start3A_666 = tpu.memref_slice %arg7[%dma_start3A_665] : memref<1048576xf32, #tpu.memory_space<vmem_shared>> -> memref<1048576xf32, #tpu.memory_space<vmem_shared>>
    tpu.enqueue_indirect_dma source(%arg9 : memref<125xf32, #tpu.memory_space<vmem>>) target(%dma_start3A_666 : memref<1048576xf32, #tpu.memory_space<vmem_shared>>) offsets(%dma_start3A_664 : memref<125xi32, #tpu.memory_space<vmem>>) semaphore(%arg13 : memref<!tpu.dma_semaphore, #tpu.memory_space<semaphore_mem>>) {add = true}
    %dma_start3A_667 = arith.constant 4 : i32
    %dma_start3A_668 = arith.constant 0 : i32
    %dma_start3A_669 = tpu.memref_slice %arg8[%dma_start3A_667, %dma_start3A_668] : memref<16x125xi32, #tpu.memory_space<vmem>> -> memref<1x125xi32, #tpu.memory_space<vmem>>
    %dma_start3A_670 = tpu.memref_squeeze %dma_start3A_669 : memref<1x125xi32, #tpu.memory_space<vmem>> -> memref<125xi32, #tpu.memory_space<vmem>>
    %dma_start3A_671 = arith.constant 0 : i32
    %dma_start3A_672 = tpu.memref_slice %arg7[%dma_start3A_671] : memref<1048576xf32, #tpu.memory_space<vmem_shared>> -> memref<1048576xf32, #tpu.memory_space<vmem_shared>>
    tpu.enqueue_indirect_dma source(%arg9 : memref<125xf32, #tpu.memory_space<vmem>>) target(%dma_start3A_672 : memref<1048576xf32, #tpu.memory_space<vmem_shared>>) offsets(%dma_start3A_670 : memref<125xi32, #tpu.memory_space<vmem>>) semaphore(%arg13 : memref<!tpu.dma_semaphore, #tpu.memory_space<semaphore_mem>>) {add = true}
    %dma_start3A_673 = arith.constant 5 : i32
    %dma_start3A_674 = arith.constant 0 : i32
    %dma_start3A_675 = tpu.memref_slice %arg8[%dma_start3A_673, %dma_start3A_674] : memref<16x125xi32, #tpu.memory_space<vmem>> -> memref<1x125xi32, #tpu.memory_space<vmem>>
    %dma_start3A_676 = tpu.memref_squeeze %dma_start3A_675 : memref<1x125xi32, #tpu.memory_space<vmem>> -> memref<125xi32, #tpu.memory_space<vmem>>
    %dma_start3A_677 = arith.constant 0 : i32
    %dma_start3A_678 = tpu.memref_slice %arg7[%dma_start3A_677] : memref<1048576xf32, #tpu.memory_space<vmem_shared>> -> memref<1048576xf32, #tpu.memory_space<vmem_shared>>
    tpu.enqueue_indirect_dma source(%arg9 : memref<125xf32, #tpu.memory_space<vmem>>) target(%dma_start3A_678 : memref<1048576xf32, #tpu.memory_space<vmem_shared>>) offsets(%dma_start3A_676 : memref<125xi32, #tpu.memory_space<vmem>>) semaphore(%arg13 : memref<!tpu.dma_semaphore, #tpu.memory_space<semaphore_mem>>) {add = true}
    %dma_start3A_679 = arith.constant 6 : i32
    %dma_start3A_680 = arith.constant 0 : i32
    %dma_start3A_681 = tpu.memref_slice %arg8[%dma_start3A_679, %dma_start3A_680] : memref<16x125xi32, #tpu.memory_space<vmem>> -> memref<1x125xi32, #tpu.memory_space<vmem>>
    %dma_start3A_682 = tpu.memref_squeeze %dma_start3A_681 : memref<1x125xi32, #tpu.memory_space<vmem>> -> memref<125xi32, #tpu.memory_space<vmem>>
    %dma_start3A_683 = arith.constant 0 : i32
    %dma_start3A_684 = tpu.memref_slice %arg7[%dma_start3A_683] : memref<1048576xf32, #tpu.memory_space<vmem_shared>> -> memref<1048576xf32, #tpu.memory_space<vmem_shared>>
    tpu.enqueue_indirect_dma source(%arg9 : memref<125xf32, #tpu.memory_space<vmem>>) target(%dma_start3A_684 : memref<1048576xf32, #tpu.memory_space<vmem_shared>>) offsets(%dma_start3A_682 : memref<125xi32, #tpu.memory_space<vmem>>) semaphore(%arg13 : memref<!tpu.dma_semaphore, #tpu.memory_space<semaphore_mem>>) {add = true}
    %dma_start3A_685 = arith.constant 7 : i32
    %dma_start3A_686 = arith.constant 0 : i32
    %dma_start3A_687 = tpu.memref_slice %arg8[%dma_start3A_685, %dma_start3A_686] : memref<16x125xi32, #tpu.memory_space<vmem>> -> memref<1x125xi32, #tpu.memory_space<vmem>>
    %dma_start3A_688 = tpu.memref_squeeze %dma_start3A_687 : memref<1x125xi32, #tpu.memory_space<vmem>> -> memref<125xi32, #tpu.memory_space<vmem>>
    %dma_start3A_689 = arith.constant 0 : i32
    %dma_start3A_690 = tpu.memref_slice %arg7[%dma_start3A_689] : memref<1048576xf32, #tpu.memory_space<vmem_shared>> -> memref<1048576xf32, #tpu.memory_space<vmem_shared>>
    tpu.enqueue_indirect_dma source(%arg9 : memref<125xf32, #tpu.memory_space<vmem>>) target(%dma_start3A_690 : memref<1048576xf32, #tpu.memory_space<vmem_shared>>) offsets(%dma_start3A_688 : memref<125xi32, #tpu.memory_space<vmem>>) semaphore(%arg13 : memref<!tpu.dma_semaphore, #tpu.memory_space<semaphore_mem>>) {add = true}
    %dma_start3A_691 = arith.constant 8 : i32
    %dma_start3A_692 = arith.constant 0 : i32
    %dma_start3A_693 = tpu.memref_slice %arg8[%dma_start3A_691, %dma_start3A_692] : memref<16x125xi32, #tpu.memory_space<vmem>> -> memref<1x125xi32, #tpu.memory_space<vmem>>
    %dma_start3A_694 = tpu.memref_squeeze %dma_start3A_693 : memref<1x125xi32, #tpu.memory_space<vmem>> -> memref<125xi32, #tpu.memory_space<vmem>>
    %dma_start3A_695 = arith.constant 0 : i32
    %dma_start3A_696 = tpu.memref_slice %arg7[%dma_start3A_695] : memref<1048576xf32, #tpu.memory_space<vmem_shared>> -> memref<1048576xf32, #tpu.memory_space<vmem_shared>>
    tpu.enqueue_indirect_dma source(%arg9 : memref<125xf32, #tpu.memory_space<vmem>>) target(%dma_start3A_696 : memref<1048576xf32, #tpu.memory_space<vmem_shared>>) offsets(%dma_start3A_694 : memref<125xi32, #tpu.memory_space<vmem>>) semaphore(%arg13 : memref<!tpu.dma_semaphore, #tpu.memory_space<semaphore_mem>>) {add = true}
    %dma_start3A_697 = arith.constant 9 : i32
    %dma_start3A_698 = arith.constant 0 : i32
    %dma_start3A_699 = tpu.memref_slice %arg8[%dma_start3A_697, %dma_start3A_698] : memref<16x125xi32, #tpu.memory_space<vmem>> -> memref<1x125xi32, #tpu.memory_space<vmem>>
    %dma_start3A_700 = tpu.memref_squeeze %dma_start3A_699 : memref<1x125xi32, #tpu.memory_space<vmem>> -> memref<125xi32, #tpu.memory_space<vmem>>
    %dma_start3A_701 = arith.constant 0 : i32
    %dma_start3A_702 = tpu.memref_slice %arg7[%dma_start3A_701] : memref<1048576xf32, #tpu.memory_space<vmem_shared>> -> memref<1048576xf32, #tpu.memory_space<vmem_shared>>
    tpu.enqueue_indirect_dma source(%arg9 : memref<125xf32, #tpu.memory_space<vmem>>) target(%dma_start3A_702 : memref<1048576xf32, #tpu.memory_space<vmem_shared>>) offsets(%dma_start3A_700 : memref<125xi32, #tpu.memory_space<vmem>>) semaphore(%arg13 : memref<!tpu.dma_semaphore, #tpu.memory_space<semaphore_mem>>) {add = true}
    %dma_start3A_703 = arith.constant 10 : i32
    %dma_start3A_704 = arith.constant 0 : i32
    %dma_start3A_705 = tpu.memref_slice %arg8[%dma_start3A_703, %dma_start3A_704] : memref<16x125xi32, #tpu.memory_space<vmem>> -> memref<1x125xi32, #tpu.memory_space<vmem>>
    %dma_start3A_706 = tpu.memref_squeeze %dma_start3A_705 : memref<1x125xi32, #tpu.memory_space<vmem>> -> memref<125xi32, #tpu.memory_space<vmem>>
    %dma_start3A_707 = arith.constant 0 : i32
    %dma_start3A_708 = tpu.memref_slice %arg7[%dma_start3A_707] : memref<1048576xf32, #tpu.memory_space<vmem_shared>> -> memref<1048576xf32, #tpu.memory_space<vmem_shared>>
    tpu.enqueue_indirect_dma source(%arg9 : memref<125xf32, #tpu.memory_space<vmem>>) target(%dma_start3A_708 : memref<1048576xf32, #tpu.memory_space<vmem_shared>>) offsets(%dma_start3A_706 : memref<125xi32, #tpu.memory_space<vmem>>) semaphore(%arg13 : memref<!tpu.dma_semaphore, #tpu.memory_space<semaphore_mem>>) {add = true}
    %dma_start3A_709 = arith.constant 11 : i32
    %dma_start3A_710 = arith.constant 0 : i32
    %dma_start3A_711 = tpu.memref_slice %arg8[%dma_start3A_709, %dma_start3A_710] : memref<16x125xi32, #tpu.memory_space<vmem>> -> memref<1x125xi32, #tpu.memory_space<vmem>>
    %dma_start3A_712 = tpu.memref_squeeze %dma_start3A_711 : memref<1x125xi32, #tpu.memory_space<vmem>> -> memref<125xi32, #tpu.memory_space<vmem>>
    %dma_start3A_713 = arith.constant 0 : i32
    %dma_start3A_714 = tpu.memref_slice %arg7[%dma_start3A_713] : memref<1048576xf32, #tpu.memory_space<vmem_shared>> -> memref<1048576xf32, #tpu.memory_space<vmem_shared>>
    tpu.enqueue_indirect_dma source(%arg9 : memref<125xf32, #tpu.memory_space<vmem>>) target(%dma_start3A_714 : memref<1048576xf32, #tpu.memory_space<vmem_shared>>) offsets(%dma_start3A_712 : memref<125xi32, #tpu.memory_space<vmem>>) semaphore(%arg13 : memref<!tpu.dma_semaphore, #tpu.memory_space<semaphore_mem>>) {add = true}
    %dma_start3A_715 = arith.constant 12 : i32
    %dma_start3A_716 = arith.constant 0 : i32
    %dma_start3A_717 = tpu.memref_slice %arg8[%dma_start3A_715, %dma_start3A_716] : memref<16x125xi32, #tpu.memory_space<vmem>> -> memref<1x125xi32, #tpu.memory_space<vmem>>
    %dma_start3A_718 = tpu.memref_squeeze %dma_start3A_717 : memref<1x125xi32, #tpu.memory_space<vmem>> -> memref<125xi32, #tpu.memory_space<vmem>>
    %dma_start3A_719 = arith.constant 0 : i32
    %dma_start3A_720 = tpu.memref_slice %arg7[%dma_start3A_719] : memref<1048576xf32, #tpu.memory_space<vmem_shared>> -> memref<1048576xf32, #tpu.memory_space<vmem_shared>>
    tpu.enqueue_indirect_dma source(%arg9 : memref<125xf32, #tpu.memory_space<vmem>>) target(%dma_start3A_720 : memref<1048576xf32, #tpu.memory_space<vmem_shared>>) offsets(%dma_start3A_718 : memref<125xi32, #tpu.memory_space<vmem>>) semaphore(%arg13 : memref<!tpu.dma_semaphore, #tpu.memory_space<semaphore_mem>>) {add = true}
    %dma_start3A_721 = arith.constant 13 : i32
    %dma_start3A_722 = arith.constant 0 : i32
    %dma_start3A_723 = tpu.memref_slice %arg8[%dma_start3A_721, %dma_start3A_722] : memref<16x125xi32, #tpu.memory_space<vmem>> -> memref<1x125xi32, #tpu.memory_space<vmem>>
    %dma_start3A_724 = tpu.memref_squeeze %dma_start3A_723 : memref<1x125xi32, #tpu.memory_space<vmem>> -> memref<125xi32, #tpu.memory_space<vmem>>
    %dma_start3A_725 = arith.constant 0 : i32
    %dma_start3A_726 = tpu.memref_slice %arg7[%dma_start3A_725] : memref<1048576xf32, #tpu.memory_space<vmem_shared>> -> memref<1048576xf32, #tpu.memory_space<vmem_shared>>
    tpu.enqueue_indirect_dma source(%arg9 : memref<125xf32, #tpu.memory_space<vmem>>) target(%dma_start3A_726 : memref<1048576xf32, #tpu.memory_space<vmem_shared>>) offsets(%dma_start3A_724 : memref<125xi32, #tpu.memory_space<vmem>>) semaphore(%arg13 : memref<!tpu.dma_semaphore, #tpu.memory_space<semaphore_mem>>) {add = true}
    %dma_start3A_727 = arith.constant 14 : i32
    %dma_start3A_728 = arith.constant 0 : i32
    %dma_start3A_729 = tpu.memref_slice %arg8[%dma_start3A_727, %dma_start3A_728] : memref<16x125xi32, #tpu.memory_space<vmem>> -> memref<1x125xi32, #tpu.memory_space<vmem>>
    %dma_start3A_730 = tpu.memref_squeeze %dma_start3A_729 : memref<1x125xi32, #tpu.memory_space<vmem>> -> memref<125xi32, #tpu.memory_space<vmem>>
    %dma_start3A_731 = arith.constant 0 : i32
    %dma_start3A_732 = tpu.memref_slice %arg7[%dma_start3A_731] : memref<1048576xf32, #tpu.memory_space<vmem_shared>> -> memref<1048576xf32, #tpu.memory_space<vmem_shared>>
    tpu.enqueue_indirect_dma source(%arg9 : memref<125xf32, #tpu.memory_space<vmem>>) target(%dma_start3A_732 : memref<1048576xf32, #tpu.memory_space<vmem_shared>>) offsets(%dma_start3A_730 : memref<125xi32, #tpu.memory_space<vmem>>) semaphore(%arg13 : memref<!tpu.dma_semaphore, #tpu.memory_space<semaphore_mem>>) {add = true}
    %dma_start3A_733 = arith.constant 15 : i32
    %dma_start3A_734 = arith.constant 0 : i32
    %dma_start3A_735 = tpu.memref_slice %arg8[%dma_start3A_733, %dma_start3A_734] : memref<16x125xi32, #tpu.memory_space<vmem>> -> memref<1x125xi32, #tpu.memory_space<vmem>>
    %dma_start3A_736 = tpu.memref_squeeze %dma_start3A_735 : memref<1x125xi32, #tpu.memory_space<vmem>> -> memref<125xi32, #tpu.memory_space<vmem>>
    %dma_start3A_737 = arith.constant 0 : i32
    %dma_start3A_738 = tpu.memref_slice %arg7[%dma_start3A_737] : memref<1048576xf32, #tpu.memory_space<vmem_shared>> -> memref<1048576xf32, #tpu.memory_space<vmem_shared>>
    tpu.enqueue_indirect_dma source(%arg9 : memref<125xf32, #tpu.memory_space<vmem>>) target(%dma_start3A_738 : memref<1048576xf32, #tpu.memory_space<vmem_shared>>) offsets(%dma_start3A_736 : memref<125xi32, #tpu.memory_space<vmem>>) semaphore(%arg13 : memref<!tpu.dma_semaphore, #tpu.memory_space<semaphore_mem>>) {add = true}
    %dma_wait3A_739 = arith.constant 0 : i32
    %dma_wait3A_740 = arith.constant 0 : i32
    %dma_wait3A_741 = tpu.memref_slice %arg8[%dma_wait3A_739, %dma_wait3A_740] : memref<16x125xi32, #tpu.memory_space<vmem>> -> memref<1x125xi32, #tpu.memory_space<vmem>>
    %dma_wait3A_742 = tpu.memref_squeeze %dma_wait3A_741 : memref<1x125xi32, #tpu.memory_space<vmem>> -> memref<125xi32, #tpu.memory_space<vmem>>
    %dma_wait3A_743 = arith.constant 0 : i32
    %dma_wait3A_744 = tpu.memref_slice %arg7[%dma_wait3A_743] : memref<1048576xf32, #tpu.memory_space<vmem_shared>> -> memref<1048576xf32, #tpu.memory_space<vmem_shared>>
    tpu.wait_indirect_dma semaphore(%arg13 : memref<!tpu.dma_semaphore, #tpu.memory_space<semaphore_mem>>) src(%arg9 : memref<125xf32, #tpu.memory_space<vmem>>) dst(%dma_wait3A_744 : memref<1048576xf32, #tpu.memory_space<vmem_shared>>)
    %dma_wait3A_745 = arith.constant 1 : i32
    %dma_wait3A_746 = arith.constant 0 : i32
    %dma_wait3A_747 = tpu.memref_slice %arg8[%dma_wait3A_745, %dma_wait3A_746] : memref<16x125xi32, #tpu.memory_space<vmem>> -> memref<1x125xi32, #tpu.memory_space<vmem>>
    %dma_wait3A_748 = tpu.memref_squeeze %dma_wait3A_747 : memref<1x125xi32, #tpu.memory_space<vmem>> -> memref<125xi32, #tpu.memory_space<vmem>>
    %dma_wait3A_749 = arith.constant 0 : i32
    %dma_wait3A_750 = tpu.memref_slice %arg7[%dma_wait3A_749] : memref<1048576xf32, #tpu.memory_space<vmem_shared>> -> memref<1048576xf32, #tpu.memory_space<vmem_shared>>
    tpu.wait_indirect_dma semaphore(%arg13 : memref<!tpu.dma_semaphore, #tpu.memory_space<semaphore_mem>>) src(%arg9 : memref<125xf32, #tpu.memory_space<vmem>>) dst(%dma_wait3A_750 : memref<1048576xf32, #tpu.memory_space<vmem_shared>>)
    %dma_wait3A_751 = arith.constant 2 : i32
    %dma_wait3A_752 = arith.constant 0 : i32
    %dma_wait3A_753 = tpu.memref_slice %arg8[%dma_wait3A_751, %dma_wait3A_752] : memref<16x125xi32, #tpu.memory_space<vmem>> -> memref<1x125xi32, #tpu.memory_space<vmem>>
    %dma_wait3A_754 = tpu.memref_squeeze %dma_wait3A_753 : memref<1x125xi32, #tpu.memory_space<vmem>> -> memref<125xi32, #tpu.memory_space<vmem>>
    %dma_wait3A_755 = arith.constant 0 : i32
    %dma_wait3A_756 = tpu.memref_slice %arg7[%dma_wait3A_755] : memref<1048576xf32, #tpu.memory_space<vmem_shared>> -> memref<1048576xf32, #tpu.memory_space<vmem_shared>>
    tpu.wait_indirect_dma semaphore(%arg13 : memref<!tpu.dma_semaphore, #tpu.memory_space<semaphore_mem>>) src(%arg9 : memref<125xf32, #tpu.memory_space<vmem>>) dst(%dma_wait3A_756 : memref<1048576xf32, #tpu.memory_space<vmem_shared>>)
    %dma_wait3A_757 = arith.constant 3 : i32
    %dma_wait3A_758 = arith.constant 0 : i32
    %dma_wait3A_759 = tpu.memref_slice %arg8[%dma_wait3A_757, %dma_wait3A_758] : memref<16x125xi32, #tpu.memory_space<vmem>> -> memref<1x125xi32, #tpu.memory_space<vmem>>
    %dma_wait3A_760 = tpu.memref_squeeze %dma_wait3A_759 : memref<1x125xi32, #tpu.memory_space<vmem>> -> memref<125xi32, #tpu.memory_space<vmem>>
    %dma_wait3A_761 = arith.constant 0 : i32
    %dma_wait3A_762 = tpu.memref_slice %arg7[%dma_wait3A_761] : memref<1048576xf32, #tpu.memory_space<vmem_shared>> -> memref<1048576xf32, #tpu.memory_space<vmem_shared>>
    tpu.wait_indirect_dma semaphore(%arg13 : memref<!tpu.dma_semaphore, #tpu.memory_space<semaphore_mem>>) src(%arg9 : memref<125xf32, #tpu.memory_space<vmem>>) dst(%dma_wait3A_762 : memref<1048576xf32, #tpu.memory_space<vmem_shared>>)
    %dma_wait3A_763 = arith.constant 4 : i32
    %dma_wait3A_764 = arith.constant 0 : i32
    %dma_wait3A_765 = tpu.memref_slice %arg8[%dma_wait3A_763, %dma_wait3A_764] : memref<16x125xi32, #tpu.memory_space<vmem>> -> memref<1x125xi32, #tpu.memory_space<vmem>>
    %dma_wait3A_766 = tpu.memref_squeeze %dma_wait3A_765 : memref<1x125xi32, #tpu.memory_space<vmem>> -> memref<125xi32, #tpu.memory_space<vmem>>
    %dma_wait3A_767 = arith.constant 0 : i32
    %dma_wait3A_768 = tpu.memref_slice %arg7[%dma_wait3A_767] : memref<1048576xf32, #tpu.memory_space<vmem_shared>> -> memref<1048576xf32, #tpu.memory_space<vmem_shared>>
    tpu.wait_indirect_dma semaphore(%arg13 : memref<!tpu.dma_semaphore, #tpu.memory_space<semaphore_mem>>) src(%arg9 : memref<125xf32, #tpu.memory_space<vmem>>) dst(%dma_wait3A_768 : memref<1048576xf32, #tpu.memory_space<vmem_shared>>)
    %dma_wait3A_769 = arith.constant 5 : i32
    %dma_wait3A_770 = arith.constant 0 : i32
    %dma_wait3A_771 = tpu.memref_slice %arg8[%dma_wait3A_769, %dma_wait3A_770] : memref<16x125xi32, #tpu.memory_space<vmem>> -> memref<1x125xi32, #tpu.memory_space<vmem>>
    %dma_wait3A_772 = tpu.memref_squeeze %dma_wait3A_771 : memref<1x125xi32, #tpu.memory_space<vmem>> -> memref<125xi32, #tpu.memory_space<vmem>>
    %dma_wait3A_773 = arith.constant 0 : i32
    %dma_wait3A_774 = tpu.memref_slice %arg7[%dma_wait3A_773] : memref<1048576xf32, #tpu.memory_space<vmem_shared>> -> memref<1048576xf32, #tpu.memory_space<vmem_shared>>
    tpu.wait_indirect_dma semaphore(%arg13 : memref<!tpu.dma_semaphore, #tpu.memory_space<semaphore_mem>>) src(%arg9 : memref<125xf32, #tpu.memory_space<vmem>>) dst(%dma_wait3A_774 : memref<1048576xf32, #tpu.memory_space<vmem_shared>>)
    %dma_wait3A_775 = arith.constant 6 : i32
    %dma_wait3A_776 = arith.constant 0 : i32
    %dma_wait3A_777 = tpu.memref_slice %arg8[%dma_wait3A_775, %dma_wait3A_776] : memref<16x125xi32, #tpu.memory_space<vmem>> -> memref<1x125xi32, #tpu.memory_space<vmem>>
    %dma_wait3A_778 = tpu.memref_squeeze %dma_wait3A_777 : memref<1x125xi32, #tpu.memory_space<vmem>> -> memref<125xi32, #tpu.memory_space<vmem>>
    %dma_wait3A_779 = arith.constant 0 : i32
    %dma_wait3A_780 = tpu.memref_slice %arg7[%dma_wait3A_779] : memref<1048576xf32, #tpu.memory_space<vmem_shared>> -> memref<1048576xf32, #tpu.memory_space<vmem_shared>>
    tpu.wait_indirect_dma semaphore(%arg13 : memref<!tpu.dma_semaphore, #tpu.memory_space<semaphore_mem>>) src(%arg9 : memref<125xf32, #tpu.memory_space<vmem>>) dst(%dma_wait3A_780 : memref<1048576xf32, #tpu.memory_space<vmem_shared>>)
    %dma_wait3A_781 = arith.constant 7 : i32
    %dma_wait3A_782 = arith.constant 0 : i32
    %dma_wait3A_783 = tpu.memref_slice %arg8[%dma_wait3A_781, %dma_wait3A_782] : memref<16x125xi32, #tpu.memory_space<vmem>> -> memref<1x125xi32, #tpu.memory_space<vmem>>
    %dma_wait3A_784 = tpu.memref_squeeze %dma_wait3A_783 : memref<1x125xi32, #tpu.memory_space<vmem>> -> memref<125xi32, #tpu.memory_space<vmem>>
    %dma_wait3A_785 = arith.constant 0 : i32
    %dma_wait3A_786 = tpu.memref_slice %arg7[%dma_wait3A_785] : memref<1048576xf32, #tpu.memory_space<vmem_shared>> -> memref<1048576xf32, #tpu.memory_space<vmem_shared>>
    tpu.wait_indirect_dma semaphore(%arg13 : memref<!tpu.dma_semaphore, #tpu.memory_space<semaphore_mem>>) src(%arg9 : memref<125xf32, #tpu.memory_space<vmem>>) dst(%dma_wait3A_786 : memref<1048576xf32, #tpu.memory_space<vmem_shared>>)
    %dma_wait3A_787 = arith.constant 8 : i32
    %dma_wait3A_788 = arith.constant 0 : i32
    %dma_wait3A_789 = tpu.memref_slice %arg8[%dma_wait3A_787, %dma_wait3A_788] : memref<16x125xi32, #tpu.memory_space<vmem>> -> memref<1x125xi32, #tpu.memory_space<vmem>>
    %dma_wait3A_790 = tpu.memref_squeeze %dma_wait3A_789 : memref<1x125xi32, #tpu.memory_space<vmem>> -> memref<125xi32, #tpu.memory_space<vmem>>
    %dma_wait3A_791 = arith.constant 0 : i32
    %dma_wait3A_792 = tpu.memref_slice %arg7[%dma_wait3A_791] : memref<1048576xf32, #tpu.memory_space<vmem_shared>> -> memref<1048576xf32, #tpu.memory_space<vmem_shared>>
    tpu.wait_indirect_dma semaphore(%arg13 : memref<!tpu.dma_semaphore, #tpu.memory_space<semaphore_mem>>) src(%arg9 : memref<125xf32, #tpu.memory_space<vmem>>) dst(%dma_wait3A_792 : memref<1048576xf32, #tpu.memory_space<vmem_shared>>)
    %dma_wait3A_793 = arith.constant 9 : i32
    %dma_wait3A_794 = arith.constant 0 : i32
    %dma_wait3A_795 = tpu.memref_slice %arg8[%dma_wait3A_793, %dma_wait3A_794] : memref<16x125xi32, #tpu.memory_space<vmem>> -> memref<1x125xi32, #tpu.memory_space<vmem>>
    %dma_wait3A_796 = tpu.memref_squeeze %dma_wait3A_795 : memref<1x125xi32, #tpu.memory_space<vmem>> -> memref<125xi32, #tpu.memory_space<vmem>>
    %dma_wait3A_797 = arith.constant 0 : i32
    %dma_wait3A_798 = tpu.memref_slice %arg7[%dma_wait3A_797] : memref<1048576xf32, #tpu.memory_space<vmem_shared>> -> memref<1048576xf32, #tpu.memory_space<vmem_shared>>
    tpu.wait_indirect_dma semaphore(%arg13 : memref<!tpu.dma_semaphore, #tpu.memory_space<semaphore_mem>>) src(%arg9 : memref<125xf32, #tpu.memory_space<vmem>>) dst(%dma_wait3A_798 : memref<1048576xf32, #tpu.memory_space<vmem_shared>>)
    %dma_wait3A_799 = arith.constant 10 : i32
    %dma_wait3A_800 = arith.constant 0 : i32
    %dma_wait3A_801 = tpu.memref_slice %arg8[%dma_wait3A_799, %dma_wait3A_800] : memref<16x125xi32, #tpu.memory_space<vmem>> -> memref<1x125xi32, #tpu.memory_space<vmem>>
    %dma_wait3A_802 = tpu.memref_squeeze %dma_wait3A_801 : memref<1x125xi32, #tpu.memory_space<vmem>> -> memref<125xi32, #tpu.memory_space<vmem>>
    %dma_wait3A_803 = arith.constant 0 : i32
    %dma_wait3A_804 = tpu.memref_slice %arg7[%dma_wait3A_803] : memref<1048576xf32, #tpu.memory_space<vmem_shared>> -> memref<1048576xf32, #tpu.memory_space<vmem_shared>>
    tpu.wait_indirect_dma semaphore(%arg13 : memref<!tpu.dma_semaphore, #tpu.memory_space<semaphore_mem>>) src(%arg9 : memref<125xf32, #tpu.memory_space<vmem>>) dst(%dma_wait3A_804 : memref<1048576xf32, #tpu.memory_space<vmem_shared>>)
    %dma_wait3A_805 = arith.constant 11 : i32
    %dma_wait3A_806 = arith.constant 0 : i32
    %dma_wait3A_807 = tpu.memref_slice %arg8[%dma_wait3A_805, %dma_wait3A_806] : memref<16x125xi32, #tpu.memory_space<vmem>> -> memref<1x125xi32, #tpu.memory_space<vmem>>
    %dma_wait3A_808 = tpu.memref_squeeze %dma_wait3A_807 : memref<1x125xi32, #tpu.memory_space<vmem>> -> memref<125xi32, #tpu.memory_space<vmem>>
    %dma_wait3A_809 = arith.constant 0 : i32
    %dma_wait3A_810 = tpu.memref_slice %arg7[%dma_wait3A_809] : memref<1048576xf32, #tpu.memory_space<vmem_shared>> -> memref<1048576xf32, #tpu.memory_space<vmem_shared>>
    tpu.wait_indirect_dma semaphore(%arg13 : memref<!tpu.dma_semaphore, #tpu.memory_space<semaphore_mem>>) src(%arg9 : memref<125xf32, #tpu.memory_space<vmem>>) dst(%dma_wait3A_810 : memref<1048576xf32, #tpu.memory_space<vmem_shared>>)
    %dma_wait3A_811 = arith.constant 12 : i32
    %dma_wait3A_812 = arith.constant 0 : i32
    %dma_wait3A_813 = tpu.memref_slice %arg8[%dma_wait3A_811, %dma_wait3A_812] : memref<16x125xi32, #tpu.memory_space<vmem>> -> memref<1x125xi32, #tpu.memory_space<vmem>>
    %dma_wait3A_814 = tpu.memref_squeeze %dma_wait3A_813 : memref<1x125xi32, #tpu.memory_space<vmem>> -> memref<125xi32, #tpu.memory_space<vmem>>
    %dma_wait3A_815 = arith.constant 0 : i32
    %dma_wait3A_816 = tpu.memref_slice %arg7[%dma_wait3A_815] : memref<1048576xf32, #tpu.memory_space<vmem_shared>> -> memref<1048576xf32, #tpu.memory_space<vmem_shared>>
    tpu.wait_indirect_dma semaphore(%arg13 : memref<!tpu.dma_semaphore, #tpu.memory_space<semaphore_mem>>) src(%arg9 : memref<125xf32, #tpu.memory_space<vmem>>) dst(%dma_wait3A_816 : memref<1048576xf32, #tpu.memory_space<vmem_shared>>)
    %dma_wait3A_817 = arith.constant 13 : i32
    %dma_wait3A_818 = arith.constant 0 : i32
    %dma_wait3A_819 = tpu.memref_slice %arg8[%dma_wait3A_817, %dma_wait3A_818] : memref<16x125xi32, #tpu.memory_space<vmem>> -> memref<1x125xi32, #tpu.memory_space<vmem>>
    %dma_wait3A_820 = tpu.memref_squeeze %dma_wait3A_819 : memref<1x125xi32, #tpu.memory_space<vmem>> -> memref<125xi32, #tpu.memory_space<vmem>>
    %dma_wait3A_821 = arith.constant 0 : i32
    %dma_wait3A_822 = tpu.memref_slice %arg7[%dma_wait3A_821] : memref<1048576xf32, #tpu.memory_space<vmem_shared>> -> memref<1048576xf32, #tpu.memory_space<vmem_shared>>
    tpu.wait_indirect_dma semaphore(%arg13 : memref<!tpu.dma_semaphore, #tpu.memory_space<semaphore_mem>>) src(%arg9 : memref<125xf32, #tpu.memory_space<vmem>>) dst(%dma_wait3A_822 : memref<1048576xf32, #tpu.memory_space<vmem_shared>>)
    %dma_wait3A_823 = arith.constant 14 : i32
    %dma_wait3A_824 = arith.constant 0 : i32
    %dma_wait3A_825 = tpu.memref_slice %arg8[%dma_wait3A_823, %dma_wait3A_824] : memref<16x125xi32, #tpu.memory_space<vmem>> -> memref<1x125xi32, #tpu.memory_space<vmem>>
    %dma_wait3A_826 = tpu.memref_squeeze %dma_wait3A_825 : memref<1x125xi32, #tpu.memory_space<vmem>> -> memref<125xi32, #tpu.memory_space<vmem>>
    %dma_wait3A_827 = arith.constant 0 : i32
    %dma_wait3A_828 = tpu.memref_slice %arg7[%dma_wait3A_827] : memref<1048576xf32, #tpu.memory_space<vmem_shared>> -> memref<1048576xf32, #tpu.memory_space<vmem_shared>>
    tpu.wait_indirect_dma semaphore(%arg13 : memref<!tpu.dma_semaphore, #tpu.memory_space<semaphore_mem>>) src(%arg9 : memref<125xf32, #tpu.memory_space<vmem>>) dst(%dma_wait3A_828 : memref<1048576xf32, #tpu.memory_space<vmem_shared>>)
    %dma_wait3A_829 = arith.constant 15 : i32
    %dma_wait3A_830 = arith.constant 0 : i32
    %dma_wait3A_831 = tpu.memref_slice %arg8[%dma_wait3A_829, %dma_wait3A_830] : memref<16x125xi32, #tpu.memory_space<vmem>> -> memref<1x125xi32, #tpu.memory_space<vmem>>
    %dma_wait3A_832 = tpu.memref_squeeze %dma_wait3A_831 : memref<1x125xi32, #tpu.memory_space<vmem>> -> memref<125xi32, #tpu.memory_space<vmem>>
    %dma_wait3A_833 = arith.constant 0 : i32
    %dma_wait3A_834 = tpu.memref_slice %arg7[%dma_wait3A_833] : memref<1048576xf32, #tpu.memory_space<vmem_shared>> -> memref<1048576xf32, #tpu.memory_space<vmem_shared>>
    tpu.wait_indirect_dma semaphore(%arg13 : memref<!tpu.dma_semaphore, #tpu.memory_space<semaphore_mem>>) src(%arg9 : memref<125xf32, #tpu.memory_space<vmem>>) dst(%dma_wait3A_834 : memref<1048576xf32, #tpu.memory_space<vmem_shared>>)
    %barrier3A_835 = arith.constant 0 : index
    tpu.barrier barrier_id(%barrier3A_835)
    %add3A_836 = arith.constant 0 : i32
    %add3A_837 = arith.addi %add3A_836, %arg1 : i32
    %scan3A_838 = arith.constant 0 : i32
    %scan3A_839 = arith.constant 0 : i32
    %scan3A_840 = arith.constant 16 : i32
    %scan3A_841 = arith.addi %scan3A_839, %scan3A_840 : i32
    %scan3A_842 = arith.constant 1 : i32
    scf.for %scan3A_1557 = %scan3A_839 to %scan3A_841 step %scan3A_842  : i32 {
      %mul3A_1558 = arith.constant 16384 : i32
      %mul3A_1559 = arith.muli %add3A_837, %mul3A_1558 : i32
      %mul3A_1560 = arith.constant 1024 : i32
      %mul3A_1561 = arith.muli %scan3A_1557, %mul3A_1560 : i32
      %add3A_1562 = arith.addi %mul3A_1559, %mul3A_1561 : i32
      %dma_start3A_1563 = arith.constant 0 : i32
      %dma_start3A_1564 = tpu.memref_slice %arg11[%scan3A_1557, %dma_start3A_1563] : memref<16x1024xf32, #tpu.memory_space<vmem>> -> memref<1x1024xf32, #tpu.memory_space<vmem>>
      %dma_start3A_1565 = tpu.memref_squeeze %dma_start3A_1564 : memref<1x1024xf32, #tpu.memory_space<vmem>> -> memref<1024xf32, #tpu.memory_space<vmem>>
      %dma_start3A_1566 = tpu.memref_slice %arg7[%add3A_1562] : memref<1048576xf32, #tpu.memory_space<vmem_shared>> -> memref<1024xf32, #tpu.memory_space<vmem_shared>>
      %dma_start3A_1567 = arith.constant 0 : i32
      %dma_start3A_1568 = tpu.memref_slice %arg11[%scan3A_1557, %dma_start3A_1567] : memref<16x1024xf32, #tpu.memory_space<vmem>> -> memref<1x1024xf32, #tpu.memory_space<vmem>>
      %dma_start3A_1569 = tpu.memref_squeeze %dma_start3A_1568 : memref<1x1024xf32, #tpu.memory_space<vmem>> -> memref<1024xf32, #tpu.memory_space<vmem>>
      %dma_start3A_1570 = tpu.memref_slice %arg7[%add3A_1562] : memref<1048576xf32, #tpu.memory_space<vmem_shared>> -> memref<1024xf32, #tpu.memory_space<vmem_shared>>
      tpu.enqueue_dma source(%dma_start3A_1570 : memref<1024xf32, #tpu.memory_space<vmem_shared>>) target(%dma_start3A_1569 : memref<1024xf32, #tpu.memory_space<vmem>>) target_semaphore(%arg14 : memref<!tpu.dma_semaphore, #tpu.memory_space<semaphore_mem>>)
    }
    %scan3A_843 = arith.constant 16 : i32
    tpu.wait_dma2 semaphore(%arg14 : memref<!tpu.dma_semaphore, #tpu.memory_space<semaphore_mem>>) src(%arg4 : memref<16x1024xf32, #tpu.memory_space<hbm>>) dst(%arg11 : memref<16x1024xf32, #tpu.memory_space<vmem>>)
    %mul3A_844 = arith.constant 1024 : i32
    %mul3A_845 = arith.muli %add3A_642, %mul3A_844 : i32
    %mul3A_846 = arith.constant 16 : i32
    %mul3A_847 = arith.muli %add3A_837, %mul3A_846 : i32
    %add3A_848 = arith.addi %mul3A_845, %mul3A_847 : i32
    %dma_start3A_849 = arith.constant 0 : i32
    %dma_start3A_850 = tpu.memref_slice %arg6[%add3A_848, %dma_start3A_849] : memref<10240x1024xf32, #tpu.memory_space<hbm>> -> memref<16x1024xf32, #tpu.memory_space<hbm>>
    %dma_start3A_851 = arith.constant 0 : i32
    %dma_start3A_852 = tpu.memref_slice %arg6[%add3A_848, %dma_start3A_851] : memref<10240x1024xf32, #tpu.memory_space<hbm>> -> memref<16x1024xf32, #tpu.memory_space<hbm>>
    tpu.enqueue_dma source(%arg11 : memref<16x1024xf32, #tpu.memory_space<vmem>>) target(%dma_start3A_852 : memref<16x1024xf32, #tpu.memory_space<hbm>>) target_semaphore(%arg15 : memref<!tpu.dma_semaphore, #tpu.memory_space<semaphore_mem>>)
    %mul3A_853 = arith.constant 16384 : i32
    %mul3A_854 = arith.muli %add3A_837, %mul3A_853 : i32
    %dma_start3A_855 = tpu.memref_slice %arg7[%mul3A_854] : memref<1048576xf32, #tpu.memory_space<vmem_shared>> -> memref<16384xf32, #tpu.memory_space<vmem_shared>>
    %dma_start3A_856 = tpu.memref_slice %arg7[%mul3A_854] : memref<1048576xf32, #tpu.memory_space<vmem_shared>> -> memref<16384xf32, #tpu.memory_space<vmem_shared>>
    tpu.enqueue_dma source(%arg10 : memref<16384xf32, #tpu.memory_space<vmem>>) target(%dma_start3A_856 : memref<16384xf32, #tpu.memory_space<vmem_shared>>) target_semaphore(%arg16 : memref<!tpu.dma_semaphore, #tpu.memory_space<semaphore_mem>>)
    %add3A_857 = arith.constant 16 : i32
    %add3A_858 = arith.addi %add3A_857, %arg1 : i32
    %scan3A_859 = arith.constant 0 : i32
    %scan3A_860 = arith.constant 0 : i32
    %scan3A_861 = arith.constant 16 : i32
    %scan3A_862 = arith.addi %scan3A_860, %scan3A_861 : i32
    %scan3A_863 = arith.constant 1 : i32
    scf.for %scan3A_1557 = %scan3A_860 to %scan3A_862 step %scan3A_863  : i32 {
      %mul3A_1558 = arith.constant 16384 : i32
      %mul3A_1559 = arith.muli %add3A_858, %mul3A_1558 : i32
      %mul3A_1560 = arith.constant 1024 : i32
      %mul3A_1561 = arith.muli %scan3A_1557, %mul3A_1560 : i32
      %add3A_1562 = arith.addi %mul3A_1559, %mul3A_1561 : i32
      %dma_start3A_1563 = arith.constant 0 : i32
      %dma_start3A_1564 = tpu.memref_slice %arg12[%scan3A_1557, %dma_start3A_1563] : memref<16x1024xf32, #tpu.memory_space<vmem>> -> memref<1x1024xf32, #tpu.memory_space<vmem>>
      %dma_start3A_1565 = tpu.memref_squeeze %dma_start3A_1564 : memref<1x1024xf32, #tpu.memory_space<vmem>> -> memref<1024xf32, #tpu.memory_space<vmem>>
      %dma_start3A_1566 = tpu.memref_slice %arg7[%add3A_1562] : memref<1048576xf32, #tpu.memory_space<vmem_shared>> -> memref<1024xf32, #tpu.memory_space<vmem_shared>>
      %dma_start3A_1567 = arith.constant 0 : i32
      %dma_start3A_1568 = tpu.memref_slice %arg12[%scan3A_1557, %dma_start3A_1567] : memref<16x1024xf32, #tpu.memory_space<vmem>> -> memref<1x1024xf32, #tpu.memory_space<vmem>>
      %dma_start3A_1569 = tpu.memref_squeeze %dma_start3A_1568 : memref<1x1024xf32, #tpu.memory_space<vmem>> -> memref<1024xf32, #tpu.memory_space<vmem>>
      %dma_start3A_1570 = tpu.memref_slice %arg7[%add3A_1562] : memref<1048576xf32, #tpu.memory_space<vmem_shared>> -> memref<1024xf32, #tpu.memory_space<vmem_shared>>
      tpu.enqueue_dma source(%dma_start3A_1570 : memref<1024xf32, #tpu.memory_space<vmem_shared>>) target(%dma_start3A_1569 : memref<1024xf32, #tpu.memory_space<vmem>>) target_semaphore(%arg14 : memref<!tpu.dma_semaphore, #tpu.memory_space<semaphore_mem>>)
    }
    %scan3A_864 = arith.constant 16 : i32
    tpu.wait_dma2 semaphore(%arg14 : memref<!tpu.dma_semaphore, #tpu.memory_space<semaphore_mem>>) src(%arg4 : memref<16x1024xf32, #tpu.memory_space<hbm>>) dst(%arg12 : memref<16x1024xf32, #tpu.memory_space<vmem>>)
    %mul3A_865 = arith.constant 1024 : i32
    %mul3A_866 = arith.muli %add3A_642, %mul3A_865 : i32
    %mul3A_867 = arith.constant 16 : i32
    %mul3A_868 = arith.muli %add3A_858, %mul3A_867 : i32
    %add3A_869 = arith.addi %mul3A_866, %mul3A_868 : i32
    %dma_start3A_870 = arith.constant 0 : i32
    %dma_start3A_871 = tpu.memref_slice %arg6[%add3A_869, %dma_start3A_870] : memref<10240x1024xf32, #tpu.memory_space<hbm>> -> memref<16x1024xf32, #tpu.memory_space<hbm>>
    %dma_start3A_872 = arith.constant 0 : i32
    %dma_start3A_873 = tpu.memref_slice %arg6[%add3A_869, %dma_start3A_872] : memref<10240x1024xf32, #tpu.memory_space<hbm>> -> memref<16x1024xf32, #tpu.memory_space<hbm>>
    tpu.enqueue_dma source(%arg12 : memref<16x1024xf32, #tpu.memory_space<vmem>>) target(%dma_start3A_873 : memref<16x1024xf32, #tpu.memory_space<hbm>>) target_semaphore(%arg15 : memref<!tpu.dma_semaphore, #tpu.memory_space<semaphore_mem>>)
    %mul3A_874 = arith.constant 16384 : i32
    %mul3A_875 = arith.muli %add3A_858, %mul3A_874 : i32
    %dma_start3A_876 = tpu.memref_slice %arg7[%mul3A_875] : memref<1048576xf32, #tpu.memory_space<vmem_shared>> -> memref<16384xf32, #tpu.memory_space<vmem_shared>>
    %dma_start3A_877 = tpu.memref_slice %arg7[%mul3A_875] : memref<1048576xf32, #tpu.memory_space<vmem_shared>> -> memref<16384xf32, #tpu.memory_space<vmem_shared>>
    tpu.enqueue_dma source(%arg10 : memref<16384xf32, #tpu.memory_space<vmem>>) target(%dma_start3A_877 : memref<16384xf32, #tpu.memory_space<vmem_shared>>) target_semaphore(%arg16 : memref<!tpu.dma_semaphore, #tpu.memory_space<semaphore_mem>>)
    %add3A_878 = arith.constant 32 : i32
    %add3A_879 = arith.addi %add3A_878, %arg1 : i32
    %dma_wait3A_880 = arith.constant 0 : i32
    %dma_wait3A_881 = tpu.memref_slice %arg6[%add3A_848, %dma_wait3A_880] : memref<10240x1024xf32, #tpu.memory_space<hbm>> -> memref<16x1024xf32, #tpu.memory_space<hbm>>
    %dma_wait3A_882 = arith.constant 0 : i32
    %dma_wait3A_883 = tpu.memref_slice %arg6[%add3A_848, %dma_wait3A_882] : memref<10240x1024xf32, #tpu.memory_space<hbm>> -> memref<16x1024xf32, #tpu.memory_space<hbm>>
    tpu.wait_dma2 semaphore(%arg15 : memref<!tpu.dma_semaphore, #tpu.memory_space<semaphore_mem>>) src(%arg11 : memref<16x1024xf32, #tpu.memory_space<vmem>>) dst(%dma_wait3A_883 : memref<16x1024xf32, #tpu.memory_space<hbm>>)
    %scan3A_884 = arith.constant 0 : i32
    %scan3A_885 = arith.constant 0 : i32
    %scan3A_886 = arith.constant 16 : i32
    %scan3A_887 = arith.addi %scan3A_885, %scan3A_886 : i32
    %scan3A_888 = arith.constant 1 : i32
    scf.for %scan3A_1557 = %scan3A_885 to %scan3A_887 step %scan3A_888  : i32 {
      %mul3A_1558 = arith.constant 16384 : i32
      %mul3A_1559 = arith.muli %add3A_879, %mul3A_1558 : i32
      %mul3A_1560 = arith.constant 1024 : i32
      %mul3A_1561 = arith.muli %scan3A_1557, %mul3A_1560 : i32
      %add3A_1562 = arith.addi %mul3A_1559, %mul3A_1561 : i32
      %dma_start3A_1563 = arith.constant 0 : i32
      %dma_start3A_1564 = tpu.memref_slice %arg11[%scan3A_1557, %dma_start3A_1563] : memref<16x1024xf32, #tpu.memory_space<vmem>> -> memref<1x1024xf32, #tpu.memory_space<vmem>>
      %dma_start3A_1565 = tpu.memref_squeeze %dma_start3A_1564 : memref<1x1024xf32, #tpu.memory_space<vmem>> -> memref<1024xf32, #tpu.memory_space<vmem>>
      %dma_start3A_1566 = tpu.memref_slice %arg7[%add3A_1562] : memref<1048576xf32, #tpu.memory_space<vmem_shared>> -> memref<1024xf32, #tpu.memory_space<vmem_shared>>
      %dma_start3A_1567 = arith.constant 0 : i32
      %dma_start3A_1568 = tpu.memref_slice %arg11[%scan3A_1557, %dma_start3A_1567] : memref<16x1024xf32, #tpu.memory_space<vmem>> -> memref<1x1024xf32, #tpu.memory_space<vmem>>
      %dma_start3A_1569 = tpu.memref_squeeze %dma_start3A_1568 : memref<1x1024xf32, #tpu.memory_space<vmem>> -> memref<1024xf32, #tpu.memory_space<vmem>>
      %dma_start3A_1570 = tpu.memref_slice %arg7[%add3A_1562] : memref<1048576xf32, #tpu.memory_space<vmem_shared>> -> memref<1024xf32, #tpu.memory_space<vmem_shared>>
      tpu.enqueue_dma source(%dma_start3A_1570 : memref<1024xf32, #tpu.memory_space<vmem_shared>>) target(%dma_start3A_1569 : memref<1024xf32, #tpu.memory_space<vmem>>) target_semaphore(%arg14 : memref<!tpu.dma_semaphore, #tpu.memory_space<semaphore_mem>>)
    }
    %scan3A_889 = arith.constant 16 : i32
    tpu.wait_dma2 semaphore(%arg14 : memref<!tpu.dma_semaphore, #tpu.memory_space<semaphore_mem>>) src(%arg4 : memref<16x1024xf32, #tpu.memory_space<hbm>>) dst(%arg11 : memref<16x1024xf32, #tpu.memory_space<vmem>>)
    %mul3A_890 = arith.constant 1024 : i32
    %mul3A_891 = arith.muli %add3A_642, %mul3A_890 : i32
    %mul3A_892 = arith.constant 16 : i32
    %mul3A_893 = arith.muli %add3A_879, %mul3A_892 : i32
    %add3A_894 = arith.addi %mul3A_891, %mul3A_893 : i32
    %dma_start3A_895 = arith.constant 0 : i32
    %dma_start3A_896 = tpu.memref_slice %arg6[%add3A_894, %dma_start3A_895] : memref<10240x1024xf32, #tpu.memory_space<hbm>> -> memref<16x1024xf32, #tpu.memory_space<hbm>>
    %dma_start3A_897 = arith.constant 0 : i32
    %dma_start3A_898 = tpu.memref_slice %arg6[%add3A_894, %dma_start3A_897] : memref<10240x1024xf32, #tpu.memory_space<hbm>> -> memref<16x1024xf32, #tpu.memory_space<hbm>>
    tpu.enqueue_dma source(%arg11 : memref<16x1024xf32, #tpu.memory_space<vmem>>) target(%dma_start3A_898 : memref<16x1024xf32, #tpu.memory_space<hbm>>) target_semaphore(%arg15 : memref<!tpu.dma_semaphore, #tpu.memory_space<semaphore_mem>>)
    %mul3A_899 = arith.constant 16384 : i32
    %mul3A_900 = arith.muli %add3A_879, %mul3A_899 : i32
    %dma_start3A_901 = tpu.memref_slice %arg7[%mul3A_900] : memref<1048576xf32, #tpu.memory_space<vmem_shared>> -> memref<16384xf32, #tpu.memory_space<vmem_shared>>
    %dma_start3A_902 = tpu.memref_slice %arg7[%mul3A_900] : memref<1048576xf32, #tpu.memory_space<vmem_shared>> -> memref<16384xf32, #tpu.memory_space<vmem_shared>>
    tpu.enqueue_dma source(%arg10 : memref<16384xf32, #tpu.memory_space<vmem>>) target(%dma_start3A_902 : memref<16384xf32, #tpu.memory_space<vmem_shared>>) target_semaphore(%arg16 : memref<!tpu.dma_semaphore, #tpu.memory_space<semaphore_mem>>)
    %add3A_903 = arith.constant 48 : i32
    %add3A_904 = arith.addi %add3A_903, %arg1 : i32
    %dma_wait3A_905 = arith.constant 0 : i32
    %dma_wait3A_906 = tpu.memref_slice %arg6[%add3A_869, %dma_wait3A_905] : memref<10240x1024xf32, #tpu.memory_space<hbm>> -> memref<16x1024xf32, #tpu.memory_space<hbm>>
    %dma_wait3A_907 = arith.constant 0 : i32
    %dma_wait3A_908 = tpu.memref_slice %arg6[%add3A_869, %dma_wait3A_907] : memref<10240x1024xf32, #tpu.memory_space<hbm>> -> memref<16x1024xf32, #tpu.memory_space<hbm>>
    tpu.wait_dma2 semaphore(%arg15 : memref<!tpu.dma_semaphore, #tpu.memory_space<semaphore_mem>>) src(%arg12 : memref<16x1024xf32, #tpu.memory_space<vmem>>) dst(%dma_wait3A_908 : memref<16x1024xf32, #tpu.memory_space<hbm>>)
    %scan3A_909 = arith.constant 0 : i32
    %scan3A_910 = arith.constant 0 : i32
    %scan3A_911 = arith.constant 16 : i32
    %scan3A_912 = arith.addi %scan3A_910, %scan3A_911 : i32
    %scan3A_913 = arith.constant 1 : i32
    scf.for %scan3A_1557 = %scan3A_910 to %scan3A_912 step %scan3A_913  : i32 {
      %mul3A_1558 = arith.constant 16384 : i32
      %mul3A_1559 = arith.muli %add3A_904, %mul3A_1558 : i32
      %mul3A_1560 = arith.constant 1024 : i32
      %mul3A_1561 = arith.muli %scan3A_1557, %mul3A_1560 : i32
      %add3A_1562 = arith.addi %mul3A_1559, %mul3A_1561 : i32
      %dma_start3A_1563 = arith.constant 0 : i32
      %dma_start3A_1564 = tpu.memref_slice %arg12[%scan3A_1557, %dma_start3A_1563] : memref<16x1024xf32, #tpu.memory_space<vmem>> -> memref<1x1024xf32, #tpu.memory_space<vmem>>
      %dma_start3A_1565 = tpu.memref_squeeze %dma_start3A_1564 : memref<1x1024xf32, #tpu.memory_space<vmem>> -> memref<1024xf32, #tpu.memory_space<vmem>>
      %dma_start3A_1566 = tpu.memref_slice %arg7[%add3A_1562] : memref<1048576xf32, #tpu.memory_space<vmem_shared>> -> memref<1024xf32, #tpu.memory_space<vmem_shared>>
      %dma_start3A_1567 = arith.constant 0 : i32
      %dma_start3A_1568 = tpu.memref_slice %arg12[%scan3A_1557, %dma_start3A_1567] : memref<16x1024xf32, #tpu.memory_space<vmem>> -> memref<1x1024xf32, #tpu.memory_space<vmem>>
      %dma_start3A_1569 = tpu.memref_squeeze %dma_start3A_1568 : memref<1x1024xf32, #tpu.memory_space<vmem>> -> memref<1024xf32, #tpu.memory_space<vmem>>
      %dma_start3A_1570 = tpu.memref_slice %arg7[%add3A_1562] : memref<1048576xf32, #tpu.memory_space<vmem_shared>> -> memref<1024xf32, #tpu.memory_space<vmem_shared>>
      tpu.enqueue_dma source(%dma_start3A_1570 : memref<1024xf32, #tpu.memory_space<vmem_shared>>) target(%dma_start3A_1569 : memref<1024xf32, #tpu.memory_space<vmem>>) target_semaphore(%arg14 : memref<!tpu.dma_semaphore, #tpu.memory_space<semaphore_mem>>)
    }
    %scan3A_914 = arith.constant 16 : i32
    tpu.wait_dma2 semaphore(%arg14 : memref<!tpu.dma_semaphore, #tpu.memory_space<semaphore_mem>>) src(%arg4 : memref<16x1024xf32, #tpu.memory_space<hbm>>) dst(%arg12 : memref<16x1024xf32, #tpu.memory_space<vmem>>)
    %mul3A_915 = arith.constant 1024 : i32
    %mul3A_916 = arith.muli %add3A_642, %mul3A_915 : i32
    %mul3A_917 = arith.constant 16 : i32
    %mul3A_918 = arith.muli %add3A_904, %mul3A_917 : i32
    %add3A_919 = arith.addi %mul3A_916, %mul3A_918 : i32
    %dma_start3A_920 = arith.constant 0 : i32
    %dma_start3A_921 = tpu.memref_slice %arg6[%add3A_919, %dma_start3A_920] : memref<10240x1024xf32, #tpu.memory_space<hbm>> -> memref<16x1024xf32, #tpu.memory_space<hbm>>
    %dma_start3A_922 = arith.constant 0 : i32
    %dma_start3A_923 = tpu.memref_slice %arg6[%add3A_919, %dma_start3A_922] : memref<10240x1024xf32, #tpu.memory_space<hbm>> -> memref<16x1024xf32, #tpu.memory_space<hbm>>
    tpu.enqueue_dma source(%arg12 : memref<16x1024xf32, #tpu.memory_space<vmem>>) target(%dma_start3A_923 : memref<16x1024xf32, #tpu.memory_space<hbm>>) target_semaphore(%arg15 : memref<!tpu.dma_semaphore, #tpu.memory_space<semaphore_mem>>)
    %mul3A_924 = arith.constant 16384 : i32
    %mul3A_925 = arith.muli %add3A_904, %mul3A_924 : i32
    %dma_start3A_926 = tpu.memref_slice %arg7[%mul3A_925] : memref<1048576xf32, #tpu.memory_space<vmem_shared>> -> memref<16384xf32, #tpu.memory_space<vmem_shared>>
    %dma_start3A_927 = tpu.memref_slice %arg7[%mul3A_925] : memref<1048576xf32, #tpu.memory_space<vmem_shared>> -> memref<16384xf32, #tpu.memory_space<vmem_shared>>
    tpu.enqueue_dma source(%arg10 : memref<16384xf32, #tpu.memory_space<vmem>>) target(%dma_start3A_927 : memref<16384xf32, #tpu.memory_space<vmem_shared>>) target_semaphore(%arg16 : memref<!tpu.dma_semaphore, #tpu.memory_space<semaphore_mem>>)
    %dma_wait3A_928 = arith.constant 0 : i32
    %dma_wait3A_929 = tpu.memref_slice %arg6[%add3A_894, %dma_wait3A_928] : memref<10240x1024xf32, #tpu.memory_space<hbm>> -> memref<16x1024xf32, #tpu.memory_space<hbm>>
    %dma_wait3A_930 = arith.constant 0 : i32
    %dma_wait3A_931 = tpu.memref_slice %arg6[%add3A_894, %dma_wait3A_930] : memref<10240x1024xf32, #tpu.memory_space<hbm>> -> memref<16x1024xf32, #tpu.memory_space<hbm>>
    tpu.wait_dma2 semaphore(%arg15 : memref<!tpu.dma_semaphore, #tpu.memory_space<semaphore_mem>>) src(%arg11 : memref<16x1024xf32, #tpu.memory_space<vmem>>) dst(%dma_wait3A_931 : memref<16x1024xf32, #tpu.memory_space<hbm>>)
    %dma_wait3A_932 = arith.constant 0 : i32
    %dma_wait3A_933 = tpu.memref_slice %arg6[%add3A_919, %dma_wait3A_932] : memref<10240x1024xf32, #tpu.memory_space<hbm>> -> memref<16x1024xf32, #tpu.memory_space<hbm>>
    %dma_wait3A_934 = arith.constant 0 : i32
    %dma_wait3A_935 = tpu.memref_slice %arg6[%add3A_919, %dma_wait3A_934] : memref<10240x1024xf32, #tpu.memory_space<hbm>> -> memref<16x1024xf32, #tpu.memory_space<hbm>>
    tpu.wait_dma2 semaphore(%arg15 : memref<!tpu.dma_semaphore, #tpu.memory_space<semaphore_mem>>) src(%arg12 : memref<16x1024xf32, #tpu.memory_space<vmem>>) dst(%dma_wait3A_935 : memref<16x1024xf32, #tpu.memory_space<hbm>>)
    %dma_wait3A_936 = tpu.memref_slice %arg7[%mul3A_854] : memref<1048576xf32, #tpu.memory_space<vmem_shared>> -> memref<16384xf32, #tpu.memory_space<vmem_shared>>
    %dma_wait3A_937 = tpu.memref_slice %arg7[%mul3A_854] : memref<1048576xf32, #tpu.memory_space<vmem_shared>> -> memref<16384xf32, #tpu.memory_space<vmem_shared>>
    tpu.wait_dma2 semaphore(%arg16 : memref<!tpu.dma_semaphore, #tpu.memory_space<semaphore_mem>>) src(%arg10 : memref<16384xf32, #tpu.memory_space<vmem>>) dst(%dma_wait3A_937 : memref<16384xf32, #tpu.memory_space<vmem_shared>>)
    %dma_wait3A_938 = tpu.memref_slice %arg7[%mul3A_875] : memref<1048576xf32, #tpu.memory_space<vmem_shared>> -> memref<16384xf32, #tpu.memory_space<vmem_shared>>
    %dma_wait3A_939 = tpu.memref_slice %arg7[%mul3A_875] : memref<1048576xf32, #tpu.memory_space<vmem_shared>> -> memref<16384xf32, #tpu.memory_space<vmem_shared>>
    tpu.wait_dma2 semaphore(%arg16 : memref<!tpu.dma_semaphore, #tpu.memory_space<semaphore_mem>>) src(%arg10 : memref<16384xf32, #tpu.memory_space<vmem>>) dst(%dma_wait3A_939 : memref<16384xf32, #tpu.memory_space<vmem_shared>>)
    %dma_wait3A_940 = tpu.memref_slice %arg7[%mul3A_900] : memref<1048576xf32, #tpu.memory_space<vmem_shared>> -> memref<16384xf32, #tpu.memory_space<vmem_shared>>
    %dma_wait3A_941 = tpu.memref_slice %arg7[%mul3A_900] : memref<1048576xf32, #tpu.memory_space<vmem_shared>> -> memref<16384xf32, #tpu.memory_space<vmem_shared>>
    tpu.wait_dma2 semaphore(%arg16 : memref<!tpu.dma_semaphore, #tpu.memory_space<semaphore_mem>>) src(%arg10 : memref<16384xf32, #tpu.memory_space<vmem>>) dst(%dma_wait3A_941 : memref<16384xf32, #tpu.memory_space<vmem_shared>>)
    %dma_wait3A_942 = tpu.memref_slice %arg7[%mul3A_925] : memref<1048576xf32, #tpu.memory_space<vmem_shared>> -> memref<16384xf32, #tpu.memory_space<vmem_shared>>
    %dma_wait3A_943 = tpu.memref_slice %arg7[%mul3A_925] : memref<1048576xf32, #tpu.memory_space<vmem_shared>> -> memref<16384xf32, #tpu.memory_space<vmem_shared>>
    tpu.wait_dma2 semaphore(%arg16 : memref<!tpu.dma_semaphore, #tpu.memory_space<semaphore_mem>>) src(%arg10 : memref<16384xf32, #tpu.memory_space<vmem>>) dst(%dma_wait3A_943 : memref<16384xf32, #tpu.memory_space<vmem_shared>>)
    %barrier3A_944 = arith.constant 0 : index
    tpu.barrier barrier_id(%barrier3A_944)
    %mul3A_945 = arith.constant 5 : i32
    %mul3A_946 = arith.muli %arg0, %mul3A_945 : i32
    %add3A_947 = arith.constant 3 : i32
    %add3A_948 = arith.addi %mul3A_946, %add3A_947 : i32
    "tpu.region"() ({
      %run_scoped3A = tpu.sem_alloc : memref<!tpu.dma_semaphore, #tpu.memory_space<semaphore_mem>>
      %dma_start3A_1557 = arith.constant 0 : i32
      %dma_start3A_1558 = arith.constant 0 : i32
      %dma_start3A_1559 = tpu.memref_slice %arg2[%add3A_948, %arg1, %dma_start3A_1557, %dma_start3A_1558] : memref<10x16x16x125xi32, #tpu.memory_space<hbm>> -> memref<1x1x16x125xi32, #tpu.memory_space<hbm>>
      %dma_start3A_1560 = tpu.memref_squeeze %dma_start3A_1559 : memref<1x1x16x125xi32, #tpu.memory_space<hbm>> -> memref<16x125xi32, #tpu.memory_space<hbm>>
      %dma_start3A_1561 = arith.constant 0 : i32
      %dma_start3A_1562 = arith.constant 0 : i32
      %dma_start3A_1563 = tpu.memref_slice %arg2[%add3A_948, %arg1, %dma_start3A_1561, %dma_start3A_1562] : memref<10x16x16x125xi32, #tpu.memory_space<hbm>> -> memref<1x1x16x125xi32, #tpu.memory_space<hbm>>
      %dma_start3A_1564 = tpu.memref_squeeze %dma_start3A_1563 : memref<1x1x16x125xi32, #tpu.memory_space<hbm>> -> memref<16x125xi32, #tpu.memory_space<hbm>>
      tpu.enqueue_dma source(%dma_start3A_1564 : memref<16x125xi32, #tpu.memory_space<hbm>>) target(%arg8 : memref<16x125xi32, #tpu.memory_space<vmem>>) target_semaphore(%run_scoped3A : memref<!tpu.dma_semaphore, #tpu.memory_space<semaphore_mem>>)
      %dma_wait3A_1565 = arith.constant 0 : i32
      %dma_wait3A_1566 = arith.constant 0 : i32
      %dma_wait3A_1567 = tpu.memref_slice %arg2[%add3A_948, %arg1, %dma_wait3A_1565, %dma_wait3A_1566] : memref<10x16x16x125xi32, #tpu.memory_space<hbm>> -> memref<1x1x16x125xi32, #tpu.memory_space<hbm>>
      %dma_wait3A_1568 = tpu.memref_squeeze %dma_wait3A_1567 : memref<1x1x16x125xi32, #tpu.memory_space<hbm>> -> memref<16x125xi32, #tpu.memory_space<hbm>>
      %dma_wait3A_1569 = arith.constant 0 : i32
      %dma_wait3A_1570 = arith.constant 0 : i32
      %dma_wait3A_1571 = tpu.memref_slice %arg2[%add3A_948, %arg1, %dma_wait3A_1569, %dma_wait3A_1570] : memref<10x16x16x125xi32, #tpu.memory_space<hbm>> -> memref<1x1x16x125xi32, #tpu.memory_space<hbm>>
      %dma_wait3A_1572 = tpu.memref_squeeze %dma_wait3A_1571 : memref<1x1x16x125xi32, #tpu.memory_space<hbm>> -> memref<16x125xi32, #tpu.memory_space<hbm>>
      tpu.wait_dma2 semaphore(%run_scoped3A : memref<!tpu.dma_semaphore, #tpu.memory_space<semaphore_mem>>) src(%dma_wait3A_1572 : memref<16x125xi32, #tpu.memory_space<hbm>>) dst(%arg8 : memref<16x125xi32, #tpu.memory_space<vmem>>)
      tpu.yield
    }) : () -> ()
    %dma_start3A_949 = arith.constant 0 : i32
    %dma_start3A_950 = arith.constant 0 : i32
    %dma_start3A_951 = tpu.memref_slice %arg8[%dma_start3A_949, %dma_start3A_950] : memref<16x125xi32, #tpu.memory_space<vmem>> -> memref<1x125xi32, #tpu.memory_space<vmem>>
    %dma_start3A_952 = tpu.memref_squeeze %dma_start3A_951 : memref<1x125xi32, #tpu.memory_space<vmem>> -> memref<125xi32, #tpu.memory_space<vmem>>
    %dma_start3A_953 = arith.constant 0 : i32
    %dma_start3A_954 = tpu.memref_slice %arg7[%dma_start3A_953] : memref<1048576xf32, #tpu.memory_space<vmem_shared>> -> memref<1048576xf32, #tpu.memory_space<vmem_shared>>
    tpu.enqueue_indirect_dma source(%arg9 : memref<125xf32, #tpu.memory_space<vmem>>) target(%dma_start3A_954 : memref<1048576xf32, #tpu.memory_space<vmem_shared>>) offsets(%dma_start3A_952 : memref<125xi32, #tpu.memory_space<vmem>>) semaphore(%arg13 : memref<!tpu.dma_semaphore, #tpu.memory_space<semaphore_mem>>) {add = true}
    %dma_start3A_955 = arith.constant 1 : i32
    %dma_start3A_956 = arith.constant 0 : i32
    %dma_start3A_957 = tpu.memref_slice %arg8[%dma_start3A_955, %dma_start3A_956] : memref<16x125xi32, #tpu.memory_space<vmem>> -> memref<1x125xi32, #tpu.memory_space<vmem>>
    %dma_start3A_958 = tpu.memref_squeeze %dma_start3A_957 : memref<1x125xi32, #tpu.memory_space<vmem>> -> memref<125xi32, #tpu.memory_space<vmem>>
    %dma_start3A_959 = arith.constant 0 : i32
    %dma_start3A_960 = tpu.memref_slice %arg7[%dma_start3A_959] : memref<1048576xf32, #tpu.memory_space<vmem_shared>> -> memref<1048576xf32, #tpu.memory_space<vmem_shared>>
    tpu.enqueue_indirect_dma source(%arg9 : memref<125xf32, #tpu.memory_space<vmem>>) target(%dma_start3A_960 : memref<1048576xf32, #tpu.memory_space<vmem_shared>>) offsets(%dma_start3A_958 : memref<125xi32, #tpu.memory_space<vmem>>) semaphore(%arg13 : memref<!tpu.dma_semaphore, #tpu.memory_space<semaphore_mem>>) {add = true}
    %dma_start3A_961 = arith.constant 2 : i32
    %dma_start3A_962 = arith.constant 0 : i32
    %dma_start3A_963 = tpu.memref_slice %arg8[%dma_start3A_961, %dma_start3A_962] : memref<16x125xi32, #tpu.memory_space<vmem>> -> memref<1x125xi32, #tpu.memory_space<vmem>>
    %dma_start3A_964 = tpu.memref_squeeze %dma_start3A_963 : memref<1x125xi32, #tpu.memory_space<vmem>> -> memref<125xi32, #tpu.memory_space<vmem>>
    %dma_start3A_965 = arith.constant 0 : i32
    %dma_start3A_966 = tpu.memref_slice %arg7[%dma_start3A_965] : memref<1048576xf32, #tpu.memory_space<vmem_shared>> -> memref<1048576xf32, #tpu.memory_space<vmem_shared>>
    tpu.enqueue_indirect_dma source(%arg9 : memref<125xf32, #tpu.memory_space<vmem>>) target(%dma_start3A_966 : memref<1048576xf32, #tpu.memory_space<vmem_shared>>) offsets(%dma_start3A_964 : memref<125xi32, #tpu.memory_space<vmem>>) semaphore(%arg13 : memref<!tpu.dma_semaphore, #tpu.memory_space<semaphore_mem>>) {add = true}
    %dma_start3A_967 = arith.constant 3 : i32
    %dma_start3A_968 = arith.constant 0 : i32
    %dma_start3A_969 = tpu.memref_slice %arg8[%dma_start3A_967, %dma_start3A_968] : memref<16x125xi32, #tpu.memory_space<vmem>> -> memref<1x125xi32, #tpu.memory_space<vmem>>
    %dma_start3A_970 = tpu.memref_squeeze %dma_start3A_969 : memref<1x125xi32, #tpu.memory_space<vmem>> -> memref<125xi32, #tpu.memory_space<vmem>>
    %dma_start3A_971 = arith.constant 0 : i32
    %dma_start3A_972 = tpu.memref_slice %arg7[%dma_start3A_971] : memref<1048576xf32, #tpu.memory_space<vmem_shared>> -> memref<1048576xf32, #tpu.memory_space<vmem_shared>>
    tpu.enqueue_indirect_dma source(%arg9 : memref<125xf32, #tpu.memory_space<vmem>>) target(%dma_start3A_972 : memref<1048576xf32, #tpu.memory_space<vmem_shared>>) offsets(%dma_start3A_970 : memref<125xi32, #tpu.memory_space<vmem>>) semaphore(%arg13 : memref<!tpu.dma_semaphore, #tpu.memory_space<semaphore_mem>>) {add = true}
    %dma_start3A_973 = arith.constant 4 : i32
    %dma_start3A_974 = arith.constant 0 : i32
    %dma_start3A_975 = tpu.memref_slice %arg8[%dma_start3A_973, %dma_start3A_974] : memref<16x125xi32, #tpu.memory_space<vmem>> -> memref<1x125xi32, #tpu.memory_space<vmem>>
    %dma_start3A_976 = tpu.memref_squeeze %dma_start3A_975 : memref<1x125xi32, #tpu.memory_space<vmem>> -> memref<125xi32, #tpu.memory_space<vmem>>
    %dma_start3A_977 = arith.constant 0 : i32
    %dma_start3A_978 = tpu.memref_slice %arg7[%dma_start3A_977] : memref<1048576xf32, #tpu.memory_space<vmem_shared>> -> memref<1048576xf32, #tpu.memory_space<vmem_shared>>
    tpu.enqueue_indirect_dma source(%arg9 : memref<125xf32, #tpu.memory_space<vmem>>) target(%dma_start3A_978 : memref<1048576xf32, #tpu.memory_space<vmem_shared>>) offsets(%dma_start3A_976 : memref<125xi32, #tpu.memory_space<vmem>>) semaphore(%arg13 : memref<!tpu.dma_semaphore, #tpu.memory_space<semaphore_mem>>) {add = true}
    %dma_start3A_979 = arith.constant 5 : i32
    %dma_start3A_980 = arith.constant 0 : i32
    %dma_start3A_981 = tpu.memref_slice %arg8[%dma_start3A_979, %dma_start3A_980] : memref<16x125xi32, #tpu.memory_space<vmem>> -> memref<1x125xi32, #tpu.memory_space<vmem>>
    %dma_start3A_982 = tpu.memref_squeeze %dma_start3A_981 : memref<1x125xi32, #tpu.memory_space<vmem>> -> memref<125xi32, #tpu.memory_space<vmem>>
    %dma_start3A_983 = arith.constant 0 : i32
    %dma_start3A_984 = tpu.memref_slice %arg7[%dma_start3A_983] : memref<1048576xf32, #tpu.memory_space<vmem_shared>> -> memref<1048576xf32, #tpu.memory_space<vmem_shared>>
    tpu.enqueue_indirect_dma source(%arg9 : memref<125xf32, #tpu.memory_space<vmem>>) target(%dma_start3A_984 : memref<1048576xf32, #tpu.memory_space<vmem_shared>>) offsets(%dma_start3A_982 : memref<125xi32, #tpu.memory_space<vmem>>) semaphore(%arg13 : memref<!tpu.dma_semaphore, #tpu.memory_space<semaphore_mem>>) {add = true}
    %dma_start3A_985 = arith.constant 6 : i32
    %dma_start3A_986 = arith.constant 0 : i32
    %dma_start3A_987 = tpu.memref_slice %arg8[%dma_start3A_985, %dma_start3A_986] : memref<16x125xi32, #tpu.memory_space<vmem>> -> memref<1x125xi32, #tpu.memory_space<vmem>>
    %dma_start3A_988 = tpu.memref_squeeze %dma_start3A_987 : memref<1x125xi32, #tpu.memory_space<vmem>> -> memref<125xi32, #tpu.memory_space<vmem>>
    %dma_start3A_989 = arith.constant 0 : i32
    %dma_start3A_990 = tpu.memref_slice %arg7[%dma_start3A_989] : memref<1048576xf32, #tpu.memory_space<vmem_shared>> -> memref<1048576xf32, #tpu.memory_space<vmem_shared>>
    tpu.enqueue_indirect_dma source(%arg9 : memref<125xf32, #tpu.memory_space<vmem>>) target(%dma_start3A_990 : memref<1048576xf32, #tpu.memory_space<vmem_shared>>) offsets(%dma_start3A_988 : memref<125xi32, #tpu.memory_space<vmem>>) semaphore(%arg13 : memref<!tpu.dma_semaphore, #tpu.memory_space<semaphore_mem>>) {add = true}
    %dma_start3A_991 = arith.constant 7 : i32
    %dma_start3A_992 = arith.constant 0 : i32
    %dma_start3A_993 = tpu.memref_slice %arg8[%dma_start3A_991, %dma_start3A_992] : memref<16x125xi32, #tpu.memory_space<vmem>> -> memref<1x125xi32, #tpu.memory_space<vmem>>
    %dma_start3A_994 = tpu.memref_squeeze %dma_start3A_993 : memref<1x125xi32, #tpu.memory_space<vmem>> -> memref<125xi32, #tpu.memory_space<vmem>>
    %dma_start3A_995 = arith.constant 0 : i32
    %dma_start3A_996 = tpu.memref_slice %arg7[%dma_start3A_995] : memref<1048576xf32, #tpu.memory_space<vmem_shared>> -> memref<1048576xf32, #tpu.memory_space<vmem_shared>>
    tpu.enqueue_indirect_dma source(%arg9 : memref<125xf32, #tpu.memory_space<vmem>>) target(%dma_start3A_996 : memref<1048576xf32, #tpu.memory_space<vmem_shared>>) offsets(%dma_start3A_994 : memref<125xi32, #tpu.memory_space<vmem>>) semaphore(%arg13 : memref<!tpu.dma_semaphore, #tpu.memory_space<semaphore_mem>>) {add = true}
    %dma_start3A_997 = arith.constant 8 : i32
    %dma_start3A_998 = arith.constant 0 : i32
    %dma_start3A_999 = tpu.memref_slice %arg8[%dma_start3A_997, %dma_start3A_998] : memref<16x125xi32, #tpu.memory_space<vmem>> -> memref<1x125xi32, #tpu.memory_space<vmem>>
    %dma_start3A_1000 = tpu.memref_squeeze %dma_start3A_999 : memref<1x125xi32, #tpu.memory_space<vmem>> -> memref<125xi32, #tpu.memory_space<vmem>>
    %dma_start3A_1001 = arith.constant 0 : i32
    %dma_start3A_1002 = tpu.memref_slice %arg7[%dma_start3A_1001] : memref<1048576xf32, #tpu.memory_space<vmem_shared>> -> memref<1048576xf32, #tpu.memory_space<vmem_shared>>
    tpu.enqueue_indirect_dma source(%arg9 : memref<125xf32, #tpu.memory_space<vmem>>) target(%dma_start3A_1002 : memref<1048576xf32, #tpu.memory_space<vmem_shared>>) offsets(%dma_start3A_1000 : memref<125xi32, #tpu.memory_space<vmem>>) semaphore(%arg13 : memref<!tpu.dma_semaphore, #tpu.memory_space<semaphore_mem>>) {add = true}
    %dma_start3A_1003 = arith.constant 9 : i32
    %dma_start3A_1004 = arith.constant 0 : i32
    %dma_start3A_1005 = tpu.memref_slice %arg8[%dma_start3A_1003, %dma_start3A_1004] : memref<16x125xi32, #tpu.memory_space<vmem>> -> memref<1x125xi32, #tpu.memory_space<vmem>>
    %dma_start3A_1006 = tpu.memref_squeeze %dma_start3A_1005 : memref<1x125xi32, #tpu.memory_space<vmem>> -> memref<125xi32, #tpu.memory_space<vmem>>
    %dma_start3A_1007 = arith.constant 0 : i32
    %dma_start3A_1008 = tpu.memref_slice %arg7[%dma_start3A_1007] : memref<1048576xf32, #tpu.memory_space<vmem_shared>> -> memref<1048576xf32, #tpu.memory_space<vmem_shared>>
    tpu.enqueue_indirect_dma source(%arg9 : memref<125xf32, #tpu.memory_space<vmem>>) target(%dma_start3A_1008 : memref<1048576xf32, #tpu.memory_space<vmem_shared>>) offsets(%dma_start3A_1006 : memref<125xi32, #tpu.memory_space<vmem>>) semaphore(%arg13 : memref<!tpu.dma_semaphore, #tpu.memory_space<semaphore_mem>>) {add = true}
    %dma_start3A_1009 = arith.constant 10 : i32
    %dma_start3A_1010 = arith.constant 0 : i32
    %dma_start3A_1011 = tpu.memref_slice %arg8[%dma_start3A_1009, %dma_start3A_1010] : memref<16x125xi32, #tpu.memory_space<vmem>> -> memref<1x125xi32, #tpu.memory_space<vmem>>
    %dma_start3A_1012 = tpu.memref_squeeze %dma_start3A_1011 : memref<1x125xi32, #tpu.memory_space<vmem>> -> memref<125xi32, #tpu.memory_space<vmem>>
    %dma_start3A_1013 = arith.constant 0 : i32
    %dma_start3A_1014 = tpu.memref_slice %arg7[%dma_start3A_1013] : memref<1048576xf32, #tpu.memory_space<vmem_shared>> -> memref<1048576xf32, #tpu.memory_space<vmem_shared>>
    tpu.enqueue_indirect_dma source(%arg9 : memref<125xf32, #tpu.memory_space<vmem>>) target(%dma_start3A_1014 : memref<1048576xf32, #tpu.memory_space<vmem_shared>>) offsets(%dma_start3A_1012 : memref<125xi32, #tpu.memory_space<vmem>>) semaphore(%arg13 : memref<!tpu.dma_semaphore, #tpu.memory_space<semaphore_mem>>) {add = true}
    %dma_start3A_1015 = arith.constant 11 : i32
    %dma_start3A_1016 = arith.constant 0 : i32
    %dma_start3A_1017 = tpu.memref_slice %arg8[%dma_start3A_1015, %dma_start3A_1016] : memref<16x125xi32, #tpu.memory_space<vmem>> -> memref<1x125xi32, #tpu.memory_space<vmem>>
    %dma_start3A_1018 = tpu.memref_squeeze %dma_start3A_1017 : memref<1x125xi32, #tpu.memory_space<vmem>> -> memref<125xi32, #tpu.memory_space<vmem>>
    %dma_start3A_1019 = arith.constant 0 : i32
    %dma_start3A_1020 = tpu.memref_slice %arg7[%dma_start3A_1019] : memref<1048576xf32, #tpu.memory_space<vmem_shared>> -> memref<1048576xf32, #tpu.memory_space<vmem_shared>>
    tpu.enqueue_indirect_dma source(%arg9 : memref<125xf32, #tpu.memory_space<vmem>>) target(%dma_start3A_1020 : memref<1048576xf32, #tpu.memory_space<vmem_shared>>) offsets(%dma_start3A_1018 : memref<125xi32, #tpu.memory_space<vmem>>) semaphore(%arg13 : memref<!tpu.dma_semaphore, #tpu.memory_space<semaphore_mem>>) {add = true}
    %dma_start3A_1021 = arith.constant 12 : i32
    %dma_start3A_1022 = arith.constant 0 : i32
    %dma_start3A_1023 = tpu.memref_slice %arg8[%dma_start3A_1021, %dma_start3A_1022] : memref<16x125xi32, #tpu.memory_space<vmem>> -> memref<1x125xi32, #tpu.memory_space<vmem>>
    %dma_start3A_1024 = tpu.memref_squeeze %dma_start3A_1023 : memref<1x125xi32, #tpu.memory_space<vmem>> -> memref<125xi32, #tpu.memory_space<vmem>>
    %dma_start3A_1025 = arith.constant 0 : i32
    %dma_start3A_1026 = tpu.memref_slice %arg7[%dma_start3A_1025] : memref<1048576xf32, #tpu.memory_space<vmem_shared>> -> memref<1048576xf32, #tpu.memory_space<vmem_shared>>
    tpu.enqueue_indirect_dma source(%arg9 : memref<125xf32, #tpu.memory_space<vmem>>) target(%dma_start3A_1026 : memref<1048576xf32, #tpu.memory_space<vmem_shared>>) offsets(%dma_start3A_1024 : memref<125xi32, #tpu.memory_space<vmem>>) semaphore(%arg13 : memref<!tpu.dma_semaphore, #tpu.memory_space<semaphore_mem>>) {add = true}
    %dma_start3A_1027 = arith.constant 13 : i32
    %dma_start3A_1028 = arith.constant 0 : i32
    %dma_start3A_1029 = tpu.memref_slice %arg8[%dma_start3A_1027, %dma_start3A_1028] : memref<16x125xi32, #tpu.memory_space<vmem>> -> memref<1x125xi32, #tpu.memory_space<vmem>>
    %dma_start3A_1030 = tpu.memref_squeeze %dma_start3A_1029 : memref<1x125xi32, #tpu.memory_space<vmem>> -> memref<125xi32, #tpu.memory_space<vmem>>
    %dma_start3A_1031 = arith.constant 0 : i32
    %dma_start3A_1032 = tpu.memref_slice %arg7[%dma_start3A_1031] : memref<1048576xf32, #tpu.memory_space<vmem_shared>> -> memref<1048576xf32, #tpu.memory_space<vmem_shared>>
    tpu.enqueue_indirect_dma source(%arg9 : memref<125xf32, #tpu.memory_space<vmem>>) target(%dma_start3A_1032 : memref<1048576xf32, #tpu.memory_space<vmem_shared>>) offsets(%dma_start3A_1030 : memref<125xi32, #tpu.memory_space<vmem>>) semaphore(%arg13 : memref<!tpu.dma_semaphore, #tpu.memory_space<semaphore_mem>>) {add = true}
    %dma_start3A_1033 = arith.constant 14 : i32
    %dma_start3A_1034 = arith.constant 0 : i32
    %dma_start3A_1035 = tpu.memref_slice %arg8[%dma_start3A_1033, %dma_start3A_1034] : memref<16x125xi32, #tpu.memory_space<vmem>> -> memref<1x125xi32, #tpu.memory_space<vmem>>
    %dma_start3A_1036 = tpu.memref_squeeze %dma_start3A_1035 : memref<1x125xi32, #tpu.memory_space<vmem>> -> memref<125xi32, #tpu.memory_space<vmem>>
    %dma_start3A_1037 = arith.constant 0 : i32
    %dma_start3A_1038 = tpu.memref_slice %arg7[%dma_start3A_1037] : memref<1048576xf32, #tpu.memory_space<vmem_shared>> -> memref<1048576xf32, #tpu.memory_space<vmem_shared>>
    tpu.enqueue_indirect_dma source(%arg9 : memref<125xf32, #tpu.memory_space<vmem>>) target(%dma_start3A_1038 : memref<1048576xf32, #tpu.memory_space<vmem_shared>>) offsets(%dma_start3A_1036 : memref<125xi32, #tpu.memory_space<vmem>>) semaphore(%arg13 : memref<!tpu.dma_semaphore, #tpu.memory_space<semaphore_mem>>) {add = true}
    %dma_start3A_1039 = arith.constant 15 : i32
    %dma_start3A_1040 = arith.constant 0 : i32
    %dma_start3A_1041 = tpu.memref_slice %arg8[%dma_start3A_1039, %dma_start3A_1040] : memref<16x125xi32, #tpu.memory_space<vmem>> -> memref<1x125xi32, #tpu.memory_space<vmem>>
    %dma_start3A_1042 = tpu.memref_squeeze %dma_start3A_1041 : memref<1x125xi32, #tpu.memory_space<vmem>> -> memref<125xi32, #tpu.memory_space<vmem>>
    %dma_start3A_1043 = arith.constant 0 : i32
    %dma_start3A_1044 = tpu.memref_slice %arg7[%dma_start3A_1043] : memref<1048576xf32, #tpu.memory_space<vmem_shared>> -> memref<1048576xf32, #tpu.memory_space<vmem_shared>>
    tpu.enqueue_indirect_dma source(%arg9 : memref<125xf32, #tpu.memory_space<vmem>>) target(%dma_start3A_1044 : memref<1048576xf32, #tpu.memory_space<vmem_shared>>) offsets(%dma_start3A_1042 : memref<125xi32, #tpu.memory_space<vmem>>) semaphore(%arg13 : memref<!tpu.dma_semaphore, #tpu.memory_space<semaphore_mem>>) {add = true}
    %dma_wait3A_1045 = arith.constant 0 : i32
    %dma_wait3A_1046 = arith.constant 0 : i32
    %dma_wait3A_1047 = tpu.memref_slice %arg8[%dma_wait3A_1045, %dma_wait3A_1046] : memref<16x125xi32, #tpu.memory_space<vmem>> -> memref<1x125xi32, #tpu.memory_space<vmem>>
    %dma_wait3A_1048 = tpu.memref_squeeze %dma_wait3A_1047 : memref<1x125xi32, #tpu.memory_space<vmem>> -> memref<125xi32, #tpu.memory_space<vmem>>
    %dma_wait3A_1049 = arith.constant 0 : i32
    %dma_wait3A_1050 = tpu.memref_slice %arg7[%dma_wait3A_1049] : memref<1048576xf32, #tpu.memory_space<vmem_shared>> -> memref<1048576xf32, #tpu.memory_space<vmem_shared>>
    tpu.wait_indirect_dma semaphore(%arg13 : memref<!tpu.dma_semaphore, #tpu.memory_space<semaphore_mem>>) src(%arg9 : memref<125xf32, #tpu.memory_space<vmem>>) dst(%dma_wait3A_1050 : memref<1048576xf32, #tpu.memory_space<vmem_shared>>)
    %dma_wait3A_1051 = arith.constant 1 : i32
    %dma_wait3A_1052 = arith.constant 0 : i32
    %dma_wait3A_1053 = tpu.memref_slice %arg8[%dma_wait3A_1051, %dma_wait3A_1052] : memref<16x125xi32, #tpu.memory_space<vmem>> -> memref<1x125xi32, #tpu.memory_space<vmem>>
    %dma_wait3A_1054 = tpu.memref_squeeze %dma_wait3A_1053 : memref<1x125xi32, #tpu.memory_space<vmem>> -> memref<125xi32, #tpu.memory_space<vmem>>
    %dma_wait3A_1055 = arith.constant 0 : i32
    %dma_wait3A_1056 = tpu.memref_slice %arg7[%dma_wait3A_1055] : memref<1048576xf32, #tpu.memory_space<vmem_shared>> -> memref<1048576xf32, #tpu.memory_space<vmem_shared>>
    tpu.wait_indirect_dma semaphore(%arg13 : memref<!tpu.dma_semaphore, #tpu.memory_space<semaphore_mem>>) src(%arg9 : memref<125xf32, #tpu.memory_space<vmem>>) dst(%dma_wait3A_1056 : memref<1048576xf32, #tpu.memory_space<vmem_shared>>)
    %dma_wait3A_1057 = arith.constant 2 : i32
    %dma_wait3A_1058 = arith.constant 0 : i32
    %dma_wait3A_1059 = tpu.memref_slice %arg8[%dma_wait3A_1057, %dma_wait3A_1058] : memref<16x125xi32, #tpu.memory_space<vmem>> -> memref<1x125xi32, #tpu.memory_space<vmem>>
    %dma_wait3A_1060 = tpu.memref_squeeze %dma_wait3A_1059 : memref<1x125xi32, #tpu.memory_space<vmem>> -> memref<125xi32, #tpu.memory_space<vmem>>
    %dma_wait3A_1061 = arith.constant 0 : i32
    %dma_wait3A_1062 = tpu.memref_slice %arg7[%dma_wait3A_1061] : memref<1048576xf32, #tpu.memory_space<vmem_shared>> -> memref<1048576xf32, #tpu.memory_space<vmem_shared>>
    tpu.wait_indirect_dma semaphore(%arg13 : memref<!tpu.dma_semaphore, #tpu.memory_space<semaphore_mem>>) src(%arg9 : memref<125xf32, #tpu.memory_space<vmem>>) dst(%dma_wait3A_1062 : memref<1048576xf32, #tpu.memory_space<vmem_shared>>)
    %dma_wait3A_1063 = arith.constant 3 : i32
    %dma_wait3A_1064 = arith.constant 0 : i32
    %dma_wait3A_1065 = tpu.memref_slice %arg8[%dma_wait3A_1063, %dma_wait3A_1064] : memref<16x125xi32, #tpu.memory_space<vmem>> -> memref<1x125xi32, #tpu.memory_space<vmem>>
    %dma_wait3A_1066 = tpu.memref_squeeze %dma_wait3A_1065 : memref<1x125xi32, #tpu.memory_space<vmem>> -> memref<125xi32, #tpu.memory_space<vmem>>
    %dma_wait3A_1067 = arith.constant 0 : i32
    %dma_wait3A_1068 = tpu.memref_slice %arg7[%dma_wait3A_1067] : memref<1048576xf32, #tpu.memory_space<vmem_shared>> -> memref<1048576xf32, #tpu.memory_space<vmem_shared>>
    tpu.wait_indirect_dma semaphore(%arg13 : memref<!tpu.dma_semaphore, #tpu.memory_space<semaphore_mem>>) src(%arg9 : memref<125xf32, #tpu.memory_space<vmem>>) dst(%dma_wait3A_1068 : memref<1048576xf32, #tpu.memory_space<vmem_shared>>)
    %dma_wait3A_1069 = arith.constant 4 : i32
    %dma_wait3A_1070 = arith.constant 0 : i32
    %dma_wait3A_1071 = tpu.memref_slice %arg8[%dma_wait3A_1069, %dma_wait3A_1070] : memref<16x125xi32, #tpu.memory_space<vmem>> -> memref<1x125xi32, #tpu.memory_space<vmem>>
    %dma_wait3A_1072 = tpu.memref_squeeze %dma_wait3A_1071 : memref<1x125xi32, #tpu.memory_space<vmem>> -> memref<125xi32, #tpu.memory_space<vmem>>
    %dma_wait3A_1073 = arith.constant 0 : i32
    %dma_wait3A_1074 = tpu.memref_slice %arg7[%dma_wait3A_1073] : memref<1048576xf32, #tpu.memory_space<vmem_shared>> -> memref<1048576xf32, #tpu.memory_space<vmem_shared>>
    tpu.wait_indirect_dma semaphore(%arg13 : memref<!tpu.dma_semaphore, #tpu.memory_space<semaphore_mem>>) src(%arg9 : memref<125xf32, #tpu.memory_space<vmem>>) dst(%dma_wait3A_1074 : memref<1048576xf32, #tpu.memory_space<vmem_shared>>)
    %dma_wait3A_1075 = arith.constant 5 : i32
    %dma_wait3A_1076 = arith.constant 0 : i32
    %dma_wait3A_1077 = tpu.memref_slice %arg8[%dma_wait3A_1075, %dma_wait3A_1076] : memref<16x125xi32, #tpu.memory_space<vmem>> -> memref<1x125xi32, #tpu.memory_space<vmem>>
    %dma_wait3A_1078 = tpu.memref_squeeze %dma_wait3A_1077 : memref<1x125xi32, #tpu.memory_space<vmem>> -> memref<125xi32, #tpu.memory_space<vmem>>
    %dma_wait3A_1079 = arith.constant 0 : i32
    %dma_wait3A_1080 = tpu.memref_slice %arg7[%dma_wait3A_1079] : memref<1048576xf32, #tpu.memory_space<vmem_shared>> -> memref<1048576xf32, #tpu.memory_space<vmem_shared>>
    tpu.wait_indirect_dma semaphore(%arg13 : memref<!tpu.dma_semaphore, #tpu.memory_space<semaphore_mem>>) src(%arg9 : memref<125xf32, #tpu.memory_space<vmem>>) dst(%dma_wait3A_1080 : memref<1048576xf32, #tpu.memory_space<vmem_shared>>)
    %dma_wait3A_1081 = arith.constant 6 : i32
    %dma_wait3A_1082 = arith.constant 0 : i32
    %dma_wait3A_1083 = tpu.memref_slice %arg8[%dma_wait3A_1081, %dma_wait3A_1082] : memref<16x125xi32, #tpu.memory_space<vmem>> -> memref<1x125xi32, #tpu.memory_space<vmem>>
    %dma_wait3A_1084 = tpu.memref_squeeze %dma_wait3A_1083 : memref<1x125xi32, #tpu.memory_space<vmem>> -> memref<125xi32, #tpu.memory_space<vmem>>
    %dma_wait3A_1085 = arith.constant 0 : i32
    %dma_wait3A_1086 = tpu.memref_slice %arg7[%dma_wait3A_1085] : memref<1048576xf32, #tpu.memory_space<vmem_shared>> -> memref<1048576xf32, #tpu.memory_space<vmem_shared>>
    tpu.wait_indirect_dma semaphore(%arg13 : memref<!tpu.dma_semaphore, #tpu.memory_space<semaphore_mem>>) src(%arg9 : memref<125xf32, #tpu.memory_space<vmem>>) dst(%dma_wait3A_1086 : memref<1048576xf32, #tpu.memory_space<vmem_shared>>)
    %dma_wait3A_1087 = arith.constant 7 : i32
    %dma_wait3A_1088 = arith.constant 0 : i32
    %dma_wait3A_1089 = tpu.memref_slice %arg8[%dma_wait3A_1087, %dma_wait3A_1088] : memref<16x125xi32, #tpu.memory_space<vmem>> -> memref<1x125xi32, #tpu.memory_space<vmem>>
    %dma_wait3A_1090 = tpu.memref_squeeze %dma_wait3A_1089 : memref<1x125xi32, #tpu.memory_space<vmem>> -> memref<125xi32, #tpu.memory_space<vmem>>
    %dma_wait3A_1091 = arith.constant 0 : i32
    %dma_wait3A_1092 = tpu.memref_slice %arg7[%dma_wait3A_1091] : memref<1048576xf32, #tpu.memory_space<vmem_shared>> -> memref<1048576xf32, #tpu.memory_space<vmem_shared>>
    tpu.wait_indirect_dma semaphore(%arg13 : memref<!tpu.dma_semaphore, #tpu.memory_space<semaphore_mem>>) src(%arg9 : memref<125xf32, #tpu.memory_space<vmem>>) dst(%dma_wait3A_1092 : memref<1048576xf32, #tpu.memory_space<vmem_shared>>)
    %dma_wait3A_1093 = arith.constant 8 : i32
    %dma_wait3A_1094 = arith.constant 0 : i32
    %dma_wait3A_1095 = tpu.memref_slice %arg8[%dma_wait3A_1093, %dma_wait3A_1094] : memref<16x125xi32, #tpu.memory_space<vmem>> -> memref<1x125xi32, #tpu.memory_space<vmem>>
    %dma_wait3A_1096 = tpu.memref_squeeze %dma_wait3A_1095 : memref<1x125xi32, #tpu.memory_space<vmem>> -> memref<125xi32, #tpu.memory_space<vmem>>
    %dma_wait3A_1097 = arith.constant 0 : i32
    %dma_wait3A_1098 = tpu.memref_slice %arg7[%dma_wait3A_1097] : memref<1048576xf32, #tpu.memory_space<vmem_shared>> -> memref<1048576xf32, #tpu.memory_space<vmem_shared>>
    tpu.wait_indirect_dma semaphore(%arg13 : memref<!tpu.dma_semaphore, #tpu.memory_space<semaphore_mem>>) src(%arg9 : memref<125xf32, #tpu.memory_space<vmem>>) dst(%dma_wait3A_1098 : memref<1048576xf32, #tpu.memory_space<vmem_shared>>)
    %dma_wait3A_1099 = arith.constant 9 : i32
    %dma_wait3A_1100 = arith.constant 0 : i32
    %dma_wait3A_1101 = tpu.memref_slice %arg8[%dma_wait3A_1099, %dma_wait3A_1100] : memref<16x125xi32, #tpu.memory_space<vmem>> -> memref<1x125xi32, #tpu.memory_space<vmem>>
    %dma_wait3A_1102 = tpu.memref_squeeze %dma_wait3A_1101 : memref<1x125xi32, #tpu.memory_space<vmem>> -> memref<125xi32, #tpu.memory_space<vmem>>
    %dma_wait3A_1103 = arith.constant 0 : i32
    %dma_wait3A_1104 = tpu.memref_slice %arg7[%dma_wait3A_1103] : memref<1048576xf32, #tpu.memory_space<vmem_shared>> -> memref<1048576xf32, #tpu.memory_space<vmem_shared>>
    tpu.wait_indirect_dma semaphore(%arg13 : memref<!tpu.dma_semaphore, #tpu.memory_space<semaphore_mem>>) src(%arg9 : memref<125xf32, #tpu.memory_space<vmem>>) dst(%dma_wait3A_1104 : memref<1048576xf32, #tpu.memory_space<vmem_shared>>)
    %dma_wait3A_1105 = arith.constant 10 : i32
    %dma_wait3A_1106 = arith.constant 0 : i32
    %dma_wait3A_1107 = tpu.memref_slice %arg8[%dma_wait3A_1105, %dma_wait3A_1106] : memref<16x125xi32, #tpu.memory_space<vmem>> -> memref<1x125xi32, #tpu.memory_space<vmem>>
    %dma_wait3A_1108 = tpu.memref_squeeze %dma_wait3A_1107 : memref<1x125xi32, #tpu.memory_space<vmem>> -> memref<125xi32, #tpu.memory_space<vmem>>
    %dma_wait3A_1109 = arith.constant 0 : i32
    %dma_wait3A_1110 = tpu.memref_slice %arg7[%dma_wait3A_1109] : memref<1048576xf32, #tpu.memory_space<vmem_shared>> -> memref<1048576xf32, #tpu.memory_space<vmem_shared>>
    tpu.wait_indirect_dma semaphore(%arg13 : memref<!tpu.dma_semaphore, #tpu.memory_space<semaphore_mem>>) src(%arg9 : memref<125xf32, #tpu.memory_space<vmem>>) dst(%dma_wait3A_1110 : memref<1048576xf32, #tpu.memory_space<vmem_shared>>)
    %dma_wait3A_1111 = arith.constant 11 : i32
    %dma_wait3A_1112 = arith.constant 0 : i32
    %dma_wait3A_1113 = tpu.memref_slice %arg8[%dma_wait3A_1111, %dma_wait3A_1112] : memref<16x125xi32, #tpu.memory_space<vmem>> -> memref<1x125xi32, #tpu.memory_space<vmem>>
    %dma_wait3A_1114 = tpu.memref_squeeze %dma_wait3A_1113 : memref<1x125xi32, #tpu.memory_space<vmem>> -> memref<125xi32, #tpu.memory_space<vmem>>
    %dma_wait3A_1115 = arith.constant 0 : i32
    %dma_wait3A_1116 = tpu.memref_slice %arg7[%dma_wait3A_1115] : memref<1048576xf32, #tpu.memory_space<vmem_shared>> -> memref<1048576xf32, #tpu.memory_space<vmem_shared>>
    tpu.wait_indirect_dma semaphore(%arg13 : memref<!tpu.dma_semaphore, #tpu.memory_space<semaphore_mem>>) src(%arg9 : memref<125xf32, #tpu.memory_space<vmem>>) dst(%dma_wait3A_1116 : memref<1048576xf32, #tpu.memory_space<vmem_shared>>)
    %dma_wait3A_1117 = arith.constant 12 : i32
    %dma_wait3A_1118 = arith.constant 0 : i32
    %dma_wait3A_1119 = tpu.memref_slice %arg8[%dma_wait3A_1117, %dma_wait3A_1118] : memref<16x125xi32, #tpu.memory_space<vmem>> -> memref<1x125xi32, #tpu.memory_space<vmem>>
    %dma_wait3A_1120 = tpu.memref_squeeze %dma_wait3A_1119 : memref<1x125xi32, #tpu.memory_space<vmem>> -> memref<125xi32, #tpu.memory_space<vmem>>
    %dma_wait3A_1121 = arith.constant 0 : i32
    %dma_wait3A_1122 = tpu.memref_slice %arg7[%dma_wait3A_1121] : memref<1048576xf32, #tpu.memory_space<vmem_shared>> -> memref<1048576xf32, #tpu.memory_space<vmem_shared>>
    tpu.wait_indirect_dma semaphore(%arg13 : memref<!tpu.dma_semaphore, #tpu.memory_space<semaphore_mem>>) src(%arg9 : memref<125xf32, #tpu.memory_space<vmem>>) dst(%dma_wait3A_1122 : memref<1048576xf32, #tpu.memory_space<vmem_shared>>)
    %dma_wait3A_1123 = arith.constant 13 : i32
    %dma_wait3A_1124 = arith.constant 0 : i32
    %dma_wait3A_1125 = tpu.memref_slice %arg8[%dma_wait3A_1123, %dma_wait3A_1124] : memref<16x125xi32, #tpu.memory_space<vmem>> -> memref<1x125xi32, #tpu.memory_space<vmem>>
    %dma_wait3A_1126 = tpu.memref_squeeze %dma_wait3A_1125 : memref<1x125xi32, #tpu.memory_space<vmem>> -> memref<125xi32, #tpu.memory_space<vmem>>
    %dma_wait3A_1127 = arith.constant 0 : i32
    %dma_wait3A_1128 = tpu.memref_slice %arg7[%dma_wait3A_1127] : memref<1048576xf32, #tpu.memory_space<vmem_shared>> -> memref<1048576xf32, #tpu.memory_space<vmem_shared>>
    tpu.wait_indirect_dma semaphore(%arg13 : memref<!tpu.dma_semaphore, #tpu.memory_space<semaphore_mem>>) src(%arg9 : memref<125xf32, #tpu.memory_space<vmem>>) dst(%dma_wait3A_1128 : memref<1048576xf32, #tpu.memory_space<vmem_shared>>)
    %dma_wait3A_1129 = arith.constant 14 : i32
    %dma_wait3A_1130 = arith.constant 0 : i32
    %dma_wait3A_1131 = tpu.memref_slice %arg8[%dma_wait3A_1129, %dma_wait3A_1130] : memref<16x125xi32, #tpu.memory_space<vmem>> -> memref<1x125xi32, #tpu.memory_space<vmem>>
    %dma_wait3A_1132 = tpu.memref_squeeze %dma_wait3A_1131 : memref<1x125xi32, #tpu.memory_space<vmem>> -> memref<125xi32, #tpu.memory_space<vmem>>
    %dma_wait3A_1133 = arith.constant 0 : i32
    %dma_wait3A_1134 = tpu.memref_slice %arg7[%dma_wait3A_1133] : memref<1048576xf32, #tpu.memory_space<vmem_shared>> -> memref<1048576xf32, #tpu.memory_space<vmem_shared>>
    tpu.wait_indirect_dma semaphore(%arg13 : memref<!tpu.dma_semaphore, #tpu.memory_space<semaphore_mem>>) src(%arg9 : memref<125xf32, #tpu.memory_space<vmem>>) dst(%dma_wait3A_1134 : memref<1048576xf32, #tpu.memory_space<vmem_shared>>)
    %dma_wait3A_1135 = arith.constant 15 : i32
    %dma_wait3A_1136 = arith.constant 0 : i32
    %dma_wait3A_1137 = tpu.memref_slice %arg8[%dma_wait3A_1135, %dma_wait3A_1136] : memref<16x125xi32, #tpu.memory_space<vmem>> -> memref<1x125xi32, #tpu.memory_space<vmem>>
    %dma_wait3A_1138 = tpu.memref_squeeze %dma_wait3A_1137 : memref<1x125xi32, #tpu.memory_space<vmem>> -> memref<125xi32, #tpu.memory_space<vmem>>
    %dma_wait3A_1139 = arith.constant 0 : i32
    %dma_wait3A_1140 = tpu.memref_slice %arg7[%dma_wait3A_1139] : memref<1048576xf32, #tpu.memory_space<vmem_shared>> -> memref<1048576xf32, #tpu.memory_space<vmem_shared>>
    tpu.wait_indirect_dma semaphore(%arg13 : memref<!tpu.dma_semaphore, #tpu.memory_space<semaphore_mem>>) src(%arg9 : memref<125xf32, #tpu.memory_space<vmem>>) dst(%dma_wait3A_1140 : memref<1048576xf32, #tpu.memory_space<vmem_shared>>)
    %barrier3A_1141 = arith.constant 0 : index
    tpu.barrier barrier_id(%barrier3A_1141)
    %add3A_1142 = arith.constant 0 : i32
    %add3A_1143 = arith.addi %add3A_1142, %arg1 : i32
    %scan3A_1144 = arith.constant 0 : i32
    %scan3A_1145 = arith.constant 0 : i32
    %scan3A_1146 = arith.constant 16 : i32
    %scan3A_1147 = arith.addi %scan3A_1145, %scan3A_1146 : i32
    %scan3A_1148 = arith.constant 1 : i32
    scf.for %scan3A_1557 = %scan3A_1145 to %scan3A_1147 step %scan3A_1148  : i32 {
      %mul3A_1558 = arith.constant 16384 : i32
      %mul3A_1559 = arith.muli %add3A_1143, %mul3A_1558 : i32
      %mul3A_1560 = arith.constant 1024 : i32
      %mul3A_1561 = arith.muli %scan3A_1557, %mul3A_1560 : i32
      %add3A_1562 = arith.addi %mul3A_1559, %mul3A_1561 : i32
      %dma_start3A_1563 = arith.constant 0 : i32
      %dma_start3A_1564 = tpu.memref_slice %arg11[%scan3A_1557, %dma_start3A_1563] : memref<16x1024xf32, #tpu.memory_space<vmem>> -> memref<1x1024xf32, #tpu.memory_space<vmem>>
      %dma_start3A_1565 = tpu.memref_squeeze %dma_start3A_1564 : memref<1x1024xf32, #tpu.memory_space<vmem>> -> memref<1024xf32, #tpu.memory_space<vmem>>
      %dma_start3A_1566 = tpu.memref_slice %arg7[%add3A_1562] : memref<1048576xf32, #tpu.memory_space<vmem_shared>> -> memref<1024xf32, #tpu.memory_space<vmem_shared>>
      %dma_start3A_1567 = arith.constant 0 : i32
      %dma_start3A_1568 = tpu.memref_slice %arg11[%scan3A_1557, %dma_start3A_1567] : memref<16x1024xf32, #tpu.memory_space<vmem>> -> memref<1x1024xf32, #tpu.memory_space<vmem>>
      %dma_start3A_1569 = tpu.memref_squeeze %dma_start3A_1568 : memref<1x1024xf32, #tpu.memory_space<vmem>> -> memref<1024xf32, #tpu.memory_space<vmem>>
      %dma_start3A_1570 = tpu.memref_slice %arg7[%add3A_1562] : memref<1048576xf32, #tpu.memory_space<vmem_shared>> -> memref<1024xf32, #tpu.memory_space<vmem_shared>>
      tpu.enqueue_dma source(%dma_start3A_1570 : memref<1024xf32, #tpu.memory_space<vmem_shared>>) target(%dma_start3A_1569 : memref<1024xf32, #tpu.memory_space<vmem>>) target_semaphore(%arg14 : memref<!tpu.dma_semaphore, #tpu.memory_space<semaphore_mem>>)
    }
    %scan3A_1149 = arith.constant 16 : i32
    tpu.wait_dma2 semaphore(%arg14 : memref<!tpu.dma_semaphore, #tpu.memory_space<semaphore_mem>>) src(%arg4 : memref<16x1024xf32, #tpu.memory_space<hbm>>) dst(%arg11 : memref<16x1024xf32, #tpu.memory_space<vmem>>)
    %mul3A_1150 = arith.constant 1024 : i32
    %mul3A_1151 = arith.muli %add3A_948, %mul3A_1150 : i32
    %mul3A_1152 = arith.constant 16 : i32
    %mul3A_1153 = arith.muli %add3A_1143, %mul3A_1152 : i32
    %add3A_1154 = arith.addi %mul3A_1151, %mul3A_1153 : i32
    %dma_start3A_1155 = arith.constant 0 : i32
    %dma_start3A_1156 = tpu.memref_slice %arg6[%add3A_1154, %dma_start3A_1155] : memref<10240x1024xf32, #tpu.memory_space<hbm>> -> memref<16x1024xf32, #tpu.memory_space<hbm>>
    %dma_start3A_1157 = arith.constant 0 : i32
    %dma_start3A_1158 = tpu.memref_slice %arg6[%add3A_1154, %dma_start3A_1157] : memref<10240x1024xf32, #tpu.memory_space<hbm>> -> memref<16x1024xf32, #tpu.memory_space<hbm>>
    tpu.enqueue_dma source(%arg11 : memref<16x1024xf32, #tpu.memory_space<vmem>>) target(%dma_start3A_1158 : memref<16x1024xf32, #tpu.memory_space<hbm>>) target_semaphore(%arg15 : memref<!tpu.dma_semaphore, #tpu.memory_space<semaphore_mem>>)
    %mul3A_1159 = arith.constant 16384 : i32
    %mul3A_1160 = arith.muli %add3A_1143, %mul3A_1159 : i32
    %dma_start3A_1161 = tpu.memref_slice %arg7[%mul3A_1160] : memref<1048576xf32, #tpu.memory_space<vmem_shared>> -> memref<16384xf32, #tpu.memory_space<vmem_shared>>
    %dma_start3A_1162 = tpu.memref_slice %arg7[%mul3A_1160] : memref<1048576xf32, #tpu.memory_space<vmem_shared>> -> memref<16384xf32, #tpu.memory_space<vmem_shared>>
    tpu.enqueue_dma source(%arg10 : memref<16384xf32, #tpu.memory_space<vmem>>) target(%dma_start3A_1162 : memref<16384xf32, #tpu.memory_space<vmem_shared>>) target_semaphore(%arg16 : memref<!tpu.dma_semaphore, #tpu.memory_space<semaphore_mem>>)
    %add3A_1163 = arith.constant 16 : i32
    %add3A_1164 = arith.addi %add3A_1163, %arg1 : i32
    %scan3A_1165 = arith.constant 0 : i32
    %scan3A_1166 = arith.constant 0 : i32
    %scan3A_1167 = arith.constant 16 : i32
    %scan3A_1168 = arith.addi %scan3A_1166, %scan3A_1167 : i32
    %scan3A_1169 = arith.constant 1 : i32
    scf.for %scan3A_1557 = %scan3A_1166 to %scan3A_1168 step %scan3A_1169  : i32 {
      %mul3A_1558 = arith.constant 16384 : i32
      %mul3A_1559 = arith.muli %add3A_1164, %mul3A_1558 : i32
      %mul3A_1560 = arith.constant 1024 : i32
      %mul3A_1561 = arith.muli %scan3A_1557, %mul3A_1560 : i32
      %add3A_1562 = arith.addi %mul3A_1559, %mul3A_1561 : i32
      %dma_start3A_1563 = arith.constant 0 : i32
      %dma_start3A_1564 = tpu.memref_slice %arg12[%scan3A_1557, %dma_start3A_1563] : memref<16x1024xf32, #tpu.memory_space<vmem>> -> memref<1x1024xf32, #tpu.memory_space<vmem>>
      %dma_start3A_1565 = tpu.memref_squeeze %dma_start3A_1564 : memref<1x1024xf32, #tpu.memory_space<vmem>> -> memref<1024xf32, #tpu.memory_space<vmem>>
      %dma_start3A_1566 = tpu.memref_slice %arg7[%add3A_1562] : memref<1048576xf32, #tpu.memory_space<vmem_shared>> -> memref<1024xf32, #tpu.memory_space<vmem_shared>>
      %dma_start3A_1567 = arith.constant 0 : i32
      %dma_start3A_1568 = tpu.memref_slice %arg12[%scan3A_1557, %dma_start3A_1567] : memref<16x1024xf32, #tpu.memory_space<vmem>> -> memref<1x1024xf32, #tpu.memory_space<vmem>>
      %dma_start3A_1569 = tpu.memref_squeeze %dma_start3A_1568 : memref<1x1024xf32, #tpu.memory_space<vmem>> -> memref<1024xf32, #tpu.memory_space<vmem>>
      %dma_start3A_1570 = tpu.memref_slice %arg7[%add3A_1562] : memref<1048576xf32, #tpu.memory_space<vmem_shared>> -> memref<1024xf32, #tpu.memory_space<vmem_shared>>
      tpu.enqueue_dma source(%dma_start3A_1570 : memref<1024xf32, #tpu.memory_space<vmem_shared>>) target(%dma_start3A_1569 : memref<1024xf32, #tpu.memory_space<vmem>>) target_semaphore(%arg14 : memref<!tpu.dma_semaphore, #tpu.memory_space<semaphore_mem>>)
    }
    %scan3A_1170 = arith.constant 16 : i32
    tpu.wait_dma2 semaphore(%arg14 : memref<!tpu.dma_semaphore, #tpu.memory_space<semaphore_mem>>) src(%arg4 : memref<16x1024xf32, #tpu.memory_space<hbm>>) dst(%arg12 : memref<16x1024xf32, #tpu.memory_space<vmem>>)
    %mul3A_1171 = arith.constant 1024 : i32
    %mul3A_1172 = arith.muli %add3A_948, %mul3A_1171 : i32
    %mul3A_1173 = arith.constant 16 : i32
    %mul3A_1174 = arith.muli %add3A_1164, %mul3A_1173 : i32
    %add3A_1175 = arith.addi %mul3A_1172, %mul3A_1174 : i32
    %dma_start3A_1176 = arith.constant 0 : i32
    %dma_start3A_1177 = tpu.memref_slice %arg6[%add3A_1175, %dma_start3A_1176] : memref<10240x1024xf32, #tpu.memory_space<hbm>> -> memref<16x1024xf32, #tpu.memory_space<hbm>>
    %dma_start3A_1178 = arith.constant 0 : i32
    %dma_start3A_1179 = tpu.memref_slice %arg6[%add3A_1175, %dma_start3A_1178] : memref<10240x1024xf32, #tpu.memory_space<hbm>> -> memref<16x1024xf32, #tpu.memory_space<hbm>>
    tpu.enqueue_dma source(%arg12 : memref<16x1024xf32, #tpu.memory_space<vmem>>) target(%dma_start3A_1179 : memref<16x1024xf32, #tpu.memory_space<hbm>>) target_semaphore(%arg15 : memref<!tpu.dma_semaphore, #tpu.memory_space<semaphore_mem>>)
    %mul3A_1180 = arith.constant 16384 : i32
    %mul3A_1181 = arith.muli %add3A_1164, %mul3A_1180 : i32
    %dma_start3A_1182 = tpu.memref_slice %arg7[%mul3A_1181] : memref<1048576xf32, #tpu.memory_space<vmem_shared>> -> memref<16384xf32, #tpu.memory_space<vmem_shared>>
    %dma_start3A_1183 = tpu.memref_slice %arg7[%mul3A_1181] : memref<1048576xf32, #tpu.memory_space<vmem_shared>> -> memref<16384xf32, #tpu.memory_space<vmem_shared>>
    tpu.enqueue_dma source(%arg10 : memref<16384xf32, #tpu.memory_space<vmem>>) target(%dma_start3A_1183 : memref<16384xf32, #tpu.memory_space<vmem_shared>>) target_semaphore(%arg16 : memref<!tpu.dma_semaphore, #tpu.memory_space<semaphore_mem>>)
    %add3A_1184 = arith.constant 32 : i32
    %add3A_1185 = arith.addi %add3A_1184, %arg1 : i32
    %dma_wait3A_1186 = arith.constant 0 : i32
    %dma_wait3A_1187 = tpu.memref_slice %arg6[%add3A_1154, %dma_wait3A_1186] : memref<10240x1024xf32, #tpu.memory_space<hbm>> -> memref<16x1024xf32, #tpu.memory_space<hbm>>
    %dma_wait3A_1188 = arith.constant 0 : i32
    %dma_wait3A_1189 = tpu.memref_slice %arg6[%add3A_1154, %dma_wait3A_1188] : memref<10240x1024xf32, #tpu.memory_space<hbm>> -> memref<16x1024xf32, #tpu.memory_space<hbm>>
    tpu.wait_dma2 semaphore(%arg15 : memref<!tpu.dma_semaphore, #tpu.memory_space<semaphore_mem>>) src(%arg11 : memref<16x1024xf32, #tpu.memory_space<vmem>>) dst(%dma_wait3A_1189 : memref<16x1024xf32, #tpu.memory_space<hbm>>)
    %scan3A_1190 = arith.constant 0 : i32
    %scan3A_1191 = arith.constant 0 : i32
    %scan3A_1192 = arith.constant 16 : i32
    %scan3A_1193 = arith.addi %scan3A_1191, %scan3A_1192 : i32
    %scan3A_1194 = arith.constant 1 : i32
    scf.for %scan3A_1557 = %scan3A_1191 to %scan3A_1193 step %scan3A_1194  : i32 {
      %mul3A_1558 = arith.constant 16384 : i32
      %mul3A_1559 = arith.muli %add3A_1185, %mul3A_1558 : i32
      %mul3A_1560 = arith.constant 1024 : i32
      %mul3A_1561 = arith.muli %scan3A_1557, %mul3A_1560 : i32
      %add3A_1562 = arith.addi %mul3A_1559, %mul3A_1561 : i32
      %dma_start3A_1563 = arith.constant 0 : i32
      %dma_start3A_1564 = tpu.memref_slice %arg11[%scan3A_1557, %dma_start3A_1563] : memref<16x1024xf32, #tpu.memory_space<vmem>> -> memref<1x1024xf32, #tpu.memory_space<vmem>>
      %dma_start3A_1565 = tpu.memref_squeeze %dma_start3A_1564 : memref<1x1024xf32, #tpu.memory_space<vmem>> -> memref<1024xf32, #tpu.memory_space<vmem>>
      %dma_start3A_1566 = tpu.memref_slice %arg7[%add3A_1562] : memref<1048576xf32, #tpu.memory_space<vmem_shared>> -> memref<1024xf32, #tpu.memory_space<vmem_shared>>
      %dma_start3A_1567 = arith.constant 0 : i32
      %dma_start3A_1568 = tpu.memref_slice %arg11[%scan3A_1557, %dma_start3A_1567] : memref<16x1024xf32, #tpu.memory_space<vmem>> -> memref<1x1024xf32, #tpu.memory_space<vmem>>
      %dma_start3A_1569 = tpu.memref_squeeze %dma_start3A_1568 : memref<1x1024xf32, #tpu.memory_space<vmem>> -> memref<1024xf32, #tpu.memory_space<vmem>>
      %dma_start3A_1570 = tpu.memref_slice %arg7[%add3A_1562] : memref<1048576xf32, #tpu.memory_space<vmem_shared>> -> memref<1024xf32, #tpu.memory_space<vmem_shared>>
      tpu.enqueue_dma source(%dma_start3A_1570 : memref<1024xf32, #tpu.memory_space<vmem_shared>>) target(%dma_start3A_1569 : memref<1024xf32, #tpu.memory_space<vmem>>) target_semaphore(%arg14 : memref<!tpu.dma_semaphore, #tpu.memory_space<semaphore_mem>>)
    }
    %scan3A_1195 = arith.constant 16 : i32
    tpu.wait_dma2 semaphore(%arg14 : memref<!tpu.dma_semaphore, #tpu.memory_space<semaphore_mem>>) src(%arg4 : memref<16x1024xf32, #tpu.memory_space<hbm>>) dst(%arg11 : memref<16x1024xf32, #tpu.memory_space<vmem>>)
    %mul3A_1196 = arith.constant 1024 : i32
    %mul3A_1197 = arith.muli %add3A_948, %mul3A_1196 : i32
    %mul3A_1198 = arith.constant 16 : i32
    %mul3A_1199 = arith.muli %add3A_1185, %mul3A_1198 : i32
    %add3A_1200 = arith.addi %mul3A_1197, %mul3A_1199 : i32
    %dma_start3A_1201 = arith.constant 0 : i32
    %dma_start3A_1202 = tpu.memref_slice %arg6[%add3A_1200, %dma_start3A_1201] : memref<10240x1024xf32, #tpu.memory_space<hbm>> -> memref<16x1024xf32, #tpu.memory_space<hbm>>
    %dma_start3A_1203 = arith.constant 0 : i32
    %dma_start3A_1204 = tpu.memref_slice %arg6[%add3A_1200, %dma_start3A_1203] : memref<10240x1024xf32, #tpu.memory_space<hbm>> -> memref<16x1024xf32, #tpu.memory_space<hbm>>
    tpu.enqueue_dma source(%arg11 : memref<16x1024xf32, #tpu.memory_space<vmem>>) target(%dma_start3A_1204 : memref<16x1024xf32, #tpu.memory_space<hbm>>) target_semaphore(%arg15 : memref<!tpu.dma_semaphore, #tpu.memory_space<semaphore_mem>>)
    %mul3A_1205 = arith.constant 16384 : i32
    %mul3A_1206 = arith.muli %add3A_1185, %mul3A_1205 : i32
    %dma_start3A_1207 = tpu.memref_slice %arg7[%mul3A_1206] : memref<1048576xf32, #tpu.memory_space<vmem_shared>> -> memref<16384xf32, #tpu.memory_space<vmem_shared>>
    %dma_start3A_1208 = tpu.memref_slice %arg7[%mul3A_1206] : memref<1048576xf32, #tpu.memory_space<vmem_shared>> -> memref<16384xf32, #tpu.memory_space<vmem_shared>>
    tpu.enqueue_dma source(%arg10 : memref<16384xf32, #tpu.memory_space<vmem>>) target(%dma_start3A_1208 : memref<16384xf32, #tpu.memory_space<vmem_shared>>) target_semaphore(%arg16 : memref<!tpu.dma_semaphore, #tpu.memory_space<semaphore_mem>>)
    %add3A_1209 = arith.constant 48 : i32
    %add3A_1210 = arith.addi %add3A_1209, %arg1 : i32
    %dma_wait3A_1211 = arith.constant 0 : i32
    %dma_wait3A_1212 = tpu.memref_slice %arg6[%add3A_1175, %dma_wait3A_1211] : memref<10240x1024xf32, #tpu.memory_space<hbm>> -> memref<16x1024xf32, #tpu.memory_space<hbm>>
    %dma_wait3A_1213 = arith.constant 0 : i32
    %dma_wait3A_1214 = tpu.memref_slice %arg6[%add3A_1175, %dma_wait3A_1213] : memref<10240x1024xf32, #tpu.memory_space<hbm>> -> memref<16x1024xf32, #tpu.memory_space<hbm>>
    tpu.wait_dma2 semaphore(%arg15 : memref<!tpu.dma_semaphore, #tpu.memory_space<semaphore_mem>>) src(%arg12 : memref<16x1024xf32, #tpu.memory_space<vmem>>) dst(%dma_wait3A_1214 : memref<16x1024xf32, #tpu.memory_space<hbm>>)
    %scan3A_1215 = arith.constant 0 : i32
    %scan3A_1216 = arith.constant 0 : i32
    %scan3A_1217 = arith.constant 16 : i32
    %scan3A_1218 = arith.addi %scan3A_1216, %scan3A_1217 : i32
    %scan3A_1219 = arith.constant 1 : i32
    scf.for %scan3A_1557 = %scan3A_1216 to %scan3A_1218 step %scan3A_1219  : i32 {
      %mul3A_1558 = arith.constant 16384 : i32
      %mul3A_1559 = arith.muli %add3A_1210, %mul3A_1558 : i32
      %mul3A_1560 = arith.constant 1024 : i32
      %mul3A_1561 = arith.muli %scan3A_1557, %mul3A_1560 : i32
      %add3A_1562 = arith.addi %mul3A_1559, %mul3A_1561 : i32
      %dma_start3A_1563 = arith.constant 0 : i32
      %dma_start3A_1564 = tpu.memref_slice %arg12[%scan3A_1557, %dma_start3A_1563] : memref<16x1024xf32, #tpu.memory_space<vmem>> -> memref<1x1024xf32, #tpu.memory_space<vmem>>
      %dma_start3A_1565 = tpu.memref_squeeze %dma_start3A_1564 : memref<1x1024xf32, #tpu.memory_space<vmem>> -> memref<1024xf32, #tpu.memory_space<vmem>>
      %dma_start3A_1566 = tpu.memref_slice %arg7[%add3A_1562] : memref<1048576xf32, #tpu.memory_space<vmem_shared>> -> memref<1024xf32, #tpu.memory_space<vmem_shared>>
      %dma_start3A_1567 = arith.constant 0 : i32
      %dma_start3A_1568 = tpu.memref_slice %arg12[%scan3A_1557, %dma_start3A_1567] : memref<16x1024xf32, #tpu.memory_space<vmem>> -> memref<1x1024xf32, #tpu.memory_space<vmem>>
      %dma_start3A_1569 = tpu.memref_squeeze %dma_start3A_1568 : memref<1x1024xf32, #tpu.memory_space<vmem>> -> memref<1024xf32, #tpu.memory_space<vmem>>
      %dma_start3A_1570 = tpu.memref_slice %arg7[%add3A_1562] : memref<1048576xf32, #tpu.memory_space<vmem_shared>> -> memref<1024xf32, #tpu.memory_space<vmem_shared>>
      tpu.enqueue_dma source(%dma_start3A_1570 : memref<1024xf32, #tpu.memory_space<vmem_shared>>) target(%dma_start3A_1569 : memref<1024xf32, #tpu.memory_space<vmem>>) target_semaphore(%arg14 : memref<!tpu.dma_semaphore, #tpu.memory_space<semaphore_mem>>)
    }
    %scan3A_1220 = arith.constant 16 : i32
    tpu.wait_dma2 semaphore(%arg14 : memref<!tpu.dma_semaphore, #tpu.memory_space<semaphore_mem>>) src(%arg4 : memref<16x1024xf32, #tpu.memory_space<hbm>>) dst(%arg12 : memref<16x1024xf32, #tpu.memory_space<vmem>>)
    %mul3A_1221 = arith.constant 1024 : i32
    %mul3A_1222 = arith.muli %add3A_948, %mul3A_1221 : i32
    %mul3A_1223 = arith.constant 16 : i32
    %mul3A_1224 = arith.muli %add3A_1210, %mul3A_1223 : i32
    %add3A_1225 = arith.addi %mul3A_1222, %mul3A_1224 : i32
    %dma_start3A_1226 = arith.constant 0 : i32
    %dma_start3A_1227 = tpu.memref_slice %arg6[%add3A_1225, %dma_start3A_1226] : memref<10240x1024xf32, #tpu.memory_space<hbm>> -> memref<16x1024xf32, #tpu.memory_space<hbm>>
    %dma_start3A_1228 = arith.constant 0 : i32
    %dma_start3A_1229 = tpu.memref_slice %arg6[%add3A_1225, %dma_start3A_1228] : memref<10240x1024xf32, #tpu.memory_space<hbm>> -> memref<16x1024xf32, #tpu.memory_space<hbm>>
    tpu.enqueue_dma source(%arg12 : memref<16x1024xf32, #tpu.memory_space<vmem>>) target(%dma_start3A_1229 : memref<16x1024xf32, #tpu.memory_space<hbm>>) target_semaphore(%arg15 : memref<!tpu.dma_semaphore, #tpu.memory_space<semaphore_mem>>)
    %mul3A_1230 = arith.constant 16384 : i32
    %mul3A_1231 = arith.muli %add3A_1210, %mul3A_1230 : i32
    %dma_start3A_1232 = tpu.memref_slice %arg7[%mul3A_1231] : memref<1048576xf32, #tpu.memory_space<vmem_shared>> -> memref<16384xf32, #tpu.memory_space<vmem_shared>>
    %dma_start3A_1233 = tpu.memref_slice %arg7[%mul3A_1231] : memref<1048576xf32, #tpu.memory_space<vmem_shared>> -> memref<16384xf32, #tpu.memory_space<vmem_shared>>
    tpu.enqueue_dma source(%arg10 : memref<16384xf32, #tpu.memory_space<vmem>>) target(%dma_start3A_1233 : memref<16384xf32, #tpu.memory_space<vmem_shared>>) target_semaphore(%arg16 : memref<!tpu.dma_semaphore, #tpu.memory_space<semaphore_mem>>)
    %dma_wait3A_1234 = arith.constant 0 : i32
    %dma_wait3A_1235 = tpu.memref_slice %arg6[%add3A_1200, %dma_wait3A_1234] : memref<10240x1024xf32, #tpu.memory_space<hbm>> -> memref<16x1024xf32, #tpu.memory_space<hbm>>
    %dma_wait3A_1236 = arith.constant 0 : i32
    %dma_wait3A_1237 = tpu.memref_slice %arg6[%add3A_1200, %dma_wait3A_1236] : memref<10240x1024xf32, #tpu.memory_space<hbm>> -> memref<16x1024xf32, #tpu.memory_space<hbm>>
    tpu.wait_dma2 semaphore(%arg15 : memref<!tpu.dma_semaphore, #tpu.memory_space<semaphore_mem>>) src(%arg11 : memref<16x1024xf32, #tpu.memory_space<vmem>>) dst(%dma_wait3A_1237 : memref<16x1024xf32, #tpu.memory_space<hbm>>)
    %dma_wait3A_1238 = arith.constant 0 : i32
    %dma_wait3A_1239 = tpu.memref_slice %arg6[%add3A_1225, %dma_wait3A_1238] : memref<10240x1024xf32, #tpu.memory_space<hbm>> -> memref<16x1024xf32, #tpu.memory_space<hbm>>
    %dma_wait3A_1240 = arith.constant 0 : i32
    %dma_wait3A_1241 = tpu.memref_slice %arg6[%add3A_1225, %dma_wait3A_1240] : memref<10240x1024xf32, #tpu.memory_space<hbm>> -> memref<16x1024xf32, #tpu.memory_space<hbm>>
    tpu.wait_dma2 semaphore(%arg15 : memref<!tpu.dma_semaphore, #tpu.memory_space<semaphore_mem>>) src(%arg12 : memref<16x1024xf32, #tpu.memory_space<vmem>>) dst(%dma_wait3A_1241 : memref<16x1024xf32, #tpu.memory_space<hbm>>)
    %dma_wait3A_1242 = tpu.memref_slice %arg7[%mul3A_1160] : memref<1048576xf32, #tpu.memory_space<vmem_shared>> -> memref<16384xf32, #tpu.memory_space<vmem_shared>>
    %dma_wait3A_1243 = tpu.memref_slice %arg7[%mul3A_1160] : memref<1048576xf32, #tpu.memory_space<vmem_shared>> -> memref<16384xf32, #tpu.memory_space<vmem_shared>>
    tpu.wait_dma2 semaphore(%arg16 : memref<!tpu.dma_semaphore, #tpu.memory_space<semaphore_mem>>) src(%arg10 : memref<16384xf32, #tpu.memory_space<vmem>>) dst(%dma_wait3A_1243 : memref<16384xf32, #tpu.memory_space<vmem_shared>>)
    %dma_wait3A_1244 = tpu.memref_slice %arg7[%mul3A_1181] : memref<1048576xf32, #tpu.memory_space<vmem_shared>> -> memref<16384xf32, #tpu.memory_space<vmem_shared>>
    %dma_wait3A_1245 = tpu.memref_slice %arg7[%mul3A_1181] : memref<1048576xf32, #tpu.memory_space<vmem_shared>> -> memref<16384xf32, #tpu.memory_space<vmem_shared>>
    tpu.wait_dma2 semaphore(%arg16 : memref<!tpu.dma_semaphore, #tpu.memory_space<semaphore_mem>>) src(%arg10 : memref<16384xf32, #tpu.memory_space<vmem>>) dst(%dma_wait3A_1245 : memref<16384xf32, #tpu.memory_space<vmem_shared>>)
    %dma_wait3A_1246 = tpu.memref_slice %arg7[%mul3A_1206] : memref<1048576xf32, #tpu.memory_space<vmem_shared>> -> memref<16384xf32, #tpu.memory_space<vmem_shared>>
    %dma_wait3A_1247 = tpu.memref_slice %arg7[%mul3A_1206] : memref<1048576xf32, #tpu.memory_space<vmem_shared>> -> memref<16384xf32, #tpu.memory_space<vmem_shared>>
    tpu.wait_dma2 semaphore(%arg16 : memref<!tpu.dma_semaphore, #tpu.memory_space<semaphore_mem>>) src(%arg10 : memref<16384xf32, #tpu.memory_space<vmem>>) dst(%dma_wait3A_1247 : memref<16384xf32, #tpu.memory_space<vmem_shared>>)
    %dma_wait3A_1248 = tpu.memref_slice %arg7[%mul3A_1231] : memref<1048576xf32, #tpu.memory_space<vmem_shared>> -> memref<16384xf32, #tpu.memory_space<vmem_shared>>
    %dma_wait3A_1249 = tpu.memref_slice %arg7[%mul3A_1231] : memref<1048576xf32, #tpu.memory_space<vmem_shared>> -> memref<16384xf32, #tpu.memory_space<vmem_shared>>
    tpu.wait_dma2 semaphore(%arg16 : memref<!tpu.dma_semaphore, #tpu.memory_space<semaphore_mem>>) src(%arg10 : memref<16384xf32, #tpu.memory_space<vmem>>) dst(%dma_wait3A_1249 : memref<16384xf32, #tpu.memory_space<vmem_shared>>)
    %barrier3A_1250 = arith.constant 0 : index
    tpu.barrier barrier_id(%barrier3A_1250)
    %mul3A_1251 = arith.constant 5 : i32
    %mul3A_1252 = arith.muli %arg0, %mul3A_1251 : i32
    %add3A_1253 = arith.constant 4 : i32
    %add3A_1254 = arith.addi %mul3A_1252, %add3A_1253 : i32
    "tpu.region"() ({
      %run_scoped3A = tpu.sem_alloc : memref<!tpu.dma_semaphore, #tpu.memory_space<semaphore_mem>>
      %dma_start3A_1557 = arith.constant 0 : i32
      %dma_start3A_1558 = arith.constant 0 : i32
      %dma_start3A_1559 = tpu.memref_slice %arg2[%add3A_1254, %arg1, %dma_start3A_1557, %dma_start3A_1558] : memref<10x16x16x125xi32, #tpu.memory_space<hbm>> -> memref<1x1x16x125xi32, #tpu.memory_space<hbm>>
      %dma_start3A_1560 = tpu.memref_squeeze %dma_start3A_1559 : memref<1x1x16x125xi32, #tpu.memory_space<hbm>> -> memref<16x125xi32, #tpu.memory_space<hbm>>
      %dma_start3A_1561 = arith.constant 0 : i32
      %dma_start3A_1562 = arith.constant 0 : i32
      %dma_start3A_1563 = tpu.memref_slice %arg2[%add3A_1254, %arg1, %dma_start3A_1561, %dma_start3A_1562] : memref<10x16x16x125xi32, #tpu.memory_space<hbm>> -> memref<1x1x16x125xi32, #tpu.memory_space<hbm>>
      %dma_start3A_1564 = tpu.memref_squeeze %dma_start3A_1563 : memref<1x1x16x125xi32, #tpu.memory_space<hbm>> -> memref<16x125xi32, #tpu.memory_space<hbm>>
      tpu.enqueue_dma source(%dma_start3A_1564 : memref<16x125xi32, #tpu.memory_space<hbm>>) target(%arg8 : memref<16x125xi32, #tpu.memory_space<vmem>>) target_semaphore(%run_scoped3A : memref<!tpu.dma_semaphore, #tpu.memory_space<semaphore_mem>>)
      %dma_wait3A_1565 = arith.constant 0 : i32
      %dma_wait3A_1566 = arith.constant 0 : i32
      %dma_wait3A_1567 = tpu.memref_slice %arg2[%add3A_1254, %arg1, %dma_wait3A_1565, %dma_wait3A_1566] : memref<10x16x16x125xi32, #tpu.memory_space<hbm>> -> memref<1x1x16x125xi32, #tpu.memory_space<hbm>>
      %dma_wait3A_1568 = tpu.memref_squeeze %dma_wait3A_1567 : memref<1x1x16x125xi32, #tpu.memory_space<hbm>> -> memref<16x125xi32, #tpu.memory_space<hbm>>
      %dma_wait3A_1569 = arith.constant 0 : i32
      %dma_wait3A_1570 = arith.constant 0 : i32
      %dma_wait3A_1571 = tpu.memref_slice %arg2[%add3A_1254, %arg1, %dma_wait3A_1569, %dma_wait3A_1570] : memref<10x16x16x125xi32, #tpu.memory_space<hbm>> -> memref<1x1x16x125xi32, #tpu.memory_space<hbm>>
      %dma_wait3A_1572 = tpu.memref_squeeze %dma_wait3A_1571 : memref<1x1x16x125xi32, #tpu.memory_space<hbm>> -> memref<16x125xi32, #tpu.memory_space<hbm>>
      tpu.wait_dma2 semaphore(%run_scoped3A : memref<!tpu.dma_semaphore, #tpu.memory_space<semaphore_mem>>) src(%dma_wait3A_1572 : memref<16x125xi32, #tpu.memory_space<hbm>>) dst(%arg8 : memref<16x125xi32, #tpu.memory_space<vmem>>)
      tpu.yield
    }) : () -> ()
    %dma_start3A_1255 = arith.constant 0 : i32
    %dma_start3A_1256 = arith.constant 0 : i32
    %dma_start3A_1257 = tpu.memref_slice %arg8[%dma_start3A_1255, %dma_start3A_1256] : memref<16x125xi32, #tpu.memory_space<vmem>> -> memref<1x125xi32, #tpu.memory_space<vmem>>
    %dma_start3A_1258 = tpu.memref_squeeze %dma_start3A_1257 : memref<1x125xi32, #tpu.memory_space<vmem>> -> memref<125xi32, #tpu.memory_space<vmem>>
    %dma_start3A_1259 = arith.constant 0 : i32
    %dma_start3A_1260 = tpu.memref_slice %arg7[%dma_start3A_1259] : memref<1048576xf32, #tpu.memory_space<vmem_shared>> -> memref<1048576xf32, #tpu.memory_space<vmem_shared>>
    tpu.enqueue_indirect_dma source(%arg9 : memref<125xf32, #tpu.memory_space<vmem>>) target(%dma_start3A_1260 : memref<1048576xf32, #tpu.memory_space<vmem_shared>>) offsets(%dma_start3A_1258 : memref<125xi32, #tpu.memory_space<vmem>>) semaphore(%arg13 : memref<!tpu.dma_semaphore, #tpu.memory_space<semaphore_mem>>) {add = true}
    %dma_start3A_1261 = arith.constant 1 : i32
    %dma_start3A_1262 = arith.constant 0 : i32
    %dma_start3A_1263 = tpu.memref_slice %arg8[%dma_start3A_1261, %dma_start3A_1262] : memref<16x125xi32, #tpu.memory_space<vmem>> -> memref<1x125xi32, #tpu.memory_space<vmem>>
    %dma_start3A_1264 = tpu.memref_squeeze %dma_start3A_1263 : memref<1x125xi32, #tpu.memory_space<vmem>> -> memref<125xi32, #tpu.memory_space<vmem>>
    %dma_start3A_1265 = arith.constant 0 : i32
    %dma_start3A_1266 = tpu.memref_slice %arg7[%dma_start3A_1265] : memref<1048576xf32, #tpu.memory_space<vmem_shared>> -> memref<1048576xf32, #tpu.memory_space<vmem_shared>>
    tpu.enqueue_indirect_dma source(%arg9 : memref<125xf32, #tpu.memory_space<vmem>>) target(%dma_start3A_1266 : memref<1048576xf32, #tpu.memory_space<vmem_shared>>) offsets(%dma_start3A_1264 : memref<125xi32, #tpu.memory_space<vmem>>) semaphore(%arg13 : memref<!tpu.dma_semaphore, #tpu.memory_space<semaphore_mem>>) {add = true}
    %dma_start3A_1267 = arith.constant 2 : i32
    %dma_start3A_1268 = arith.constant 0 : i32
    %dma_start3A_1269 = tpu.memref_slice %arg8[%dma_start3A_1267, %dma_start3A_1268] : memref<16x125xi32, #tpu.memory_space<vmem>> -> memref<1x125xi32, #tpu.memory_space<vmem>>
    %dma_start3A_1270 = tpu.memref_squeeze %dma_start3A_1269 : memref<1x125xi32, #tpu.memory_space<vmem>> -> memref<125xi32, #tpu.memory_space<vmem>>
    %dma_start3A_1271 = arith.constant 0 : i32
    %dma_start3A_1272 = tpu.memref_slice %arg7[%dma_start3A_1271] : memref<1048576xf32, #tpu.memory_space<vmem_shared>> -> memref<1048576xf32, #tpu.memory_space<vmem_shared>>
    tpu.enqueue_indirect_dma source(%arg9 : memref<125xf32, #tpu.memory_space<vmem>>) target(%dma_start3A_1272 : memref<1048576xf32, #tpu.memory_space<vmem_shared>>) offsets(%dma_start3A_1270 : memref<125xi32, #tpu.memory_space<vmem>>) semaphore(%arg13 : memref<!tpu.dma_semaphore, #tpu.memory_space<semaphore_mem>>) {add = true}
    %dma_start3A_1273 = arith.constant 3 : i32
    %dma_start3A_1274 = arith.constant 0 : i32
    %dma_start3A_1275 = tpu.memref_slice %arg8[%dma_start3A_1273, %dma_start3A_1274] : memref<16x125xi32, #tpu.memory_space<vmem>> -> memref<1x125xi32, #tpu.memory_space<vmem>>
    %dma_start3A_1276 = tpu.memref_squeeze %dma_start3A_1275 : memref<1x125xi32, #tpu.memory_space<vmem>> -> memref<125xi32, #tpu.memory_space<vmem>>
    %dma_start3A_1277 = arith.constant 0 : i32
    %dma_start3A_1278 = tpu.memref_slice %arg7[%dma_start3A_1277] : memref<1048576xf32, #tpu.memory_space<vmem_shared>> -> memref<1048576xf32, #tpu.memory_space<vmem_shared>>
    tpu.enqueue_indirect_dma source(%arg9 : memref<125xf32, #tpu.memory_space<vmem>>) target(%dma_start3A_1278 : memref<1048576xf32, #tpu.memory_space<vmem_shared>>) offsets(%dma_start3A_1276 : memref<125xi32, #tpu.memory_space<vmem>>) semaphore(%arg13 : memref<!tpu.dma_semaphore, #tpu.memory_space<semaphore_mem>>) {add = true}
    %dma_start3A_1279 = arith.constant 4 : i32
    %dma_start3A_1280 = arith.constant 0 : i32
    %dma_start3A_1281 = tpu.memref_slice %arg8[%dma_start3A_1279, %dma_start3A_1280] : memref<16x125xi32, #tpu.memory_space<vmem>> -> memref<1x125xi32, #tpu.memory_space<vmem>>
    %dma_start3A_1282 = tpu.memref_squeeze %dma_start3A_1281 : memref<1x125xi32, #tpu.memory_space<vmem>> -> memref<125xi32, #tpu.memory_space<vmem>>
    %dma_start3A_1283 = arith.constant 0 : i32
    %dma_start3A_1284 = tpu.memref_slice %arg7[%dma_start3A_1283] : memref<1048576xf32, #tpu.memory_space<vmem_shared>> -> memref<1048576xf32, #tpu.memory_space<vmem_shared>>
    tpu.enqueue_indirect_dma source(%arg9 : memref<125xf32, #tpu.memory_space<vmem>>) target(%dma_start3A_1284 : memref<1048576xf32, #tpu.memory_space<vmem_shared>>) offsets(%dma_start3A_1282 : memref<125xi32, #tpu.memory_space<vmem>>) semaphore(%arg13 : memref<!tpu.dma_semaphore, #tpu.memory_space<semaphore_mem>>) {add = true}
    %dma_start3A_1285 = arith.constant 5 : i32
    %dma_start3A_1286 = arith.constant 0 : i32
    %dma_start3A_1287 = tpu.memref_slice %arg8[%dma_start3A_1285, %dma_start3A_1286] : memref<16x125xi32, #tpu.memory_space<vmem>> -> memref<1x125xi32, #tpu.memory_space<vmem>>
    %dma_start3A_1288 = tpu.memref_squeeze %dma_start3A_1287 : memref<1x125xi32, #tpu.memory_space<vmem>> -> memref<125xi32, #tpu.memory_space<vmem>>
    %dma_start3A_1289 = arith.constant 0 : i32
    %dma_start3A_1290 = tpu.memref_slice %arg7[%dma_start3A_1289] : memref<1048576xf32, #tpu.memory_space<vmem_shared>> -> memref<1048576xf32, #tpu.memory_space<vmem_shared>>
    tpu.enqueue_indirect_dma source(%arg9 : memref<125xf32, #tpu.memory_space<vmem>>) target(%dma_start3A_1290 : memref<1048576xf32, #tpu.memory_space<vmem_shared>>) offsets(%dma_start3A_1288 : memref<125xi32, #tpu.memory_space<vmem>>) semaphore(%arg13 : memref<!tpu.dma_semaphore, #tpu.memory_space<semaphore_mem>>) {add = true}
    %dma_start3A_1291 = arith.constant 6 : i32
    %dma_start3A_1292 = arith.constant 0 : i32
    %dma_start3A_1293 = tpu.memref_slice %arg8[%dma_start3A_1291, %dma_start3A_1292] : memref<16x125xi32, #tpu.memory_space<vmem>> -> memref<1x125xi32, #tpu.memory_space<vmem>>
    %dma_start3A_1294 = tpu.memref_squeeze %dma_start3A_1293 : memref<1x125xi32, #tpu.memory_space<vmem>> -> memref<125xi32, #tpu.memory_space<vmem>>
    %dma_start3A_1295 = arith.constant 0 : i32
    %dma_start3A_1296 = tpu.memref_slice %arg7[%dma_start3A_1295] : memref<1048576xf32, #tpu.memory_space<vmem_shared>> -> memref<1048576xf32, #tpu.memory_space<vmem_shared>>
    tpu.enqueue_indirect_dma source(%arg9 : memref<125xf32, #tpu.memory_space<vmem>>) target(%dma_start3A_1296 : memref<1048576xf32, #tpu.memory_space<vmem_shared>>) offsets(%dma_start3A_1294 : memref<125xi32, #tpu.memory_space<vmem>>) semaphore(%arg13 : memref<!tpu.dma_semaphore, #tpu.memory_space<semaphore_mem>>) {add = true}
    %dma_start3A_1297 = arith.constant 7 : i32
    %dma_start3A_1298 = arith.constant 0 : i32
    %dma_start3A_1299 = tpu.memref_slice %arg8[%dma_start3A_1297, %dma_start3A_1298] : memref<16x125xi32, #tpu.memory_space<vmem>> -> memref<1x125xi32, #tpu.memory_space<vmem>>
    %dma_start3A_1300 = tpu.memref_squeeze %dma_start3A_1299 : memref<1x125xi32, #tpu.memory_space<vmem>> -> memref<125xi32, #tpu.memory_space<vmem>>
    %dma_start3A_1301 = arith.constant 0 : i32
    %dma_start3A_1302 = tpu.memref_slice %arg7[%dma_start3A_1301] : memref<1048576xf32, #tpu.memory_space<vmem_shared>> -> memref<1048576xf32, #tpu.memory_space<vmem_shared>>
    tpu.enqueue_indirect_dma source(%arg9 : memref<125xf32, #tpu.memory_space<vmem>>) target(%dma_start3A_1302 : memref<1048576xf32, #tpu.memory_space<vmem_shared>>) offsets(%dma_start3A_1300 : memref<125xi32, #tpu.memory_space<vmem>>) semaphore(%arg13 : memref<!tpu.dma_semaphore, #tpu.memory_space<semaphore_mem>>) {add = true}
    %dma_start3A_1303 = arith.constant 8 : i32
    %dma_start3A_1304 = arith.constant 0 : i32
    %dma_start3A_1305 = tpu.memref_slice %arg8[%dma_start3A_1303, %dma_start3A_1304] : memref<16x125xi32, #tpu.memory_space<vmem>> -> memref<1x125xi32, #tpu.memory_space<vmem>>
    %dma_start3A_1306 = tpu.memref_squeeze %dma_start3A_1305 : memref<1x125xi32, #tpu.memory_space<vmem>> -> memref<125xi32, #tpu.memory_space<vmem>>
    %dma_start3A_1307 = arith.constant 0 : i32
    %dma_start3A_1308 = tpu.memref_slice %arg7[%dma_start3A_1307] : memref<1048576xf32, #tpu.memory_space<vmem_shared>> -> memref<1048576xf32, #tpu.memory_space<vmem_shared>>
    tpu.enqueue_indirect_dma source(%arg9 : memref<125xf32, #tpu.memory_space<vmem>>) target(%dma_start3A_1308 : memref<1048576xf32, #tpu.memory_space<vmem_shared>>) offsets(%dma_start3A_1306 : memref<125xi32, #tpu.memory_space<vmem>>) semaphore(%arg13 : memref<!tpu.dma_semaphore, #tpu.memory_space<semaphore_mem>>) {add = true}
    %dma_start3A_1309 = arith.constant 9 : i32
    %dma_start3A_1310 = arith.constant 0 : i32
    %dma_start3A_1311 = tpu.memref_slice %arg8[%dma_start3A_1309, %dma_start3A_1310] : memref<16x125xi32, #tpu.memory_space<vmem>> -> memref<1x125xi32, #tpu.memory_space<vmem>>
    %dma_start3A_1312 = tpu.memref_squeeze %dma_start3A_1311 : memref<1x125xi32, #tpu.memory_space<vmem>> -> memref<125xi32, #tpu.memory_space<vmem>>
    %dma_start3A_1313 = arith.constant 0 : i32
    %dma_start3A_1314 = tpu.memref_slice %arg7[%dma_start3A_1313] : memref<1048576xf32, #tpu.memory_space<vmem_shared>> -> memref<1048576xf32, #tpu.memory_space<vmem_shared>>
    tpu.enqueue_indirect_dma source(%arg9 : memref<125xf32, #tpu.memory_space<vmem>>) target(%dma_start3A_1314 : memref<1048576xf32, #tpu.memory_space<vmem_shared>>) offsets(%dma_start3A_1312 : memref<125xi32, #tpu.memory_space<vmem>>) semaphore(%arg13 : memref<!tpu.dma_semaphore, #tpu.memory_space<semaphore_mem>>) {add = true}
    %dma_start3A_1315 = arith.constant 10 : i32
    %dma_start3A_1316 = arith.constant 0 : i32
    %dma_start3A_1317 = tpu.memref_slice %arg8[%dma_start3A_1315, %dma_start3A_1316] : memref<16x125xi32, #tpu.memory_space<vmem>> -> memref<1x125xi32, #tpu.memory_space<vmem>>
    %dma_start3A_1318 = tpu.memref_squeeze %dma_start3A_1317 : memref<1x125xi32, #tpu.memory_space<vmem>> -> memref<125xi32, #tpu.memory_space<vmem>>
    %dma_start3A_1319 = arith.constant 0 : i32
    %dma_start3A_1320 = tpu.memref_slice %arg7[%dma_start3A_1319] : memref<1048576xf32, #tpu.memory_space<vmem_shared>> -> memref<1048576xf32, #tpu.memory_space<vmem_shared>>
    tpu.enqueue_indirect_dma source(%arg9 : memref<125xf32, #tpu.memory_space<vmem>>) target(%dma_start3A_1320 : memref<1048576xf32, #tpu.memory_space<vmem_shared>>) offsets(%dma_start3A_1318 : memref<125xi32, #tpu.memory_space<vmem>>) semaphore(%arg13 : memref<!tpu.dma_semaphore, #tpu.memory_space<semaphore_mem>>) {add = true}
    %dma_start3A_1321 = arith.constant 11 : i32
    %dma_start3A_1322 = arith.constant 0 : i32
    %dma_start3A_1323 = tpu.memref_slice %arg8[%dma_start3A_1321, %dma_start3A_1322] : memref<16x125xi32, #tpu.memory_space<vmem>> -> memref<1x125xi32, #tpu.memory_space<vmem>>
    %dma_start3A_1324 = tpu.memref_squeeze %dma_start3A_1323 : memref<1x125xi32, #tpu.memory_space<vmem>> -> memref<125xi32, #tpu.memory_space<vmem>>
    %dma_start3A_1325 = arith.constant 0 : i32
    %dma_start3A_1326 = tpu.memref_slice %arg7[%dma_start3A_1325] : memref<1048576xf32, #tpu.memory_space<vmem_shared>> -> memref<1048576xf32, #tpu.memory_space<vmem_shared>>
    tpu.enqueue_indirect_dma source(%arg9 : memref<125xf32, #tpu.memory_space<vmem>>) target(%dma_start3A_1326 : memref<1048576xf32, #tpu.memory_space<vmem_shared>>) offsets(%dma_start3A_1324 : memref<125xi32, #tpu.memory_space<vmem>>) semaphore(%arg13 : memref<!tpu.dma_semaphore, #tpu.memory_space<semaphore_mem>>) {add = true}
    %dma_start3A_1327 = arith.constant 12 : i32
    %dma_start3A_1328 = arith.constant 0 : i32
    %dma_start3A_1329 = tpu.memref_slice %arg8[%dma_start3A_1327, %dma_start3A_1328] : memref<16x125xi32, #tpu.memory_space<vmem>> -> memref<1x125xi32, #tpu.memory_space<vmem>>
    %dma_start3A_1330 = tpu.memref_squeeze %dma_start3A_1329 : memref<1x125xi32, #tpu.memory_space<vmem>> -> memref<125xi32, #tpu.memory_space<vmem>>
    %dma_start3A_1331 = arith.constant 0 : i32
    %dma_start3A_1332 = tpu.memref_slice %arg7[%dma_start3A_1331] : memref<1048576xf32, #tpu.memory_space<vmem_shared>> -> memref<1048576xf32, #tpu.memory_space<vmem_shared>>
    tpu.enqueue_indirect_dma source(%arg9 : memref<125xf32, #tpu.memory_space<vmem>>) target(%dma_start3A_1332 : memref<1048576xf32, #tpu.memory_space<vmem_shared>>) offsets(%dma_start3A_1330 : memref<125xi32, #tpu.memory_space<vmem>>) semaphore(%arg13 : memref<!tpu.dma_semaphore, #tpu.memory_space<semaphore_mem>>) {add = true}
    %dma_start3A_1333 = arith.constant 13 : i32
    %dma_start3A_1334 = arith.constant 0 : i32
    %dma_start3A_1335 = tpu.memref_slice %arg8[%dma_start3A_1333, %dma_start3A_1334] : memref<16x125xi32, #tpu.memory_space<vmem>> -> memref<1x125xi32, #tpu.memory_space<vmem>>
    %dma_start3A_1336 = tpu.memref_squeeze %dma_start3A_1335 : memref<1x125xi32, #tpu.memory_space<vmem>> -> memref<125xi32, #tpu.memory_space<vmem>>
    %dma_start3A_1337 = arith.constant 0 : i32
    %dma_start3A_1338 = tpu.memref_slice %arg7[%dma_start3A_1337] : memref<1048576xf32, #tpu.memory_space<vmem_shared>> -> memref<1048576xf32, #tpu.memory_space<vmem_shared>>
    tpu.enqueue_indirect_dma source(%arg9 : memref<125xf32, #tpu.memory_space<vmem>>) target(%dma_start3A_1338 : memref<1048576xf32, #tpu.memory_space<vmem_shared>>) offsets(%dma_start3A_1336 : memref<125xi32, #tpu.memory_space<vmem>>) semaphore(%arg13 : memref<!tpu.dma_semaphore, #tpu.memory_space<semaphore_mem>>) {add = true}
    %dma_start3A_1339 = arith.constant 14 : i32
    %dma_start3A_1340 = arith.constant 0 : i32
    %dma_start3A_1341 = tpu.memref_slice %arg8[%dma_start3A_1339, %dma_start3A_1340] : memref<16x125xi32, #tpu.memory_space<vmem>> -> memref<1x125xi32, #tpu.memory_space<vmem>>
    %dma_start3A_1342 = tpu.memref_squeeze %dma_start3A_1341 : memref<1x125xi32, #tpu.memory_space<vmem>> -> memref<125xi32, #tpu.memory_space<vmem>>
    %dma_start3A_1343 = arith.constant 0 : i32
    %dma_start3A_1344 = tpu.memref_slice %arg7[%dma_start3A_1343] : memref<1048576xf32, #tpu.memory_space<vmem_shared>> -> memref<1048576xf32, #tpu.memory_space<vmem_shared>>
    tpu.enqueue_indirect_dma source(%arg9 : memref<125xf32, #tpu.memory_space<vmem>>) target(%dma_start3A_1344 : memref<1048576xf32, #tpu.memory_space<vmem_shared>>) offsets(%dma_start3A_1342 : memref<125xi32, #tpu.memory_space<vmem>>) semaphore(%arg13 : memref<!tpu.dma_semaphore, #tpu.memory_space<semaphore_mem>>) {add = true}
    %dma_start3A_1345 = arith.constant 15 : i32
    %dma_start3A_1346 = arith.constant 0 : i32
    %dma_start3A_1347 = tpu.memref_slice %arg8[%dma_start3A_1345, %dma_start3A_1346] : memref<16x125xi32, #tpu.memory_space<vmem>> -> memref<1x125xi32, #tpu.memory_space<vmem>>
    %dma_start3A_1348 = tpu.memref_squeeze %dma_start3A_1347 : memref<1x125xi32, #tpu.memory_space<vmem>> -> memref<125xi32, #tpu.memory_space<vmem>>
    %dma_start3A_1349 = arith.constant 0 : i32
    %dma_start3A_1350 = tpu.memref_slice %arg7[%dma_start3A_1349] : memref<1048576xf32, #tpu.memory_space<vmem_shared>> -> memref<1048576xf32, #tpu.memory_space<vmem_shared>>
    tpu.enqueue_indirect_dma source(%arg9 : memref<125xf32, #tpu.memory_space<vmem>>) target(%dma_start3A_1350 : memref<1048576xf32, #tpu.memory_space<vmem_shared>>) offsets(%dma_start3A_1348 : memref<125xi32, #tpu.memory_space<vmem>>) semaphore(%arg13 : memref<!tpu.dma_semaphore, #tpu.memory_space<semaphore_mem>>) {add = true}
    %dma_wait3A_1351 = arith.constant 0 : i32
    %dma_wait3A_1352 = arith.constant 0 : i32
    %dma_wait3A_1353 = tpu.memref_slice %arg8[%dma_wait3A_1351, %dma_wait3A_1352] : memref<16x125xi32, #tpu.memory_space<vmem>> -> memref<1x125xi32, #tpu.memory_space<vmem>>
    %dma_wait3A_1354 = tpu.memref_squeeze %dma_wait3A_1353 : memref<1x125xi32, #tpu.memory_space<vmem>> -> memref<125xi32, #tpu.memory_space<vmem>>
    %dma_wait3A_1355 = arith.constant 0 : i32
    %dma_wait3A_1356 = tpu.memref_slice %arg7[%dma_wait3A_1355] : memref<1048576xf32, #tpu.memory_space<vmem_shared>> -> memref<1048576xf32, #tpu.memory_space<vmem_shared>>
    tpu.wait_indirect_dma semaphore(%arg13 : memref<!tpu.dma_semaphore, #tpu.memory_space<semaphore_mem>>) src(%arg9 : memref<125xf32, #tpu.memory_space<vmem>>) dst(%dma_wait3A_1356 : memref<1048576xf32, #tpu.memory_space<vmem_shared>>)
    %dma_wait3A_1357 = arith.constant 1 : i32
    %dma_wait3A_1358 = arith.constant 0 : i32
    %dma_wait3A_1359 = tpu.memref_slice %arg8[%dma_wait3A_1357, %dma_wait3A_1358] : memref<16x125xi32, #tpu.memory_space<vmem>> -> memref<1x125xi32, #tpu.memory_space<vmem>>
    %dma_wait3A_1360 = tpu.memref_squeeze %dma_wait3A_1359 : memref<1x125xi32, #tpu.memory_space<vmem>> -> memref<125xi32, #tpu.memory_space<vmem>>
    %dma_wait3A_1361 = arith.constant 0 : i32
    %dma_wait3A_1362 = tpu.memref_slice %arg7[%dma_wait3A_1361] : memref<1048576xf32, #tpu.memory_space<vmem_shared>> -> memref<1048576xf32, #tpu.memory_space<vmem_shared>>
    tpu.wait_indirect_dma semaphore(%arg13 : memref<!tpu.dma_semaphore, #tpu.memory_space<semaphore_mem>>) src(%arg9 : memref<125xf32, #tpu.memory_space<vmem>>) dst(%dma_wait3A_1362 : memref<1048576xf32, #tpu.memory_space<vmem_shared>>)
    %dma_wait3A_1363 = arith.constant 2 : i32
    %dma_wait3A_1364 = arith.constant 0 : i32
    %dma_wait3A_1365 = tpu.memref_slice %arg8[%dma_wait3A_1363, %dma_wait3A_1364] : memref<16x125xi32, #tpu.memory_space<vmem>> -> memref<1x125xi32, #tpu.memory_space<vmem>>
    %dma_wait3A_1366 = tpu.memref_squeeze %dma_wait3A_1365 : memref<1x125xi32, #tpu.memory_space<vmem>> -> memref<125xi32, #tpu.memory_space<vmem>>
    %dma_wait3A_1367 = arith.constant 0 : i32
    %dma_wait3A_1368 = tpu.memref_slice %arg7[%dma_wait3A_1367] : memref<1048576xf32, #tpu.memory_space<vmem_shared>> -> memref<1048576xf32, #tpu.memory_space<vmem_shared>>
    tpu.wait_indirect_dma semaphore(%arg13 : memref<!tpu.dma_semaphore, #tpu.memory_space<semaphore_mem>>) src(%arg9 : memref<125xf32, #tpu.memory_space<vmem>>) dst(%dma_wait3A_1368 : memref<1048576xf32, #tpu.memory_space<vmem_shared>>)
    %dma_wait3A_1369 = arith.constant 3 : i32
    %dma_wait3A_1370 = arith.constant 0 : i32
    %dma_wait3A_1371 = tpu.memref_slice %arg8[%dma_wait3A_1369, %dma_wait3A_1370] : memref<16x125xi32, #tpu.memory_space<vmem>> -> memref<1x125xi32, #tpu.memory_space<vmem>>
    %dma_wait3A_1372 = tpu.memref_squeeze %dma_wait3A_1371 : memref<1x125xi32, #tpu.memory_space<vmem>> -> memref<125xi32, #tpu.memory_space<vmem>>
    %dma_wait3A_1373 = arith.constant 0 : i32
    %dma_wait3A_1374 = tpu.memref_slice %arg7[%dma_wait3A_1373] : memref<1048576xf32, #tpu.memory_space<vmem_shared>> -> memref<1048576xf32, #tpu.memory_space<vmem_shared>>
    tpu.wait_indirect_dma semaphore(%arg13 : memref<!tpu.dma_semaphore, #tpu.memory_space<semaphore_mem>>) src(%arg9 : memref<125xf32, #tpu.memory_space<vmem>>) dst(%dma_wait3A_1374 : memref<1048576xf32, #tpu.memory_space<vmem_shared>>)
    %dma_wait3A_1375 = arith.constant 4 : i32
    %dma_wait3A_1376 = arith.constant 0 : i32
    %dma_wait3A_1377 = tpu.memref_slice %arg8[%dma_wait3A_1375, %dma_wait3A_1376] : memref<16x125xi32, #tpu.memory_space<vmem>> -> memref<1x125xi32, #tpu.memory_space<vmem>>
    %dma_wait3A_1378 = tpu.memref_squeeze %dma_wait3A_1377 : memref<1x125xi32, #tpu.memory_space<vmem>> -> memref<125xi32, #tpu.memory_space<vmem>>
    %dma_wait3A_1379 = arith.constant 0 : i32
    %dma_wait3A_1380 = tpu.memref_slice %arg7[%dma_wait3A_1379] : memref<1048576xf32, #tpu.memory_space<vmem_shared>> -> memref<1048576xf32, #tpu.memory_space<vmem_shared>>
    tpu.wait_indirect_dma semaphore(%arg13 : memref<!tpu.dma_semaphore, #tpu.memory_space<semaphore_mem>>) src(%arg9 : memref<125xf32, #tpu.memory_space<vmem>>) dst(%dma_wait3A_1380 : memref<1048576xf32, #tpu.memory_space<vmem_shared>>)
    %dma_wait3A_1381 = arith.constant 5 : i32
    %dma_wait3A_1382 = arith.constant 0 : i32
    %dma_wait3A_1383 = tpu.memref_slice %arg8[%dma_wait3A_1381, %dma_wait3A_1382] : memref<16x125xi32, #tpu.memory_space<vmem>> -> memref<1x125xi32, #tpu.memory_space<vmem>>
    %dma_wait3A_1384 = tpu.memref_squeeze %dma_wait3A_1383 : memref<1x125xi32, #tpu.memory_space<vmem>> -> memref<125xi32, #tpu.memory_space<vmem>>
    %dma_wait3A_1385 = arith.constant 0 : i32
    %dma_wait3A_1386 = tpu.memref_slice %arg7[%dma_wait3A_1385] : memref<1048576xf32, #tpu.memory_space<vmem_shared>> -> memref<1048576xf32, #tpu.memory_space<vmem_shared>>
    tpu.wait_indirect_dma semaphore(%arg13 : memref<!tpu.dma_semaphore, #tpu.memory_space<semaphore_mem>>) src(%arg9 : memref<125xf32, #tpu.memory_space<vmem>>) dst(%dma_wait3A_1386 : memref<1048576xf32, #tpu.memory_space<vmem_shared>>)
    %dma_wait3A_1387 = arith.constant 6 : i32
    %dma_wait3A_1388 = arith.constant 0 : i32
    %dma_wait3A_1389 = tpu.memref_slice %arg8[%dma_wait3A_1387, %dma_wait3A_1388] : memref<16x125xi32, #tpu.memory_space<vmem>> -> memref<1x125xi32, #tpu.memory_space<vmem>>
    %dma_wait3A_1390 = tpu.memref_squeeze %dma_wait3A_1389 : memref<1x125xi32, #tpu.memory_space<vmem>> -> memref<125xi32, #tpu.memory_space<vmem>>
    %dma_wait3A_1391 = arith.constant 0 : i32
    %dma_wait3A_1392 = tpu.memref_slice %arg7[%dma_wait3A_1391] : memref<1048576xf32, #tpu.memory_space<vmem_shared>> -> memref<1048576xf32, #tpu.memory_space<vmem_shared>>
    tpu.wait_indirect_dma semaphore(%arg13 : memref<!tpu.dma_semaphore, #tpu.memory_space<semaphore_mem>>) src(%arg9 : memref<125xf32, #tpu.memory_space<vmem>>) dst(%dma_wait3A_1392 : memref<1048576xf32, #tpu.memory_space<vmem_shared>>)
    %dma_wait3A_1393 = arith.constant 7 : i32
    %dma_wait3A_1394 = arith.constant 0 : i32
    %dma_wait3A_1395 = tpu.memref_slice %arg8[%dma_wait3A_1393, %dma_wait3A_1394] : memref<16x125xi32, #tpu.memory_space<vmem>> -> memref<1x125xi32, #tpu.memory_space<vmem>>
    %dma_wait3A_1396 = tpu.memref_squeeze %dma_wait3A_1395 : memref<1x125xi32, #tpu.memory_space<vmem>> -> memref<125xi32, #tpu.memory_space<vmem>>
    %dma_wait3A_1397 = arith.constant 0 : i32
    %dma_wait3A_1398 = tpu.memref_slice %arg7[%dma_wait3A_1397] : memref<1048576xf32, #tpu.memory_space<vmem_shared>> -> memref<1048576xf32, #tpu.memory_space<vmem_shared>>
    tpu.wait_indirect_dma semaphore(%arg13 : memref<!tpu.dma_semaphore, #tpu.memory_space<semaphore_mem>>) src(%arg9 : memref<125xf32, #tpu.memory_space<vmem>>) dst(%dma_wait3A_1398 : memref<1048576xf32, #tpu.memory_space<vmem_shared>>)
    %dma_wait3A_1399 = arith.constant 8 : i32
    %dma_wait3A_1400 = arith.constant 0 : i32
    %dma_wait3A_1401 = tpu.memref_slice %arg8[%dma_wait3A_1399, %dma_wait3A_1400] : memref<16x125xi32, #tpu.memory_space<vmem>> -> memref<1x125xi32, #tpu.memory_space<vmem>>
    %dma_wait3A_1402 = tpu.memref_squeeze %dma_wait3A_1401 : memref<1x125xi32, #tpu.memory_space<vmem>> -> memref<125xi32, #tpu.memory_space<vmem>>
    %dma_wait3A_1403 = arith.constant 0 : i32
    %dma_wait3A_1404 = tpu.memref_slice %arg7[%dma_wait3A_1403] : memref<1048576xf32, #tpu.memory_space<vmem_shared>> -> memref<1048576xf32, #tpu.memory_space<vmem_shared>>
    tpu.wait_indirect_dma semaphore(%arg13 : memref<!tpu.dma_semaphore, #tpu.memory_space<semaphore_mem>>) src(%arg9 : memref<125xf32, #tpu.memory_space<vmem>>) dst(%dma_wait3A_1404 : memref<1048576xf32, #tpu.memory_space<vmem_shared>>)
    %dma_wait3A_1405 = arith.constant 9 : i32
    %dma_wait3A_1406 = arith.constant 0 : i32
    %dma_wait3A_1407 = tpu.memref_slice %arg8[%dma_wait3A_1405, %dma_wait3A_1406] : memref<16x125xi32, #tpu.memory_space<vmem>> -> memref<1x125xi32, #tpu.memory_space<vmem>>
    %dma_wait3A_1408 = tpu.memref_squeeze %dma_wait3A_1407 : memref<1x125xi32, #tpu.memory_space<vmem>> -> memref<125xi32, #tpu.memory_space<vmem>>
    %dma_wait3A_1409 = arith.constant 0 : i32
    %dma_wait3A_1410 = tpu.memref_slice %arg7[%dma_wait3A_1409] : memref<1048576xf32, #tpu.memory_space<vmem_shared>> -> memref<1048576xf32, #tpu.memory_space<vmem_shared>>
    tpu.wait_indirect_dma semaphore(%arg13 : memref<!tpu.dma_semaphore, #tpu.memory_space<semaphore_mem>>) src(%arg9 : memref<125xf32, #tpu.memory_space<vmem>>) dst(%dma_wait3A_1410 : memref<1048576xf32, #tpu.memory_space<vmem_shared>>)
    %dma_wait3A_1411 = arith.constant 10 : i32
    %dma_wait3A_1412 = arith.constant 0 : i32
    %dma_wait3A_1413 = tpu.memref_slice %arg8[%dma_wait3A_1411, %dma_wait3A_1412] : memref<16x125xi32, #tpu.memory_space<vmem>> -> memref<1x125xi32, #tpu.memory_space<vmem>>
    %dma_wait3A_1414 = tpu.memref_squeeze %dma_wait3A_1413 : memref<1x125xi32, #tpu.memory_space<vmem>> -> memref<125xi32, #tpu.memory_space<vmem>>
    %dma_wait3A_1415 = arith.constant 0 : i32
    %dma_wait3A_1416 = tpu.memref_slice %arg7[%dma_wait3A_1415] : memref<1048576xf32, #tpu.memory_space<vmem_shared>> -> memref<1048576xf32, #tpu.memory_space<vmem_shared>>
    tpu.wait_indirect_dma semaphore(%arg13 : memref<!tpu.dma_semaphore, #tpu.memory_space<semaphore_mem>>) src(%arg9 : memref<125xf32, #tpu.memory_space<vmem>>) dst(%dma_wait3A_1416 : memref<1048576xf32, #tpu.memory_space<vmem_shared>>)
    %dma_wait3A_1417 = arith.constant 11 : i32
    %dma_wait3A_1418 = arith.constant 0 : i32
    %dma_wait3A_1419 = tpu.memref_slice %arg8[%dma_wait3A_1417, %dma_wait3A_1418] : memref<16x125xi32, #tpu.memory_space<vmem>> -> memref<1x125xi32, #tpu.memory_space<vmem>>
    %dma_wait3A_1420 = tpu.memref_squeeze %dma_wait3A_1419 : memref<1x125xi32, #tpu.memory_space<vmem>> -> memref<125xi32, #tpu.memory_space<vmem>>
    %dma_wait3A_1421 = arith.constant 0 : i32
    %dma_wait3A_1422 = tpu.memref_slice %arg7[%dma_wait3A_1421] : memref<1048576xf32, #tpu.memory_space<vmem_shared>> -> memref<1048576xf32, #tpu.memory_space<vmem_shared>>
    tpu.wait_indirect_dma semaphore(%arg13 : memref<!tpu.dma_semaphore, #tpu.memory_space<semaphore_mem>>) src(%arg9 : memref<125xf32, #tpu.memory_space<vmem>>) dst(%dma_wait3A_1422 : memref<1048576xf32, #tpu.memory_space<vmem_shared>>)
    %dma_wait3A_1423 = arith.constant 12 : i32
    %dma_wait3A_1424 = arith.constant 0 : i32
    %dma_wait3A_1425 = tpu.memref_slice %arg8[%dma_wait3A_1423, %dma_wait3A_1424] : memref<16x125xi32, #tpu.memory_space<vmem>> -> memref<1x125xi32, #tpu.memory_space<vmem>>
    %dma_wait3A_1426 = tpu.memref_squeeze %dma_wait3A_1425 : memref<1x125xi32, #tpu.memory_space<vmem>> -> memref<125xi32, #tpu.memory_space<vmem>>
    %dma_wait3A_1427 = arith.constant 0 : i32
    %dma_wait3A_1428 = tpu.memref_slice %arg7[%dma_wait3A_1427] : memref<1048576xf32, #tpu.memory_space<vmem_shared>> -> memref<1048576xf32, #tpu.memory_space<vmem_shared>>
    tpu.wait_indirect_dma semaphore(%arg13 : memref<!tpu.dma_semaphore, #tpu.memory_space<semaphore_mem>>) src(%arg9 : memref<125xf32, #tpu.memory_space<vmem>>) dst(%dma_wait3A_1428 : memref<1048576xf32, #tpu.memory_space<vmem_shared>>)
    %dma_wait3A_1429 = arith.constant 13 : i32
    %dma_wait3A_1430 = arith.constant 0 : i32
    %dma_wait3A_1431 = tpu.memref_slice %arg8[%dma_wait3A_1429, %dma_wait3A_1430] : memref<16x125xi32, #tpu.memory_space<vmem>> -> memref<1x125xi32, #tpu.memory_space<vmem>>
    %dma_wait3A_1432 = tpu.memref_squeeze %dma_wait3A_1431 : memref<1x125xi32, #tpu.memory_space<vmem>> -> memref<125xi32, #tpu.memory_space<vmem>>
    %dma_wait3A_1433 = arith.constant 0 : i32
    %dma_wait3A_1434 = tpu.memref_slice %arg7[%dma_wait3A_1433] : memref<1048576xf32, #tpu.memory_space<vmem_shared>> -> memref<1048576xf32, #tpu.memory_space<vmem_shared>>
    tpu.wait_indirect_dma semaphore(%arg13 : memref<!tpu.dma_semaphore, #tpu.memory_space<semaphore_mem>>) src(%arg9 : memref<125xf32, #tpu.memory_space<vmem>>) dst(%dma_wait3A_1434 : memref<1048576xf32, #tpu.memory_space<vmem_shared>>)
    %dma_wait3A_1435 = arith.constant 14 : i32
    %dma_wait3A_1436 = arith.constant 0 : i32
    %dma_wait3A_1437 = tpu.memref_slice %arg8[%dma_wait3A_1435, %dma_wait3A_1436] : memref<16x125xi32, #tpu.memory_space<vmem>> -> memref<1x125xi32, #tpu.memory_space<vmem>>
    %dma_wait3A_1438 = tpu.memref_squeeze %dma_wait3A_1437 : memref<1x125xi32, #tpu.memory_space<vmem>> -> memref<125xi32, #tpu.memory_space<vmem>>
    %dma_wait3A_1439 = arith.constant 0 : i32
    %dma_wait3A_1440 = tpu.memref_slice %arg7[%dma_wait3A_1439] : memref<1048576xf32, #tpu.memory_space<vmem_shared>> -> memref<1048576xf32, #tpu.memory_space<vmem_shared>>
    tpu.wait_indirect_dma semaphore(%arg13 : memref<!tpu.dma_semaphore, #tpu.memory_space<semaphore_mem>>) src(%arg9 : memref<125xf32, #tpu.memory_space<vmem>>) dst(%dma_wait3A_1440 : memref<1048576xf32, #tpu.memory_space<vmem_shared>>)
    %dma_wait3A_1441 = arith.constant 15 : i32
    %dma_wait3A_1442 = arith.constant 0 : i32
    %dma_wait3A_1443 = tpu.memref_slice %arg8[%dma_wait3A_1441, %dma_wait3A_1442] : memref<16x125xi32, #tpu.memory_space<vmem>> -> memref<1x125xi32, #tpu.memory_space<vmem>>
    %dma_wait3A_1444 = tpu.memref_squeeze %dma_wait3A_1443 : memref<1x125xi32, #tpu.memory_space<vmem>> -> memref<125xi32, #tpu.memory_space<vmem>>
    %dma_wait3A_1445 = arith.constant 0 : i32
    %dma_wait3A_1446 = tpu.memref_slice %arg7[%dma_wait3A_1445] : memref<1048576xf32, #tpu.memory_space<vmem_shared>> -> memref<1048576xf32, #tpu.memory_space<vmem_shared>>
    tpu.wait_indirect_dma semaphore(%arg13 : memref<!tpu.dma_semaphore, #tpu.memory_space<semaphore_mem>>) src(%arg9 : memref<125xf32, #tpu.memory_space<vmem>>) dst(%dma_wait3A_1446 : memref<1048576xf32, #tpu.memory_space<vmem_shared>>)
    %barrier3A_1447 = arith.constant 0 : index
    tpu.barrier barrier_id(%barrier3A_1447)
    %add3A_1448 = arith.constant 0 : i32
    %add3A_1449 = arith.addi %add3A_1448, %arg1 : i32
    %scan3A_1450 = arith.constant 0 : i32
    %scan3A_1451 = arith.constant 0 : i32
    %scan3A_1452 = arith.constant 16 : i32
    %scan3A_1453 = arith.addi %scan3A_1451, %scan3A_1452 : i32
    %scan3A_1454 = arith.constant 1 : i32
    scf.for %scan3A_1557 = %scan3A_1451 to %scan3A_1453 step %scan3A_1454  : i32 {
      %mul3A_1558 = arith.constant 16384 : i32
      %mul3A_1559 = arith.muli %add3A_1449, %mul3A_1558 : i32
      %mul3A_1560 = arith.constant 1024 : i32
      %mul3A_1561 = arith.muli %scan3A_1557, %mul3A_1560 : i32
      %add3A_1562 = arith.addi %mul3A_1559, %mul3A_1561 : i32
      %dma_start3A_1563 = arith.constant 0 : i32
      %dma_start3A_1564 = tpu.memref_slice %arg11[%scan3A_1557, %dma_start3A_1563] : memref<16x1024xf32, #tpu.memory_space<vmem>> -> memref<1x1024xf32, #tpu.memory_space<vmem>>
      %dma_start3A_1565 = tpu.memref_squeeze %dma_start3A_1564 : memref<1x1024xf32, #tpu.memory_space<vmem>> -> memref<1024xf32, #tpu.memory_space<vmem>>
      %dma_start3A_1566 = tpu.memref_slice %arg7[%add3A_1562] : memref<1048576xf32, #tpu.memory_space<vmem_shared>> -> memref<1024xf32, #tpu.memory_space<vmem_shared>>
      %dma_start3A_1567 = arith.constant 0 : i32
      %dma_start3A_1568 = tpu.memref_slice %arg11[%scan3A_1557, %dma_start3A_1567] : memref<16x1024xf32, #tpu.memory_space<vmem>> -> memref<1x1024xf32, #tpu.memory_space<vmem>>
      %dma_start3A_1569 = tpu.memref_squeeze %dma_start3A_1568 : memref<1x1024xf32, #tpu.memory_space<vmem>> -> memref<1024xf32, #tpu.memory_space<vmem>>
      %dma_start3A_1570 = tpu.memref_slice %arg7[%add3A_1562] : memref<1048576xf32, #tpu.memory_space<vmem_shared>> -> memref<1024xf32, #tpu.memory_space<vmem_shared>>
      tpu.enqueue_dma source(%dma_start3A_1570 : memref<1024xf32, #tpu.memory_space<vmem_shared>>) target(%dma_start3A_1569 : memref<1024xf32, #tpu.memory_space<vmem>>) target_semaphore(%arg14 : memref<!tpu.dma_semaphore, #tpu.memory_space<semaphore_mem>>)
    }
    %scan3A_1455 = arith.constant 16 : i32
    tpu.wait_dma2 semaphore(%arg14 : memref<!tpu.dma_semaphore, #tpu.memory_space<semaphore_mem>>) src(%arg4 : memref<16x1024xf32, #tpu.memory_space<hbm>>) dst(%arg11 : memref<16x1024xf32, #tpu.memory_space<vmem>>)
    %mul3A_1456 = arith.constant 1024 : i32
    %mul3A_1457 = arith.muli %add3A_1254, %mul3A_1456 : i32
    %mul3A_1458 = arith.constant 16 : i32
    %mul3A_1459 = arith.muli %add3A_1449, %mul3A_1458 : i32
    %add3A_1460 = arith.addi %mul3A_1457, %mul3A_1459 : i32
    %dma_start3A_1461 = arith.constant 0 : i32
    %dma_start3A_1462 = tpu.memref_slice %arg6[%add3A_1460, %dma_start3A_1461] : memref<10240x1024xf32, #tpu.memory_space<hbm>> -> memref<16x1024xf32, #tpu.memory_space<hbm>>
    %dma_start3A_1463 = arith.constant 0 : i32
    %dma_start3A_1464 = tpu.memref_slice %arg6[%add3A_1460, %dma_start3A_1463] : memref<10240x1024xf32, #tpu.memory_space<hbm>> -> memref<16x1024xf32, #tpu.memory_space<hbm>>
    tpu.enqueue_dma source(%arg11 : memref<16x1024xf32, #tpu.memory_space<vmem>>) target(%dma_start3A_1464 : memref<16x1024xf32, #tpu.memory_space<hbm>>) target_semaphore(%arg15 : memref<!tpu.dma_semaphore, #tpu.memory_space<semaphore_mem>>)
    %mul3A_1465 = arith.constant 16384 : i32
    %mul3A_1466 = arith.muli %add3A_1449, %mul3A_1465 : i32
    %dma_start3A_1467 = tpu.memref_slice %arg7[%mul3A_1466] : memref<1048576xf32, #tpu.memory_space<vmem_shared>> -> memref<16384xf32, #tpu.memory_space<vmem_shared>>
    %dma_start3A_1468 = tpu.memref_slice %arg7[%mul3A_1466] : memref<1048576xf32, #tpu.memory_space<vmem_shared>> -> memref<16384xf32, #tpu.memory_space<vmem_shared>>
    tpu.enqueue_dma source(%arg10 : memref<16384xf32, #tpu.memory_space<vmem>>) target(%dma_start3A_1468 : memref<16384xf32, #tpu.memory_space<vmem_shared>>) target_semaphore(%arg16 : memref<!tpu.dma_semaphore, #tpu.memory_space<semaphore_mem>>)
    %add3A_1469 = arith.constant 16 : i32
    %add3A_1470 = arith.addi %add3A_1469, %arg1 : i32
    %scan3A_1471 = arith.constant 0 : i32
    %scan3A_1472 = arith.constant 0 : i32
    %scan3A_1473 = arith.constant 16 : i32
    %scan3A_1474 = arith.addi %scan3A_1472, %scan3A_1473 : i32
    %scan3A_1475 = arith.constant 1 : i32
    scf.for %scan3A_1557 = %scan3A_1472 to %scan3A_1474 step %scan3A_1475  : i32 {
      %mul3A_1558 = arith.constant 16384 : i32
      %mul3A_1559 = arith.muli %add3A_1470, %mul3A_1558 : i32
      %mul3A_1560 = arith.constant 1024 : i32
      %mul3A_1561 = arith.muli %scan3A_1557, %mul3A_1560 : i32
      %add3A_1562 = arith.addi %mul3A_1559, %mul3A_1561 : i32
      %dma_start3A_1563 = arith.constant 0 : i32
      %dma_start3A_1564 = tpu.memref_slice %arg12[%scan3A_1557, %dma_start3A_1563] : memref<16x1024xf32, #tpu.memory_space<vmem>> -> memref<1x1024xf32, #tpu.memory_space<vmem>>
      %dma_start3A_1565 = tpu.memref_squeeze %dma_start3A_1564 : memref<1x1024xf32, #tpu.memory_space<vmem>> -> memref<1024xf32, #tpu.memory_space<vmem>>
      %dma_start3A_1566 = tpu.memref_slice %arg7[%add3A_1562] : memref<1048576xf32, #tpu.memory_space<vmem_shared>> -> memref<1024xf32, #tpu.memory_space<vmem_shared>>
      %dma_start3A_1567 = arith.constant 0 : i32
      %dma_start3A_1568 = tpu.memref_slice %arg12[%scan3A_1557, %dma_start3A_1567] : memref<16x1024xf32, #tpu.memory_space<vmem>> -> memref<1x1024xf32, #tpu.memory_space<vmem>>
      %dma_start3A_1569 = tpu.memref_squeeze %dma_start3A_1568 : memref<1x1024xf32, #tpu.memory_space<vmem>> -> memref<1024xf32, #tpu.memory_space<vmem>>
      %dma_start3A_1570 = tpu.memref_slice %arg7[%add3A_1562] : memref<1048576xf32, #tpu.memory_space<vmem_shared>> -> memref<1024xf32, #tpu.memory_space<vmem_shared>>
      tpu.enqueue_dma source(%dma_start3A_1570 : memref<1024xf32, #tpu.memory_space<vmem_shared>>) target(%dma_start3A_1569 : memref<1024xf32, #tpu.memory_space<vmem>>) target_semaphore(%arg14 : memref<!tpu.dma_semaphore, #tpu.memory_space<semaphore_mem>>)
    }
    %scan3A_1476 = arith.constant 16 : i32
    tpu.wait_dma2 semaphore(%arg14 : memref<!tpu.dma_semaphore, #tpu.memory_space<semaphore_mem>>) src(%arg4 : memref<16x1024xf32, #tpu.memory_space<hbm>>) dst(%arg12 : memref<16x1024xf32, #tpu.memory_space<vmem>>)
    %mul3A_1477 = arith.constant 1024 : i32
    %mul3A_1478 = arith.muli %add3A_1254, %mul3A_1477 : i32
    %mul3A_1479 = arith.constant 16 : i32
    %mul3A_1480 = arith.muli %add3A_1470, %mul3A_1479 : i32
    %add3A_1481 = arith.addi %mul3A_1478, %mul3A_1480 : i32
    %dma_start3A_1482 = arith.constant 0 : i32
    %dma_start3A_1483 = tpu.memref_slice %arg6[%add3A_1481, %dma_start3A_1482] : memref<10240x1024xf32, #tpu.memory_space<hbm>> -> memref<16x1024xf32, #tpu.memory_space<hbm>>
    %dma_start3A_1484 = arith.constant 0 : i32
    %dma_start3A_1485 = tpu.memref_slice %arg6[%add3A_1481, %dma_start3A_1484] : memref<10240x1024xf32, #tpu.memory_space<hbm>> -> memref<16x1024xf32, #tpu.memory_space<hbm>>
    tpu.enqueue_dma source(%arg12 : memref<16x1024xf32, #tpu.memory_space<vmem>>) target(%dma_start3A_1485 : memref<16x1024xf32, #tpu.memory_space<hbm>>) target_semaphore(%arg15 : memref<!tpu.dma_semaphore, #tpu.memory_space<semaphore_mem>>)
    %mul3A_1486 = arith.constant 16384 : i32
    %mul3A_1487 = arith.muli %add3A_1470, %mul3A_1486 : i32
    %dma_start3A_1488 = tpu.memref_slice %arg7[%mul3A_1487] : memref<1048576xf32, #tpu.memory_space<vmem_shared>> -> memref<16384xf32, #tpu.memory_space<vmem_shared>>
    %dma_start3A_1489 = tpu.memref_slice %arg7[%mul3A_1487] : memref<1048576xf32, #tpu.memory_space<vmem_shared>> -> memref<16384xf32, #tpu.memory_space<vmem_shared>>
    tpu.enqueue_dma source(%arg10 : memref<16384xf32, #tpu.memory_space<vmem>>) target(%dma_start3A_1489 : memref<16384xf32, #tpu.memory_space<vmem_shared>>) target_semaphore(%arg16 : memref<!tpu.dma_semaphore, #tpu.memory_space<semaphore_mem>>)
    %add3A_1490 = arith.constant 32 : i32
    %add3A_1491 = arith.addi %add3A_1490, %arg1 : i32
    %dma_wait3A_1492 = arith.constant 0 : i32
    %dma_wait3A_1493 = tpu.memref_slice %arg6[%add3A_1460, %dma_wait3A_1492] : memref<10240x1024xf32, #tpu.memory_space<hbm>> -> memref<16x1024xf32, #tpu.memory_space<hbm>>
    %dma_wait3A_1494 = arith.constant 0 : i32
    %dma_wait3A_1495 = tpu.memref_slice %arg6[%add3A_1460, %dma_wait3A_1494] : memref<10240x1024xf32, #tpu.memory_space<hbm>> -> memref<16x1024xf32, #tpu.memory_space<hbm>>
    tpu.wait_dma2 semaphore(%arg15 : memref<!tpu.dma_semaphore, #tpu.memory_space<semaphore_mem>>) src(%arg11 : memref<16x1024xf32, #tpu.memory_space<vmem>>) dst(%dma_wait3A_1495 : memref<16x1024xf32, #tpu.memory_space<hbm>>)
    %scan3A_1496 = arith.constant 0 : i32
    %scan3A_1497 = arith.constant 0 : i32
    %scan3A_1498 = arith.constant 16 : i32
    %scan3A_1499 = arith.addi %scan3A_1497, %scan3A_1498 : i32
    %scan3A_1500 = arith.constant 1 : i32
    scf.for %scan3A_1557 = %scan3A_1497 to %scan3A_1499 step %scan3A_1500  : i32 {
      %mul3A_1558 = arith.constant 16384 : i32
      %mul3A_1559 = arith.muli %add3A_1491, %mul3A_1558 : i32
      %mul3A_1560 = arith.constant 1024 : i32
      %mul3A_1561 = arith.muli %scan3A_1557, %mul3A_1560 : i32
      %add3A_1562 = arith.addi %mul3A_1559, %mul3A_1561 : i32
      %dma_start3A_1563 = arith.constant 0 : i32
      %dma_start3A_1564 = tpu.memref_slice %arg11[%scan3A_1557, %dma_start3A_1563] : memref<16x1024xf32, #tpu.memory_space<vmem>> -> memref<1x1024xf32, #tpu.memory_space<vmem>>
      %dma_start3A_1565 = tpu.memref_squeeze %dma_start3A_1564 : memref<1x1024xf32, #tpu.memory_space<vmem>> -> memref<1024xf32, #tpu.memory_space<vmem>>
      %dma_start3A_1566 = tpu.memref_slice %arg7[%add3A_1562] : memref<1048576xf32, #tpu.memory_space<vmem_shared>> -> memref<1024xf32, #tpu.memory_space<vmem_shared>>
      %dma_start3A_1567 = arith.constant 0 : i32
      %dma_start3A_1568 = tpu.memref_slice %arg11[%scan3A_1557, %dma_start3A_1567] : memref<16x1024xf32, #tpu.memory_space<vmem>> -> memref<1x1024xf32, #tpu.memory_space<vmem>>
      %dma_start3A_1569 = tpu.memref_squeeze %dma_start3A_1568 : memref<1x1024xf32, #tpu.memory_space<vmem>> -> memref<1024xf32, #tpu.memory_space<vmem>>
      %dma_start3A_1570 = tpu.memref_slice %arg7[%add3A_1562] : memref<1048576xf32, #tpu.memory_space<vmem_shared>> -> memref<1024xf32, #tpu.memory_space<vmem_shared>>
      tpu.enqueue_dma source(%dma_start3A_1570 : memref<1024xf32, #tpu.memory_space<vmem_shared>>) target(%dma_start3A_1569 : memref<1024xf32, #tpu.memory_space<vmem>>) target_semaphore(%arg14 : memref<!tpu.dma_semaphore, #tpu.memory_space<semaphore_mem>>)
    }
    %scan3A_1501 = arith.constant 16 : i32
    tpu.wait_dma2 semaphore(%arg14 : memref<!tpu.dma_semaphore, #tpu.memory_space<semaphore_mem>>) src(%arg4 : memref<16x1024xf32, #tpu.memory_space<hbm>>) dst(%arg11 : memref<16x1024xf32, #tpu.memory_space<vmem>>)
    %mul3A_1502 = arith.constant 1024 : i32
    %mul3A_1503 = arith.muli %add3A_1254, %mul3A_1502 : i32
    %mul3A_1504 = arith.constant 16 : i32
    %mul3A_1505 = arith.muli %add3A_1491, %mul3A_1504 : i32
    %add3A_1506 = arith.addi %mul3A_1503, %mul3A_1505 : i32
    %dma_start3A_1507 = arith.constant 0 : i32
    %dma_start3A_1508 = tpu.memref_slice %arg6[%add3A_1506, %dma_start3A_1507] : memref<10240x1024xf32, #tpu.memory_space<hbm>> -> memref<16x1024xf32, #tpu.memory_space<hbm>>
    %dma_start3A_1509 = arith.constant 0 : i32
    %dma_start3A_1510 = tpu.memref_slice %arg6[%add3A_1506, %dma_start3A_1509] : memref<10240x1024xf32, #tpu.memory_space<hbm>> -> memref<16x1024xf32, #tpu.memory_space<hbm>>
    tpu.enqueue_dma source(%arg11 : memref<16x1024xf32, #tpu.memory_space<vmem>>) target(%dma_start3A_1510 : memref<16x1024xf32, #tpu.memory_space<hbm>>) target_semaphore(%arg15 : memref<!tpu.dma_semaphore, #tpu.memory_space<semaphore_mem>>)
    %mul3A_1511 = arith.constant 16384 : i32
    %mul3A_1512 = arith.muli %add3A_1491, %mul3A_1511 : i32
    %dma_start3A_1513 = tpu.memref_slice %arg7[%mul3A_1512] : memref<1048576xf32, #tpu.memory_space<vmem_shared>> -> memref<16384xf32, #tpu.memory_space<vmem_shared>>
    %dma_start3A_1514 = tpu.memref_slice %arg7[%mul3A_1512] : memref<1048576xf32, #tpu.memory_space<vmem_shared>> -> memref<16384xf32, #tpu.memory_space<vmem_shared>>
    tpu.enqueue_dma source(%arg10 : memref<16384xf32, #tpu.memory_space<vmem>>) target(%dma_start3A_1514 : memref<16384xf32, #tpu.memory_space<vmem_shared>>) target_semaphore(%arg16 : memref<!tpu.dma_semaphore, #tpu.memory_space<semaphore_mem>>)
    %add3A_1515 = arith.constant 48 : i32
    %add3A_1516 = arith.addi %add3A_1515, %arg1 : i32
    %dma_wait3A_1517 = arith.constant 0 : i32
    %dma_wait3A_1518 = tpu.memref_slice %arg6[%add3A_1481, %dma_wait3A_1517] : memref<10240x1024xf32, #tpu.memory_space<hbm>> -> memref<16x1024xf32, #tpu.memory_space<hbm>>
    %dma_wait3A_1519 = arith.constant 0 : i32
    %dma_wait3A_1520 = tpu.memref_slice %arg6[%add3A_1481, %dma_wait3A_1519] : memref<10240x1024xf32, #tpu.memory_space<hbm>> -> memref<16x1024xf32, #tpu.memory_space<hbm>>
    tpu.wait_dma2 semaphore(%arg15 : memref<!tpu.dma_semaphore, #tpu.memory_space<semaphore_mem>>) src(%arg12 : memref<16x1024xf32, #tpu.memory_space<vmem>>) dst(%dma_wait3A_1520 : memref<16x1024xf32, #tpu.memory_space<hbm>>)
    %scan3A_1521 = arith.constant 0 : i32
    %scan3A_1522 = arith.constant 0 : i32
    %scan3A_1523 = arith.constant 16 : i32
    %scan3A_1524 = arith.addi %scan3A_1522, %scan3A_1523 : i32
    %scan3A_1525 = arith.constant 1 : i32
    scf.for %scan3A_1557 = %scan3A_1522 to %scan3A_1524 step %scan3A_1525  : i32 {
      %mul3A_1558 = arith.constant 16384 : i32
      %mul3A_1559 = arith.muli %add3A_1516, %mul3A_1558 : i32
      %mul3A_1560 = arith.constant 1024 : i32
      %mul3A_1561 = arith.muli %scan3A_1557, %mul3A_1560 : i32
      %add3A_1562 = arith.addi %mul3A_1559, %mul3A_1561 : i32
      %dma_start3A_1563 = arith.constant 0 : i32
      %dma_start3A_1564 = tpu.memref_slice %arg12[%scan3A_1557, %dma_start3A_1563] : memref<16x1024xf32, #tpu.memory_space<vmem>> -> memref<1x1024xf32, #tpu.memory_space<vmem>>
      %dma_start3A_1565 = tpu.memref_squeeze %dma_start3A_1564 : memref<1x1024xf32, #tpu.memory_space<vmem>> -> memref<1024xf32, #tpu.memory_space<vmem>>
      %dma_start3A_1566 = tpu.memref_slice %arg7[%add3A_1562] : memref<1048576xf32, #tpu.memory_space<vmem_shared>> -> memref<1024xf32, #tpu.memory_space<vmem_shared>>
      %dma_start3A_1567 = arith.constant 0 : i32
      %dma_start3A_1568 = tpu.memref_slice %arg12[%scan3A_1557, %dma_start3A_1567] : memref<16x1024xf32, #tpu.memory_space<vmem>> -> memref<1x1024xf32, #tpu.memory_space<vmem>>
      %dma_start3A_1569 = tpu.memref_squeeze %dma_start3A_1568 : memref<1x1024xf32, #tpu.memory_space<vmem>> -> memref<1024xf32, #tpu.memory_space<vmem>>
      %dma_start3A_1570 = tpu.memref_slice %arg7[%add3A_1562] : memref<1048576xf32, #tpu.memory_space<vmem_shared>> -> memref<1024xf32, #tpu.memory_space<vmem_shared>>
      tpu.enqueue_dma source(%dma_start3A_1570 : memref<1024xf32, #tpu.memory_space<vmem_shared>>) target(%dma_start3A_1569 : memref<1024xf32, #tpu.memory_space<vmem>>) target_semaphore(%arg14 : memref<!tpu.dma_semaphore, #tpu.memory_space<semaphore_mem>>)
    }
    %scan3A_1526 = arith.constant 16 : i32
    tpu.wait_dma2 semaphore(%arg14 : memref<!tpu.dma_semaphore, #tpu.memory_space<semaphore_mem>>) src(%arg4 : memref<16x1024xf32, #tpu.memory_space<hbm>>) dst(%arg12 : memref<16x1024xf32, #tpu.memory_space<vmem>>)
    %mul3A_1527 = arith.constant 1024 : i32
    %mul3A_1528 = arith.muli %add3A_1254, %mul3A_1527 : i32
    %mul3A_1529 = arith.constant 16 : i32
    %mul3A_1530 = arith.muli %add3A_1516, %mul3A_1529 : i32
    %add3A_1531 = arith.addi %mul3A_1528, %mul3A_1530 : i32
    %dma_start3A_1532 = arith.constant 0 : i32
    %dma_start3A_1533 = tpu.memref_slice %arg6[%add3A_1531, %dma_start3A_1532] : memref<10240x1024xf32, #tpu.memory_space<hbm>> -> memref<16x1024xf32, #tpu.memory_space<hbm>>
    %dma_start3A_1534 = arith.constant 0 : i32
    %dma_start3A_1535 = tpu.memref_slice %arg6[%add3A_1531, %dma_start3A_1534] : memref<10240x1024xf32, #tpu.memory_space<hbm>> -> memref<16x1024xf32, #tpu.memory_space<hbm>>
    tpu.enqueue_dma source(%arg12 : memref<16x1024xf32, #tpu.memory_space<vmem>>) target(%dma_start3A_1535 : memref<16x1024xf32, #tpu.memory_space<hbm>>) target_semaphore(%arg15 : memref<!tpu.dma_semaphore, #tpu.memory_space<semaphore_mem>>)
    %mul3A_1536 = arith.constant 16384 : i32
    %mul3A_1537 = arith.muli %add3A_1516, %mul3A_1536 : i32
    %dma_start3A_1538 = tpu.memref_slice %arg7[%mul3A_1537] : memref<1048576xf32, #tpu.memory_space<vmem_shared>> -> memref<16384xf32, #tpu.memory_space<vmem_shared>>
    %dma_start3A_1539 = tpu.memref_slice %arg7[%mul3A_1537] : memref<1048576xf32, #tpu.memory_space<vmem_shared>> -> memref<16384xf32, #tpu.memory_space<vmem_shared>>
    tpu.enqueue_dma source(%arg10 : memref<16384xf32, #tpu.memory_space<vmem>>) target(%dma_start3A_1539 : memref<16384xf32, #tpu.memory_space<vmem_shared>>) target_semaphore(%arg16 : memref<!tpu.dma_semaphore, #tpu.memory_space<semaphore_mem>>)
    %dma_wait3A_1540 = arith.constant 0 : i32
    %dma_wait3A_1541 = tpu.memref_slice %arg6[%add3A_1506, %dma_wait3A_1540] : memref<10240x1024xf32, #tpu.memory_space<hbm>> -> memref<16x1024xf32, #tpu.memory_space<hbm>>
    %dma_wait3A_1542 = arith.constant 0 : i32
    %dma_wait3A_1543 = tpu.memref_slice %arg6[%add3A_1506, %dma_wait3A_1542] : memref<10240x1024xf32, #tpu.memory_space<hbm>> -> memref<16x1024xf32, #tpu.memory_space<hbm>>
    tpu.wait_dma2 semaphore(%arg15 : memref<!tpu.dma_semaphore, #tpu.memory_space<semaphore_mem>>) src(%arg11 : memref<16x1024xf32, #tpu.memory_space<vmem>>) dst(%dma_wait3A_1543 : memref<16x1024xf32, #tpu.memory_space<hbm>>)
    %dma_wait3A_1544 = arith.constant 0 : i32
    %dma_wait3A_1545 = tpu.memref_slice %arg6[%add3A_1531, %dma_wait3A_1544] : memref<10240x1024xf32, #tpu.memory_space<hbm>> -> memref<16x1024xf32, #tpu.memory_space<hbm>>
    %dma_wait3A_1546 = arith.constant 0 : i32
    %dma_wait3A_1547 = tpu.memref_slice %arg6[%add3A_1531, %dma_wait3A_1546] : memref<10240x1024xf32, #tpu.memory_space<hbm>> -> memref<16x1024xf32, #tpu.memory_space<hbm>>
    tpu.wait_dma2 semaphore(%arg15 : memref<!tpu.dma_semaphore, #tpu.memory_space<semaphore_mem>>) src(%arg12 : memref<16x1024xf32, #tpu.memory_space<vmem>>) dst(%dma_wait3A_1547 : memref<16x1024xf32, #tpu.memory_space<hbm>>)
    %dma_wait3A_1548 = tpu.memref_slice %arg7[%mul3A_1466] : memref<1048576xf32, #tpu.memory_space<vmem_shared>> -> memref<16384xf32, #tpu.memory_space<vmem_shared>>
    %dma_wait3A_1549 = tpu.memref_slice %arg7[%mul3A_1466] : memref<1048576xf32, #tpu.memory_space<vmem_shared>> -> memref<16384xf32, #tpu.memory_space<vmem_shared>>
    tpu.wait_dma2 semaphore(%arg16 : memref<!tpu.dma_semaphore, #tpu.memory_space<semaphore_mem>>) src(%arg10 : memref<16384xf32, #tpu.memory_space<vmem>>) dst(%dma_wait3A_1549 : memref<16384xf32, #tpu.memory_space<vmem_shared>>)
    %dma_wait3A_1550 = tpu.memref_slice %arg7[%mul3A_1487] : memref<1048576xf32, #tpu.memory_space<vmem_shared>> -> memref<16384xf32, #tpu.memory_space<vmem_shared>>
    %dma_wait3A_1551 = tpu.memref_slice %arg7[%mul3A_1487] : memref<1048576xf32, #tpu.memory_space<vmem_shared>> -> memref<16384xf32, #tpu.memory_space<vmem_shared>>
    tpu.wait_dma2 semaphore(%arg16 : memref<!tpu.dma_semaphore, #tpu.memory_space<semaphore_mem>>) src(%arg10 : memref<16384xf32, #tpu.memory_space<vmem>>) dst(%dma_wait3A_1551 : memref<16384xf32, #tpu.memory_space<vmem_shared>>)
    %dma_wait3A_1552 = tpu.memref_slice %arg7[%mul3A_1512] : memref<1048576xf32, #tpu.memory_space<vmem_shared>> -> memref<16384xf32, #tpu.memory_space<vmem_shared>>
    %dma_wait3A_1553 = tpu.memref_slice %arg7[%mul3A_1512] : memref<1048576xf32, #tpu.memory_space<vmem_shared>> -> memref<16384xf32, #tpu.memory_space<vmem_shared>>
    tpu.wait_dma2 semaphore(%arg16 : memref<!tpu.dma_semaphore, #tpu.memory_space<semaphore_mem>>) src(%arg10 : memref<16384xf32, #tpu.memory_space<vmem>>) dst(%dma_wait3A_1553 : memref<16384xf32, #tpu.memory_space<vmem_shared>>)
    %dma_wait3A_1554 = tpu.memref_slice %arg7[%mul3A_1537] : memref<1048576xf32, #tpu.memory_space<vmem_shared>> -> memref<16384xf32, #tpu.memory_space<vmem_shared>>
    %dma_wait3A_1555 = tpu.memref_slice %arg7[%mul3A_1537] : memref<1048576xf32, #tpu.memory_space<vmem_shared>> -> memref<16384xf32, #tpu.memory_space<vmem_shared>>
    tpu.wait_dma2 semaphore(%arg16 : memref<!tpu.dma_semaphore, #tpu.memory_space<semaphore_mem>>) src(%arg10 : memref<16384xf32, #tpu.memory_space<vmem>>) dst(%dma_wait3A_1555 : memref<16384xf32, #tpu.memory_space<vmem_shared>>)
    %barrier3A_1556 = arith.constant 0 : index
    tpu.barrier barrier_id(%barrier3A_1556)
    return
  }
}

module attributes {stable_mosaic.version = 14 : i64} {
  func.func @_tc_body(%arg0: i32, %arg1: memref<1x1024x1024xf32, #tpu.memory_space<vmem>>, %arg2: memref<1x1024x128xf32, #tpu.memory_space<vmem>>, %arg3: memref<1x3x1024xf32, #tpu.memory_space<vmem>>, %arg4: memref<3x128x128xf32, #tpu.memory_space<vmem>>, %arg5: memref<3x128xf32, #tpu.memory_space<vmem>>, %arg6: memref<3x128xf32, #tpu.memory_space<vmem>>, %arg7: memref<1x1x384xf32, #tpu.memory_space<vmem>>) attributes {dimension_semantics = [#tpu.dimension_semantics<arbitrary>], iteration_bounds = array<i64: 10>, scalar_prefetch = 0 : i64, scratch_operands = 0 : i64, tpu.core_type = #tpu.core_type<tc>, window_params = [{transform_indices = @transform_0, window_bounds = array<i64: 1, 1024, 1024>}, {transform_indices = @transform_1, window_bounds = array<i64: 1, 1024, 128>}, {transform_indices = @transform_2, window_bounds = array<i64: 1, 3, 1024>}, {pipeline_mode = #tpu.pipeline_mode<synchronous>, transform_indices = @transform_3, window_bounds = array<i64: 3, 128, 128>}, {pipeline_mode = #tpu.pipeline_mode<synchronous>, transform_indices = @transform_4, window_bounds = array<i64: 3, 128>}, {pipeline_mode = #tpu.pipeline_mode<synchronous>, transform_indices = @transform_5, window_bounds = array<i64: 3, 128>}, {transform_indices = @transform_6, window_bounds = array<i64: 1, 1, 384>}]} {
    %get3A = arith.constant 0 : index
    %get3A_0 = arith.constant 0 : index
    %get3A_1 = arith.constant 0 : index
    %get3A_2 = vector.load %arg1[%get3A, %get3A_0, %get3A_1] : memref<1x1024x1024xf32, #tpu.memory_space<vmem>>, vector<1x1024x1024xf32>
    %get3A_3 = vector.shape_cast %get3A_2 : vector<1x1024x1024xf32> to vector<1024x1024xf32>
    %get3A_4 = arith.constant 0 : index
    %get3A_5 = arith.constant 0 : index
    %get3A_6 = arith.constant 0 : index
    %get3A_7 = vector.load %arg2[%get3A_4, %get3A_5, %get3A_6] : memref<1x1024x128xf32, #tpu.memory_space<vmem>>, vector<1x1024x128xf32>
    %get3A_8 = vector.shape_cast %get3A_7 : vector<1x1024x128xf32> to vector<1024x128xf32>
    %convert_element_type3A = arith.truncf %get3A_3 : vector<1024x1024xf32> to vector<1024x1024xbf16>
    %reduce_sum3A = arith.constant dense<0.000000e+00> : vector<1024xf32>
    %reduce_sum3A_9 = vector.multi_reduction <add>, %get3A_3, %reduce_sum3A [1] : vector<1024x1024xf32> to vector<1024xf32>
    %broadcast_in_dim3A = vector.shape_cast %reduce_sum3A_9 : vector<1024xf32> to vector<1024x1xf32>
    %reduce_sum3A_10 = arith.constant dense<0.000000e+00> : vector<1024xf32>
    %reduce_sum3A_11 = vector.multi_reduction <add>, %get3A_3, %reduce_sum3A_10 [0] : vector<1024x1024xf32> to vector<1024xf32>
    %broadcast_in_dim3A_12 = vector.shape_cast %reduce_sum3A_11 : vector<1024xf32> to vector<1x1024xf32>
    %max3A = arith.constant 1.000000e+00 : f32
    %max3A_13 = vector.broadcast %max3A : f32 to vector<1024x1xf32>
    %max3A_14 = arith.maximumf %broadcast_in_dim3A, %max3A_13 : vector<1024x1xf32>
    %rsqrt3A = math.rsqrt %max3A_14 : vector<1024x1xf32>
    %max3A_15 = arith.constant 1.000000e+00 : f32
    %max3A_16 = vector.broadcast %max3A_15 : f32 to vector<1x1024xf32>
    %max3A_17 = arith.maximumf %broadcast_in_dim3A_12, %max3A_16 : vector<1x1024xf32>
    %rsqrt3A_18 = math.rsqrt %max3A_17 : vector<1x1024xf32>
    %reshape3A = vector.shape_cast %rsqrt3A_18 : vector<1x1024xf32> to vector<1024x1xf32>
    %get3A_19 = arith.constant 0 : index
    %get3A_20 = arith.constant 0 : index
    %get3A_21 = arith.constant 0 : index
    %get3A_22 = vector.load %arg3[%get3A_19, %get3A_20, %get3A_21] : memref<1x3x1024xf32, #tpu.memory_space<vmem>>, vector<1x3x1024xf32>
    %get3A_23 = vector.shape_cast %get3A_22 : vector<1x3x1024xf32> to vector<3x1024xf32>
    %mul3A = vector.broadcast %reshape3A : vector<1024x1xf32> to vector<1024x128xf32>
    %mul3A_24 = arith.mulf %get3A_8, %mul3A : vector<1024x128xf32>
    %convert_element_type3A_25 = arith.truncf %mul3A_24 : vector<1024x128xf32> to vector<1024x128xbf16>
    %dot_general3A = arith.constant dense<0.000000e+00> : vector<1024x128xf32>
    %dot_general3A_26 = tpu.matmul %convert_element_type3A, %convert_element_type3A_25, %dot_general3A {dimension_numbers = #tpu.dot_dimension_numbers<[1], [0], [0], [1], [0, 0, 1, 1], [], []>, transpose_lhs_hint = false} : vector<1024x1024xbf16>, vector<1024x128xbf16>, vector<1024x128xf32> -> vector<1024x128xf32>
    %mul3A_27 = vector.broadcast %rsqrt3A : vector<1024x1xf32> to vector<1024x128xf32>
    %mul3A_28 = arith.mulf %dot_general3A_26, %mul3A_27 : vector<1024x128xf32>
    %get3A_29 = arith.constant 0 : index
    %get3A_30 = arith.constant 0 : index
    %get3A_31 = arith.constant 0 : index
    %get3A_32 = vector.load %arg4[%get3A_29, %get3A_30, %get3A_31] : memref<3x128x128xf32, #tpu.memory_space<vmem>>, vector<1x128x128xf32>
    %get3A_33 = vector.shape_cast %get3A_32 : vector<1x128x128xf32> to vector<128x128xf32>
    %dot_general3A_34 = arith.constant dense<0.000000e+00> : vector<1024x128xf32>
    %dot_general3A_35 = tpu.matmul %mul3A_28, %get3A_33, %dot_general3A_34 {dimension_numbers = #tpu.dot_dimension_numbers<[1], [0], [0], [1], [0, 0, 1, 1], [], []>, transpose_lhs_hint = false} : vector<1024x128xf32>, vector<128x128xf32>, vector<1024x128xf32> -> vector<1024x128xf32>
    %reduce_sum3A_36 = arith.constant dense<0.000000e+00> : vector<128xf32>
    %reduce_sum3A_37 = vector.multi_reduction <add>, %dot_general3A_35, %reduce_sum3A_36 [0] : vector<1024x128xf32> to vector<128xf32>
    %broadcast_in_dim3A_38 = vector.shape_cast %reduce_sum3A_37 : vector<128xf32> to vector<1x128xf32>
    %div3A = arith.constant 1.000000e+03 : f32
    %div3A_39 = vector.broadcast %div3A : f32 to vector<1x128xf32>
    %div3A_40 = arith.divf %broadcast_in_dim3A_38, %div3A_39 : vector<1x128xf32>
    %mul3A_41 = arith.mulf %dot_general3A_35, %dot_general3A_35 : vector<1024x128xf32>
    %reduce_sum3A_42 = arith.constant dense<0.000000e+00> : vector<128xf32>
    %reduce_sum3A_43 = vector.multi_reduction <add>, %mul3A_41, %reduce_sum3A_42 [0] : vector<1024x128xf32> to vector<128xf32>
    %broadcast_in_dim3A_44 = vector.shape_cast %reduce_sum3A_43 : vector<128xf32> to vector<1x128xf32>
    %div3A_45 = arith.constant 1.000000e+03 : f32
    %div3A_46 = vector.broadcast %div3A_45 : f32 to vector<1x128xf32>
    %div3A_47 = arith.divf %broadcast_in_dim3A_44, %div3A_46 : vector<1x128xf32>
    %mul3A_48 = arith.mulf %div3A_40, %div3A_40 : vector<1x128xf32>
    %sub3A = arith.subf %div3A_47, %mul3A_48 : vector<1x128xf32>
    %sub3A_49 = vector.broadcast %div3A_40 : vector<1x128xf32> to vector<1024x128xf32>
    %sub3A_50 = arith.subf %dot_general3A_35, %sub3A_49 : vector<1024x128xf32>
    %add3A = arith.constant 9.99999974E-6 : f32
    %add3A_51 = vector.broadcast %add3A : f32 to vector<1x128xf32>
    %add3A_52 = arith.addf %sub3A, %add3A_51 : vector<1x128xf32>
    %rsqrt3A_53 = math.rsqrt %add3A_52 : vector<1x128xf32>
    %mul3A_54 = vector.broadcast %rsqrt3A_53 : vector<1x128xf32> to vector<1024x128xf32>
    %mul3A_55 = arith.mulf %sub3A_50, %mul3A_54 : vector<1024x128xf32>
    %get3A_56 = arith.constant 0 : index
    %get3A_57 = arith.constant 0 : index
    %get3A_58 = vector.load %arg5[%get3A_56, %get3A_57] : memref<3x128xf32, #tpu.memory_space<vmem>>, vector<1x128xf32>
    %get3A_59 = vector.shape_cast %get3A_58 : vector<1x128xf32> to vector<128xf32>
    %broadcast_in_dim3A_60 = vector.shape_cast %get3A_59 : vector<128xf32> to vector<1x128xf32>
    %mul3A_61 = vector.broadcast %broadcast_in_dim3A_60 : vector<1x128xf32> to vector<1024x128xf32>
    %mul3A_62 = arith.mulf %mul3A_55, %mul3A_61 : vector<1024x128xf32>
    %get3A_63 = arith.constant 0 : index
    %get3A_64 = arith.constant 0 : index
    %get3A_65 = vector.load %arg6[%get3A_63, %get3A_64] : memref<3x128xf32, #tpu.memory_space<vmem>>, vector<1x128xf32>
    %get3A_66 = vector.shape_cast %get3A_65 : vector<1x128xf32> to vector<128xf32>
    %broadcast_in_dim3A_67 = vector.shape_cast %get3A_66 : vector<128xf32> to vector<1x128xf32>
    %add3A_68 = vector.broadcast %broadcast_in_dim3A_67 : vector<1x128xf32> to vector<1024x128xf32>
    %add3A_69 = arith.addf %mul3A_62, %add3A_68 : vector<1024x128xf32>
    %ge3A = arith.constant 0.000000e+00 : f32
    %ge3A_70 = vector.broadcast %ge3A : f32 to vector<1024x128xf32>
    %ge3A_71 = arith.cmpf oge, %add3A_69, %ge3A_70 : vector<1024x128xf32>
    %mul3A_72 = arith.constant 0.00999999977 : f32
    %mul3A_73 = vector.broadcast %mul3A_72 : f32 to vector<1024x128xf32>
    %mul3A_74 = arith.mulf %mul3A_73, %add3A_69 : vector<1024x128xf32>
    %select_n3A = arith.select %ge3A_71, %add3A_69, %mul3A_74 : vector<1024x128xi1>, vector<1024x128xf32>
    %add3A_75 = arith.addf %select_n3A, %get3A_8 : vector<1024x128xf32>
    %slice3A = vector.extract_strided_slice %get3A_23 {offsets = [0, 0], sizes = [1, 1024], strides = [1, 1]} : vector<3x1024xf32> to vector<1x1024xf32>
    %dot_general3A_76 = arith.constant dense<0.000000e+00> : vector<1x128xf32>
    %dot_general3A_77 = tpu.matmul %slice3A, %select_n3A, %dot_general3A_76 {dimension_numbers = #tpu.dot_dimension_numbers<[1], [0], [0], [1], [0, 0, 1, 1], [], []>, transpose_lhs_hint = false} : vector<1x1024xf32>, vector<1024x128xf32>, vector<1x128xf32> -> vector<1x128xf32>
    %ge3A_78 = arith.constant 0.000000e+00 : f32
    %ge3A_79 = vector.broadcast %ge3A_78 : f32 to vector<1x128xf32>
    %ge3A_80 = arith.cmpf oge, %dot_general3A_77, %ge3A_79 : vector<1x128xf32>
    %mul3A_81 = arith.constant 0.00999999977 : f32
    %mul3A_82 = vector.broadcast %mul3A_81 : f32 to vector<1x128xf32>
    %mul3A_83 = arith.mulf %mul3A_82, %dot_general3A_77 : vector<1x128xf32>
    %select_n3A_84 = arith.select %ge3A_80, %dot_general3A_77, %mul3A_83 : vector<1x128xi1>, vector<1x128xf32>
    %swap3A = arith.constant 0 : index
    %swap3A_85 = arith.constant 0 : index
    %swap3A_86 = arith.constant 0 : index
    %swap3A_87 = vector.load %arg7[%swap3A, %swap3A_85, %swap3A_86] : memref<1x1x384xf32, #tpu.memory_space<vmem>>, vector<1x1x128xf32>
    %swap3A_88 = vector.shape_cast %swap3A_87 : vector<1x1x128xf32> to vector<1x128xf32>
    %swap3A_89 = vector.shape_cast %select_n3A_84 : vector<1x128xf32> to vector<1x1x128xf32>
    tpu.vector_store %arg7[%swap3A, %swap3A_85, %swap3A_86], %swap3A_89 {strides = array<i32>} : memref<1x1x384xf32, #tpu.memory_space<vmem>>, vector<1x1x128xf32>,
    %mul3A_90 = vector.broadcast %reshape3A : vector<1024x1xf32> to vector<1024x128xf32>
    %mul3A_91 = arith.mulf %add3A_75, %mul3A_90 : vector<1024x128xf32>
    %convert_element_type3A_92 = arith.truncf %mul3A_91 : vector<1024x128xf32> to vector<1024x128xbf16>
    %dot_general3A_93 = arith.constant dense<0.000000e+00> : vector<1024x128xf32>
    %dot_general3A_94 = tpu.matmul %convert_element_type3A, %convert_element_type3A_92, %dot_general3A_93 {dimension_numbers = #tpu.dot_dimension_numbers<[1], [0], [0], [1], [0, 0, 1, 1], [], []>, transpose_lhs_hint = false} : vector<1024x1024xbf16>, vector<1024x128xbf16>, vector<1024x128xf32> -> vector<1024x128xf32>
    %mul3A_95 = vector.broadcast %rsqrt3A : vector<1024x1xf32> to vector<1024x128xf32>
    %mul3A_96 = arith.mulf %dot_general3A_94, %mul3A_95 : vector<1024x128xf32>
    %get3A_97 = arith.constant 1 : index
    %get3A_98 = arith.constant 0 : index
    %get3A_99 = arith.constant 0 : index
    %get3A_100 = vector.load %arg4[%get3A_97, %get3A_98, %get3A_99] : memref<3x128x128xf32, #tpu.memory_space<vmem>>, vector<1x128x128xf32>
    %get3A_101 = vector.shape_cast %get3A_100 : vector<1x128x128xf32> to vector<128x128xf32>
    %dot_general3A_102 = arith.constant dense<0.000000e+00> : vector<1024x128xf32>
    %dot_general3A_103 = tpu.matmul %mul3A_96, %get3A_101, %dot_general3A_102 {dimension_numbers = #tpu.dot_dimension_numbers<[1], [0], [0], [1], [0, 0, 1, 1], [], []>, transpose_lhs_hint = false} : vector<1024x128xf32>, vector<128x128xf32>, vector<1024x128xf32> -> vector<1024x128xf32>
    %reduce_sum3A_104 = arith.constant dense<0.000000e+00> : vector<128xf32>
    %reduce_sum3A_105 = vector.multi_reduction <add>, %dot_general3A_103, %reduce_sum3A_104 [0] : vector<1024x128xf32> to vector<128xf32>
    %broadcast_in_dim3A_106 = vector.shape_cast %reduce_sum3A_105 : vector<128xf32> to vector<1x128xf32>
    %div3A_107 = arith.constant 1.000000e+03 : f32
    %div3A_108 = vector.broadcast %div3A_107 : f32 to vector<1x128xf32>
    %div3A_109 = arith.divf %broadcast_in_dim3A_106, %div3A_108 : vector<1x128xf32>
    %mul3A_110 = arith.mulf %dot_general3A_103, %dot_general3A_103 : vector<1024x128xf32>
    %reduce_sum3A_111 = arith.constant dense<0.000000e+00> : vector<128xf32>
    %reduce_sum3A_112 = vector.multi_reduction <add>, %mul3A_110, %reduce_sum3A_111 [0] : vector<1024x128xf32> to vector<128xf32>
    %broadcast_in_dim3A_113 = vector.shape_cast %reduce_sum3A_112 : vector<128xf32> to vector<1x128xf32>
    %div3A_114 = arith.constant 1.000000e+03 : f32
    %div3A_115 = vector.broadcast %div3A_114 : f32 to vector<1x128xf32>
    %div3A_116 = arith.divf %broadcast_in_dim3A_113, %div3A_115 : vector<1x128xf32>
    %mul3A_117 = arith.mulf %div3A_109, %div3A_109 : vector<1x128xf32>
    %sub3A_118 = arith.subf %div3A_116, %mul3A_117 : vector<1x128xf32>
    %sub3A_119 = vector.broadcast %div3A_109 : vector<1x128xf32> to vector<1024x128xf32>
    %sub3A_120 = arith.subf %dot_general3A_103, %sub3A_119 : vector<1024x128xf32>
    %add3A_121 = arith.constant 9.99999974E-6 : f32
    %add3A_122 = vector.broadcast %add3A_121 : f32 to vector<1x128xf32>
    %add3A_123 = arith.addf %sub3A_118, %add3A_122 : vector<1x128xf32>
    %rsqrt3A_124 = math.rsqrt %add3A_123 : vector<1x128xf32>
    %mul3A_125 = vector.broadcast %rsqrt3A_124 : vector<1x128xf32> to vector<1024x128xf32>
    %mul3A_126 = arith.mulf %sub3A_120, %mul3A_125 : vector<1024x128xf32>
    %get3A_127 = arith.constant 1 : index
    %get3A_128 = arith.constant 0 : index
    %get3A_129 = vector.load %arg5[%get3A_127, %get3A_128] : memref<3x128xf32, #tpu.memory_space<vmem>>, vector<1x128xf32>
    %get3A_130 = vector.shape_cast %get3A_129 : vector<1x128xf32> to vector<128xf32>
    %broadcast_in_dim3A_131 = vector.shape_cast %get3A_130 : vector<128xf32> to vector<1x128xf32>
    %mul3A_132 = vector.broadcast %broadcast_in_dim3A_131 : vector<1x128xf32> to vector<1024x128xf32>
    %mul3A_133 = arith.mulf %mul3A_126, %mul3A_132 : vector<1024x128xf32>
    %get3A_134 = arith.constant 1 : index
    %get3A_135 = arith.constant 0 : index
    %get3A_136 = vector.load %arg6[%get3A_134, %get3A_135] : memref<3x128xf32, #tpu.memory_space<vmem>>, vector<1x128xf32>
    %get3A_137 = vector.shape_cast %get3A_136 : vector<1x128xf32> to vector<128xf32>
    %broadcast_in_dim3A_138 = vector.shape_cast %get3A_137 : vector<128xf32> to vector<1x128xf32>
    %add3A_139 = vector.broadcast %broadcast_in_dim3A_138 : vector<1x128xf32> to vector<1024x128xf32>
    %add3A_140 = arith.addf %mul3A_133, %add3A_139 : vector<1024x128xf32>
    %ge3A_141 = arith.constant 0.000000e+00 : f32
    %ge3A_142 = vector.broadcast %ge3A_141 : f32 to vector<1024x128xf32>
    %ge3A_143 = arith.cmpf oge, %add3A_140, %ge3A_142 : vector<1024x128xf32>
    %mul3A_144 = arith.constant 0.00999999977 : f32
    %mul3A_145 = vector.broadcast %mul3A_144 : f32 to vector<1024x128xf32>
    %mul3A_146 = arith.mulf %mul3A_145, %add3A_140 : vector<1024x128xf32>
    %select_n3A_147 = arith.select %ge3A_143, %add3A_140, %mul3A_146 : vector<1024x128xi1>, vector<1024x128xf32>
    %add3A_148 = arith.addf %select_n3A_147, %select_n3A : vector<1024x128xf32>
    %slice3A_149 = vector.extract_strided_slice %get3A_23 {offsets = [1, 0], sizes = [1, 1024], strides = [1, 1]} : vector<3x1024xf32> to vector<1x1024xf32>
    %dot_general3A_150 = arith.constant dense<0.000000e+00> : vector<1x128xf32>
    %dot_general3A_151 = tpu.matmul %slice3A_149, %add3A_148, %dot_general3A_150 {dimension_numbers = #tpu.dot_dimension_numbers<[1], [0], [0], [1], [0, 0, 1, 1], [], []>, transpose_lhs_hint = false} : vector<1x1024xf32>, vector<1024x128xf32>, vector<1x128xf32> -> vector<1x128xf32>
    %ge3A_152 = arith.constant 0.000000e+00 : f32
    %ge3A_153 = vector.broadcast %ge3A_152 : f32 to vector<1x128xf32>
    %ge3A_154 = arith.cmpf oge, %dot_general3A_151, %ge3A_153 : vector<1x128xf32>
    %mul3A_155 = arith.constant 0.00999999977 : f32
    %mul3A_156 = vector.broadcast %mul3A_155 : f32 to vector<1x128xf32>
    %mul3A_157 = arith.mulf %mul3A_156, %dot_general3A_151 : vector<1x128xf32>
    %select_n3A_158 = arith.select %ge3A_154, %dot_general3A_151, %mul3A_157 : vector<1x128xi1>, vector<1x128xf32>
    %swap3A_159 = arith.constant 0 : index
    %swap3A_160 = arith.constant 0 : index
    %swap3A_161 = arith.constant 128 : index
    %swap3A_162 = vector.load %arg7[%swap3A_159, %swap3A_160, %swap3A_161] : memref<1x1x384xf32, #tpu.memory_space<vmem>>, vector<1x1x128xf32>
    %swap3A_163 = vector.shape_cast %swap3A_162 : vector<1x1x128xf32> to vector<1x128xf32>
    %swap3A_164 = vector.shape_cast %select_n3A_158 : vector<1x128xf32> to vector<1x1x128xf32>
    tpu.vector_store %arg7[%swap3A_159, %swap3A_160, %swap3A_161], %swap3A_164 {strides = array<i32>} : memref<1x1x384xf32, #tpu.memory_space<vmem>>, vector<1x1x128xf32>,
    %mul3A_165 = vector.broadcast %reshape3A : vector<1024x1xf32> to vector<1024x128xf32>
    %mul3A_166 = arith.mulf %add3A_148, %mul3A_165 : vector<1024x128xf32>
    %convert_element_type3A_167 = arith.truncf %mul3A_166 : vector<1024x128xf32> to vector<1024x128xbf16>
    %dot_general3A_168 = arith.constant dense<0.000000e+00> : vector<1024x128xf32>
    %dot_general3A_169 = tpu.matmul %convert_element_type3A, %convert_element_type3A_167, %dot_general3A_168 {dimension_numbers = #tpu.dot_dimension_numbers<[1], [0], [0], [1], [0, 0, 1, 1], [], []>, transpose_lhs_hint = false} : vector<1024x1024xbf16>, vector<1024x128xbf16>, vector<1024x128xf32> -> vector<1024x128xf32>
    %mul3A_170 = vector.broadcast %rsqrt3A : vector<1024x1xf32> to vector<1024x128xf32>
    %mul3A_171 = arith.mulf %dot_general3A_169, %mul3A_170 : vector<1024x128xf32>
    %get3A_172 = arith.constant 2 : index
    %get3A_173 = arith.constant 0 : index
    %get3A_174 = arith.constant 0 : index
    %get3A_175 = vector.load %arg4[%get3A_172, %get3A_173, %get3A_174] : memref<3x128x128xf32, #tpu.memory_space<vmem>>, vector<1x128x128xf32>
    %get3A_176 = vector.shape_cast %get3A_175 : vector<1x128x128xf32> to vector<128x128xf32>
    %dot_general3A_177 = arith.constant dense<0.000000e+00> : vector<1024x128xf32>
    %dot_general3A_178 = tpu.matmul %mul3A_171, %get3A_176, %dot_general3A_177 {dimension_numbers = #tpu.dot_dimension_numbers<[1], [0], [0], [1], [0, 0, 1, 1], [], []>, transpose_lhs_hint = false} : vector<1024x128xf32>, vector<128x128xf32>, vector<1024x128xf32> -> vector<1024x128xf32>
    %reduce_sum3A_179 = arith.constant dense<0.000000e+00> : vector<128xf32>
    %reduce_sum3A_180 = vector.multi_reduction <add>, %dot_general3A_178, %reduce_sum3A_179 [0] : vector<1024x128xf32> to vector<128xf32>
    %broadcast_in_dim3A_181 = vector.shape_cast %reduce_sum3A_180 : vector<128xf32> to vector<1x128xf32>
    %div3A_182 = arith.constant 1.000000e+03 : f32
    %div3A_183 = vector.broadcast %div3A_182 : f32 to vector<1x128xf32>
    %div3A_184 = arith.divf %broadcast_in_dim3A_181, %div3A_183 : vector<1x128xf32>
    %mul3A_185 = arith.mulf %dot_general3A_178, %dot_general3A_178 : vector<1024x128xf32>
    %reduce_sum3A_186 = arith.constant dense<0.000000e+00> : vector<128xf32>
    %reduce_sum3A_187 = vector.multi_reduction <add>, %mul3A_185, %reduce_sum3A_186 [0] : vector<1024x128xf32> to vector<128xf32>
    %broadcast_in_dim3A_188 = vector.shape_cast %reduce_sum3A_187 : vector<128xf32> to vector<1x128xf32>
    %div3A_189 = arith.constant 1.000000e+03 : f32
    %div3A_190 = vector.broadcast %div3A_189 : f32 to vector<1x128xf32>
    %div3A_191 = arith.divf %broadcast_in_dim3A_188, %div3A_190 : vector<1x128xf32>
    %mul3A_192 = arith.mulf %div3A_184, %div3A_184 : vector<1x128xf32>
    %sub3A_193 = arith.subf %div3A_191, %mul3A_192 : vector<1x128xf32>
    %sub3A_194 = vector.broadcast %div3A_184 : vector<1x128xf32> to vector<1024x128xf32>
    %sub3A_195 = arith.subf %dot_general3A_178, %sub3A_194 : vector<1024x128xf32>
    %add3A_196 = arith.constant 9.99999974E-6 : f32
    %add3A_197 = vector.broadcast %add3A_196 : f32 to vector<1x128xf32>
    %add3A_198 = arith.addf %sub3A_193, %add3A_197 : vector<1x128xf32>
    %rsqrt3A_199 = math.rsqrt %add3A_198 : vector<1x128xf32>
    %mul3A_200 = vector.broadcast %rsqrt3A_199 : vector<1x128xf32> to vector<1024x128xf32>
    %mul3A_201 = arith.mulf %sub3A_195, %mul3A_200 : vector<1024x128xf32>
    %get3A_202 = arith.constant 2 : index
    %get3A_203 = arith.constant 0 : index
    %get3A_204 = vector.load %arg5[%get3A_202, %get3A_203] : memref<3x128xf32, #tpu.memory_space<vmem>>, vector<1x128xf32>
    %get3A_205 = vector.shape_cast %get3A_204 : vector<1x128xf32> to vector<128xf32>
    %broadcast_in_dim3A_206 = vector.shape_cast %get3A_205 : vector<128xf32> to vector<1x128xf32>
    %mul3A_207 = vector.broadcast %broadcast_in_dim3A_206 : vector<1x128xf32> to vector<1024x128xf32>
    %mul3A_208 = arith.mulf %mul3A_201, %mul3A_207 : vector<1024x128xf32>
    %get3A_209 = arith.constant 2 : index
    %get3A_210 = arith.constant 0 : index
    %get3A_211 = vector.load %arg6[%get3A_209, %get3A_210] : memref<3x128xf32, #tpu.memory_space<vmem>>, vector<1x128xf32>
    %get3A_212 = vector.shape_cast %get3A_211 : vector<1x128xf32> to vector<128xf32>
    %broadcast_in_dim3A_213 = vector.shape_cast %get3A_212 : vector<128xf32> to vector<1x128xf32>
    %add3A_214 = vector.broadcast %broadcast_in_dim3A_213 : vector<1x128xf32> to vector<1024x128xf32>
    %add3A_215 = arith.addf %mul3A_208, %add3A_214 : vector<1024x128xf32>
    %ge3A_216 = arith.constant 0.000000e+00 : f32
    %ge3A_217 = vector.broadcast %ge3A_216 : f32 to vector<1024x128xf32>
    %ge3A_218 = arith.cmpf oge, %add3A_215, %ge3A_217 : vector<1024x128xf32>
    %mul3A_219 = arith.constant 0.00999999977 : f32
    %mul3A_220 = vector.broadcast %mul3A_219 : f32 to vector<1024x128xf32>
    %mul3A_221 = arith.mulf %mul3A_220, %add3A_215 : vector<1024x128xf32>
    %select_n3A_222 = arith.select %ge3A_218, %add3A_215, %mul3A_221 : vector<1024x128xi1>, vector<1024x128xf32>
    %add3A_223 = arith.addf %select_n3A_222, %select_n3A_147 : vector<1024x128xf32>
    %slice3A_224 = vector.extract_strided_slice %get3A_23 {offsets = [2, 0], sizes = [1, 1024], strides = [1, 1]} : vector<3x1024xf32> to vector<1x1024xf32>
    %dot_general3A_225 = arith.constant dense<0.000000e+00> : vector<1x128xf32>
    %dot_general3A_226 = tpu.matmul %slice3A_224, %add3A_223, %dot_general3A_225 {dimension_numbers = #tpu.dot_dimension_numbers<[1], [0], [0], [1], [0, 0, 1, 1], [], []>, transpose_lhs_hint = false} : vector<1x1024xf32>, vector<1024x128xf32>, vector<1x128xf32> -> vector<1x128xf32>
    %ge3A_227 = arith.constant 0.000000e+00 : f32
    %ge3A_228 = vector.broadcast %ge3A_227 : f32 to vector<1x128xf32>
    %ge3A_229 = arith.cmpf oge, %dot_general3A_226, %ge3A_228 : vector<1x128xf32>
    %mul3A_230 = arith.constant 0.00999999977 : f32
    %mul3A_231 = vector.broadcast %mul3A_230 : f32 to vector<1x128xf32>
    %mul3A_232 = arith.mulf %mul3A_231, %dot_general3A_226 : vector<1x128xf32>
    %select_n3A_233 = arith.select %ge3A_229, %dot_general3A_226, %mul3A_232 : vector<1x128xi1>, vector<1x128xf32>
    %swap3A_234 = arith.constant 0 : index
    %swap3A_235 = arith.constant 0 : index
    %swap3A_236 = arith.constant 256 : index
    %swap3A_237 = vector.load %arg7[%swap3A_234, %swap3A_235, %swap3A_236] : memref<1x1x384xf32, #tpu.memory_space<vmem>>, vector<1x1x128xf32>
    %swap3A_238 = vector.shape_cast %swap3A_237 : vector<1x1x128xf32> to vector<1x128xf32>
    %swap3A_239 = vector.shape_cast %select_n3A_233 : vector<1x128xf32> to vector<1x1x128xf32>
    tpu.vector_store %arg7[%swap3A_234, %swap3A_235, %swap3A_236], %swap3A_239 {strides = array<i32>} : memref<1x1x384xf32, #tpu.memory_space<vmem>>, vector<1x1x128xf32>,
    return
  }
  func.func @transform_0(%arg0: i32) -> (i32, i32, i32) {
    %c0_i32 = arith.constant 0 : i32
    %c0_i32_0 = arith.constant 0 : i32
    %c0_i32_1 = arith.constant 0 : i32
    return %arg0, %c0_i32, %c0_i32_0 : i32, i32, i32
  }
  func.func @transform_1(%arg0: i32) -> (i32, i32, i32) {
    %c0_i32 = arith.constant 0 : i32
    %c0_i32_0 = arith.constant 0 : i32
    %c0_i32_1 = arith.constant 0 : i32
    return %arg0, %c0_i32, %c0_i32_0 : i32, i32, i32
  }
  func.func @transform_2(%arg0: i32) -> (i32, i32, i32) {
    %c0_i32 = arith.constant 0 : i32
    %c0_i32_0 = arith.constant 0 : i32
    %c0_i32_1 = arith.constant 0 : i32
    return %arg0, %c0_i32, %c0_i32_0 : i32, i32, i32
  }
  func.func @transform_3(%arg0: i32) -> (i32, i32, i32) {
    %c0_i32 = arith.constant 0 : i32
    %c0_i32_0 = arith.constant 0 : i32
    %c0_i32_1 = arith.constant 0 : i32
    %c0_i32_2 = arith.constant 0 : i32
    return %c0_i32, %c0_i32_0, %c0_i32_1 : i32, i32, i32
  }
  func.func @transform_4(%arg0: i32) -> (i32, i32) {
    %c0_i32 = arith.constant 0 : i32
    %c0_i32_0 = arith.constant 0 : i32
    %c0_i32_1 = arith.constant 0 : i32
    return %c0_i32, %c0_i32_0 : i32, i32
  }
  func.func @transform_5(%arg0: i32) -> (i32, i32) {
    %c0_i32 = arith.constant 0 : i32
    %c0_i32_0 = arith.constant 0 : i32
    %c0_i32_1 = arith.constant 0 : i32
    return %c0_i32, %c0_i32_0 : i32, i32
  }
  func.func @transform_6(%arg0: i32) -> (i32, i32, i32) {
    %c0_i32 = arith.constant 0 : i32
    %c0_i32_0 = arith.constant 0 : i32
    %c0_i32_1 = arith.constant 0 : i32
    return %arg0, %c0_i32, %c0_i32_0 : i32, i32, i32
  }
}

</mosaic_0001>

<sc_bundles>
// kernel: kernel.4.cloned.1.call-start
scs
__scs_entry_jumppad:
0x0: {  	(pc) =	sbr.rel $0x88, $3  }
0x1: {  	(tag) =	ssettag $0x0;
	lr =	simm.s32 $0x1  }
0x2: {  	[smem:$0x3F9A] =	sst lr;
	_ =	strace $0xD0000000  }
0x3: {  	_ = 	snop  }
0x4: {  	_ = 	snop  }
0x5: {  	_ = 	snop  }
0x6: {  	_ = 	snop  }
0x7: {  	_ = 	snop  }
__scs_overlays_trampoline_lowered:
0x8: {  	[smem:$0x3FA9] =	sst s0  }
0x9: {  	[smem:$0x3FAA] =	sst s1  }
0xa: {  	[smem:$0x3FAB] =	sst s2  }
0xb: {  	[smem:$0x3FAC] =	sst s3  }
0xc: {  	[smem:$0x3FAD] =	sst s4  }
0xd: {  	[smem:$0x3FAE] =	sst s5  }
0xe: {  	[smem:$0x3FAF] =	sst s6  }
0xf: {  	[smem:$0x3FB0] =	sst s7  }
0x10: {  	[smem:$0x3FB1] =	sst s8  }
0x11: {  	[smem:$0x3FB2] =	sst s9;
	s0 =	simm.s32 @!p0 $0x0  }
0x12: {  	s1 =	sld [smem:$0x3F98];
	s0 =	simm.s32 @p0 $0x1  }
0x13: {  	[smem:$0x3FB3] =	sst s0;
	s0 =	simm.s32 @!p1 $0x0  }
0x14: {  	s2 =	sld [smem:$0x3F97];
	s0 =	simm.s32 @p1 $0x1  }
0x15: {  	[smem:$0x3FB4] =	sst s0;
	s0 =	simm.s32 @!p2 $0x0  }
0x16: {  	s3 =	sld [smem:$0x3FDB];
	s0 =	simm.s32 @p2 $0x1  }
0x17: {  	s4 =	simm.s32 $0x1BF5;
	[smem:$0x3FB6] =	sst s0  }
0x18: {  	s0 =	sld [smem:$0x3F99];
	_ =	swait.ge [sflag:s4], $0x0  }
0x19: {  	s7 =	sld [smem:$0x3F9A]  }
0x1a: {  	s8 =	sadd.s32 $0xFFFFE003, lr  }
0x1b: {  	s9 =	sadd.s32 $0xFFFFFEF7, lr;
	s5 =	simm.s32 $0xFFFFFFFF;
	p2 =	slt.u32 s8, $0xFFFFF086  }
0x1c: {  	p1 =	slt.u32 s9, $0xF7A;
	s5 =	simm.s32 @!p2 $0x0  }
0x1d: {  	s5 =	simm.s32 @p1 $0x1;
	p0 =	seq.s32 s7, s2  }
0x1e: {  	s7 =	smul.u32 @!p0 $0xF7A, s2;
	p2 =	seq.s32 @!p0 s5, $0x0  }
0x1f: {  	s9 =	smul.u32 $0xF7A, s1;
	s8 =	simm.s32 @!p0 $0x1BF5;
	p2 =	por !p2, p0  }
0x20: {  	[sflag:s8] =	ssyncset.s32 @!p0 $0xFFFFF086;
	s6 =	sadd.s32 @!p0 s3, s7;
	s7 =	simm.s32 @!p0 $0x108  }
0x21: {  	s3 =	sadd.s32 s3, s9;
	s6 =	sadd.s32 @!p0 $0x88, s6;
	s7 =	simm.s32 @p2 $0x1082  }
0x22: {  	[simem:s7], [sflag:s8] =	dma.local @!p0 [hbm:s6], $0xF7A  }
0x23: {  	s9 =	sor.u32 $0xD0000000, s2;
	s6 =	simm.s32 $0x108;
	_ =	swait.ge @!p0 [sflag:s8], $0x0  }
0x24: {  	s3 =	sadd.s32 $0x88, s3;
	s6 =	simm.s32 @!p1 $0x1082;
	[sflag:s4] =	ssyncset.s32 $0xFFFFF086  }
0x25: {  	[simem:s6], [sflag:s4] =	dma.local [hbm:s3], $0xF7A  }
0x26: {  	[smem:$0x3F9A] =	sst s1;
	(tag) =	ssettag s2;
	_ =	strace s9  }
0x27: {  	s1 =	sld [smem:$0x3FAA]  }
0x28: {  	s2 =	sld [smem:$0x3FAB]  }
0x29: {  	s4 =	sld [smem:$0x3FAD]  }
0x2a: {  	p0 =	seq.s32 s5, $0x0;
	s5 =	sld [smem:$0x3FAE]  }
0x2b: {  	s6 =	sld [smem:$0x3FAF]  }
0x2c: {  	s7 =	sld [smem:$0x3FB0]  }
0x2d: {  	s3 =	simm.s32 $0x108;
	s8 =	sld [smem:$0x3FB1]  }
0x2e: {  	s3 =	simm.s32 @!p0 $0x1082;
	s9 =	sld [smem:$0x3FB2]  }
0x2f: {  	lr =	sadd.s32 s0, s3;
	s0 =	sld [smem:$0x3FA9]  }
0x30: {  	s3 =	sld [smem:$0x3FAC]  }
0x31: {  	[smem:$0x3FB5] =	sst s10  }
0x32: {  	s10 =	sld [smem:$0x3FB3];
	_ =	sdelay $0x3  }
0x33: {  	p0 =	seq.s32 s10, $0x1;
	s10 =	sld [smem:$0x3FB5];
	_ =	sdelay $0x3  }
0x34: {  	[smem:$0x3FB5] =	sst s10  }
0x35: {  	s10 =	sld [smem:$0x3FB4];
	_ =	sdelay $0x3  }
0x36: {  	p1 =	seq.s32 s10, $0x1;
	s10 =	sld [smem:$0x3FB5];
	_ =	sdelay $0x3  }
0x37: {  	[smem:$0x3FB5] =	sst s10  }
0x38: {  	s10 =	sld [smem:$0x3FB6]  }
0x39: {  	_ = 	snop;
	(pc) =	sbr.ind lr, $3  }
0x3a: {  	_ = 	snop  }
0x3b: {  	_ = 	snop  }
0x3c: {  	p2 =	seq.s32 s10, $0x1;
	s10 =	sld [smem:$0x3FB5]  }
0x3d: {  	_ =	shalt  }
0x3e: {  	_ =	shalt  }
0x3f: {  	_ =	shalt  }
0x40: {  	_ =	shalt  }
0x41: {  	_ =	shalt  }
0x42: {  	_ =	shalt  }
0x43: {  	_ =	shalt  }
0x44: {  	_ =	shalt  }
0x45: {  	_ =	shalt  }
0x46: {  	_ =	shalt  }
0x47: {  	_ =	shalt  }
0x48: {  	_ =	shalt  }
0x49: {  	_ =	shalt  }
0x4a: {  	_ =	shalt  }
0x4b: {  	_ =	shalt  }
0x4c: {  	_ =	shalt  }
0x4d: {  	_ =	shalt  }
0x4e: {  	_ =	shalt  }
0x4f: {  	_ =	shalt  }
0x50: {  	_ =	shalt  }
0x51: {  	_ =	shalt  }
0x52: {  	_ =	shalt  }
0x53: {  	_ =	shalt  }
0x54: {  	_ =	shalt  }
0x55: {  	_ =	shalt  }
0x56: {  	_ =	shalt  }
0x57: {  	_ =	shalt  }
0x58: {  	_ =	shalt  }
0x59: {  	_ =	shalt  }
0x5a: {  	_ =	shalt  }
0x5b: {  	_ =	shalt  }
0x5c: {  	_ =	shalt  }
0x5d: {  	_ =	shalt  }
0x5e: {  	_ =	shalt  }
0x5f: {  	_ =	shalt  }
0x60: {  	_ =	shalt  }
0x61: {  	_ =	shalt  }
0x62: {  	_ =	shalt  }
0x63: {  	_ =	shalt  }
0x64: {  	_ =	shalt  }
0x65: {  	_ =	shalt  }
0x66: {  	_ =	shalt  }
0x67: {  	_ =	shalt  }
0x68: {  	_ =	shalt  }
0x69: {  	_ =	shalt  }
0x6a: {  	_ =	shalt  }
0x6b: {  	_ =	shalt  }
0x6c: {  	_ =	shalt  }
0x6d: {  	_ =	shalt  }
0x6e: {  	_ =	shalt  }
0x6f: {  	_ =	shalt  }
0x70: {  	_ =	shalt  }
0x71: {  	_ =	shalt  }
0x72: {  	_ =	shalt  }
0x73: {  	_ =	shalt  }
0x74: {  	_ =	shalt  }
0x75: {  	_ =	shalt  }
0x76: {  	_ =	shalt  }
0x77: {  	_ =	shalt  }
0x78: {  	_ =	shalt  }
0x79: {  	_ =	shalt  }
0x7a: {  	_ =	shalt  }
0x7b: {  	_ =	shalt  }
0x7c: {  	_ =	shalt  }
0x7d: {  	_ =	shalt  }
0x7e: {  	_ =	shalt  }
0x7f: {  	_ =	shalt  }
0x80: {  	_ =	shalt  }
0x81: {  	_ =	shalt  }
0x82: {  	_ =	shalt  }
0x83: {  	_ =	shalt  }
0x84: {  	_ =	shalt  }
0x85: {  	_ =	shalt  }
0x86: {  	_ =	shalt  }
0x87: {  	_ =	shalt  }
.Lfunc_end0:
.L_simem_size_0:
called_computation_lowered:
.L_overlay_start_0:
0x88: {  	s2 =	sld [smem:$0x3FD9]  }
0x89: {  	s3 =	sld [smem:$0x3FFE];
	_ =	sdelay $0x1  }
0x8a: {  	s1 =	srdreg.scid  }
0x8b: {  	s0 =	sand.u32 $0x1, s1  }
0x8c: {  	s17 =	sshll.u32 s0, $0xA;
	s2 =	sadd.s32 s3, s2  }
0x8d: {  	s2 =	sadd.s32 s2, s17  }
0x8e: {  	[smem:$0x3FC1] =	sst s2  }
0x8f: {  	_ = 	snop  }
0x90: {  	s2 =	sld [smem:$0x3FD0];
	(tm) =	ssettm $0x1  }
0x91: {  	s18 =	sld [smem:$0x3FFB];
	_ =	sdelay $0x3  }
0x92: {  	_ =	strace s18  }
0x93: {  	s3 =	sld [smem:$0x3FFC];
	_ =	sdelay $0x3  }
0x94: {  	_ =	strace s3  }
0x95: {  	s3 =	sld [smem:$0x3FFD];
	_ =	sdelay $0x3  }
0x96: {  	_ =	strace s3  }
0x97: {  	_ =	strace $0x8FFFFFFF  }
0x98: {  	s19 =	sld [smem:$0x3FDB];
	_ =	sdelay $0x1  }
0x99: {  	s4 =	simm.s32 $_scs_section_size  }
0x9a: {  	s5 =	simm.s32 $_size__tile_overlayer_lowered;
	s6 =	simm.s32 $_tile_overlayer_lowered  }
0x9b: {  	s22 =	simm.s32 $0x1BFF;
	s21 =	sshll.u32 s6, $0x1;
	s3 =	sadd.s32 s4, s19  }
0x9c: {  	s7 =	simm.s32 $0x0;
	s20 =	sshll.u32 s5, $0x1;
	s5 =	sadd.s32 s21, s3  }
0x9d: {  	[timem:s7], [sflag:s22] =	dma.local [hbm:s5], s20  }
0x9e: {  	_ =	swait.ge [sflag:s22], s20  }
0x9f: {  	s4 =	ssub.s32 $0x0, s20;
	[sflag:s22] =	ssyncset.done $0x0  }
0xa0: {  	[sflag:s22] =	ssyncadd.s32 s4;
	_ =	sdelay $0x1  }
0xa1: {  	s23 =	simm.s32 $0x1B8B  }
0xa2: {  	_ =	swait.ge [sflag:s23], $0x1  }
0xa3: {  	[sflag:s23] =	ssyncset.done $0x0  }
0xa4: {  	s25 =	simm.s32 $0x1B8E;
	s24 =	sld [smem:$0x3FFE];
	[sflag:s23] =	ssyncadd.s32 $0xFFFFFFFF  }
0xa5: {  	s26 =	simm.s32 $execute0_lowered;
	[smem:$0x3FD2] =	sst s25  }
0xa6: {  	s5 =	sshll.u32 s26, $0x1;
	_ =	strace $0x80000046;
	[dreg:$0x1] =	wrdreg $0xFFFFFFFF  }
0xa7: {  	s28 =	simm.s32 $_size_execute0_lowered;
	s3 =	sadd.s32 s3, s5;
	[dreg:$0x0] =	wrdreg $0x0  }
0xa8: {  	s5 =	sshll.u32 s28, $0x1;
	[dreg:$0x2] =	wrdreg s3  }
0xa9: {  	[dreg:$0x3] =	wrdreg s5  }
0xaa: {  	[dreg:$0x4] =	wrdreg $0xC0  }
0xab: {  	_ =	task [dreg:s7], $0x5FFFF  }
0xac: {  	[dreg:$0x1] =	wrdreg $0xFFFFFFFF  }
0xad: {  	[dreg:$0x0] =	wrdreg $0x60  }
0xae: {  	[dreg:$0x2] =	wrdreg s24  }
0xaf: {  	[dreg:$0x3] =	wrdreg s2  }
0xb0: {  	[dreg:$0x4] =	wrdreg $0x0  }
0xb1: {  	[dreg:$0x5] =	wrdreg $0x9  }
0xb2: {  	_ =	task.clear_ibuf [dreg:s7], $0x6FFFF;
	_ =	strace $0x90000046  }
0xb3: {  	s29 =	simm.s32 $0x9;
	_ =	strace $0x80000048  }
0xb4: {  	_ =	swait.ge [sflag:s29], $0x1  }
0xb5: {  	[sflag:s29] =	ssyncadd.s32 $0xFFFFFFFF  }
0xb6: {  	_ =	strace $0x90000048  }
0xb7: {  	_ =	sfence  }
0xb8: {  	s30 =	sld [smem:$0x0];
	_ =	sdelay $0x2  }
0xb9: {  	s31 =	sshll.u32 s1, $0xD;
	s1 =	sshrl.u32 s1, $0x2  }
0xba: {  	s3 =	sand.u32 $0x4000, s31;
	s1 =	sadd.s32 s1, s30  }
0xbb: {  	s0 =	sor.u32 s3, s0;
	s1 =	sshll.u32 s1, $0x11  }
0xbc: {  	s0 =	sor.u32 s1, s0  }
0xbd: {  	s0 =	sadd.s32 $0x8F2B, s0  }
0xbe: {  	[sflag:s0] =	ssyncadd.remote.s32 $0x1  }
0xbf: {  	_ =	sfence.sel $0xFFFF  }
0xc0: {  	[dreg:$0x0] =	wrdreg $0xFFFFFFFF;
	(pc) =	sbr.abs _section_cstart, $3  }
0xc1: {  	[dreg:$0x1] =	wrdreg $0xFFFFFFFF  }
0xc2: {  	_ =	task.clear_ibuf [dreg:s7], $0x2FFFF;
	_ =	strace $0x9FFFFFFF  }
0xc3: {  	(tm) =	ssettm $0x7FFFFFFF  }
tec
execute0_lowered:
.L_overlay_start_1:
0x0: {  	(tag) =	ssettag $0x1  }
0x1: {  	s0 =	srdreg.scid  }
0x2: {  	s29 =	stileid.u32;
	s28 =	rddreg [dreg:$0x2]  }
0x3: {  	s30 =	simm.s32 $0x2;
	s31 =	simm.s32 $0x14880;
	s4 =	sand.u32 $0x1, s0  }
0x4: {  	s0 =	rddreg [dreg:$0x0];
	s8 =	sshll.u32 s29, $0xB;
	s6 =	smul.u32 $0x28000, s4  }
0x5: {  	s3 =	sor.u32 $0x20, s29;
	s10 =	sshll.u32 s29, $0x4;
	s7 =	smul.u32 $0x5, s4  }
0x6: {  	s1 =	ssub.s32 $0x2, s4;
	s5 =	sadd.s32 $0x1200, s0;
	s9 =	smul.u32 $0x1400, s4  }
0x7: {  	s4 =	sor.u32 $0x30, s29;
	s13 =	sshll.u32 s3, $0x4;
	s2 =	sshrl.u32 s1, $0x1  }
0x8: {  	s17 =	sshll.u32 s4, $0x4;
	s2 =	ssub.s32 s1, s2;
	s1 =	sor.u32 $0x10, s29  }
0x9: {  	s6 =	sor.u32 s8, s6;
	s11 =	sadd.s32 $0x1, s7;
	s16 =	sor.u32 s9, s13  }
0xa: {  	s18 =	sadd.s32 $0x2, s7;
	s19 =	sadd.s32 $0x3, s7;
	s7 =	sadd.s32 $0x4, s7  }
0xb: {  	s6 =	sshrl.u32 s6, $0x3;
	s12 =	sshll.u32 s1, $0x4;
	s14 =	sshll.u32 s11, $0xF  }
0xc: {  	s11 =	sshll.u32 s11, $0xA;
	s20 =	sshll.u32 s18, $0xF;
	s21 =	sshll.u32 s19, $0xF  }
0xd: {  	s22 =	sshll.u32 s7, $0xF;
	s26 =	sshll.u32 s18, $0xA;
	s19 =	sshll.u32 s19, $0xA  }
0xe: {  	s7 =	sshll.u32 s7, $0xA;
	s2 =	smax.u32 s2, $0x1;
	s6 =	sadd.s32 s5, s6  }
0xf: {  	s15 =	sor.u32 s9, s12;
	s14 =	sor.u32 s8, s14;
	s20 =	sor.u32 s8, s20  }
0x10: {  	s21 =	sor.u32 s8, s21;
	s8 =	sor.u32 s8, s22;
	s22 =	sor.u32 s12, s11  }
0x11: {  	s18 =	sor.u32 s10, s26;
	s23 =	sor.u32 s10, s19;
	s24 =	sor.u32 s12, s19  }
0x12: {  	[dreg:$0x4] =	wrdreg s6;
	s6 =	sor.u32 s10, s9;
	s14 =	sshrl.u32 s14, $0x3  }
0x13: {  	s9 =	sor.u32 s9, s17;
	s20 =	sshrl.u32 s20, $0x3;
	s21 =	sshrl.u32 s21, $0x3  }
0x14: {  	s8 =	sshrl.u32 s8, $0x3;
	s15 =	sshll.u32 s15, $0x7;
	s14 =	sadd.s32 s5, s14  }
0x15: {  	s20 =	sadd.s32 s5, s20;
	s25 =	sadd.s32 s5, s21;
	[dreg:$0x5] =	wrdreg s14  }
0x16: {  	s5 =	sadd.s32 s5, s8;
	s21 =	sor.u32 s13, s26;
	[dreg:$0x6] =	wrdreg s20  }
0x17: {  	s8 =	sor.u32 s17, s26;
	s9 =	sshll.u32 s9, $0x7;
	[dreg:$0x7] =	wrdreg s25  }
0x18: {  	s14 =	sor.u32 s10, s11;
	[dreg:$0x8] =	wrdreg s5;
	s5 =	sor.u32 s13, s11  }
0x19: {  	s11 =	sor.u32 s17, s11;
	s20 =	sor.u32 s12, s26;
	s25 =	sor.u32 s13, s19  }
0x1a: {  	s19 =	sor.u32 s17, s19;
	s10 =	sor.u32 s10, s7;
	s12 =	sor.u32 s12, s7  }
0x1b: {  	s13 =	sor.u32 s13, s7;
	s7 =	sor.u32 s17, s7;
	s17 =	sshll.u32 s6, $0x7  }
0x1c: {  	s6 =	simm.s32 $0x0;
	s26 =	sadd.s32 $0xC200, s0;
	s8 =	sshll.u32 s8, $0x7  }
0x1d: {  	s0 =	sadd.s32 $0xB200, s0;
	[smem:$0x7FF] =	sst s6;
	s17 =	sadd.s32 s26, s17  }
0x1e: {  	s15 =	sadd.s32 s26, s15;
	s9 =	sadd.s32 s26, s9;
	[dreg:$0x9] =	wrdreg s17  }
0x1f: {  	s14 =	sshll.u32 s14, $0x7;
	s5 =	sshll.u32 s5, $0x7;
	[dreg:$0xa] =	wrdreg s15  }
0x20: {  	s17 =	sshll.u32 s16, $0x7;
	[dreg:$0xc] =	wrdreg s9;
	s9 =	sadd.s32 s26, s14  }
0x21: {  	s5 =	sadd.s32 s26, s5;
	s16 =	sshll.u32 s11, $0x7;
	[dreg:$0xd] =	wrdreg s9  }
0x22: {  	s14 =	sshll.u32 s24, $0x7;
	s15 =	sadd.s32 s26, s17;
	[dreg:$0xf] =	wrdreg s5  }
0x23: {  	s5 =	sadd.s32 s26, s16;
	s17 =	sshll.u32 s18, $0x7;
	s18 =	sshll.u32 s20, $0x7  }
0x24: {  	s16 =	sshll.u32 s19, $0x7;
	s19 =	sshll.u32 s12, $0x7;
	[dreg:$0xb] =	wrdreg s15  }
0x25: {  	s15 =	sshll.u32 s22, $0x7;
	[dreg:$0x10] =	wrdreg s5;
	s5 =	sadd.s32 s26, s17  }
0x26: {  	s20 =	sadd.s32 s26, s18;
	s22 =	sshll.u32 s21, $0x7;
	s17 =	sadd.s32 s26, s16  }
0x27: {  	s18 =	sshll.u32 s10, $0x7;
	s21 =	sshll.u32 s7, $0x7;
	s7 =	simm.s32 $0x4  }
0x28: {  	s10 =	simm.s32 $0x3;
	s9 =	sadd.s32 s26, s15;
	[dreg:$0x11] =	wrdreg s5  }
0x29: {  	[dreg:$0x12] =	wrdreg s20;
	s5 =	sadd.s32 s26, s22;
	s15 =	sshll.u32 s25, $0x7  }
0x2a: {  	[dreg:$0x18] =	wrdreg s17;
	s20 =	sshll.u32 s13, $0x7;
	s22 =	sshll.u32 s29, $0xE  }
0x2b: {  	s25 =	sshll.u32 s3, $0xE;
	s3 =	simm.s32 $0x10800;
	[dreg:$0xe] =	wrdreg s9  }
0x2c: {  	[dreg:$0x13] =	wrdreg s5;
	s9 =	sshll.u32 s23, $0x7;
	s5 =	sadd.s32 s26, s8  }
0x2d: {  	s29 =	simm.s32 $0x1;
	[dreg:$0x14] =	wrdreg s5;
	s11 =	sadd.s32 s26, s9  }
0x2e: {  	s24 =	sadd.s32 s22, s28;
	s5 =	sadd.s32 s26, s14;
	[dreg:$0x15] =	wrdreg s11  }
0x2f: {  	s23 =	sshll.u32 s1, $0xE;
	[dreg:$0x16] =	wrdreg s5;
	s5 =	sadd.s32 s26, s15  }
0x30: {  	s25 =	sadd.s32 s25, s28;
	[dreg:$0x17] =	wrdreg s5;
	s5 =	sadd.s32 s26, s18  }
0x31: {  	s8 =	simm.s32 $0x10000;
	[dreg:$0x19] =	wrdreg s5;
	s5 =	sadd.s32 s26, s19  }
0x32: {  	s9 =	simm.s32 $0x7D;
	[dreg:$0x1a] =	wrdreg s5;
	s5 =	sadd.s32 s26, s20  }
0x33: {  	s11 =	simm.s32 $0x0;
	[dreg:$0x1b] =	wrdreg s5;
	s5 =	sadd.s32 s26, s21  }
0x34: {  	s26 =	sshll.u32 s4, $0xE;
	s4 =	simm.s32 $0x5;
	[dreg:$0x1c] =	wrdreg s5  }
0x35: {  	s1 =	sadd.s32 s26, s28;
	s5 =	simm.s32 $0x10880;
	s26 =	simm.s32 $0x10780  }
0x36: {  	_ =	strace $0x80000047;
	[dreg:$0x1d] =	wrdreg s0;
	s0 =	sadd.s32 s23, s28  }
0x37: {  	[dreg:$0x1e] =	wrdreg s2;
	s23 =	simm.s32 $0x10700;
	s2 =	simm.s32 $0x18880  }
.LBB2_1:
0x38: {  	s12 =	rddreg [dreg:$0x1]  }
0x39: {  	[tilespmem:s3], [sflag:$0x5] =	stream.linear.gather [hbm4b:s12+s6], $0x80, $0x38;
	[tilespmem:$0x1C880] =	vst v63  }
0x3a: {  	_ =	swait.ge [sflag:s4], $0x80  }
0x3b: {  	[sflag:s4] =	ssyncset.done $0x0  }
0x3c: {  	s17 =	rddreg [dreg:$0x1d];
	[sflag:s4] =	ssyncadd.s32 $0xFFFFFF80  }
0x3d: {  	[tilespmem:s5], [sflag:$0x5] =	stream.linear.gather [hbm4b:s17+s6], $0x4000, $0x38;
	[tilespmem:$0x1C880] =	vst v63  }
0x3e: {  	_ =	swait.ge [sflag:s4], $0x4000  }
0x3f: {  	[sflag:s4] =	ssyncset.done $0x0  }
0x40: {  	[sflag:s4] =	ssyncadd.s32 $0xFFFFC000  }
0x41: {  	[spmem:s24] =	stream.linear.scatter [tilespmem:s5], [sflag:$0x4], $0x4000, $0x38;
	[tilespmem:$0x1C880] =	vst v63  }
0x42: {  	_ = 	snop  }
0x43: {  	[spmem:s0] =	stream.linear.scatter [tilespmem:s5], [sflag:$0x4], $0x4000, $0x38;
	[tilespmem:$0x1C880] =	vst v63  }
0x44: {  	_ = 	snop  }
0x45: {  	[spmem:s25] =	stream.linear.scatter [tilespmem:s5], [sflag:$0x4], $0x4000, $0x38;
	[tilespmem:$0x1C880] =	vst v63  }
0x46: {  	_ = 	snop  }
0x47: {  	[spmem:s1] =	stream.linear.scatter [tilespmem:s5], [sflag:$0x4], $0x4000, $0x38;
	[tilespmem:$0x1C880] =	vst v63  }
0x48: {  	_ =	swait.ge [sflag:s7], $0x4000  }
0x49: {  	[sflag:s7] =	ssyncset.done $0x0  }
0x4a: {  	[sflag:s7] =	ssyncadd.s32 $0xFFFFC000  }
0x4b: {  	_ =	swait.ge [sflag:s7], $0x4000  }
0x4c: {  	[sflag:s7] =	ssyncset.done $0x0  }
0x4d: {  	[sflag:s7] =	ssyncadd.s32 $0xFFFFC000  }
0x4e: {  	_ =	swait.ge [sflag:s7], $0x4000  }
0x4f: {  	[sflag:s7] =	ssyncset.done $0x0  }
0x50: {  	[sflag:s7] =	ssyncadd.s32 $0xFFFFC000  }
0x51: {  	_ =	swait.ge [sflag:s7], $0x4000  }
0x52: {  	[sflag:s7] =	ssyncset.done $0x0  }
0x53: {  	[sflag:s7] =	ssyncadd.s32 $0xFFFFC000  }
0x54: {  	[bflag:$0x0] =	sbarrier.arrive $0xFFFF  }
0x55: {  	s18 =	rddreg [dreg:$0x4]  }
0x56: {  	[tilespmem:s8], [sflag:$0x5] =	stream.linear.gather [hbm4b:s18+s6], $0x800, $0x38;
	[tilespmem:$0x1C880] =	vst v63  }
0x57: {  	_ =	swait.ge [sflag:s4], $0x800  }
0x58: {  	[sflag:s4] =	ssyncset.done $0x0  }
0x59: {  	[sflag:s4] =	ssyncadd.s32 $0xFFFFF800  }
0x5a: {  	[spmem:s28] =	stream.indirect.scatter.add.f32 [tilespmem:s3], [sflag:$0x1], $0x1, s8, s9, $0xb8;
	[tilespmem:$0x1C880] =	vst v63  }
0x5b: {  	s19 =	simm.s32 $0x10080  }
0x5c: {  	[spmem:s28] =	stream.indirect.scatter.add.f32 [tilespmem:s3], [sflag:$0x1], $0x1, s19, s9, $0xb8;
	[tilespmem:$0x1C880] =	vst v63  }
0x5d: {  	s20 =	simm.s32 $0x10100  }
0x5e: {  	[spmem:s28] =	stream.indirect.scatter.add.f32 [tilespmem:s3], [sflag:$0x1], $0x1, s20, s9, $0xb8;
	[tilespmem:$0x1C880] =	vst v63  }
0x5f: {  	s21 =	simm.s32 $0x10180  }
0x60: {  	[spmem:s28] =	stream.indirect.scatter.add.f32 [tilespmem:s3], [sflag:$0x1], $0x1, s21, s9, $0xb8;
	[tilespmem:$0x1C880] =	vst v63  }
0x61: {  	s22 =	simm.s32 $0x10200  }
0x62: {  	[spmem:s28] =	stream.indirect.scatter.add.f32 [tilespmem:s3], [sflag:$0x1], $0x1, s22, s9, $0xb8;
	[tilespmem:$0x1C880] =	vst v63  }
0x63: {  	s13 =	simm.s32 $0x10280  }
0x64: {  	[spmem:s28] =	stream.indirect.scatter.add.f32 [tilespmem:s3], [sflag:$0x1], $0x1, s13, s9, $0xb8;
	[tilespmem:$0x1C880] =	vst v63  }
0x65: {  	s14 =	simm.s32 $0x10300  }
0x66: {  	[spmem:s28] =	stream.indirect.scatter.add.f32 [tilespmem:s3], [sflag:$0x1], $0x1, s14, s9, $0xb8;
	[tilespmem:$0x1C880] =	vst v63  }
0x67: {  	s15 =	simm.s32 $0x10380  }
0x68: {  	[spmem:s28] =	stream.indirect.scatter.add.f32 [tilespmem:s3], [sflag:$0x1], $0x1, s15, s9, $0xb8;
	[tilespmem:$0x1C880] =	vst v63  }
0x69: {  	s16 =	simm.s32 $0x10400  }
0x6a: {  	[spmem:s28] =	stream.indirect.scatter.add.f32 [tilespmem:s3], [sflag:$0x1], $0x1, s16, s9, $0xb8;
	[tilespmem:$0x1C880] =	vst v63  }
0x6b: {  	s17 =	simm.s32 $0x10480  }
0x6c: {  	[spmem:s28] =	stream.indirect.scatter.add.f32 [tilespmem:s3], [sflag:$0x1], $0x1, s17, s9, $0xb8;
	[tilespmem:$0x1C880] =	vst v63  }
0x6d: {  	s18 =	simm.s32 $0x10500  }
0x6e: {  	[spmem:s28] =	stream.indirect.scatter.add.f32 [tilespmem:s3], [sflag:$0x1], $0x1, s18, s9, $0xb8;
	[tilespmem:$0x1C880] =	vst v63  }
0x6f: {  	s19 =	simm.s32 $0x10580  }
0x70: {  	[spmem:s28] =	stream.indirect.scatter.add.f32 [tilespmem:s3], [sflag:$0x1], $0x1, s19, s9, $0xb8;
	[tilespmem:$0x1C880] =	vst v63  }
0x71: {  	s20 =	simm.s32 $0x10600  }
0x72: {  	[spmem:s28] =	stream.indirect.scatter.add.f32 [tilespmem:s3], [sflag:$0x1], $0x1, s20, s9, $0xb8;
	[tilespmem:$0x1C880] =	vst v63  }
0x73: {  	s21 =	simm.s32 $0x10680  }
0x74: {  	[spmem:s28] =	stream.indirect.scatter.add.f32 [tilespmem:s3], [sflag:$0x1], $0x1, s21, s9, $0xb8;
	[tilespmem:$0x1C880] =	vst v63  }
0x75: {  	_ = 	snop  }
0x76: {  	[spmem:s28] =	stream.indirect.scatter.add.f32 [tilespmem:s3], [sflag:$0x1], $0x1, s23, s9, $0xb8;
	[tilespmem:$0x1C880] =	vst v63  }
0x77: {  	_ = 	snop  }
0x78: {  	[spmem:s28] =	stream.indirect.scatter.add.f32 [tilespmem:s3], [sflag:$0x1], $0x1, s26, s9, $0xb8;
	[tilespmem:$0x1C880] =	vst v63  }
0x79: {  	_ =	swait.ge [sflag:s29], $0x7D  }
0x7a: {  	[sflag:s29] =	ssyncset.done $0x0  }
0x7b: {  	[sflag:s29] =	ssyncadd.s32 $0xFFFFFF83  }
0x7c: {  	_ =	swait.ge [sflag:s29], $0x7D  }
0x7d: {  	[sflag:s29] =	ssyncset.done $0x0  }
0x7e: {  	[sflag:s29] =	ssyncadd.s32 $0xFFFFFF83  }
0x7f: {  	_ =	swait.ge [sflag:s29], $0x7D  }
0x80: {  	[sflag:s29] =	ssyncset.done $0x0  }
0x81: {  	[sflag:s29] =	ssyncadd.s32 $0xFFFFFF83  }
0x82: {  	_ =	swait.ge [sflag:s29], $0x7D  }
0x83: {  	[sflag:s29] =	ssyncset.done $0x0  }
0x84: {  	[sflag:s29] =	ssyncadd.s32 $0xFFFFFF83  }
0x85: {  	_ =	swait.ge [sflag:s29], $0x7D  }
0x86: {  	[sflag:s29] =	ssyncset.done $0x0  }
0x87: {  	[sflag:s29] =	ssyncadd.s32 $0xFFFFFF83  }
0x88: {  	_ =	swait.ge [sflag:s29], $0x7D  }
0x89: {  	[sflag:s29] =	ssyncset.done $0x0  }
0x8a: {  	[sflag:s29] =	ssyncadd.s32 $0xFFFFFF83  }
0x8b: {  	_ =	swait.ge [sflag:s29], $0x7D  }
0x8c: {  	[sflag:s29] =	ssyncset.done $0x0  }
0x8d: {  	[sflag:s29] =	ssyncadd.s32 $0xFFFFFF83  }
0x8e: {  	_ =	swait.ge [sflag:s29], $0x7D  }
0x8f: {  	[sflag:s29] =	ssyncset.done $0x0  }
0x90: {  	[sflag:s29] =	ssyncadd.s32 $0xFFFFFF83  }
0x91: {  	_ =	swait.ge [sflag:s29], $0x7D  }
0x92: {  	[sflag:s29] =	ssyncset.done $0x0  }
0x93: {  	[sflag:s29] =	ssyncadd.s32 $0xFFFFFF83  }
0x94: {  	_ =	swait.ge [sflag:s29], $0x7D  }
0x95: {  	[sflag:s29] =	ssyncset.done $0x0  }
0x96: {  	[sflag:s29] =	ssyncadd.s32 $0xFFFFFF83  }
0x97: {  	_ =	swait.ge [sflag:s29], $0x7D  }
0x98: {  	[sflag:s29] =	ssyncset.done $0x0  }
0x99: {  	[sflag:s29] =	ssyncadd.s32 $0xFFFFFF83  }
0x9a: {  	_ =	swait.ge [sflag:s29], $0x7D  }
0x9b: {  	[sflag:s29] =	ssyncset.done $0x0  }
0x9c: {  	[sflag:s29] =	ssyncadd.s32 $0xFFFFFF83  }
0x9d: {  	_ =	swait.ge [sflag:s29], $0x7D  }
0x9e: {  	[sflag:s29] =	ssyncset.done $0x0  }
0x9f: {  	[sflag:s29] =	ssyncadd.s32 $0xFFFFFF83  }
0xa0: {  	_ =	swait.ge [sflag:s29], $0x7D  }
0xa1: {  	[sflag:s29] =	ssyncset.done $0x0  }
0xa2: {  	[sflag:s29] =	ssyncadd.s32 $0xFFFFFF83  }
0xa3: {  	_ =	swait.ge [sflag:s29], $0x7D  }
0xa4: {  	[sflag:s29] =	ssyncset.done $0x0  }
0xa5: {  	s22 =	sand.u32 $0x2000, s6;
	s13 =	sand.u32 $0x380, s6;
	[sflag:s29] =	ssyncadd.s32 $0xFFFFFF83  }
0xa6: {  	s12 =	sor.u32 s13, s22;
	_ =	swait.ge [sflag:s29], $0x7D  }
0xa7: {  	s22 =	simm.s32 $0x80;
	s18 =	sadd.s32 $0x0, s24;
	[sflag:s29] =	ssyncset.done $0x0  }
0xa8: {  	s13 =	sand.u32 $0x380, s22;
	s14 =	sadd.s32 $0x80, s18;
	[sflag:s29] =	ssyncadd.s32 $0xFFFFFF83  }
0xa9: {  	s16 =	sadd.s32 $0x100, s18;
	s19 =	sadd.s32 $0x14880, s12;
	[bflag:$0x0] =	sbarrier.arrive $0xFFFF  }
0xaa: {  	[tilespmem:s19], [sflag:$0x2] =	stream.linear.gather [spmem:s18], $0x80, $0x38;
	[tilespmem:$0x1C880] =	vst v63  }
0xab: {  	s15 =	sadd.s32 $0x400, s19;
	s17 =	sadd.s32 $0x800, s19;
	s20 =	simm.s32 $0x400  }
0xac: {  	[tilespmem:s15], [sflag:$0x2] =	stream.linear.gather [spmem:s14], $0x80, $0x38;
	[tilespmem:$0x1C880] =	vst v63  }
0xad: {  	s22 =	sadd.s32 $0x1800, s19;
	s12 =	sand.u32 $0x2000, s20;
	s20 =	sadd.s32 $0x1400, s19  }
0xae: {  	[tilespmem:s17], [sflag:$0x2] =	stream.linear.gather [spmem:s16], $0x80, $0x38;
	[tilespmem:$0x1C880] =	vst v63  }
0xaf: {  	s21 =	sadd.s32 $0x180, s18;
	s14 =	sadd.s32 $0xC00, s19;
	s15 =	sor.u32 $0x1000, s19  }
0xb0: {  	[tilespmem:s14], [sflag:$0x2] =	stream.linear.gather [spmem:s21], $0x80, $0x38;
	[tilespmem:$0x1C880] =	vst v63  }
0xb1: {  	s19 =	sadd.s32 $0x1C00, s19;
	s16 =	sadd.s32 $0x200, s18;
	s17 =	sadd.s32 $0x280, s18  }
0xb2: {  	[tilespmem:s15], [sflag:$0x2] =	stream.linear.gather [spmem:s16], $0x80, $0x38;
	[tilespmem:$0x1C880] =	vst v63  }
0xb3: {  	s21 =	sadd.s32 $0x300, s18;
	s14 =	simm.s32 $0x800;
	s18 =	sadd.s32 $0x380, s18  }
0xb4: {  	[tilespmem:s20], [sflag:$0x2] =	stream.linear.gather [spmem:s17], $0x80, $0x38;
	[tilespmem:$0x1C880] =	vst v63  }
0xb5: {  	s15 =	simm.s32 $0x100;
	s16 =	simm.s32 $0x400;
	s17 =	simm.s32 $0x2000  }
0xb6: {  	[tilespmem:s22], [sflag:$0x2] =	stream.linear.gather [spmem:s21], $0x80, $0x38;
	[tilespmem:$0x1C880] =	vst v63  }
.LBB2_2:
0xb7: {  	[tilespmem:s19], [sflag:$0x2] =	stream.linear.gather [spmem:s18], $0x80, $0x38;
	[tilespmem:$0x1C880] =	vst v63  }
0xb8: {  	s18 =	smov.u32 s17  }
0xb9: {  	s19 =	sor.u32 s13, s12;
	s13 =	sand.u32 $0x380, s15;
	s12 =	sand.u32 $0x2000, s14  }
0xba: {  	s20 =	sadd.s32 $0x1000, s17;
	s21 =	sadd.s32 s16, s24;
	s19 =	sadd.s32 $0x14880, s19  }
0xbb: {  	[tilespmem:s19], [sflag:$0x2] =	stream.linear.gather [spmem:s21], $0x80, $0x38;
	[tilespmem:$0x1C880] =	vst v63  }
0xbc: {  	p0 =	sne.s32 s17, $0xF000;
	s16 =	sadd.s32 $0x80, s21;
	s17 =	sadd.s32 $0x400, s19  }
0xbd: {  	[tilespmem:s17], [sflag:$0x2] =	stream.linear.gather [spmem:s16], $0x80, $0x38;
	[tilespmem:$0x1C880] =	vst v63  }
0xbe: {  	s16 =	sadd.s32 $0x100, s21;
	s17 =	sadd.s32 $0x800, s19  }
0xbf: {  	[tilespmem:s17], [sflag:$0x2] =	stream.linear.gather [spmem:s16], $0x80, $0x38;
	[tilespmem:$0x1C880] =	vst v63  }
0xc0: {  	s14 =	sadd.s32 $0x400, s14;
	s16 =	sadd.s32 $0x180, s21;
	s17 =	sadd.s32 $0xC00, s19  }
0xc1: {  	[tilespmem:s17], [sflag:$0x2] =	stream.linear.gather [spmem:s16], $0x80, $0x38;
	[tilespmem:$0x1C880] =	vst v63  }
0xc2: {  	s15 =	sadd.s32 $0x80, s15;
	s16 =	sadd.s32 $0x200, s21;
	s17 =	sor.u32 $0x1000, s19  }
0xc3: {  	[tilespmem:s17], [sflag:$0x2] =	stream.linear.gather [spmem:s16], $0x80, $0x38;
	[tilespmem:$0x1C880] =	vst v63  }
.Ltmp0:
0xc4: {  	s16 =	sadd.s32 $0x280, s21;
	s17 =	sadd.s32 $0x1400, s19;
	(pc) =	sbr.rel @p0 .LBB2_2-.Ltmp0, $4  }
0xc5: {  	[tilespmem:s17], [sflag:$0x2] =	stream.linear.gather [spmem:s16], $0x80, $0x38;
	[tilespmem:$0x1C880] =	vst v63  }
0xc6: {  	s16 =	sadd.s32 $0x300, s21;
	s17 =	sadd.s32 $0x1800, s19;
	s19 =	sadd.s32 $0x1C00, s19  }
0xc7: {  	[tilespmem:s17], [sflag:$0x2] =	stream.linear.gather [spmem:s16], $0x80, $0x38;
	[tilespmem:$0x1C880] =	vst v63  }
0xc8: {  	s16 =	sshra.s32 s18, $0x2;
	s18 =	sadd.s32 $0x380, s21;
	s17 =	smov.u32 s20  }
0xc9: {  	[tilespmem:s19], [sflag:$0x2] =	stream.linear.gather [spmem:s18], $0x80, $0x38;
	[tilespmem:$0x1C880] =	vst v63  }
0xca: {  	s12 =	sor.u32 s13, s12  }
0xcb: {  	s13 =	sadd.s32 s16, s24;
	s12 =	sadd.s32 $0x14880, s12  }
0xcc: {  	[tilespmem:s12], [sflag:$0x2] =	stream.linear.gather [spmem:s13], $0x80, $0x38;
	[tilespmem:$0x1C880] =	vst v63  }
0xcd: {  	s14 =	sadd.s32 $0x80, s13;
	s15 =	sadd.s32 $0x400, s12  }
0xce: {  	[tilespmem:s15], [sflag:$0x2] =	stream.linear.gather [spmem:s14], $0x80, $0x38;
	[tilespmem:$0x1C880] =	vst v63  }
0xcf: {  	s17 =	sadd.s32 $0x100, s13;
	s18 =	sadd.s32 $0x800, s12  }
0xd0: {  	[tilespmem:s18], [sflag:$0x2] =	stream.linear.gather [spmem:s17], $0x80, $0x38;
	[tilespmem:$0x1C880] =	vst v63  }
0xd1: {  	s19 =	sadd.s32 $0x180, s13;
	s20 =	sadd.s32 $0xC00, s12  }
0xd2: {  	[tilespmem:s20], [sflag:$0x2] =	stream.linear.gather [spmem:s19], $0x80, $0x38;
	[tilespmem:$0x1C880] =	vst v63  }
0xd3: {  	s21 =	sadd.s32 $0x200, s13;
	s22 =	sor.u32 $0x1000, s12  }
0xd4: {  	[tilespmem:s22], [sflag:$0x2] =	stream.linear.gather [spmem:s21], $0x80, $0x38;
	[tilespmem:$0x1C880] =	vst v63  }
0xd5: {  	s16 =	sadd.s32 $0x280, s13;
	s17 =	sadd.s32 $0x1400, s12  }
0xd6: {  	[tilespmem:s17], [sflag:$0x2] =	stream.linear.gather [spmem:s16], $0x80, $0x38;
	[tilespmem:$0x1C880] =	vst v63  }
0xd7: {  	s18 =	sadd.s32 $0x300, s13;
	s19 =	sadd.s32 $0x1800, s12  }
0xd8: {  	[tilespmem:s19], [sflag:$0x2] =	stream.linear.gather [spmem:s18], $0x80, $0x38;
	[tilespmem:$0x1C880] =	vst v63  }
0xd9: {  	s13 =	sadd.s32 $0x380, s13;
	s12 =	sadd.s32 $0x1C00, s12  }
0xda: {  	[tilespmem:s12], [sflag:$0x2] =	stream.linear.gather [spmem:s13], $0x80, $0x38;
	[tilespmem:$0x1C880] =	vst v63  }
0xdb: {  	s20 =	simm.s32 $0x0;
	s18 =	sadd.s32 $0x0, s24;
	_ =	swait.ge [sflag:s30], $0x4000  }
0xdc: {  	s22 =	sand.u32 $0x380, s20;
	s14 =	sadd.s32 $0x40080, s18;
	[sflag:s30] =	ssyncset.done $0x0  }
0xdd: {  	s12 =	sand.u32 $0x2000, s20;
	s21 =	rddreg [dreg:$0x9];
	[sflag:s30] =	ssyncadd.s32 $0xFFFFC000  }
0xde: {  	[hbm4b:s21+s20] =	stream.linear.scatter [tilespmem:s31], [sflag:$0x3], $0x4000, $0x38;
	[tilespmem:$0x1C880] =	vst v63  }
0xdf: {  	s16 =	sadd.s32 $0x40100, s18;
	s12 =	sor.u32 s22, s12;
	s22 =	simm.s32 $0x80  }
0xe0: {  	[spmem:s24] =	stream.linear.scatter [tilespmem:s5], [sflag:$0x4], $0x4000, $0x38;
	[tilespmem:$0x1C880] =	vst v63  }
0xe1: {  	s13 =	sadd.s32 $0x40000, s18;
	s19 =	sadd.s32 $0x18880, s12;
	s12 =	sand.u32 $0x380, s22  }
0xe2: {  	[tilespmem:s19], [sflag:$0x2] =	stream.linear.gather [spmem:s13], $0x80, $0x38;
	[tilespmem:$0x1C880] =	vst v63  }
0xe3: {  	s15 =	sadd.s32 $0x400, s19;
	s17 =	sadd.s32 $0x800, s19;
	s22 =	sadd.s32 $0x1800, s19  }
0xe4: {  	[tilespmem:s15], [sflag:$0x2] =	stream.linear.gather [spmem:s14], $0x80, $0x38;
	[tilespmem:$0x1C880] =	vst v63  }
0xe5: {  	s20 =	sadd.s32 $0x40180, s18;
	s21 =	sadd.s32 $0xC00, s19;
	s13 =	simm.s32 $0x400  }
0xe6: {  	[tilespmem:s17], [sflag:$0x2] =	stream.linear.gather [spmem:s16], $0x80, $0x38;
	[tilespmem:$0x1C880] =	vst v63  }
0xe7: {  	s14 =	simm.s32 $0x400;
	s15 =	sadd.s32 $0x40200, s18;
	s16 =	sor.u32 $0x1000, s19  }
0xe8: {  	[tilespmem:s21], [sflag:$0x2] =	stream.linear.gather [spmem:s20], $0x80, $0x38;
	[tilespmem:$0x1C880] =	vst v63  }
0xe9: {  	s17 =	sadd.s32 $0x40280, s18;
	s20 =	sadd.s32 $0x1400, s19;
	s21 =	sadd.s32 $0x40300, s18  }
0xea: {  	[tilespmem:s16], [sflag:$0x2] =	stream.linear.gather [spmem:s15], $0x80, $0x38;
	[tilespmem:$0x1C880] =	vst v63  }
0xeb: {  	s18 =	sadd.s32 $0x40380, s18;
	s19 =	sadd.s32 $0x1C00, s19;
	s16 =	sand.u32 $0x2000, s14  }
0xec: {  	[tilespmem:s20], [sflag:$0x2] =	stream.linear.gather [spmem:s17], $0x80, $0x38;
	[tilespmem:$0x1C880] =	vst v63  }
0xed: {  	s14 =	simm.s32 $0x800;
	s15 =	simm.s32 $0x100;
	s17 =	simm.s32 $0x2000  }
0xee: {  	[tilespmem:s22], [sflag:$0x2] =	stream.linear.gather [spmem:s21], $0x80, $0x38;
	[tilespmem:$0x1C880] =	vst v63  }
.LBB2_4:
0xef: {  	[tilespmem:s19], [sflag:$0x2] =	stream.linear.gather [spmem:s18], $0x80, $0x38;
	[tilespmem:$0x1C880] =	vst v63  }
0xf0: {  	s18 =	smov.u32 s17  }
0xf1: {  	s16 =	sor.u32 s12, s16;
	s12 =	sand.u32 $0x380, s15;
	s18 =	sadd.s32 s13, s24  }
0xf2: {  	s13 =	sshra.s32 s17, $0x2;
	s19 =	sadd.s32 $0x18880, s16;
	s16 =	sadd.s32 $0x40000, s18  }
0xf3: {  	[tilespmem:s19], [sflag:$0x2] =	stream.linear.gather [spmem:s16], $0x80, $0x38;
	[tilespmem:$0x1C880] =	vst v63  }
0xf4: {  	s20 =	sadd.s32 $0x40080, s18;
	s21 =	sadd.s32 $0x400, s19;
	s16 =	sand.u32 $0x2000, s14  }
0xf5: {  	[tilespmem:s21], [sflag:$0x2] =	stream.linear.gather [spmem:s20], $0x80, $0x38;
	[tilespmem:$0x1C880] =	vst v63  }
0xf6: {  	s22 =	sadd.s32 $0x800, s19;
	s20 =	sadd.s32 $0x1000, s17;
	s21 =	sadd.s32 $0x40100, s18  }
0xf7: {  	[tilespmem:s22], [sflag:$0x2] =	stream.linear.gather [spmem:s21], $0x80, $0x38;
	[tilespmem:$0x1C880] =	vst v63  }
0xf8: {  	p0 =	sne.s32 s17, $0xF000;
	s17 =	sadd.s32 $0x40180, s18;
	s21 =	sadd.s32 $0xC00, s19  }
0xf9: {  	[tilespmem:s21], [sflag:$0x2] =	stream.linear.gather [spmem:s17], $0x80, $0x38;
	[tilespmem:$0x1C880] =	vst v63  }
0xfa: {  	s15 =	sadd.s32 $0x80, s15;
	s17 =	sadd.s32 $0x40200, s18;
	s21 =	sor.u32 $0x1000, s19  }
0xfb: {  	[tilespmem:s21], [sflag:$0x2] =	stream.linear.gather [spmem:s17], $0x80, $0x38;
	[tilespmem:$0x1C880] =	vst v63  }
.Ltmp1:
0xfc: {  	s17 =	sadd.s32 $0x40280, s18;
	s21 =	sadd.s32 $0x1400, s19;
	(pc) =	sbr.rel @p0 .LBB2_4-.Ltmp1, $4  }
0xfd: {  	[tilespmem:s21], [sflag:$0x2] =	stream.linear.gather [spmem:s17], $0x80, $0x38;
	[tilespmem:$0x1C880] =	vst v63  }
0xfe: {  	s14 =	sadd.s32 $0x400, s14;
	s17 =	sadd.s32 $0x40300, s18;
	s21 =	sadd.s32 $0x1800, s19  }
0xff: {  	[tilespmem:s21], [sflag:$0x2] =	stream.linear.gather [spmem:s17], $0x80, $0x38;
	[tilespmem:$0x1C880] =	vst v63  }
0x100: {  	s18 =	sadd.s32 $0x40380, s18;
	s19 =	sadd.s32 $0x1C00, s19;
	s17 =	smov.u32 s20  }
0x101: {  	[tilespmem:s19], [sflag:$0x2] =	stream.linear.gather [spmem:s18], $0x80, $0x38;
	[tilespmem:$0x1C880] =	vst v63  }
0x102: {  	s12 =	sor.u32 s12, s16;
	s13 =	sadd.s32 s13, s24  }
0x103: {  	s12 =	sadd.s32 $0x18880, s12;
	s14 =	sadd.s32 $0x40000, s13  }
0x104: {  	[tilespmem:s12], [sflag:$0x2] =	stream.linear.gather [spmem:s14], $0x80, $0x38;
	[tilespmem:$0x1C880] =	vst v63  }
0x105: {  	s16 =	sadd.s32 $0x40080, s13;
	s15 =	sadd.s32 $0x400, s12  }
0x106: {  	[tilespmem:s15], [sflag:$0x2] =	stream.linear.gather [spmem:s16], $0x80, $0x38;
	[tilespmem:$0x1C880] =	vst v63  }
0x107: {  	s17 =	sadd.s32 $0x40100, s13;
	s18 =	sadd.s32 $0x800, s12  }
0x108: {  	[tilespmem:s18], [sflag:$0x2] =	stream.linear.gather [spmem:s17], $0x80, $0x38;
	[tilespmem:$0x1C880] =	vst v63  }
0x109: {  	s19 =	sadd.s32 $0x40180, s13;
	s20 =	sadd.s32 $0xC00, s12  }
0x10a: {  	[tilespmem:s20], [sflag:$0x2] =	stream.linear.gather [spmem:s19], $0x80, $0x38;
	[tilespmem:$0x1C880] =	vst v63  }
0x10b: {  	s21 =	sadd.s32 $0x40200, s13;
	s22 =	sor.u32 $0x1000, s12  }
0x10c: {  	[tilespmem:s22], [sflag:$0x2] =	stream.linear.gather [spmem:s21], $0x80, $0x38;
	[tilespmem:$0x1C880] =	vst v63  }
0x10d: {  	s16 =	sadd.s32 $0x40280, s13;
	s17 =	sadd.s32 $0x1400, s12  }
0x10e: {  	[tilespmem:s17], [sflag:$0x2] =	stream.linear.gather [spmem:s16], $0x80, $0x38;
	[tilespmem:$0x1C880] =	vst v63  }
0x10f: {  	s18 =	sadd.s32 $0x40300, s13;
	s19 =	sadd.s32 $0x1800, s12  }
0x110: {  	[tilespmem:s19], [sflag:$0x2] =	stream.linear.gather [spmem:s18], $0x80, $0x38;
	[tilespmem:$0x1C880] =	vst v63  }
0x111: {  	s13 =	sadd.s32 $0x40380, s13;
	s12 =	sadd.s32 $0x1C00, s12  }
0x112: {  	[tilespmem:s12], [sflag:$0x2] =	stream.linear.gather [spmem:s13], $0x80, $0x38;
	[tilespmem:$0x1C880] =	vst v63  }
0x113: {  	_ =	swait.ge [sflag:s30], $0x4000  }
0x114: {  	s20 =	simm.s32 $0x0;
	[sflag:s30] =	ssyncset.done $0x0  }
0x115: {  	s18 =	sadd.s32 $0x0, s24;
	s21 =	rddreg [dreg:$0xa];
	[sflag:s30] =	ssyncadd.s32 $0xFFFFC000  }
0x116: {  	[hbm4b:s21+s20] =	stream.linear.scatter [tilespmem:s2], [sflag:$0x3], $0x4000, $0x38;
	[tilespmem:$0x1C880] =	vst v63  }
0x117: {  	s22 =	sand.u32 $0x380, s20;
	s14 =	sadd.s32 $0x80080, s18;
	s16 =	sadd.s32 $0x80100, s18  }
0x118: {  	[spmem:s0] =	stream.linear.scatter [tilespmem:s5], [sflag:$0x4], $0x4000, $0x38;
	[tilespmem:$0x1C880] =	vst v63  }
0x119: {  	s12 =	sand.u32 $0x2000, s20;
	s13 =	sadd.s32 $0x80000, s18;
	_ =	swait.ge [sflag:s10], $0x4000  }
0x11a: {  	s12 =	sor.u32 s22, s12;
	s22 =	simm.s32 $0x80;
	[sflag:s10] =	ssyncset.done $0x0  }
0x11b: {  	s19 =	sadd.s32 $0x14880, s12;
	s12 =	sand.u32 $0x380, s22;
	[sflag:s10] =	ssyncadd.s32 $0xFFFFC000  }
0x11c: {  	[tilespmem:s19], [sflag:$0x2] =	stream.linear.gather [spmem:s13], $0x80, $0x38;
	[tilespmem:$0x1C880] =	vst v63  }
0x11d: {  	s15 =	sadd.s32 $0x400, s19;
	s17 =	sadd.s32 $0x800, s19;
	s22 =	sadd.s32 $0x1800, s19  }
0x11e: {  	[tilespmem:s15], [sflag:$0x2] =	stream.linear.gather [spmem:s14], $0x80, $0x38;
	[tilespmem:$0x1C880] =	vst v63  }
0x11f: {  	s20 =	sadd.s32 $0x80180, s18;
	s21 =	sadd.s32 $0xC00, s19;
	s13 =	simm.s32 $0x400  }
0x120: {  	[tilespmem:s17], [sflag:$0x2] =	stream.linear.gather [spmem:s16], $0x80, $0x38;
	[tilespmem:$0x1C880] =	vst v63  }
0x121: {  	s14 =	simm.s32 $0x400;
	s15 =	sadd.s32 $0x80200, s18;
	s16 =	sor.u32 $0x1000, s19  }
0x122: {  	[tilespmem:s21], [sflag:$0x2] =	stream.linear.gather [spmem:s20], $0x80, $0x38;
	[tilespmem:$0x1C880] =	vst v63  }
0x123: {  	s17 =	sadd.s32 $0x80280, s18;
	s20 =	sadd.s32 $0x1400, s19;
	s21 =	sadd.s32 $0x80300, s18  }
0x124: {  	[tilespmem:s16], [sflag:$0x2] =	stream.linear.gather [spmem:s15], $0x80, $0x38;
	[tilespmem:$0x1C880] =	vst v63  }
0x125: {  	s18 =	sadd.s32 $0x80380, s18;
	s19 =	sadd.s32 $0x1C00, s19;
	s16 =	sand.u32 $0x2000, s14  }
0x126: {  	[tilespmem:s20], [sflag:$0x2] =	stream.linear.gather [spmem:s17], $0x80, $0x38;
	[tilespmem:$0x1C880] =	vst v63  }
0x127: {  	s14 =	simm.s32 $0x800;
	s15 =	simm.s32 $0x100;
	s17 =	simm.s32 $0x2000  }
0x128: {  	[tilespmem:s22], [sflag:$0x2] =	stream.linear.gather [spmem:s21], $0x80, $0x38;
	[tilespmem:$0x1C880] =	vst v63  }
.LBB2_6:
0x129: {  	[tilespmem:s19], [sflag:$0x2] =	stream.linear.gather [spmem:s18], $0x80, $0x38;
	[tilespmem:$0x1C880] =	vst v63  }
0x12a: {  	s18 =	smov.u32 s17  }
0x12b: {  	s16 =	sor.u32 s12, s16;
	s12 =	sand.u32 $0x380, s15;
	s18 =	sadd.s32 s13, s24  }
0x12c: {  	s13 =	sshra.s32 s17, $0x2;
	s19 =	sadd.s32 $0x14880, s16;
	s16 =	sadd.s32 $0x80000, s18  }
0x12d: {  	[tilespmem:s19], [sflag:$0x2] =	stream.linear.gather [spmem:s16], $0x80, $0x38;
	[tilespmem:$0x1C880] =	vst v63  }
0x12e: {  	s20 =	sadd.s32 $0x80080, s18;
	s21 =	sadd.s32 $0x400, s19;
	s16 =	sand.u32 $0x2000, s14  }
0x12f: {  	[tilespmem:s21], [sflag:$0x2] =	stream.linear.gather [spmem:s20], $0x80, $0x38;
	[tilespmem:$0x1C880] =	vst v63  }
0x130: {  	s22 =	sadd.s32 $0x800, s19;
	s20 =	sadd.s32 $0x1000, s17;
	s21 =	sadd.s32 $0x80100, s18  }
0x131: {  	[tilespmem:s22], [sflag:$0x2] =	stream.linear.gather [spmem:s21], $0x80, $0x38;
	[tilespmem:$0x1C880] =	vst v63  }
0x132: {  	p0 =	sne.s32 s17, $0xF000;
	s17 =	sadd.s32 $0x80180, s18;
	s21 =	sadd.s32 $0xC00, s19  }
0x133: {  	[tilespmem:s21], [sflag:$0x2] =	stream.linear.gather [spmem:s17], $0x80, $0x38;
	[tilespmem:$0x1C880] =	vst v63  }
0x134: {  	s15 =	sadd.s32 $0x80, s15;
	s17 =	sadd.s32 $0x80200, s18;
	s21 =	sor.u32 $0x1000, s19  }
0x135: {  	[tilespmem:s21], [sflag:$0x2] =	stream.linear.gather [spmem:s17], $0x80, $0x38;
	[tilespmem:$0x1C880] =	vst v63  }
.Ltmp2:
0x136: {  	s17 =	sadd.s32 $0x80280, s18;
	s21 =	sadd.s32 $0x1400, s19;
	(pc) =	sbr.rel @p0 .LBB2_6-.Ltmp2, $4  }
0x137: {  	[tilespmem:s21], [sflag:$0x2] =	stream.linear.gather [spmem:s17], $0x80, $0x38;
	[tilespmem:$0x1C880] =	vst v63  }
0x138: {  	s14 =	sadd.s32 $0x400, s14;
	s17 =	sadd.s32 $0x80300, s18;
	s21 =	sadd.s32 $0x1800, s19  }
0x139: {  	[tilespmem:s21], [sflag:$0x2] =	stream.linear.gather [spmem:s17], $0x80, $0x38;
	[tilespmem:$0x1C880] =	vst v63  }
0x13a: {  	s18 =	sadd.s32 $0x80380, s18;
	s19 =	sadd.s32 $0x1C00, s19;
	s17 =	smov.u32 s20  }
0x13b: {  	[tilespmem:s19], [sflag:$0x2] =	stream.linear.gather [spmem:s18], $0x80, $0x38;
	[tilespmem:$0x1C880] =	vst v63  }
0x13c: {  	s12 =	sor.u32 s12, s16;
	s13 =	sadd.s32 s13, s24  }
0x13d: {  	s12 =	sadd.s32 $0x14880, s12;
	s14 =	sadd.s32 $0x80000, s13  }
0x13e: {  	[tilespmem:s12], [sflag:$0x2] =	stream.linear.gather [spmem:s14], $0x80, $0x38;
	[tilespmem:$0x1C880] =	vst v63  }
0x13f: {  	s16 =	sadd.s32 $0x80080, s13;
	s15 =	sadd.s32 $0x400, s12  }
0x140: {  	[tilespmem:s15], [sflag:$0x2] =	stream.linear.gather [spmem:s16], $0x80, $0x38;
	[tilespmem:$0x1C880] =	vst v63  }
0x141: {  	s17 =	sadd.s32 $0x80100, s13;
	s18 =	sadd.s32 $0x800, s12  }
0x142: {  	[tilespmem:s18], [sflag:$0x2] =	stream.linear.gather [spmem:s17], $0x80, $0x38;
	[tilespmem:$0x1C880] =	vst v63  }
0x143: {  	s19 =	sadd.s32 $0x80180, s13;
	s20 =	sadd.s32 $0xC00, s12  }
0x144: {  	[tilespmem:s20], [sflag:$0x2] =	stream.linear.gather [spmem:s19], $0x80, $0x38;
	[tilespmem:$0x1C880] =	vst v63  }
0x145: {  	s21 =	sadd.s32 $0x80200, s13;
	s22 =	sor.u32 $0x1000, s12  }
0x146: {  	[tilespmem:s22], [sflag:$0x2] =	stream.linear.gather [spmem:s21], $0x80, $0x38;
	[tilespmem:$0x1C880] =	vst v63  }
0x147: {  	s16 =	sadd.s32 $0x80280, s13;
	s17 =	sadd.s32 $0x1400, s12  }
0x148: {  	[tilespmem:s17], [sflag:$0x2] =	stream.linear.gather [spmem:s16], $0x80, $0x38;
	[tilespmem:$0x1C880] =	vst v63  }
0x149: {  	s18 =	sadd.s32 $0x80300, s13;
	s19 =	sadd.s32 $0x1800, s12  }
0x14a: {  	[tilespmem:s19], [sflag:$0x2] =	stream.linear.gather [spmem:s18], $0x80, $0x38;
	[tilespmem:$0x1C880] =	vst v63  }
0x14b: {  	s13 =	sadd.s32 $0x80380, s13;
	s12 =	sadd.s32 $0x1C00, s12  }
0x14c: {  	[tilespmem:s12], [sflag:$0x2] =	stream.linear.gather [spmem:s13], $0x80, $0x38;
	[tilespmem:$0x1C880] =	vst v63  }
0x14d: {  	_ =	swait.ge [sflag:s30], $0x4000  }
0x14e: {  	s20 =	simm.s32 $0x0;
	[sflag:s30] =	ssyncset.done $0x0  }
0x14f: {  	s18 =	sadd.s32 $0x0, s24;
	s21 =	rddreg [dreg:$0xb];
	[sflag:s30] =	ssyncadd.s32 $0xFFFFC000  }
0x150: {  	[hbm4b:s21+s20] =	stream.linear.scatter [tilespmem:s31], [sflag:$0x3], $0x4000, $0x38;
	[tilespmem:$0x1C880] =	vst v63  }
0x151: {  	s22 =	sand.u32 $0x380, s20;
	s14 =	sadd.s32 $0xC0080, s18;
	s16 =	sadd.s32 $0xC0100, s18  }
0x152: {  	[spmem:s25] =	stream.linear.scatter [tilespmem:s5], [sflag:$0x4], $0x4000, $0x38;
	[tilespmem:$0x1C880] =	vst v63  }
0x153: {  	s12 =	sand.u32 $0x2000, s20;
	s13 =	sadd.s32 $0xC0000, s18;
	_ =	swait.ge [sflag:s10], $0x4000  }
0x154: {  	s12 =	sor.u32 s22, s12;
	s22 =	simm.s32 $0x80;
	[sflag:s10] =	ssyncset.done $0x0  }
0x155: {  	s19 =	sadd.s32 $0x18880, s12;
	s12 =	sand.u32 $0x380, s22;
	[sflag:s10] =	ssyncadd.s32 $0xFFFFC000  }
0x156: {  	[tilespmem:s19], [sflag:$0x2] =	stream.linear.gather [spmem:s13], $0x80, $0x38;
	[tilespmem:$0x1C880] =	vst v63  }
0x157: {  	s15 =	sadd.s32 $0x400, s19;
	s17 =	sadd.s32 $0x800, s19;
	s22 =	sadd.s32 $0x1800, s19  }
0x158: {  	[tilespmem:s15], [sflag:$0x2] =	stream.linear.gather [spmem:s14], $0x80, $0x38;
	[tilespmem:$0x1C880] =	vst v63  }
0x159: {  	s20 =	sadd.s32 $0xC0180, s18;
	s21 =	sadd.s32 $0xC00, s19;
	s13 =	simm.s32 $0x400  }
0x15a: {  	[tilespmem:s17], [sflag:$0x2] =	stream.linear.gather [spmem:s16], $0x80, $0x38;
	[tilespmem:$0x1C880] =	vst v63  }
0x15b: {  	s14 =	simm.s32 $0x400;
	s15 =	sadd.s32 $0xC0200, s18;
	s16 =	sor.u32 $0x1000, s19  }
0x15c: {  	[tilespmem:s21], [sflag:$0x2] =	stream.linear.gather [spmem:s20], $0x80, $0x38;
	[tilespmem:$0x1C880] =	vst v63  }
0x15d: {  	s17 =	sadd.s32 $0xC0280, s18;
	s20 =	sadd.s32 $0x1400, s19;
	s21 =	sadd.s32 $0xC0300, s18  }
0x15e: {  	[tilespmem:s16], [sflag:$0x2] =	stream.linear.gather [spmem:s15], $0x80, $0x38;
	[tilespmem:$0x1C880] =	vst v63  }
0x15f: {  	s18 =	sadd.s32 $0xC0380, s18;
	s19 =	sadd.s32 $0x1C00, s19;
	s16 =	sand.u32 $0x2000, s14  }
0x160: {  	[tilespmem:s20], [sflag:$0x2] =	stream.linear.gather [spmem:s17], $0x80, $0x38;
	[tilespmem:$0x1C880] =	vst v63  }
0x161: {  	s14 =	simm.s32 $0x800;
	s15 =	simm.s32 $0x100;
	s17 =	simm.s32 $0x2000  }
0x162: {  	[tilespmem:s22], [sflag:$0x2] =	stream.linear.gather [spmem:s21], $0x80, $0x38;
	[tilespmem:$0x1C880] =	vst v63  }
.LBB2_8:
0x163: {  	[tilespmem:s19], [sflag:$0x2] =	stream.linear.gather [spmem:s18], $0x80, $0x38;
	[tilespmem:$0x1C880] =	vst v63  }
0x164: {  	s18 =	smov.u32 s17  }
0x165: {  	s16 =	sor.u32 s12, s16;
	s12 =	sand.u32 $0x380, s15;
	s18 =	sadd.s32 s13, s24  }
0x166: {  	s13 =	sshra.s32 s17, $0x2;
	s19 =	sadd.s32 $0x18880, s16;
	s16 =	sadd.s32 $0xC0000, s18  }
0x167: {  	[tilespmem:s19], [sflag:$0x2] =	stream.linear.gather [spmem:s16], $0x80, $0x38;
	[tilespmem:$0x1C880] =	vst v63  }
0x168: {  	s20 =	sadd.s32 $0xC0080, s18;
	s21 =	sadd.s32 $0x400, s19;
	s16 =	sand.u32 $0x2000, s14  }
0x169: {  	[tilespmem:s21], [sflag:$0x2] =	stream.linear.gather [spmem:s20], $0x80, $0x38;
	[tilespmem:$0x1C880] =	vst v63  }
0x16a: {  	s22 =	sadd.s32 $0x800, s19;
	s20 =	sadd.s32 $0x1000, s17;
	s21 =	sadd.s32 $0xC0100, s18  }
0x16b: {  	[tilespmem:s22], [sflag:$0x2] =	stream.linear.gather [spmem:s21], $0x80, $0x38;
	[tilespmem:$0x1C880] =	vst v63  }
0x16c: {  	p0 =	sne.s32 s17, $0xF000;
	s17 =	sadd.s32 $0xC0180, s18;
	s21 =	sadd.s32 $0xC00, s19  }
0x16d: {  	[tilespmem:s21], [sflag:$0x2] =	stream.linear.gather [spmem:s17], $0x80, $0x38;
	[tilespmem:$0x1C880] =	vst v63  }
0x16e: {  	s15 =	sadd.s32 $0x80, s15;
	s17 =	sadd.s32 $0xC0200, s18;
	s21 =	sor.u32 $0x1000, s19  }
0x16f: {  	[tilespmem:s21], [sflag:$0x2] =	stream.linear.gather [spmem:s17], $0x80, $0x38;
	[tilespmem:$0x1C880] =	vst v63  }
.Ltmp3:
0x170: {  	s17 =	sadd.s32 $0xC0280, s18;
	s21 =	sadd.s32 $0x1400, s19;
	(pc) =	sbr.rel @p0 .LBB2_8-.Ltmp3, $4  }
0x171: {  	[tilespmem:s21], [sflag:$0x2] =	stream.linear.gather [spmem:s17], $0x80, $0x38;
	[tilespmem:$0x1C880] =	vst v63  }
0x172: {  	s14 =	sadd.s32 $0x400, s14;
	s17 =	sadd.s32 $0xC0300, s18;
	s21 =	sadd.s32 $0x1800, s19  }
0x173: {  	[tilespmem:s21], [sflag:$0x2] =	stream.linear.gather [spmem:s17], $0x80, $0x38;
	[tilespmem:$0x1C880] =	vst v63  }
0x174: {  	s18 =	sadd.s32 $0xC0380, s18;
	s19 =	sadd.s32 $0x1C00, s19;
	s17 =	smov.u32 s20  }
0x175: {  	[tilespmem:s19], [sflag:$0x2] =	stream.linear.gather [spmem:s18], $0x80, $0x38;
	[tilespmem:$0x1C880] =	vst v63  }
0x176: {  	s12 =	sor.u32 s12, s16;
	s13 =	sadd.s32 s13, s24  }
0x177: {  	s12 =	sadd.s32 $0x18880, s12;
	s14 =	sadd.s32 $0xC0000, s13  }
0x178: {  	[tilespmem:s12], [sflag:$0x2] =	stream.linear.gather [spmem:s14], $0x80, $0x38;
	[tilespmem:$0x1C880] =	vst v63  }
0x179: {  	s20 =	sadd.s32 $0xC0080, s13;
	s15 =	sadd.s32 $0x400, s12  }
0x17a: {  	[tilespmem:s15], [sflag:$0x2] =	stream.linear.gather [spmem:s20], $0x80, $0x38;
	[tilespmem:$0x1C880] =	vst v63  }
0x17b: {  	s21 =	sadd.s32 $0xC0100, s13;
	s22 =	sadd.s32 $0x800, s12  }
0x17c: {  	[tilespmem:s22], [sflag:$0x2] =	stream.linear.gather [spmem:s21], $0x80, $0x38;
	[tilespmem:$0x1C880] =	vst v63  }
0x17d: {  	s16 =	sadd.s32 $0xC00, s12;
	s15 =	sadd.s32 $0xC0180, s13  }
0x17e: {  	[tilespmem:s16], [sflag:$0x2] =	stream.linear.gather [spmem:s15], $0x80, $0x38;
	[tilespmem:$0x1C880] =	vst v63  }
0x17f: {  	s17 =	sadd.s32 $0xC0200, s13;
	s18 =	sor.u32 $0x1000, s12  }
0x180: {  	[tilespmem:s18], [sflag:$0x2] =	stream.linear.gather [spmem:s17], $0x80, $0x38;
	[tilespmem:$0x1C880] =	vst v63  }
0x181: {  	s19 =	sadd.s32 $0xC0280, s13;
	s20 =	sadd.s32 $0x1400, s12  }
0x182: {  	[tilespmem:s20], [sflag:$0x2] =	stream.linear.gather [spmem:s19], $0x80, $0x38;
	[tilespmem:$0x1C880] =	vst v63  }
0x183: {  	s21 =	sadd.s32 $0xC0300, s13;
	s22 =	sadd.s32 $0x1800, s12  }
0x184: {  	[tilespmem:s22], [sflag:$0x2] =	stream.linear.gather [spmem:s21], $0x80, $0x38;
	[tilespmem:$0x1C880] =	vst v63  }
0x185: {  	s13 =	sadd.s32 $0xC0380, s13;
	s12 =	sadd.s32 $0x1C00, s12  }
0x186: {  	[tilespmem:s12], [sflag:$0x2] =	stream.linear.gather [spmem:s13], $0x80, $0x38;
	[tilespmem:$0x1C880] =	vst v63  }
0x187: {  	_ =	swait.ge [sflag:s30], $0x4000  }
0x188: {  	[sflag:s30] =	ssyncset.done $0x0  }
0x189: {  	s12 =	simm.s32 $0x0;
	s16 =	rddreg [dreg:$0xc];
	[sflag:s30] =	ssyncadd.s32 $0xFFFFC000  }
0x18a: {  	[hbm4b:s16+s12] =	stream.linear.scatter [tilespmem:s2], [sflag:$0x3], $0x4000, $0x38;
	[tilespmem:$0x1C880] =	vst v63  }
0x18b: {  	_ = 	snop  }
0x18c: {  	[spmem:s1] =	stream.linear.scatter [tilespmem:s5], [sflag:$0x4], $0x4000, $0x38;
	[tilespmem:$0x1C880] =	vst v63  }
0x18d: {  	_ =	swait.ge [sflag:s10], $0x4000  }
0x18e: {  	[sflag:s10] =	ssyncset.done $0x0  }
0x18f: {  	[sflag:s10] =	ssyncadd.s32 $0xFFFFC000  }
0x190: {  	_ =	swait.ge [sflag:s10], $0x4000  }
0x191: {  	[sflag:s10] =	ssyncset.done $0x0  }
0x192: {  	[sflag:s10] =	ssyncadd.s32 $0xFFFFC000  }
0x193: {  	_ =	swait.ge [sflag:s7], $0x4000  }
0x194: {  	[sflag:s7] =	ssyncset.done $0x0  }
0x195: {  	[sflag:s7] =	ssyncadd.s32 $0xFFFFC000  }
0x196: {  	_ =	swait.ge [sflag:s7], $0x4000  }
0x197: {  	[sflag:s7] =	ssyncset.done $0x0  }
0x198: {  	[sflag:s7] =	ssyncadd.s32 $0xFFFFC000  }
0x199: {  	_ =	swait.ge [sflag:s7], $0x4000  }
0x19a: {  	[sflag:s7] =	ssyncset.done $0x0  }
0x19b: {  	[sflag:s7] =	ssyncadd.s32 $0xFFFFC000  }
0x19c: {  	_ =	swait.ge [sflag:s7], $0x4000  }
0x19d: {  	[sflag:s7] =	ssyncset.done $0x0  }
0x19e: {  	[sflag:s7] =	ssyncadd.s32 $0xFFFFC000  }
0x19f: {  	[bflag:$0x0] =	sbarrier.arrive $0xFFFF  }
0x1a0: {  	s17 =	rddreg [dreg:$0x5]  }
0x1a1: {  	[tilespmem:s8], [sflag:$0x5] =	stream.linear.gather [hbm4b:s17+s12], $0x800, $0x38;
	[tilespmem:$0x1C880] =	vst v63  }
0x1a2: {  	_ =	swait.ge [sflag:s4], $0x800  }
0x1a3: {  	[sflag:s4] =	ssyncset.done $0x0  }
0x1a4: {  	[sflag:s4] =	ssyncadd.s32 $0xFFFFF800  }
0x1a5: {  	[spmem:s28] =	stream.indirect.scatter.add.f32 [tilespmem:s3], [sflag:$0x1], $0x1, s8, s9, $0xb8;
	[tilespmem:$0x1C880] =	vst v63  }
0x1a6: {  	s18 =	simm.s32 $0x10080  }
0x1a7: {  	[spmem:s28] =	stream.indirect.scatter.add.f32 [tilespmem:s3], [sflag:$0x1], $0x1, s18, s9, $0xb8;
	[tilespmem:$0x1C880] =	vst v63  }
0x1a8: {  	s19 =	simm.s32 $0x10100  }
0x1a9: {  	[spmem:s28] =	stream.indirect.scatter.add.f32 [tilespmem:s3], [sflag:$0x1], $0x1, s19, s9, $0xb8;
	[tilespmem:$0x1C880] =	vst v63  }
0x1aa: {  	s20 =	simm.s32 $0x10180  }
0x1ab: {  	[spmem:s28] =	stream.indirect.scatter.add.f32 [tilespmem:s3], [sflag:$0x1], $0x1, s20, s9, $0xb8;
	[tilespmem:$0x1C880] =	vst v63  }
0x1ac: {  	s21 =	simm.s32 $0x10200  }
0x1ad: {  	[spmem:s28] =	stream.indirect.scatter.add.f32 [tilespmem:s3], [sflag:$0x1], $0x1, s21, s9, $0xb8;
	[tilespmem:$0x1C880] =	vst v63  }
0x1ae: {  	s22 =	simm.s32 $0x10280  }
0x1af: {  	[spmem:s28] =	stream.indirect.scatter.add.f32 [tilespmem:s3], [sflag:$0x1], $0x1, s22, s9, $0xb8;
	[tilespmem:$0x1C880] =	vst v63  }
0x1b0: {  	s14 =	simm.s32 $0x10300  }
0x1b1: {  	[spmem:s28] =	stream.indirect.scatter.add.f32 [tilespmem:s3], [sflag:$0x1], $0x1, s14, s9, $0xb8;
	[tilespmem:$0x1C880] =	vst v63  }
0x1b2: {  	s15 =	simm.s32 $0x10380  }
0x1b3: {  	[spmem:s28] =	stream.indirect.scatter.add.f32 [tilespmem:s3], [sflag:$0x1], $0x1, s15, s9, $0xb8;
	[tilespmem:$0x1C880] =	vst v63  }
0x1b4: {  	s16 =	simm.s32 $0x10400  }
0x1b5: {  	[spmem:s28] =	stream.indirect.scatter.add.f32 [tilespmem:s3], [sflag:$0x1], $0x1, s16, s9, $0xb8;
	[tilespmem:$0x1C880] =	vst v63  }
0x1b6: {  	s17 =	simm.s32 $0x10480  }
0x1b7: {  	[spmem:s28] =	stream.indirect.scatter.add.f32 [tilespmem:s3], [sflag:$0x1], $0x1, s17, s9, $0xb8;
	[tilespmem:$0x1C880] =	vst v63  }
0x1b8: {  	s18 =	simm.s32 $0x10500  }
0x1b9: {  	[spmem:s28] =	stream.indirect.scatter.add.f32 [tilespmem:s3], [sflag:$0x1], $0x1, s18, s9, $0xb8;
	[tilespmem:$0x1C880] =	vst v63  }
0x1ba: {  	s19 =	simm.s32 $0x10580  }
0x1bb: {  	[spmem:s28] =	stream.indirect.scatter.add.f32 [tilespmem:s3], [sflag:$0x1], $0x1, s19, s9, $0xb8;
	[tilespmem:$0x1C880] =	vst v63  }
0x1bc: {  	s20 =	simm.s32 $0x10600  }
0x1bd: {  	[spmem:s28] =	stream.indirect.scatter.add.f32 [tilespmem:s3], [sflag:$0x1], $0x1, s20, s9, $0xb8;
	[tilespmem:$0x1C880] =	vst v63  }
0x1be: {  	s21 =	simm.s32 $0x10680  }
0x1bf: {  	[spmem:s28] =	stream.indirect.scatter.add.f32 [tilespmem:s3], [sflag:$0x1], $0x1, s21, s9, $0xb8;
	[tilespmem:$0x1C880] =	vst v63  }
0x1c0: {  	_ = 	snop  }
0x1c1: {  	[spmem:s28] =	stream.indirect.scatter.add.f32 [tilespmem:s3], [sflag:$0x1], $0x1, s23, s9, $0xb8;
	[tilespmem:$0x1C880] =	vst v63  }
0x1c2: {  	_ = 	snop  }
0x1c3: {  	[spmem:s28] =	stream.indirect.scatter.add.f32 [tilespmem:s3], [sflag:$0x1], $0x1, s26, s9, $0xb8;
	[tilespmem:$0x1C880] =	vst v63  }
0x1c4: {  	_ =	swait.ge [sflag:s29], $0x7D  }
0x1c5: {  	[sflag:s29] =	ssyncset.done $0x0  }
0x1c6: {  	[sflag:s29] =	ssyncadd.s32 $0xFFFFFF83  }
0x1c7: {  	_ =	swait.ge [sflag:s29], $0x7D  }
0x1c8: {  	[sflag:s29] =	ssyncset.done $0x0  }
0x1c9: {  	[sflag:s29] =	ssyncadd.s32 $0xFFFFFF83  }
0x1ca: {  	_ =	swait.ge [sflag:s29], $0x7D  }
0x1cb: {  	[sflag:s29] =	ssyncset.done $0x0  }
0x1cc: {  	[sflag:s29] =	ssyncadd.s32 $0xFFFFFF83  }
0x1cd: {  	_ =	swait.ge [sflag:s29], $0x7D  }
0x1ce: {  	[sflag:s29] =	ssyncset.done $0x0  }
0x1cf: {  	[sflag:s29] =	ssyncadd.s32 $0xFFFFFF83  }
0x1d0: {  	_ =	swait.ge [sflag:s29], $0x7D  }
0x1d1: {  	[sflag:s29] =	ssyncset.done $0x0  }
0x1d2: {  	[sflag:s29] =	ssyncadd.s32 $0xFFFFFF83  }
0x1d3: {  	_ =	swait.ge [sflag:s29], $0x7D  }
0x1d4: {  	[sflag:s29] =	ssyncset.done $0x0  }
0x1d5: {  	[sflag:s29] =	ssyncadd.s32 $0xFFFFFF83  }
0x1d6: {  	_ =	swait.ge [sflag:s29], $0x7D  }
0x1d7: {  	[sflag:s29] =	ssyncset.done $0x0  }
0x1d8: {  	[sflag:s29] =	ssyncadd.s32 $0xFFFFFF83  }
0x1d9: {  	_ =	swait.ge [sflag:s29], $0x7D  }
0x1da: {  	[sflag:s29] =	ssyncset.done $0x0  }
0x1db: {  	[sflag:s29] =	ssyncadd.s32 $0xFFFFFF83  }
0x1dc: {  	_ =	swait.ge [sflag:s29], $0x7D  }
0x1dd: {  	[sflag:s29] =	ssyncset.done $0x0  }
0x1de: {  	[sflag:s29] =	ssyncadd.s32 $0xFFFFFF83  }
0x1df: {  	_ =	swait.ge [sflag:s29], $0x7D  }
0x1e0: {  	[sflag:s29] =	ssyncset.done $0x0  }
0x1e1: {  	[sflag:s29] =	ssyncadd.s32 $0xFFFFFF83  }
0x1e2: {  	_ =	swait.ge [sflag:s29], $0x7D  }
0x1e3: {  	[sflag:s29] =	ssyncset.done $0x0  }
0x1e4: {  	[sflag:s29] =	ssyncadd.s32 $0xFFFFFF83  }
0x1e5: {  	_ =	swait.ge [sflag:s29], $0x7D  }
0x1e6: {  	[sflag:s29] =	ssyncset.done $0x0  }
0x1e7: {  	[sflag:s29] =	ssyncadd.s32 $0xFFFFFF83  }
0x1e8: {  	_ =	swait.ge [sflag:s29], $0x7D  }
0x1e9: {  	[sflag:s29] =	ssyncset.done $0x0  }
0x1ea: {  	[sflag:s29] =	ssyncadd.s32 $0xFFFFFF83  }
0x1eb: {  	_ =	swait.ge [sflag:s29], $0x7D  }
0x1ec: {  	[sflag:s29] =	ssyncset.done $0x0  }
0x1ed: {  	[sflag:s29] =	ssyncadd.s32 $0xFFFFFF83  }
0x1ee: {  	_ =	swait.ge [sflag:s29], $0x7D  }
0x1ef: {  	[sflag:s29] =	ssyncset.done $0x0  }
0x1f0: {  	s22 =	sand.u32 $0x2000, s12;
	s12 =	sand.u32 $0x380, s12;
	[sflag:s29] =	ssyncadd.s32 $0xFFFFFF83  }
0x1f1: {  	s12 =	sor.u32 s12, s22;
	_ =	swait.ge [sflag:s29], $0x7D  }
0x1f2: {  	s22 =	simm.s32 $0x80;
	s18 =	sadd.s32 $0x0, s24;
	[sflag:s29] =	ssyncset.done $0x0  }
0x1f3: {  	s17 =	simm.s32 $0x400;
	s13 =	sadd.s32 $0x80, s18;
	[sflag:s29] =	ssyncadd.s32 $0xFFFFFF83  }
0x1f4: {  	s15 =	sadd.s32 $0x100, s18;
	s19 =	sadd.s32 $0x14880, s12;
	[bflag:$0x0] =	sbarrier.arrive $0xFFFF  }
0x1f5: {  	[tilespmem:s19], [sflag:$0x2] =	stream.linear.gather [spmem:s18], $0x80, $0x38;
	[tilespmem:$0x1C880] =	vst v63  }
0x1f6: {  	s12 =	sand.u32 $0x2000, s17;
	s17 =	sadd.s32 $0x280, s18;
	s14 =	sadd.s32 $0x400, s19  }
0x1f7: {  	[tilespmem:s14], [sflag:$0x2] =	stream.linear.gather [spmem:s13], $0x80, $0x38;
	[tilespmem:$0x1C880] =	vst v63  }
0x1f8: {  	s16 =	sadd.s32 $0x800, s19;
	s20 =	sadd.s32 $0x180, s18;
	s21 =	sadd.s32 $0xC00, s19  }
0x1f9: {  	[tilespmem:s16], [sflag:$0x2] =	stream.linear.gather [spmem:s15], $0x80, $0x38;
	[tilespmem:$0x1C880] =	vst v63  }
0x1fa: {  	s13 =	sand.u32 $0x380, s22;
	s22 =	sadd.s32 $0x1800, s19;
	s14 =	simm.s32 $0x800  }
0x1fb: {  	[tilespmem:s21], [sflag:$0x2] =	stream.linear.gather [spmem:s20], $0x80, $0x38;
	[tilespmem:$0x1C880] =	vst v63  }
0x1fc: {  	s15 =	sadd.s32 $0x200, s18;
	s16 =	sor.u32 $0x1000, s19;
	s20 =	sadd.s32 $0x1400, s19  }
0x1fd: {  	[tilespmem:s16], [sflag:$0x2] =	stream.linear.gather [spmem:s15], $0x80, $0x38;
	[tilespmem:$0x1C880] =	vst v63  }
0x1fe: {  	s21 =	sadd.s32 $0x300, s18;
	s18 =	sadd.s32 $0x380, s18;
	s19 =	sadd.s32 $0x1C00, s19  }
0x1ff: {  	[tilespmem:s20], [sflag:$0x2] =	stream.linear.gather [spmem:s17], $0x80, $0x38;
	[tilespmem:$0x1C880] =	vst v63  }
0x200: {  	s15 =	simm.s32 $0x100;
	s16 =	simm.s32 $0x400;
	s17 =	simm.s32 $0x2000  }
0x201: {  	[tilespmem:s22], [sflag:$0x2] =	stream.linear.gather [spmem:s21], $0x80, $0x38;
	[tilespmem:$0x1C880] =	vst v63  }
.LBB2_10:
0x202: {  	[tilespmem:s19], [sflag:$0x2] =	stream.linear.gather [spmem:s18], $0x80, $0x38;
	[tilespmem:$0x1C880] =	vst v63  }
0x203: {  	s18 =	smov.u32 s17  }
0x204: {  	s19 =	sor.u32 s13, s12;
	s13 =	sand.u32 $0x380, s15;
	s12 =	sand.u32 $0x2000, s14  }
0x205: {  	s20 =	sadd.s32 $0x1000, s17;
	s21 =	sadd.s32 s16, s24;
	s19 =	sadd.s32 $0x14880, s19  }
0x206: {  	[tilespmem:s19], [sflag:$0x2] =	stream.linear.gather [spmem:s21], $0x80, $0x38;
	[tilespmem:$0x1C880] =	vst v63  }
0x207: {  	p0 =	sne.s32 s17, $0xF000;
	s16 =	sadd.s32 $0x80, s21;
	s17 =	sadd.s32 $0x400, s19  }
0x208: {  	[tilespmem:s17], [sflag:$0x2] =	stream.linear.gather [spmem:s16], $0x80, $0x38;
	[tilespmem:$0x1C880] =	vst v63  }
0x209: {  	s16 =	sadd.s32 $0x100, s21;
	s17 =	sadd.s32 $0x800, s19  }
0x20a: {  	[tilespmem:s17], [sflag:$0x2] =	stream.linear.gather [spmem:s16], $0x80, $0x38;
	[tilespmem:$0x1C880] =	vst v63  }
0x20b: {  	s14 =	sadd.s32 $0x400, s14;
	s16 =	sadd.s32 $0x180, s21;
	s17 =	sadd.s32 $0xC00, s19  }
0x20c: {  	[tilespmem:s17], [sflag:$0x2] =	stream.linear.gather [spmem:s16], $0x80, $0x38;
	[tilespmem:$0x1C880] =	vst v63  }
0x20d: {  	s15 =	sadd.s32 $0x80, s15;
	s16 =	sadd.s32 $0x200, s21;
	s17 =	sor.u32 $0x1000, s19  }
0x20e: {  	[tilespmem:s17], [sflag:$0x2] =	stream.linear.gather [spmem:s16], $0x80, $0x38;
	[tilespmem:$0x1C880] =	vst v63  }
.Ltmp4:
0x20f: {  	s16 =	sadd.s32 $0x280, s21;
	s17 =	sadd.s32 $0x1400, s19;
	(pc) =	sbr.rel @p0 .LBB2_10-.Ltmp4, $4  }
0x210: {  	[tilespmem:s17], [sflag:$0x2] =	stream.linear.gather [spmem:s16], $0x80, $0x38;
	[tilespmem:$0x1C880] =	vst v63  }
0x211: {  	s16 =	sadd.s32 $0x300, s21;
	s17 =	sadd.s32 $0x1800, s19;
	s19 =	sadd.s32 $0x1C00, s19  }
0x212: {  	[tilespmem:s17], [sflag:$0x2] =	stream.linear.gather [spmem:s16], $0x80, $0x38;
	[tilespmem:$0x1C880] =	vst v63  }
0x213: {  	s16 =	sshra.s32 s18, $0x2;
	s18 =	sadd.s32 $0x380, s21;
	s17 =	smov.u32 s20  }
0x214: {  	[tilespmem:s19], [sflag:$0x2] =	stream.linear.gather [spmem:s18], $0x80, $0x38;
	[tilespmem:$0x1C880] =	vst v63  }
0x215: {  	s12 =	sor.u32 s13, s12  }
0x216: {  	s13 =	sadd.s32 s16, s24;
	s12 =	sadd.s32 $0x14880, s12  }
0x217: {  	[tilespmem:s12], [sflag:$0x2] =	stream.linear.gather [spmem:s13], $0x80, $0x38;
	[tilespmem:$0x1C880] =	vst v63  }
0x218: {  	s14 =	sadd.s32 $0x80, s13;
	s15 =	sadd.s32 $0x400, s12  }
0x219: {  	[tilespmem:s15], [sflag:$0x2] =	stream.linear.gather [spmem:s14], $0x80, $0x38;
	[tilespmem:$0x1C880] =	vst v63  }
0x21a: {  	s17 =	sadd.s32 $0x100, s13;
	s18 =	sadd.s32 $0x800, s12  }
0x21b: {  	[tilespmem:s18], [sflag:$0x2] =	stream.linear.gather [spmem:s17], $0x80, $0x38;
	[tilespmem:$0x1C880] =	vst v63  }
0x21c: {  	s19 =	sadd.s32 $0x180, s13;
	s20 =	sadd.s32 $0xC00, s12  }
0x21d: {  	[tilespmem:s20], [sflag:$0x2] =	stream.linear.gather [spmem:s19], $0x80, $0x38;
	[tilespmem:$0x1C880] =	vst v63  }
0x21e: {  	s21 =	sadd.s32 $0x200, s13;
	s22 =	sor.u32 $0x1000, s12  }
0x21f: {  	[tilespmem:s22], [sflag:$0x2] =	stream.linear.gather [spmem:s21], $0x80, $0x38;
	[tilespmem:$0x1C880] =	vst v63  }
0x220: {  	s16 =	sadd.s32 $0x280, s13;
	s17 =	sadd.s32 $0x1400, s12  }
0x221: {  	[tilespmem:s17], [sflag:$0x2] =	stream.linear.gather [spmem:s16], $0x80, $0x38;
	[tilespmem:$0x1C880] =	vst v63  }
0x222: {  	s18 =	sadd.s32 $0x300, s13;
	s19 =	sadd.s32 $0x1800, s12  }
0x223: {  	[tilespmem:s19], [sflag:$0x2] =	stream.linear.gather [spmem:s18], $0x80, $0x38;
	[tilespmem:$0x1C880] =	vst v63  }
0x224: {  	s13 =	sadd.s32 $0x380, s13;
	s12 =	sadd.s32 $0x1C00, s12  }
0x225: {  	[tilespmem:s12], [sflag:$0x2] =	stream.linear.gather [spmem:s13], $0x80, $0x38;
	[tilespmem:$0x1C880] =	vst v63  }
0x226: {  	s20 =	simm.s32 $0x0;
	s18 =	sadd.s32 $0x0, s24;
	_ =	swait.ge [sflag:s30], $0x4000  }
0x227: {  	s22 =	sand.u32 $0x380, s20;
	s14 =	sadd.s32 $0x40080, s18;
	[sflag:s30] =	ssyncset.done $0x0  }
0x228: {  	s12 =	sand.u32 $0x2000, s20;
	s21 =	rddreg [dreg:$0xd];
	[sflag:s30] =	ssyncadd.s32 $0xFFFFC000  }
0x229: {  	[hbm4b:s21+s20] =	stream.linear.scatter [tilespmem:s31], [sflag:$0x3], $0x4000, $0x38;
	[tilespmem:$0x1C880] =	vst v63  }
0x22a: {  	s16 =	sadd.s32 $0x40100, s18;
	s12 =	sor.u32 s22, s12;
	s22 =	simm.s32 $0x80  }
0x22b: {  	[spmem:s24] =	stream.linear.scatter [tilespmem:s5], [sflag:$0x4], $0x4000, $0x38;
	[tilespmem:$0x1C880] =	vst v63  }
0x22c: {  	s13 =	sadd.s32 $0x40000, s18;
	s19 =	sadd.s32 $0x18880, s12;
	s12 =	sand.u32 $0x380, s22  }
0x22d: {  	[tilespmem:s19], [sflag:$0x2] =	stream.linear.gather [spmem:s13], $0x80, $0x38;
	[tilespmem:$0x1C880] =	vst v63  }
0x22e: {  	s15 =	sadd.s32 $0x400, s19;
	s17 =	sadd.s32 $0x800, s19;
	s22 =	sadd.s32 $0x1800, s19  }
0x22f: {  	[tilespmem:s15], [sflag:$0x2] =	stream.linear.gather [spmem:s14], $0x80, $0x38;
	[tilespmem:$0x1C880] =	vst v63  }
0x230: {  	s20 =	sadd.s32 $0x40180, s18;
	s21 =	sadd.s32 $0xC00, s19;
	s13 =	simm.s32 $0x400  }
0x231: {  	[tilespmem:s17], [sflag:$0x2] =	stream.linear.gather [spmem:s16], $0x80, $0x38;
	[tilespmem:$0x1C880] =	vst v63  }
0x232: {  	s14 =	simm.s32 $0x400;
	s15 =	sadd.s32 $0x40200, s18;
	s16 =	sor.u32 $0x1000, s19  }
0x233: {  	[tilespmem:s21], [sflag:$0x2] =	stream.linear.gather [spmem:s20], $0x80, $0x38;
	[tilespmem:$0x1C880] =	vst v63  }
0x234: {  	s17 =	sadd.s32 $0x40280, s18;
	s20 =	sadd.s32 $0x1400, s19;
	s21 =	sadd.s32 $0x40300, s18  }
0x235: {  	[tilespmem:s16], [sflag:$0x2] =	stream.linear.gather [spmem:s15], $0x80, $0x38;
	[tilespmem:$0x1C880] =	vst v63  }
0x236: {  	s18 =	sadd.s32 $0x40380, s18;
	s19 =	sadd.s32 $0x1C00, s19;
	s16 =	sand.u32 $0x2000, s14  }
0x237: {  	[tilespmem:s20], [sflag:$0x2] =	stream.linear.gather [spmem:s17], $0x80, $0x38;
	[tilespmem:$0x1C880] =	vst v63  }
0x238: {  	s14 =	simm.s32 $0x800;
	s15 =	simm.s32 $0x100;
	s17 =	simm.s32 $0x2000  }
0x239: {  	[tilespmem:s22], [sflag:$0x2] =	stream.linear.gather [spmem:s21], $0x80, $0x38;
	[tilespmem:$0x1C880] =	vst v63  }
.LBB2_12:
0x23a: {  	[tilespmem:s19], [sflag:$0x2] =	stream.linear.gather [spmem:s18], $0x80, $0x38;
	[tilespmem:$0x1C880] =	vst v63  }
0x23b: {  	s18 =	smov.u32 s17  }
0x23c: {  	s16 =	sor.u32 s12, s16;
	s12 =	sand.u32 $0x380, s15;
	s18 =	sadd.s32 s13, s24  }
0x23d: {  	s13 =	sshra.s32 s17, $0x2;
	s19 =	sadd.s32 $0x18880, s16;
	s16 =	sadd.s32 $0x40000, s18  }
0x23e: {  	[tilespmem:s19], [sflag:$0x2] =	stream.linear.gather [spmem:s16], $0x80, $0x38;
	[tilespmem:$0x1C880] =	vst v63  }
0x23f: {  	s20 =	sadd.s32 $0x40080, s18;
	s21 =	sadd.s32 $0x400, s19;
	s16 =	sand.u32 $0x2000, s14  }
0x240: {  	[tilespmem:s21], [sflag:$0x2] =	stream.linear.gather [spmem:s20], $0x80, $0x38;
	[tilespmem:$0x1C880] =	vst v63  }
0x241: {  	s22 =	sadd.s32 $0x800, s19;
	s20 =	sadd.s32 $0x1000, s17;
	s21 =	sadd.s32 $0x40100, s18  }
0x242: {  	[tilespmem:s22], [sflag:$0x2] =	stream.linear.gather [spmem:s21], $0x80, $0x38;
	[tilespmem:$0x1C880] =	vst v63  }
0x243: {  	p0 =	sne.s32 s17, $0xF000;
	s17 =	sadd.s32 $0x40180, s18;
	s21 =	sadd.s32 $0xC00, s19  }
0x244: {  	[tilespmem:s21], [sflag:$0x2] =	stream.linear.gather [spmem:s17], $0x80, $0x38;
	[tilespmem:$0x1C880] =	vst v63  }
0x245: {  	s15 =	sadd.s32 $0x80, s15;
	s17 =	sadd.s32 $0x40200, s18;
	s21 =	sor.u32 $0x1000, s19  }
0x246: {  	[tilespmem:s21], [sflag:$0x2] =	stream.linear.gather [spmem:s17], $0x80, $0x38;
	[tilespmem:$0x1C880] =	vst v63  }
.Ltmp5:
0x247: {  	s17 =	sadd.s32 $0x40280, s18;
	s21 =	sadd.s32 $0x1400, s19;
	(pc) =	sbr.rel @p0 .LBB2_12-.Ltmp5, $4  }
0x248: {  	[tilespmem:s21], [sflag:$0x2] =	stream.linear.gather [spmem:s17], $0x80, $0x38;
	[tilespmem:$0x1C880] =	vst v63  }
0x249: {  	s14 =	sadd.s32 $0x400, s14;
	s17 =	sadd.s32 $0x40300, s18;
	s21 =	sadd.s32 $0x1800, s19  }
0x24a: {  	[tilespmem:s21], [sflag:$0x2] =	stream.linear.gather [spmem:s17], $0x80, $0x38;
	[tilespmem:$0x1C880] =	vst v63  }
0x24b: {  	s18 =	sadd.s32 $0x40380, s18;
	s19 =	sadd.s32 $0x1C00, s19;
	s17 =	smov.u32 s20  }
0x24c: {  	[tilespmem:s19], [sflag:$0x2] =	stream.linear.gather [spmem:s18], $0x80, $0x38;
	[tilespmem:$0x1C880] =	vst v63  }
0x24d: {  	s12 =	sor.u32 s12, s16;
	s13 =	sadd.s32 s13, s24  }
0x24e: {  	s12 =	sadd.s32 $0x18880, s12;
	s14 =	sadd.s32 $0x40000, s13  }
0x24f: {  	[tilespmem:s12], [sflag:$0x2] =	stream.linear.gather [spmem:s14], $0x80, $0x38;
	[tilespmem:$0x1C880] =	vst v63  }
0x250: {  	s16 =	sadd.s32 $0x40080, s13;
	s15 =	sadd.s32 $0x400, s12  }
0x251: {  	[tilespmem:s15], [sflag:$0x2] =	stream.linear.gather [spmem:s16], $0x80, $0x38;
	[tilespmem:$0x1C880] =	vst v63  }
0x252: {  	s17 =	sadd.s32 $0x40100, s13;
	s18 =	sadd.s32 $0x800, s12  }
0x253: {  	[tilespmem:s18], [sflag:$0x2] =	stream.linear.gather [spmem:s17], $0x80, $0x38;
	[tilespmem:$0x1C880] =	vst v63  }
0x254: {  	s19 =	sadd.s32 $0x40180, s13;
	s20 =	sadd.s32 $0xC00, s12  }
0x255: {  	[tilespmem:s20], [sflag:$0x2] =	stream.linear.gather [spmem:s19], $0x80, $0x38;
	[tilespmem:$0x1C880] =	vst v63  }
0x256: {  	s21 =	sadd.s32 $0x40200, s13;
	s22 =	sor.u32 $0x1000, s12  }
0x257: {  	[tilespmem:s22], [sflag:$0x2] =	stream.linear.gather [spmem:s21], $0x80, $0x38;
	[tilespmem:$0x1C880] =	vst v63  }
0x258: {  	s16 =	sadd.s32 $0x40280, s13;
	s17 =	sadd.s32 $0x1400, s12  }
0x259: {  	[tilespmem:s17], [sflag:$0x2] =	stream.linear.gather [spmem:s16], $0x80, $0x38;
	[tilespmem:$0x1C880] =	vst v63  }
0x25a: {  	s18 =	sadd.s32 $0x40300, s13;
	s19 =	sadd.s32 $0x1800, s12  }
0x25b: {  	[tilespmem:s19], [sflag:$0x2] =	stream.linear.gather [spmem:s18], $0x80, $0x38;
	[tilespmem:$0x1C880] =	vst v63  }
0x25c: {  	s13 =	sadd.s32 $0x40380, s13;
	s12 =	sadd.s32 $0x1C00, s12  }
0x25d: {  	[tilespmem:s12], [sflag:$0x2] =	stream.linear.gather [spmem:s13], $0x80, $0x38;
	[tilespmem:$0x1C880] =	vst v63  }
0x25e: {  	_ =	swait.ge [sflag:s30], $0x4000  }
0x25f: {  	s20 =	simm.s32 $0x0;
	[sflag:s30] =	ssyncset.done $0x0  }
0x260: {  	s18 =	sadd.s32 $0x0, s24;
	s21 =	rddreg [dreg:$0xe];
	[sflag:s30] =	ssyncadd.s32 $0xFFFFC000  }
0x261: {  	[hbm4b:s21+s20] =	stream.linear.scatter [tilespmem:s2], [sflag:$0x3], $0x4000, $0x38;
	[tilespmem:$0x1C880] =	vst v63  }
0x262: {  	s22 =	sand.u32 $0x380, s20;
	s14 =	sadd.s32 $0x80080, s18;
	s16 =	sadd.s32 $0x80100, s18  }
0x263: {  	[spmem:s0] =	stream.linear.scatter [tilespmem:s5], [sflag:$0x4], $0x4000, $0x38;
	[tilespmem:$0x1C880] =	vst v63  }
0x264: {  	s12 =	sand.u32 $0x2000, s20;
	s13 =	sadd.s32 $0x80000, s18;
	_ =	swait.ge [sflag:s10], $0x4000  }
0x265: {  	s12 =	sor.u32 s22, s12;
	s22 =	simm.s32 $0x80;
	[sflag:s10] =	ssyncset.done $0x0  }
0x266: {  	s19 =	sadd.s32 $0x14880, s12;
	s12 =	sand.u32 $0x380, s22;
	[sflag:s10] =	ssyncadd.s32 $0xFFFFC000  }
0x267: {  	[tilespmem:s19], [sflag:$0x2] =	stream.linear.gather [spmem:s13], $0x80, $0x38;
	[tilespmem:$0x1C880] =	vst v63  }
0x268: {  	s15 =	sadd.s32 $0x400, s19;
	s17 =	sadd.s32 $0x800, s19;
	s22 =	sadd.s32 $0x1800, s19  }
0x269: {  	[tilespmem:s15], [sflag:$0x2] =	stream.linear.gather [spmem:s14], $0x80, $0x38;
	[tilespmem:$0x1C880] =	vst v63  }
0x26a: {  	s20 =	sadd.s32 $0x80180, s18;
	s21 =	sadd.s32 $0xC00, s19;
	s13 =	simm.s32 $0x400  }
0x26b: {  	[tilespmem:s17], [sflag:$0x2] =	stream.linear.gather [spmem:s16], $0x80, $0x38;
	[tilespmem:$0x1C880] =	vst v63  }
0x26c: {  	s14 =	simm.s32 $0x400;
	s15 =	sadd.s32 $0x80200, s18;
	s16 =	sor.u32 $0x1000, s19  }
0x26d: {  	[tilespmem:s21], [sflag:$0x2] =	stream.linear.gather [spmem:s20], $0x80, $0x38;
	[tilespmem:$0x1C880] =	vst v63  }
0x26e: {  	s17 =	sadd.s32 $0x80280, s18;
	s20 =	sadd.s32 $0x1400, s19;
	s21 =	sadd.s32 $0x80300, s18  }
0x26f: {  	[tilespmem:s16], [sflag:$0x2] =	stream.linear.gather [spmem:s15], $0x80, $0x38;
	[tilespmem:$0x1C880] =	vst v63  }
0x270: {  	s18 =	sadd.s32 $0x80380, s18;
	s19 =	sadd.s32 $0x1C00, s19;
	s16 =	sand.u32 $0x2000, s14  }
0x271: {  	[tilespmem:s20], [sflag:$0x2] =	stream.linear.gather [spmem:s17], $0x80, $0x38;
	[tilespmem:$0x1C880] =	vst v63  }
0x272: {  	s14 =	simm.s32 $0x800;
	s15 =	simm.s32 $0x100;
	s17 =	simm.s32 $0x2000  }
0x273: {  	[tilespmem:s22], [sflag:$0x2] =	stream.linear.gather [spmem:s21], $0x80, $0x38;
	[tilespmem:$0x1C880] =	vst v63  }
.LBB2_14:
0x274: {  	[tilespmem:s19], [sflag:$0x2] =	stream.linear.gather [spmem:s18], $0x80, $0x38;
	[tilespmem:$0x1C880] =	vst v63  }
0x275: {  	s18 =	smov.u32 s17  }
0x276: {  	s16 =	sor.u32 s12, s16;
	s12 =	sand.u32 $0x380, s15;
	s18 =	sadd.s32 s13, s24  }
0x277: {  	s13 =	sshra.s32 s17, $0x2;
	s19 =	sadd.s32 $0x14880, s16;
	s16 =	sadd.s32 $0x80000, s18  }
0x278: {  	[tilespmem:s19], [sflag:$0x2] =	stream.linear.gather [spmem:s16], $0x80, $0x38;
	[tilespmem:$0x1C880] =	vst v63  }
0x279: {  	s20 =	sadd.s32 $0x80080, s18;
	s21 =	sadd.s32 $0x400, s19;
	s16 =	sand.u32 $0x2000, s14  }
0x27a: {  	[tilespmem:s21], [sflag:$0x2] =	stream.linear.gather [spmem:s20], $0x80, $0x38;
	[tilespmem:$0x1C880] =	vst v63  }
0x27b: {  	s22 =	sadd.s32 $0x800, s19;
	s20 =	sadd.s32 $0x1000, s17;
	s21 =	sadd.s32 $0x80100, s18  }
0x27c: {  	[tilespmem:s22], [sflag:$0x2] =	stream.linear.gather [spmem:s21], $0x80, $0x38;
	[tilespmem:$0x1C880] =	vst v63  }
0x27d: {  	p0 =	sne.s32 s17, $0xF000;
	s17 =	sadd.s32 $0x80180, s18;
	s21 =	sadd.s32 $0xC00, s19  }
0x27e: {  	[tilespmem:s21], [sflag:$0x2] =	stream.linear.gather [spmem:s17], $0x80, $0x38;
	[tilespmem:$0x1C880] =	vst v63  }
0x27f: {  	s15 =	sadd.s32 $0x80, s15;
	s17 =	sadd.s32 $0x80200, s18;
	s21 =	sor.u32 $0x1000, s19  }
0x280: {  	[tilespmem:s21], [sflag:$0x2] =	stream.linear.gather [spmem:s17], $0x80, $0x38;
	[tilespmem:$0x1C880] =	vst v63  }
.Ltmp6:
0x281: {  	s17 =	sadd.s32 $0x80280, s18;
	s21 =	sadd.s32 $0x1400, s19;
	(pc) =	sbr.rel @p0 .LBB2_14-.Ltmp6, $4  }
0x282: {  	[tilespmem:s21], [sflag:$0x2] =	stream.linear.gather [spmem:s17], $0x80, $0x38;
	[tilespmem:$0x1C880] =	vst v63  }
0x283: {  	s14 =	sadd.s32 $0x400, s14;
	s17 =	sadd.s32 $0x80300, s18;
	s21 =	sadd.s32 $0x1800, s19  }
0x284: {  	[tilespmem:s21], [sflag:$0x2] =	stream.linear.gather [spmem:s17], $0x80, $0x38;
	[tilespmem:$0x1C880] =	vst v63  }
0x285: {  	s18 =	sadd.s32 $0x80380, s18;
	s19 =	sadd.s32 $0x1C00, s19;
	s17 =	smov.u32 s20  }
0x286: {  	[tilespmem:s19], [sflag:$0x2] =	stream.linear.gather [spmem:s18], $0x80, $0x38;
	[tilespmem:$0x1C880] =	vst v63  }
0x287: {  	s12 =	sor.u32 s12, s16;
	s13 =	sadd.s32 s13, s24  }
0x288: {  	s12 =	sadd.s32 $0x14880, s12;
	s14 =	sadd.s32 $0x80000, s13  }
0x289: {  	[tilespmem:s12], [sflag:$0x2] =	stream.linear.gather [spmem:s14], $0x80, $0x38;
	[tilespmem:$0x1C880] =	vst v63  }
0x28a: {  	s16 =	sadd.s32 $0x80080, s13;
	s15 =	sadd.s32 $0x400, s12  }
0x28b: {  	[tilespmem:s15], [sflag:$0x2] =	stream.linear.gather [spmem:s16], $0x80, $0x38;
	[tilespmem:$0x1C880] =	vst v63  }
0x28c: {  	s17 =	sadd.s32 $0x80100, s13;
	s18 =	sadd.s32 $0x800, s12  }
0x28d: {  	[tilespmem:s18], [sflag:$0x2] =	stream.linear.gather [spmem:s17], $0x80, $0x38;
	[tilespmem:$0x1C880] =	vst v63  }
0x28e: {  	s19 =	sadd.s32 $0x80180, s13;
	s20 =	sadd.s32 $0xC00, s12  }
0x28f: {  	[tilespmem:s20], [sflag:$0x2] =	stream.linear.gather [spmem:s19], $0x80, $0x38;
	[tilespmem:$0x1C880] =	vst v63  }
0x290: {  	s21 =	sadd.s32 $0x80200, s13;
	s22 =	sor.u32 $0x1000, s12  }
0x291: {  	[tilespmem:s22], [sflag:$0x2] =	stream.linear.gather [spmem:s21], $0x80, $0x38;
	[tilespmem:$0x1C880] =	vst v63  }
0x292: {  	s16 =	sadd.s32 $0x80280, s13;
	s17 =	sadd.s32 $0x1400, s12  }
0x293: {  	[tilespmem:s17], [sflag:$0x2] =	stream.linear.gather [spmem:s16], $0x80, $0x38;
	[tilespmem:$0x1C880] =	vst v63  }
0x294: {  	s18 =	sadd.s32 $0x80300, s13;
	s19 =	sadd.s32 $0x1800, s12  }
0x295: {  	[tilespmem:s19], [sflag:$0x2] =	stream.linear.gather [spmem:s18], $0x80, $0x38;
	[tilespmem:$0x1C880] =	vst v63  }
0x296: {  	s13 =	sadd.s32 $0x80380, s13;
	s12 =	sadd.s32 $0x1C00, s12  }
0x297: {  	[tilespmem:s12], [sflag:$0x2] =	stream.linear.gather [spmem:s13], $0x80, $0x38;
	[tilespmem:$0x1C880] =	vst v63  }
0x298: {  	_ =	swait.ge [sflag:s30], $0x4000  }
0x299: {  	s20 =	simm.s32 $0x0;
	[sflag:s30] =	ssyncset.done $0x0  }
0x29a: {  	s18 =	sadd.s32 $0x0, s24;
	s21 =	rddreg [dreg:$0xf];
	[sflag:s30] =	ssyncadd.s32 $0xFFFFC000  }
0x29b: {  	[hbm4b:s21+s20] =	stream.linear.scatter [tilespmem:s31], [sflag:$0x3], $0x4000, $0x38;
	[tilespmem:$0x1C880] =	vst v63  }
0x29c: {  	s22 =	sand.u32 $0x380, s20;
	s14 =	sadd.s32 $0xC0080, s18;
	s16 =	sadd.s32 $0xC0100, s18  }
0x29d: {  	[spmem:s25] =	stream.linear.scatter [tilespmem:s5], [sflag:$0x4], $0x4000, $0x38;
	[tilespmem:$0x1C880] =	vst v63  }
0x29e: {  	s12 =	sand.u32 $0x2000, s20;
	s13 =	sadd.s32 $0xC0000, s18;
	_ =	swait.ge [sflag:s10], $0x4000  }
0x29f: {  	s12 =	sor.u32 s22, s12;
	s22 =	simm.s32 $0x80;
	[sflag:s10] =	ssyncset.done $0x0  }
0x2a0: {  	s19 =	sadd.s32 $0x18880, s12;
	s12 =	sand.u32 $0x380, s22;
	[sflag:s10] =	ssyncadd.s32 $0xFFFFC000  }
0x2a1: {  	[tilespmem:s19], [sflag:$0x2] =	stream.linear.gather [spmem:s13], $0x80, $0x38;
	[tilespmem:$0x1C880] =	vst v63  }
0x2a2: {  	s15 =	sadd.s32 $0x400, s19;
	s17 =	sadd.s32 $0x800, s19;
	s22 =	sadd.s32 $0x1800, s19  }
0x2a3: {  	[tilespmem:s15], [sflag:$0x2] =	stream.linear.gather [spmem:s14], $0x80, $0x38;
	[tilespmem:$0x1C880] =	vst v63  }
0x2a4: {  	s20 =	sadd.s32 $0xC0180, s18;
	s21 =	sadd.s32 $0xC00, s19;
	s13 =	simm.s32 $0x400  }
0x2a5: {  	[tilespmem:s17], [sflag:$0x2] =	stream.linear.gather [spmem:s16], $0x80, $0x38;
	[tilespmem:$0x1C880] =	vst v63  }
0x2a6: {  	s14 =	simm.s32 $0x400;
	s15 =	sadd.s32 $0xC0200, s18;
	s16 =	sor.u32 $0x1000, s19  }
0x2a7: {  	[tilespmem:s21], [sflag:$0x2] =	stream.linear.gather [spmem:s20], $0x80, $0x38;
	[tilespmem:$0x1C880] =	vst v63  }
0x2a8: {  	s17 =	sadd.s32 $0xC0280, s18;
	s20 =	sadd.s32 $0x1400, s19;
	s21 =	sadd.s32 $0xC0300, s18  }
0x2a9: {  	[tilespmem:s16], [sflag:$0x2] =	stream.linear.gather [spmem:s15], $0x80, $0x38;
	[tilespmem:$0x1C880] =	vst v63  }
0x2aa: {  	s18 =	sadd.s32 $0xC0380, s18;
	s19 =	sadd.s32 $0x1C00, s19;
	s16 =	sand.u32 $0x2000, s14  }
0x2ab: {  	[tilespmem:s20], [sflag:$0x2] =	stream.linear.gather [spmem:s17], $0x80, $0x38;
	[tilespmem:$0x1C880] =	vst v63  }
0x2ac: {  	s14 =	simm.s32 $0x800;
	s15 =	simm.s32 $0x100;
	s17 =	simm.s32 $0x2000  }
0x2ad: {  	[tilespmem:s22], [sflag:$0x2] =	stream.linear.gather [spmem:s21], $0x80, $0x38;
	[tilespmem:$0x1C880] =	vst v63  }
.LBB2_16:
0x2ae: {  	[tilespmem:s19], [sflag:$0x2] =	stream.linear.gather [spmem:s18], $0x80, $0x38;
	[tilespmem:$0x1C880] =	vst v63  }
0x2af: {  	s18 =	smov.u32 s17  }
0x2b0: {  	s16 =	sor.u32 s12, s16;
	s12 =	sand.u32 $0x380, s15;
	s18 =	sadd.s32 s13, s24  }
0x2b1: {  	s13 =	sshra.s32 s17, $0x2;
	s19 =	sadd.s32 $0x18880, s16;
	s16 =	sadd.s32 $0xC0000, s18  }
0x2b2: {  	[tilespmem:s19], [sflag:$0x2] =	stream.linear.gather [spmem:s16], $0x80, $0x38;
	[tilespmem:$0x1C880] =	vst v63  }
0x2b3: {  	s20 =	sadd.s32 $0xC0080, s18;
	s21 =	sadd.s32 $0x400, s19;
	s16 =	sand.u32 $0x2000, s14  }
0x2b4: {  	[tilespmem:s21], [sflag:$0x2] =	stream.linear.gather [spmem:s20], $0x80, $0x38;
	[tilespmem:$0x1C880] =	vst v63  }
0x2b5: {  	s22 =	sadd.s32 $0x800, s19;
	s20 =	sadd.s32 $0x1000, s17;
	s21 =	sadd.s32 $0xC0100, s18  }
0x2b6: {  	[tilespmem:s22], [sflag:$0x2] =	stream.linear.gather [spmem:s21], $0x80, $0x38;
	[tilespmem:$0x1C880] =	vst v63  }
0x2b7: {  	p0 =	sne.s32 s17, $0xF000;
	s17 =	sadd.s32 $0xC0180, s18;
	s21 =	sadd.s32 $0xC00, s19  }
0x2b8: {  	[tilespmem:s21], [sflag:$0x2] =	stream.linear.gather [spmem:s17], $0x80, $0x38;
	[tilespmem:$0x1C880] =	vst v63  }
0x2b9: {  	s15 =	sadd.s32 $0x80, s15;
	s17 =	sadd.s32 $0xC0200, s18;
	s21 =	sor.u32 $0x1000, s19  }
0x2ba: {  	[tilespmem:s21], [sflag:$0x2] =	stream.linear.gather [spmem:s17], $0x80, $0x38;
	[tilespmem:$0x1C880] =	vst v63  }
.Ltmp7:
0x2bb: {  	s17 =	sadd.s32 $0xC0280, s18;
	s21 =	sadd.s32 $0x1400, s19;
	(pc) =	sbr.rel @p0 .LBB2_16-.Ltmp7, $4  }
0x2bc: {  	[tilespmem:s21], [sflag:$0x2] =	stream.linear.gather [spmem:s17], $0x80, $0x38;
	[tilespmem:$0x1C880] =	vst v63  }
0x2bd: {  	s14 =	sadd.s32 $0x400, s14;
	s17 =	sadd.s32 $0xC0300, s18;
	s21 =	sadd.s32 $0x1800, s19  }
0x2be: {  	[tilespmem:s21], [sflag:$0x2] =	stream.linear.gather [spmem:s17], $0x80, $0x38;
	[tilespmem:$0x1C880] =	vst v63  }
0x2bf: {  	s18 =	sadd.s32 $0xC0380, s18;
	s19 =	sadd.s32 $0x1C00, s19;
	s17 =	smov.u32 s20  }
0x2c0: {  	[tilespmem:s19], [sflag:$0x2] =	stream.linear.gather [spmem:s18], $0x80, $0x38;
	[tilespmem:$0x1C880] =	vst v63  }
0x2c1: {  	s12 =	sor.u32 s12, s16;
	s13 =	sadd.s32 s13, s24  }
0x2c2: {  	s12 =	sadd.s32 $0x18880, s12;
	s14 =	sadd.s32 $0xC0000, s13  }
0x2c3: {  	[tilespmem:s12], [sflag:$0x2] =	stream.linear.gather [spmem:s14], $0x80, $0x38;
	[tilespmem:$0x1C880] =	vst v63  }
0x2c4: {  	s20 =	sadd.s32 $0xC0080, s13;
	s15 =	sadd.s32 $0x400, s12  }
0x2c5: {  	[tilespmem:s15], [sflag:$0x2] =	stream.linear.gather [spmem:s20], $0x80, $0x38;
	[tilespmem:$0x1C880] =	vst v63  }
0x2c6: {  	s21 =	sadd.s32 $0xC0100, s13;
	s22 =	sadd.s32 $0x800, s12  }
0x2c7: {  	[tilespmem:s22], [sflag:$0x2] =	stream.linear.gather [spmem:s21], $0x80, $0x38;
	[tilespmem:$0x1C880] =	vst v63  }
0x2c8: {  	s16 =	sadd.s32 $0xC00, s12;
	s15 =	sadd.s32 $0xC0180, s13  }
0x2c9: {  	[tilespmem:s16], [sflag:$0x2] =	stream.linear.gather [spmem:s15], $0x80, $0x38;
	[tilespmem:$0x1C880] =	vst v63  }
0x2ca: {  	s17 =	sadd.s32 $0xC0200, s13;
	s18 =	sor.u32 $0x1000, s12  }
0x2cb: {  	[tilespmem:s18], [sflag:$0x2] =	stream.linear.gather [spmem:s17], $0x80, $0x38;
	[tilespmem:$0x1C880] =	vst v63  }
0x2cc: {  	s19 =	sadd.s32 $0xC0280, s13;
	s20 =	sadd.s32 $0x1400, s12  }
0x2cd: {  	[tilespmem:s20], [sflag:$0x2] =	stream.linear.gather [spmem:s19], $0x80, $0x38;
	[tilespmem:$0x1C880] =	vst v63  }
0x2ce: {  	s21 =	sadd.s32 $0xC0300, s13;
	s22 =	sadd.s32 $0x1800, s12  }
0x2cf: {  	[tilespmem:s22], [sflag:$0x2] =	stream.linear.gather [spmem:s21], $0x80, $0x38;
	[tilespmem:$0x1C880] =	vst v63  }
0x2d0: {  	s13 =	sadd.s32 $0xC0380, s13;
	s12 =	sadd.s32 $0x1C00, s12  }
0x2d1: {  	[tilespmem:s12], [sflag:$0x2] =	stream.linear.gather [spmem:s13], $0x80, $0x38;
	[tilespmem:$0x1C880] =	vst v63  }
0x2d2: {  	_ =	swait.ge [sflag:s30], $0x4000  }
0x2d3: {  	[sflag:s30] =	ssyncset.done $0x0  }
0x2d4: {  	s12 =	simm.s32 $0x0;
	s16 =	rddreg [dreg:$0x10];
	[sflag:s30] =	ssyncadd.s32 $0xFFFFC000  }
0x2d5: {  	[hbm4b:s16+s12] =	stream.linear.scatter [tilespmem:s2], [sflag:$0x3], $0x4000, $0x38;
	[tilespmem:$0x1C880] =	vst v63  }
0x2d6: {  	_ = 	snop  }
0x2d7: {  	[spmem:s1] =	stream.linear.scatter [tilespmem:s5], [sflag:$0x4], $0x4000, $0x38;
	[tilespmem:$0x1C880] =	vst v63  }
0x2d8: {  	_ =	swait.ge [sflag:s10], $0x4000  }
0x2d9: {  	[sflag:s10] =	ssyncset.done $0x0  }
0x2da: {  	[sflag:s10] =	ssyncadd.s32 $0xFFFFC000  }
0x2db: {  	_ =	swait.ge [sflag:s10], $0x4000  }
0x2dc: {  	[sflag:s10] =	ssyncset.done $0x0  }
0x2dd: {  	[sflag:s10] =	ssyncadd.s32 $0xFFFFC000  }
0x2de: {  	_ =	swait.ge [sflag:s7], $0x4000  }
0x2df: {  	[sflag:s7] =	ssyncset.done $0x0  }
0x2e0: {  	[sflag:s7] =	ssyncadd.s32 $0xFFFFC000  }
0x2e1: {  	_ =	swait.ge [sflag:s7], $0x4000  }
0x2e2: {  	[sflag:s7] =	ssyncset.done $0x0  }
0x2e3: {  	[sflag:s7] =	ssyncadd.s32 $0xFFFFC000  }
0x2e4: {  	_ =	swait.ge [sflag:s7], $0x4000  }
0x2e5: {  	[sflag:s7] =	ssyncset.done $0x0  }
0x2e6: {  	[sflag:s7] =	ssyncadd.s32 $0xFFFFC000  }
0x2e7: {  	_ =	swait.ge [sflag:s7], $0x4000  }
0x2e8: {  	[sflag:s7] =	ssyncset.done $0x0  }
0x2e9: {  	[sflag:s7] =	ssyncadd.s32 $0xFFFFC000  }
0x2ea: {  	[bflag:$0x0] =	sbarrier.arrive $0xFFFF  }
0x2eb: {  	s17 =	rddreg [dreg:$0x6]  }
0x2ec: {  	[tilespmem:s8], [sflag:$0x5] =	stream.linear.gather [hbm4b:s17+s12], $0x800, $0x38;
	[tilespmem:$0x1C880] =	vst v63  }
0x2ed: {  	_ =	swait.ge [sflag:s4], $0x800  }
0x2ee: {  	[sflag:s4] =	ssyncset.done $0x0  }
0x2ef: {  	[sflag:s4] =	ssyncadd.s32 $0xFFFFF800  }
0x2f0: {  	[spmem:s28] =	stream.indirect.scatter.add.f32 [tilespmem:s3], [sflag:$0x1], $0x1, s8, s9, $0xb8;
	[tilespmem:$0x1C880] =	vst v63  }
0x2f1: {  	s18 =	simm.s32 $0x10080  }
0x2f2: {  	[spmem:s28] =	stream.indirect.scatter.add.f32 [tilespmem:s3], [sflag:$0x1], $0x1, s18, s9, $0xb8;
	[tilespmem:$0x1C880] =	vst v63  }
0x2f3: {  	s19 =	simm.s32 $0x10100  }
0x2f4: {  	[spmem:s28] =	stream.indirect.scatter.add.f32 [tilespmem:s3], [sflag:$0x1], $0x1, s19, s9, $0xb8;
	[tilespmem:$0x1C880] =	vst v63  }
0x2f5: {  	s20 =	simm.s32 $0x10180  }
0x2f6: {  	[spmem:s28] =	stream.indirect.scatter.add.f32 [tilespmem:s3], [sflag:$0x1], $0x1, s20, s9, $0xb8;
	[tilespmem:$0x1C880] =	vst v63  }
0x2f7: {  	s21 =	simm.s32 $0x10200  }
0x2f8: {  	[spmem:s28] =	stream.indirect.scatter.add.f32 [tilespmem:s3], [sflag:$0x1], $0x1, s21, s9, $0xb8;
	[tilespmem:$0x1C880] =	vst v63  }
0x2f9: {  	s22 =	simm.s32 $0x10280  }
0x2fa: {  	[spmem:s28] =	stream.indirect.scatter.add.f32 [tilespmem:s3], [sflag:$0x1], $0x1, s22, s9, $0xb8;
	[tilespmem:$0x1C880] =	vst v63  }
0x2fb: {  	s14 =	simm.s32 $0x10300  }
0x2fc: {  	[spmem:s28] =	stream.indirect.scatter.add.f32 [tilespmem:s3], [sflag:$0x1], $0x1, s14, s9, $0xb8;
	[tilespmem:$0x1C880] =	vst v63  }
0x2fd: {  	s15 =	simm.s32 $0x10380  }
0x2fe: {  	[spmem:s28] =	stream.indirect.scatter.add.f32 [tilespmem:s3], [sflag:$0x1], $0x1, s15, s9, $0xb8;
	[tilespmem:$0x1C880] =	vst v63  }
0x2ff: {  	s16 =	simm.s32 $0x10400  }
0x300: {  	[spmem:s28] =	stream.indirect.scatter.add.f32 [tilespmem:s3], [sflag:$0x1], $0x1, s16, s9, $0xb8;
	[tilespmem:$0x1C880] =	vst v63  }
0x301: {  	s17 =	simm.s32 $0x10480  }
0x302: {  	[spmem:s28] =	stream.indirect.scatter.add.f32 [tilespmem:s3], [sflag:$0x1], $0x1, s17, s9, $0xb8;
	[tilespmem:$0x1C880] =	vst v63  }
0x303: {  	s18 =	simm.s32 $0x10500  }
0x304: {  	[spmem:s28] =	stream.indirect.scatter.add.f32 [tilespmem:s3], [sflag:$0x1], $0x1, s18, s9, $0xb8;
	[tilespmem:$0x1C880] =	vst v63  }
0x305: {  	s19 =	simm.s32 $0x10580  }
0x306: {  	[spmem:s28] =	stream.indirect.scatter.add.f32 [tilespmem:s3], [sflag:$0x1], $0x1, s19, s9, $0xb8;
	[tilespmem:$0x1C880] =	vst v63  }
0x307: {  	s20 =	simm.s32 $0x10600  }
0x308: {  	[spmem:s28] =	stream.indirect.scatter.add.f32 [tilespmem:s3], [sflag:$0x1], $0x1, s20, s9, $0xb8;
	[tilespmem:$0x1C880] =	vst v63  }
0x309: {  	s21 =	simm.s32 $0x10680  }
0x30a: {  	[spmem:s28] =	stream.indirect.scatter.add.f32 [tilespmem:s3], [sflag:$0x1], $0x1, s21, s9, $0xb8;
	[tilespmem:$0x1C880] =	vst v63  }
0x30b: {  	_ = 	snop  }
0x30c: {  	[spmem:s28] =	stream.indirect.scatter.add.f32 [tilespmem:s3], [sflag:$0x1], $0x1, s23, s9, $0xb8;
	[tilespmem:$0x1C880] =	vst v63  }
0x30d: {  	_ = 	snop  }
0x30e: {  	[spmem:s28] =	stream.indirect.scatter.add.f32 [tilespmem:s3], [sflag:$0x1], $0x1, s26, s9, $0xb8;
	[tilespmem:$0x1C880] =	vst v63  }
0x30f: {  	_ =	swait.ge [sflag:s29], $0x7D  }
0x310: {  	[sflag:s29] =	ssyncset.done $0x0  }
0x311: {  	[sflag:s29] =	ssyncadd.s32 $0xFFFFFF83  }
0x312: {  	_ =	swait.ge [sflag:s29], $0x7D  }
0x313: {  	[sflag:s29] =	ssyncset.done $0x0  }
0x314: {  	[sflag:s29] =	ssyncadd.s32 $0xFFFFFF83  }
0x315: {  	_ =	swait.ge [sflag:s29], $0x7D  }
0x316: {  	[sflag:s29] =	ssyncset.done $0x0  }
0x317: {  	[sflag:s29] =	ssyncadd.s32 $0xFFFFFF83  }
0x318: {  	_ =	swait.ge [sflag:s29], $0x7D  }
0x319: {  	[sflag:s29] =	ssyncset.done $0x0  }
0x31a: {  	[sflag:s29] =	ssyncadd.s32 $0xFFFFFF83  }
0x31b: {  	_ =	swait.ge [sflag:s29], $0x7D  }
0x31c: {  	[sflag:s29] =	ssyncset.done $0x0  }
0x31d: {  	[sflag:s29] =	ssyncadd.s32 $0xFFFFFF83  }
0x31e: {  	_ =	swait.ge [sflag:s29], $0x7D  }
0x31f: {  	[sflag:s29] =	ssyncset.done $0x0  }
0x320: {  	[sflag:s29] =	ssyncadd.s32 $0xFFFFFF83  }
0x321: {  	_ =	swait.ge [sflag:s29], $0x7D  }
0x322: {  	[sflag:s29] =	ssyncset.done $0x0  }
0x323: {  	[sflag:s29] =	ssyncadd.s32 $0xFFFFFF83  }
0x324: {  	_ =	swait.ge [sflag:s29], $0x7D  }
0x325: {  	[sflag:s29] =	ssyncset.done $0x0  }
0x326: {  	[sflag:s29] =	ssyncadd.s32 $0xFFFFFF83  }
0x327: {  	_ =	swait.ge [sflag:s29], $0x7D  }
0x328: {  	[sflag:s29] =	ssyncset.done $0x0  }
0x329: {  	[sflag:s29] =	ssyncadd.s32 $0xFFFFFF83  }
0x32a: {  	_ =	swait.ge [sflag:s29], $0x7D  }
0x32b: {  	[sflag:s29] =	ssyncset.done $0x0  }
0x32c: {  	[sflag:s29] =	ssyncadd.s32 $0xFFFFFF83  }
0x32d: {  	_ =	swait.ge [sflag:s29], $0x7D  }
0x32e: {  	[sflag:s29] =	ssyncset.done $0x0  }
0x32f: {  	[sflag:s29] =	ssyncadd.s32 $0xFFFFFF83  }
0x330: {  	_ =	swait.ge [sflag:s29], $0x7D  }
0x331: {  	[sflag:s29] =	ssyncset.done $0x0  }
0x332: {  	[sflag:s29] =	ssyncadd.s32 $0xFFFFFF83  }
0x333: {  	_ =	swait.ge [sflag:s29], $0x7D  }
0x334: {  	[sflag:s29] =	ssyncset.done $0x0  }
0x335: {  	[sflag:s29] =	ssyncadd.s32 $0xFFFFFF83  }
0x336: {  	_ =	swait.ge [sflag:s29], $0x7D  }
0x337: {  	[sflag:s29] =	ssyncset.done $0x0  }
0x338: {  	[sflag:s29] =	ssyncadd.s32 $0xFFFFFF83  }
0x339: {  	_ =	swait.ge [sflag:s29], $0x7D  }
0x33a: {  	[sflag:s29] =	ssyncset.done $0x0  }
0x33b: {  	s22 =	sand.u32 $0x2000, s12;
	s12 =	sand.u32 $0x380, s12;
	[sflag:s29] =	ssyncadd.s32 $0xFFFFFF83  }
0x33c: {  	s12 =	sor.u32 s12, s22;
	_ =	swait.ge [sflag:s29], $0x7D  }
0x33d: {  	s22 =	simm.s32 $0x80;
	s18 =	sadd.s32 $0x0, s24;
	[sflag:s29] =	ssyncset.done $0x0  }
0x33e: {  	s17 =	simm.s32 $0x400;
	s13 =	sadd.s32 $0x80, s18;
	[sflag:s29] =	ssyncadd.s32 $0xFFFFFF83  }
0x33f: {  	s15 =	sadd.s32 $0x100, s18;
	s19 =	sadd.s32 $0x14880, s12;
	[bflag:$0x0] =	sbarrier.arrive $0xFFFF  }
0x340: {  	[tilespmem:s19], [sflag:$0x2] =	stream.linear.gather [spmem:s18], $0x80, $0x38;
	[tilespmem:$0x1C880] =	vst v63  }
0x341: {  	s12 =	sand.u32 $0x2000, s17;
	s17 =	sadd.s32 $0x280, s18;
	s14 =	sadd.s32 $0x400, s19  }
0x342: {  	[tilespmem:s14], [sflag:$0x2] =	stream.linear.gather [spmem:s13], $0x80, $0x38;
	[tilespmem:$0x1C880] =	vst v63  }
0x343: {  	s16 =	sadd.s32 $0x800, s19;
	s20 =	sadd.s32 $0x180, s18;
	s21 =	sadd.s32 $0xC00, s19  }
0x344: {  	[tilespmem:s16], [sflag:$0x2] =	stream.linear.gather [spmem:s15], $0x80, $0x38;
	[tilespmem:$0x1C880] =	vst v63  }
0x345: {  	s13 =	sand.u32 $0x380, s22;
	s22 =	sadd.s32 $0x1800, s19;
	s14 =	simm.s32 $0x800  }
0x346: {  	[tilespmem:s21], [sflag:$0x2] =	stream.linear.gather [spmem:s20], $0x80, $0x38;
	[tilespmem:$0x1C880] =	vst v63  }
0x347: {  	s15 =	sadd.s32 $0x200, s18;
	s16 =	sor.u32 $0x1000, s19;
	s20 =	sadd.s32 $0x1400, s19  }
0x348: {  	[tilespmem:s16], [sflag:$0x2] =	stream.linear.gather [spmem:s15], $0x80, $0x38;
	[tilespmem:$0x1C880] =	vst v63  }
0x349: {  	s21 =	sadd.s32 $0x300, s18;
	s18 =	sadd.s32 $0x380, s18;
	s19 =	sadd.s32 $0x1C00, s19  }
0x34a: {  	[tilespmem:s20], [sflag:$0x2] =	stream.linear.gather [spmem:s17], $0x80, $0x38;
	[tilespmem:$0x1C880] =	vst v63  }
0x34b: {  	s15 =	simm.s32 $0x100;
	s16 =	simm.s32 $0x400;
	s17 =	simm.s32 $0x2000  }
0x34c: {  	[tilespmem:s22], [sflag:$0x2] =	stream.linear.gather [spmem:s21], $0x80, $0x38;
	[tilespmem:$0x1C880] =	vst v63  }
.LBB2_18:
0x34d: {  	[tilespmem:s19], [sflag:$0x2] =	stream.linear.gather [spmem:s18], $0x80, $0x38;
	[tilespmem:$0x1C880] =	vst v63  }
0x34e: {  	s18 =	smov.u32 s17  }
0x34f: {  	s19 =	sor.u32 s13, s12;
	s13 =	sand.u32 $0x380, s15;
	s12 =	sand.u32 $0x2000, s14  }
0x350: {  	s20 =	sadd.s32 $0x1000, s17;
	s21 =	sadd.s32 s16, s24;
	s19 =	sadd.s32 $0x14880, s19  }
0x351: {  	[tilespmem:s19], [sflag:$0x2] =	stream.linear.gather [spmem:s21], $0x80, $0x38;
	[tilespmem:$0x1C880] =	vst v63  }
0x352: {  	p0 =	sne.s32 s17, $0xF000;
	s16 =	sadd.s32 $0x80, s21;
	s17 =	sadd.s32 $0x400, s19  }
0x353: {  	[tilespmem:s17], [sflag:$0x2] =	stream.linear.gather [spmem:s16], $0x80, $0x38;
	[tilespmem:$0x1C880] =	vst v63  }
0x354: {  	s16 =	sadd.s32 $0x100, s21;
	s17 =	sadd.s32 $0x800, s19  }
0x355: {  	[tilespmem:s17], [sflag:$0x2] =	stream.linear.gather [spmem:s16], $0x80, $0x38;
	[tilespmem:$0x1C880] =	vst v63  }
0x356: {  	s14 =	sadd.s32 $0x400, s14;
	s16 =	sadd.s32 $0x180, s21;
	s17 =	sadd.s32 $0xC00, s19  }
0x357: {  	[tilespmem:s17], [sflag:$0x2] =	stream.linear.gather [spmem:s16], $0x80, $0x38;
	[tilespmem:$0x1C880] =	vst v63  }
0x358: {  	s15 =	sadd.s32 $0x80, s15;
	s16 =	sadd.s32 $0x200, s21;
	s17 =	sor.u32 $0x1000, s19  }
0x359: {  	[tilespmem:s17], [sflag:$0x2] =	stream.linear.gather [spmem:s16], $0x80, $0x38;
	[tilespmem:$0x1C880] =	vst v63  }
.Ltmp8:
0x35a: {  	s16 =	sadd.s32 $0x280, s21;
	s17 =	sadd.s32 $0x1400, s19;
	(pc) =	sbr.rel @p0 .LBB2_18-.Ltmp8, $4  }
0x35b: {  	[tilespmem:s17], [sflag:$0x2] =	stream.linear.gather [spmem:s16], $0x80, $0x38;
	[tilespmem:$0x1C880] =	vst v63  }
0x35c: {  	s16 =	sadd.s32 $0x300, s21;
	s17 =	sadd.s32 $0x1800, s19;
	s19 =	sadd.s32 $0x1C00, s19  }
0x35d: {  	[tilespmem:s17], [sflag:$0x2] =	stream.linear.gather [spmem:s16], $0x80, $0x38;
	[tilespmem:$0x1C880] =	vst v63  }
0x35e: {  	s16 =	sshra.s32 s18, $0x2;
	s18 =	sadd.s32 $0x380, s21;
	s17 =	smov.u32 s20  }
0x35f: {  	[tilespmem:s19], [sflag:$0x2] =	stream.linear.gather [spmem:s18], $0x80, $0x38;
	[tilespmem:$0x1C880] =	vst v63  }
0x360: {  	s12 =	sor.u32 s13, s12  }
0x361: {  	s13 =	sadd.s32 s16, s24;
	s12 =	sadd.s32 $0x14880, s12  }
0x362: {  	[tilespmem:s12], [sflag:$0x2] =	stream.linear.gather [spmem:s13], $0x80, $0x38;
	[tilespmem:$0x1C880] =	vst v63  }
0x363: {  	s14 =	sadd.s32 $0x80, s13;
	s15 =	sadd.s32 $0x400, s12  }
0x364: {  	[tilespmem:s15], [sflag:$0x2] =	stream.linear.gather [spmem:s14], $0x80, $0x38;
	[tilespmem:$0x1C880] =	vst v63  }
0x365: {  	s17 =	sadd.s32 $0x100, s13;
	s18 =	sadd.s32 $0x800, s12  }
0x366: {  	[tilespmem:s18], [sflag:$0x2] =	stream.linear.gather [spmem:s17], $0x80, $0x38;
	[tilespmem:$0x1C880] =	vst v63  }
0x367: {  	s19 =	sadd.s32 $0x180, s13;
	s20 =	sadd.s32 $0xC00, s12  }
0x368: {  	[tilespmem:s20], [sflag:$0x2] =	stream.linear.gather [spmem:s19], $0x80, $0x38;
	[tilespmem:$0x1C880] =	vst v63  }
0x369: {  	s21 =	sadd.s32 $0x200, s13;
	s22 =	sor.u32 $0x1000, s12  }
0x36a: {  	[tilespmem:s22], [sflag:$0x2] =	stream.linear.gather [spmem:s21], $0x80, $0x38;
	[tilespmem:$0x1C880] =	vst v63  }
0x36b: {  	s16 =	sadd.s32 $0x280, s13;
	s17 =	sadd.s32 $0x1400, s12  }
0x36c: {  	[tilespmem:s17], [sflag:$0x2] =	stream.linear.gather [spmem:s16], $0x80, $0x38;
	[tilespmem:$0x1C880] =	vst v63  }
0x36d: {  	s18 =	sadd.s32 $0x300, s13;
	s19 =	sadd.s32 $0x1800, s12  }
0x36e: {  	[tilespmem:s19], [sflag:$0x2] =	stream.linear.gather [spmem:s18], $0x80, $0x38;
	[tilespmem:$0x1C880] =	vst v63  }
0x36f: {  	s13 =	sadd.s32 $0x380, s13;
	s12 =	sadd.s32 $0x1C00, s12  }
0x370: {  	[tilespmem:s12], [sflag:$0x2] =	stream.linear.gather [spmem:s13], $0x80, $0x38;
	[tilespmem:$0x1C880] =	vst v63  }
0x371: {  	s20 =	simm.s32 $0x0;
	s18 =	sadd.s32 $0x0, s24;
	_ =	swait.ge [sflag:s30], $0x4000  }
0x372: {  	s22 =	sand.u32 $0x380, s20;
	s14 =	sadd.s32 $0x40080, s18;
	[sflag:s30] =	ssyncset.done $0x0  }
0x373: {  	s12 =	sand.u32 $0x2000, s20;
	s21 =	rddreg [dreg:$0x11];
	[sflag:s30] =	ssyncadd.s32 $0xFFFFC000  }
0x374: {  	[hbm4b:s21+s20] =	stream.linear.scatter [tilespmem:s31], [sflag:$0x3], $0x4000, $0x38;
	[tilespmem:$0x1C880] =	vst v63  }
0x375: {  	s16 =	sadd.s32 $0x40100, s18;
	s12 =	sor.u32 s22, s12;
	s22 =	simm.s32 $0x80  }
0x376: {  	[spmem:s24] =	stream.linear.scatter [tilespmem:s5], [sflag:$0x4], $0x4000, $0x38;
	[tilespmem:$0x1C880] =	vst v63  }
0x377: {  	s13 =	sadd.s32 $0x40000, s18;
	s19 =	sadd.s32 $0x18880, s12;
	s12 =	sand.u32 $0x380, s22  }
0x378: {  	[tilespmem:s19], [sflag:$0x2] =	stream.linear.gather [spmem:s13], $0x80, $0x38;
	[tilespmem:$0x1C880] =	vst v63  }
0x379: {  	s15 =	sadd.s32 $0x400, s19;
	s17 =	sadd.s32 $0x800, s19;
	s22 =	sadd.s32 $0x1800, s19  }
0x37a: {  	[tilespmem:s15], [sflag:$0x2] =	stream.linear.gather [spmem:s14], $0x80, $0x38;
	[tilespmem:$0x1C880] =	vst v63  }
0x37b: {  	s20 =	sadd.s32 $0x40180, s18;
	s21 =	sadd.s32 $0xC00, s19;
	s13 =	simm.s32 $0x400  }
0x37c: {  	[tilespmem:s17], [sflag:$0x2] =	stream.linear.gather [spmem:s16], $0x80, $0x38;
	[tilespmem:$0x1C880] =	vst v63  }
0x37d: {  	s14 =	simm.s32 $0x400;
	s15 =	sadd.s32 $0x40200, s18;
	s16 =	sor.u32 $0x1000, s19  }
0x37e: {  	[tilespmem:s21], [sflag:$0x2] =	stream.linear.gather [spmem:s20], $0x80, $0x38;
	[tilespmem:$0x1C880] =	vst v63  }
0x37f: {  	s17 =	sadd.s32 $0x40280, s18;
	s20 =	sadd.s32 $0x1400, s19;
	s21 =	sadd.s32 $0x40300, s18  }
0x380: {  	[tilespmem:s16], [sflag:$0x2] =	stream.linear.gather [spmem:s15], $0x80, $0x38;
	[tilespmem:$0x1C880] =	vst v63  }
0x381: {  	s18 =	sadd.s32 $0x40380, s18;
	s19 =	sadd.s32 $0x1C00, s19;
	s16 =	sand.u32 $0x2000, s14  }
0x382: {  	[tilespmem:s20], [sflag:$0x2] =	stream.linear.gather [spmem:s17], $0x80, $0x38;
	[tilespmem:$0x1C880] =	vst v63  }
0x383: {  	s14 =	simm.s32 $0x800;
	s15 =	simm.s32 $0x100;
	s17 =	simm.s32 $0x2000  }
0x384: {  	[tilespmem:s22], [sflag:$0x2] =	stream.linear.gather [spmem:s21], $0x80, $0x38;
	[tilespmem:$0x1C880] =	vst v63  }
.LBB2_20:
0x385: {  	[tilespmem:s19], [sflag:$0x2] =	stream.linear.gather [spmem:s18], $0x80, $0x38;
	[tilespmem:$0x1C880] =	vst v63  }
0x386: {  	s18 =	smov.u32 s17  }
0x387: {  	s16 =	sor.u32 s12, s16;
	s12 =	sand.u32 $0x380, s15;
	s18 =	sadd.s32 s13, s24  }
0x388: {  	s13 =	sshra.s32 s17, $0x2;
	s19 =	sadd.s32 $0x18880, s16;
	s16 =	sadd.s32 $0x40000, s18  }
0x389: {  	[tilespmem:s19], [sflag:$0x2] =	stream.linear.gather [spmem:s16], $0x80, $0x38;
	[tilespmem:$0x1C880] =	vst v63  }
0x38a: {  	s20 =	sadd.s32 $0x40080, s18;
	s21 =	sadd.s32 $0x400, s19;
	s16 =	sand.u32 $0x2000, s14  }
0x38b: {  	[tilespmem:s21], [sflag:$0x2] =	stream.linear.gather [spmem:s20], $0x80, $0x38;
	[tilespmem:$0x1C880] =	vst v63  }
0x38c: {  	s22 =	sadd.s32 $0x800, s19;
	s20 =	sadd.s32 $0x1000, s17;
	s21 =	sadd.s32 $0x40100, s18  }
0x38d: {  	[tilespmem:s22], [sflag:$0x2] =	stream.linear.gather [spmem:s21], $0x80, $0x38;
	[tilespmem:$0x1C880] =	vst v63  }
0x38e: {  	p0 =	sne.s32 s17, $0xF000;
	s17 =	sadd.s32 $0x40180, s18;
	s21 =	sadd.s32 $0xC00, s19  }
0x38f: {  	[tilespmem:s21], [sflag:$0x2] =	stream.linear.gather [spmem:s17], $0x80, $0x38;
	[tilespmem:$0x1C880] =	vst v63  }
0x390: {  	s15 =	sadd.s32 $0x80, s15;
	s17 =	sadd.s32 $0x40200, s18;
	s21 =	sor.u32 $0x1000, s19  }
0x391: {  	[tilespmem:s21], [sflag:$0x2] =	stream.linear.gather [spmem:s17], $0x80, $0x38;
	[tilespmem:$0x1C880] =	vst v63  }
.Ltmp9:
0x392: {  	s17 =	sadd.s32 $0x40280, s18;
	s21 =	sadd.s32 $0x1400, s19;
	(pc) =	sbr.rel @p0 .LBB2_20-.Ltmp9, $4  }
0x393: {  	[tilespmem:s21], [sflag:$0x2] =	stream.linear.gather [spmem:s17], $0x80, $0x38;
	[tilespmem:$0x1C880] =	vst v63  }
0x394: {  	s14 =	sadd.s32 $0x400, s14;
	s17 =	sadd.s32 $0x40300, s18;
	s21 =	sadd.s32 $0x1800, s19  }
0x395: {  	[tilespmem:s21], [sflag:$0x2] =	stream.linear.gather [spmem:s17], $0x80, $0x38;
	[tilespmem:$0x1C880] =	vst v63  }
0x396: {  	s18 =	sadd.s32 $0x40380, s18;
	s19 =	sadd.s32 $0x1C00, s19;
	s17 =	smov.u32 s20  }
0x397: {  	[tilespmem:s19], [sflag:$0x2] =	stream.linear.gather [spmem:s18], $0x80, $0x38;
	[tilespmem:$0x1C880] =	vst v63  }
0x398: {  	s12 =	sor.u32 s12, s16;
	s13 =	sadd.s32 s13, s24  }
0x399: {  	s12 =	sadd.s32 $0x18880, s12;
	s14 =	sadd.s32 $0x40000, s13  }
0x39a: {  	[tilespmem:s12], [sflag:$0x2] =	stream.linear.gather [spmem:s14], $0x80, $0x38;
	[tilespmem:$0x1C880] =	vst v63  }
0x39b: {  	s16 =	sadd.s32 $0x40080, s13;
	s15 =	sadd.s32 $0x400, s12  }
0x39c: {  	[tilespmem:s15], [sflag:$0x2] =	stream.linear.gather [spmem:s16], $0x80, $0x38;
	[tilespmem:$0x1C880] =	vst v63  }
0x39d: {  	s17 =	sadd.s32 $0x40100, s13;
	s18 =	sadd.s32 $0x800, s12  }
0x39e: {  	[tilespmem:s18], [sflag:$0x2] =	stream.linear.gather [spmem:s17], $0x80, $0x38;
	[tilespmem:$0x1C880] =	vst v63  }
0x39f: {  	s19 =	sadd.s32 $0x40180, s13;
	s20 =	sadd.s32 $0xC00, s12  }
0x3a0: {  	[tilespmem:s20], [sflag:$0x2] =	stream.linear.gather [spmem:s19], $0x80, $0x38;
	[tilespmem:$0x1C880] =	vst v63  }
0x3a1: {  	s21 =	sadd.s32 $0x40200, s13;
	s22 =	sor.u32 $0x1000, s12  }
0x3a2: {  	[tilespmem:s22], [sflag:$0x2] =	stream.linear.gather [spmem:s21], $0x80, $0x38;
	[tilespmem:$0x1C880] =	vst v63  }
0x3a3: {  	s16 =	sadd.s32 $0x40280, s13;
	s17 =	sadd.s32 $0x1400, s12  }
0x3a4: {  	[tilespmem:s17], [sflag:$0x2] =	stream.linear.gather [spmem:s16], $0x80, $0x38;
	[tilespmem:$0x1C880] =	vst v63  }
0x3a5: {  	s18 =	sadd.s32 $0x40300, s13;
	s19 =	sadd.s32 $0x1800, s12  }
0x3a6: {  	[tilespmem:s19], [sflag:$0x2] =	stream.linear.gather [spmem:s18], $0x80, $0x38;
	[tilespmem:$0x1C880] =	vst v63  }
0x3a7: {  	s13 =	sadd.s32 $0x40380, s13;
	s12 =	sadd.s32 $0x1C00, s12  }
0x3a8: {  	[tilespmem:s12], [sflag:$0x2] =	stream.linear.gather [spmem:s13], $0x80, $0x38;
	[tilespmem:$0x1C880] =	vst v63  }
0x3a9: {  	_ =	swait.ge [sflag:s30], $0x4000  }
0x3aa: {  	s20 =	simm.s32 $0x0;
	[sflag:s30] =	ssyncset.done $0x0  }
0x3ab: {  	s18 =	sadd.s32 $0x0, s24;
	s21 =	rddreg [dreg:$0x12];
	[sflag:s30] =	ssyncadd.s32 $0xFFFFC000  }
0x3ac: {  	[hbm4b:s21+s20] =	stream.linear.scatter [tilespmem:s2], [sflag:$0x3], $0x4000, $0x38;
	[tilespmem:$0x1C880] =	vst v63  }
0x3ad: {  	s22 =	sand.u32 $0x380, s20;
	s14 =	sadd.s32 $0x80080, s18;
	s16 =	sadd.s32 $0x80100, s18  }
0x3ae: {  	[spmem:s0] =	stream.linear.scatter [tilespmem:s5], [sflag:$0x4], $0x4000, $0x38;
	[tilespmem:$0x1C880] =	vst v63  }
0x3af: {  	s12 =	sand.u32 $0x2000, s20;
	s13 =	sadd.s32 $0x80000, s18;
	_ =	swait.ge [sflag:s10], $0x4000  }
0x3b0: {  	s12 =	sor.u32 s22, s12;
	s22 =	simm.s32 $0x80;
	[sflag:s10] =	ssyncset.done $0x0  }
0x3b1: {  	s19 =	sadd.s32 $0x14880, s12;
	s12 =	sand.u32 $0x380, s22;
	[sflag:s10] =	ssyncadd.s32 $0xFFFFC000  }
0x3b2: {  	[tilespmem:s19], [sflag:$0x2] =	stream.linear.gather [spmem:s13], $0x80, $0x38;
	[tilespmem:$0x1C880] =	vst v63  }
0x3b3: {  	s15 =	sadd.s32 $0x400, s19;
	s17 =	sadd.s32 $0x800, s19;
	s22 =	sadd.s32 $0x1800, s19  }
0x3b4: {  	[tilespmem:s15], [sflag:$0x2] =	stream.linear.gather [spmem:s14], $0x80, $0x38;
	[tilespmem:$0x1C880] =	vst v63  }
0x3b5: {  	s20 =	sadd.s32 $0x80180, s18;
	s21 =	sadd.s32 $0xC00, s19;
	s13 =	simm.s32 $0x400  }
0x3b6: {  	[tilespmem:s17], [sflag:$0x2] =	stream.linear.gather [spmem:s16], $0x80, $0x38;
	[tilespmem:$0x1C880] =	vst v63  }
0x3b7: {  	s14 =	simm.s32 $0x400;
	s15 =	sadd.s32 $0x80200, s18;
	s16 =	sor.u32 $0x1000, s19  }
0x3b8: {  	[tilespmem:s21], [sflag:$0x2] =	stream.linear.gather [spmem:s20], $0x80, $0x38;
	[tilespmem:$0x1C880] =	vst v63  }
0x3b9: {  	s17 =	sadd.s32 $0x80280, s18;
	s20 =	sadd.s32 $0x1400, s19;
	s21 =	sadd.s32 $0x80300, s18  }
0x3ba: {  	[tilespmem:s16], [sflag:$0x2] =	stream.linear.gather [spmem:s15], $0x80, $0x38;
	[tilespmem:$0x1C880] =	vst v63  }
0x3bb: {  	s18 =	sadd.s32 $0x80380, s18;
	s19 =	sadd.s32 $0x1C00, s19;
	s16 =	sand.u32 $0x2000, s14  }
0x3bc: {  	[tilespmem:s20], [sflag:$0x2] =	stream.linear.gather [spmem:s17], $0x80, $0x38;
	[tilespmem:$0x1C880] =	vst v63  }
0x3bd: {  	s14 =	simm.s32 $0x800;
	s15 =	simm.s32 $0x100;
	s17 =	simm.s32 $0x2000  }
0x3be: {  	[tilespmem:s22], [sflag:$0x2] =	stream.linear.gather [spmem:s21], $0x80, $0x38;
	[tilespmem:$0x1C880] =	vst v63  }
.LBB2_22:
0x3bf: {  	[tilespmem:s19], [sflag:$0x2] =	stream.linear.gather [spmem:s18], $0x80, $0x38;
	[tilespmem:$0x1C880] =	vst v63  }
0x3c0: {  	s18 =	smov.u32 s17  }
0x3c1: {  	s16 =	sor.u32 s12, s16;
	s12 =	sand.u32 $0x380, s15;
	s18 =	sadd.s32 s13, s24  }
0x3c2: {  	s13 =	sshra.s32 s17, $0x2;
	s19 =	sadd.s32 $0x14880, s16;
	s16 =	sadd.s32 $0x80000, s18  }
0x3c3: {  	[tilespmem:s19], [sflag:$0x2] =	stream.linear.gather [spmem:s16], $0x80, $0x38;
	[tilespmem:$0x1C880] =	vst v63  }
0x3c4: {  	s20 =	sadd.s32 $0x80080, s18;
	s21 =	sadd.s32 $0x400, s19;
	s16 =	sand.u32 $0x2000, s14  }
0x3c5: {  	[tilespmem:s21], [sflag:$0x2] =	stream.linear.gather [spmem:s20], $0x80, $0x38;
	[tilespmem:$0x1C880] =	vst v63  }
0x3c6: {  	s22 =	sadd.s32 $0x800, s19;
	s20 =	sadd.s32 $0x1000, s17;
	s21 =	sadd.s32 $0x80100, s18  }
0x3c7: {  	[tilespmem:s22], [sflag:$0x2] =	stream.linear.gather [spmem:s21], $0x80, $0x38;
	[tilespmem:$0x1C880] =	vst v63  }
0x3c8: {  	p0 =	sne.s32 s17, $0xF000;
	s17 =	sadd.s32 $0x80180, s18;
	s21 =	sadd.s32 $0xC00, s19  }
0x3c9: {  	[tilespmem:s21], [sflag:$0x2] =	stream.linear.gather [spmem:s17], $0x80, $0x38;
	[tilespmem:$0x1C880] =	vst v63  }
0x3ca: {  	s15 =	sadd.s32 $0x80, s15;
	s17 =	sadd.s32 $0x80200, s18;
	s21 =	sor.u32 $0x1000, s19  }
0x3cb: {  	[tilespmem:s21], [sflag:$0x2] =	stream.linear.gather [spmem:s17], $0x80, $0x38;
	[tilespmem:$0x1C880] =	vst v63  }
.Ltmp10:
0x3cc: {  	s17 =	sadd.s32 $0x80280, s18;
	s21 =	sadd.s32 $0x1400, s19;
	(pc) =	sbr.rel @p0 .LBB2_22-.Ltmp10, $4  }
0x3cd: {  	[tilespmem:s21], [sflag:$0x2] =	stream.linear.gather [spmem:s17], $0x80, $0x38;
	[tilespmem:$0x1C880] =	vst v63  }
0x3ce: {  	s14 =	sadd.s32 $0x400, s14;
	s17 =	sadd.s32 $0x80300, s18;
	s21 =	sadd.s32 $0x1800, s19  }
0x3cf: {  	[tilespmem:s21], [sflag:$0x2] =	stream.linear.gather [spmem:s17], $0x80, $0x38;
	[tilespmem:$0x1C880] =	vst v63  }
0x3d0: {  	s18 =	sadd.s32 $0x80380, s18;
	s19 =	sadd.s32 $0x1C00, s19;
	s17 =	smov.u32 s20  }
0x3d1: {  	[tilespmem:s19], [sflag:$0x2] =	stream.linear.gather [spmem:s18], $0x80, $0x38;
	[tilespmem:$0x1C880] =	vst v63  }
0x3d2: {  	s12 =	sor.u32 s12, s16;
	s13 =	sadd.s32 s13, s24  }
0x3d3: {  	s12 =	sadd.s32 $0x14880, s12;
	s14 =	sadd.s32 $0x80000, s13  }
0x3d4: {  	[tilespmem:s12], [sflag:$0x2] =	stream.linear.gather [spmem:s14], $0x80, $0x38;
	[tilespmem:$0x1C880] =	vst v63  }
0x3d5: {  	s16 =	sadd.s32 $0x80080, s13;
	s15 =	sadd.s32 $0x400, s12  }
0x3d6: {  	[tilespmem:s15], [sflag:$0x2] =	stream.linear.gather [spmem:s16], $0x80, $0x38;
	[tilespmem:$0x1C880] =	vst v63  }
0x3d7: {  	s17 =	sadd.s32 $0x80100, s13;
	s18 =	sadd.s32 $0x800, s12  }
0x3d8: {  	[tilespmem:s18], [sflag:$0x2] =	stream.linear.gather [spmem:s17], $0x80, $0x38;
	[tilespmem:$0x1C880] =	vst v63  }
0x3d9: {  	s19 =	sadd.s32 $0x80180, s13;
	s20 =	sadd.s32 $0xC00, s12  }
0x3da: {  	[tilespmem:s20], [sflag:$0x2] =	stream.linear.gather [spmem:s19], $0x80, $0x38;
	[tilespmem:$0x1C880] =	vst v63  }
0x3db: {  	s21 =	sadd.s32 $0x80200, s13;
	s22 =	sor.u32 $0x1000, s12  }
0x3dc: {  	[tilespmem:s22], [sflag:$0x2] =	stream.linear.gather [spmem:s21], $0x80, $0x38;
	[tilespmem:$0x1C880] =	vst v63  }
0x3dd: {  	s16 =	sadd.s32 $0x80280, s13;
	s17 =	sadd.s32 $0x1400, s12  }
0x3de: {  	[tilespmem:s17], [sflag:$0x2] =	stream.linear.gather [spmem:s16], $0x80, $0x38;
	[tilespmem:$0x1C880] =	vst v63  }
0x3df: {  	s18 =	sadd.s32 $0x80300, s13;
	s19 =	sadd.s32 $0x1800, s12  }
0x3e0: {  	[tilespmem:s19], [sflag:$0x2] =	stream.linear.gather [spmem:s18], $0x80, $0x38;
	[tilespmem:$0x1C880] =	vst v63  }
0x3e1: {  	s13 =	sadd.s32 $0x80380, s13;
	s12 =	sadd.s32 $0x1C00, s12  }
0x3e2: {  	[tilespmem:s12], [sflag:$0x2] =	stream.linear.gather [spmem:s13], $0x80, $0x38;
	[tilespmem:$0x1C880] =	vst v63  }
0x3e3: {  	_ =	swait.ge [sflag:s30], $0x4000  }
0x3e4: {  	s20 =	simm.s32 $0x0;
	[sflag:s30] =	ssyncset.done $0x0  }
0x3e5: {  	s18 =	sadd.s32 $0x0, s24;
	s21 =	rddreg [dreg:$0x13];
	[sflag:s30] =	ssyncadd.s32 $0xFFFFC000  }
0x3e6: {  	[hbm4b:s21+s20] =	stream.linear.scatter [tilespmem:s31], [sflag:$0x3], $0x4000, $0x38;
	[tilespmem:$0x1C880] =	vst v63  }
0x3e7: {  	s22 =	sand.u32 $0x380, s20;
	s14 =	sadd.s32 $0xC0080, s18;
	s16 =	sadd.s32 $0xC0100, s18  }
0x3e8: {  	[spmem:s25] =	stream.linear.scatter [tilespmem:s5], [sflag:$0x4], $0x4000, $0x38;
	[tilespmem:$0x1C880] =	vst v63  }
0x3e9: {  	s12 =	sand.u32 $0x2000, s20;
	s13 =	sadd.s32 $0xC0000, s18;
	_ =	swait.ge [sflag:s10], $0x4000  }
0x3ea: {  	s12 =	sor.u32 s22, s12;
	s22 =	simm.s32 $0x80;
	[sflag:s10] =	ssyncset.done $0x0  }
0x3eb: {  	s19 =	sadd.s32 $0x18880, s12;
	s12 =	sand.u32 $0x380, s22;
	[sflag:s10] =	ssyncadd.s32 $0xFFFFC000  }
0x3ec: {  	[tilespmem:s19], [sflag:$0x2] =	stream.linear.gather [spmem:s13], $0x80, $0x38;
	[tilespmem:$0x1C880] =	vst v63  }
0x3ed: {  	s15 =	sadd.s32 $0x400, s19;
	s17 =	sadd.s32 $0x800, s19;
	s22 =	sadd.s32 $0x1800, s19  }
0x3ee: {  	[tilespmem:s15], [sflag:$0x2] =	stream.linear.gather [spmem:s14], $0x80, $0x38;
	[tilespmem:$0x1C880] =	vst v63  }
0x3ef: {  	s20 =	sadd.s32 $0xC0180, s18;
	s21 =	sadd.s32 $0xC00, s19;
	s13 =	simm.s32 $0x400  }
0x3f0: {  	[tilespmem:s17], [sflag:$0x2] =	stream.linear.gather [spmem:s16], $0x80, $0x38;
	[tilespmem:$0x1C880] =	vst v63  }
0x3f1: {  	s14 =	simm.s32 $0x400;
	s15 =	sadd.s32 $0xC0200, s18;
	s16 =	sor.u32 $0x1000, s19  }
0x3f2: {  	[tilespmem:s21], [sflag:$0x2] =	stream.linear.gather [spmem:s20], $0x80, $0x38;
	[tilespmem:$0x1C880] =	vst v63  }
0x3f3: {  	s17 =	sadd.s32 $0xC0280, s18;
	s20 =	sadd.s32 $0x1400, s19;
	s21 =	sadd.s32 $0xC0300, s18  }
0x3f4: {  	[tilespmem:s16], [sflag:$0x2] =	stream.linear.gather [spmem:s15], $0x80, $0x38;
	[tilespmem:$0x1C880] =	vst v63  }
0x3f5: {  	s18 =	sadd.s32 $0xC0380, s18;
	s19 =	sadd.s32 $0x1C00, s19;
	s16 =	sand.u32 $0x2000, s14  }
0x3f6: {  	[tilespmem:s20], [sflag:$0x2] =	stream.linear.gather [spmem:s17], $0x80, $0x38;
	[tilespmem:$0x1C880] =	vst v63  }
0x3f7: {  	s14 =	simm.s32 $0x800;
	s15 =	simm.s32 $0x100;
	s17 =	simm.s32 $0x2000  }
0x3f8: {  	[tilespmem:s22], [sflag:$0x2] =	stream.linear.gather [spmem:s21], $0x80, $0x38;
	[tilespmem:$0x1C880] =	vst v63  }
.LBB2_24:
0x3f9: {  	[tilespmem:s19], [sflag:$0x2] =	stream.linear.gather [spmem:s18], $0x80, $0x38;
	[tilespmem:$0x1C880] =	vst v63  }
0x3fa: {  	s18 =	smov.u32 s17  }
0x3fb: {  	s16 =	sor.u32 s12, s16;
	s12 =	sand.u32 $0x380, s15;
	s18 =	sadd.s32 s13, s24  }
0x3fc: {  	s13 =	sshra.s32 s17, $0x2;
	s19 =	sadd.s32 $0x18880, s16;
	s16 =	sadd.s32 $0xC0000, s18  }
0x3fd: {  	[tilespmem:s19], [sflag:$0x2] =	stream.linear.gather [spmem:s16], $0x80, $0x38;
	[tilespmem:$0x1C880] =	vst v63  }
0x3fe: {  	s20 =	sadd.s32 $0xC0080, s18;
	s21 =	sadd.s32 $0x400, s19;
	s16 =	sand.u32 $0x2000, s14  }
0x3ff: {  	[tilespmem:s21], [sflag:$0x2] =	stream.linear.gather [spmem:s20], $0x80, $0x38;
	[tilespmem:$0x1C880] =	vst v63  }
0x400: {  	s22 =	sadd.s32 $0x800, s19;
	s20 =	sadd.s32 $0x1000, s17;
	s21 =	sadd.s32 $0xC0100, s18  }
0x401: {  	[tilespmem:s22], [sflag:$0x2] =	stream.linear.gather [spmem:s21], $0x80, $0x38;
	[tilespmem:$0x1C880] =	vst v63  }
0x402: {  	p0 =	sne.s32 s17, $0xF000;
	s17 =	sadd.s32 $0xC0180, s18;
	s21 =	sadd.s32 $0xC00, s19  }
0x403: {  	[tilespmem:s21], [sflag:$0x2] =	stream.linear.gather [spmem:s17], $0x80, $0x38;
	[tilespmem:$0x1C880] =	vst v63  }
0x404: {  	s15 =	sadd.s32 $0x80, s15;
	s17 =	sadd.s32 $0xC0200, s18;
	s21 =	sor.u32 $0x1000, s19  }
0x405: {  	[tilespmem:s21], [sflag:$0x2] =	stream.linear.gather [spmem:s17], $0x80, $0x38;
	[tilespmem:$0x1C880] =	vst v63  }
.Ltmp11:
0x406: {  	s17 =	sadd.s32 $0xC0280, s18;
	s21 =	sadd.s32 $0x1400, s19;
	(pc) =	sbr.rel @p0 .LBB2_24-.Ltmp11, $4  }
0x407: {  	[tilespmem:s21], [sflag:$0x2] =	stream.linear.gather [spmem:s17], $0x80, $0x38;
	[tilespmem:$0x1C880] =	vst v63  }
0x408: {  	s14 =	sadd.s32 $0x400, s14;
	s17 =	sadd.s32 $0xC0300, s18;
	s21 =	sadd.s32 $0x1800, s19  }
0x409: {  	[tilespmem:s21], [sflag:$0x2] =	stream.linear.gather [spmem:s17], $0x80, $0x38;
	[tilespmem:$0x1C880] =	vst v63  }
0x40a: {  	s18 =	sadd.s32 $0xC0380, s18;
	s19 =	sadd.s32 $0x1C00, s19;
	s17 =	smov.u32 s20  }
0x40b: {  	[tilespmem:s19], [sflag:$0x2] =	stream.linear.gather [spmem:s18], $0x80, $0x38;
	[tilespmem:$0x1C880] =	vst v63  }
0x40c: {  	s12 =	sor.u32 s12, s16;
	s13 =	sadd.s32 s13, s24  }
0x40d: {  	s12 =	sadd.s32 $0x18880, s12;
	s14 =	sadd.s32 $0xC0000, s13  }
0x40e: {  	[tilespmem:s12], [sflag:$0x2] =	stream.linear.gather [spmem:s14], $0x80, $0x38;
	[tilespmem:$0x1C880] =	vst v63  }
0x40f: {  	s20 =	sadd.s32 $0xC0080, s13;
	s15 =	sadd.s32 $0x400, s12  }
0x410: {  	[tilespmem:s15], [sflag:$0x2] =	stream.linear.gather [spmem:s20], $0x80, $0x38;
	[tilespmem:$0x1C880] =	vst v63  }
0x411: {  	s21 =	sadd.s32 $0xC0100, s13;
	s22 =	sadd.s32 $0x800, s12  }
0x412: {  	[tilespmem:s22], [sflag:$0x2] =	stream.linear.gather [spmem:s21], $0x80, $0x38;
	[tilespmem:$0x1C880] =	vst v63  }
0x413: {  	s16 =	sadd.s32 $0xC00, s12;
	s15 =	sadd.s32 $0xC0180, s13  }
0x414: {  	[tilespmem:s16], [sflag:$0x2] =	stream.linear.gather [spmem:s15], $0x80, $0x38;
	[tilespmem:$0x1C880] =	vst v63  }
0x415: {  	s17 =	sadd.s32 $0xC0200, s13;
	s18 =	sor.u32 $0x1000, s12  }
0x416: {  	[tilespmem:s18], [sflag:$0x2] =	stream.linear.gather [spmem:s17], $0x80, $0x38;
	[tilespmem:$0x1C880] =	vst v63  }
0x417: {  	s19 =	sadd.s32 $0xC0280, s13;
	s20 =	sadd.s32 $0x1400, s12  }
0x418: {  	[tilespmem:s20], [sflag:$0x2] =	stream.linear.gather [spmem:s19], $0x80, $0x38;
	[tilespmem:$0x1C880] =	vst v63  }
0x419: {  	s21 =	sadd.s32 $0xC0300, s13;
	s22 =	sadd.s32 $0x1800, s12  }
0x41a: {  	[tilespmem:s22], [sflag:$0x2] =	stream.linear.gather [spmem:s21], $0x80, $0x38;
	[tilespmem:$0x1C880] =	vst v63  }
0x41b: {  	s13 =	sadd.s32 $0xC0380, s13;
	s12 =	sadd.s32 $0x1C00, s12  }
0x41c: {  	[tilespmem:s12], [sflag:$0x2] =	stream.linear.gather [spmem:s13], $0x80, $0x38;
	[tilespmem:$0x1C880] =	vst v63  }
0x41d: {  	_ =	swait.ge [sflag:s30], $0x4000  }
0x41e: {  	[sflag:s30] =	ssyncset.done $0x0  }
0x41f: {  	s12 =	simm.s32 $0x0;
	s16 =	rddreg [dreg:$0x14];
	[sflag:s30] =	ssyncadd.s32 $0xFFFFC000  }
0x420: {  	[hbm4b:s16+s12] =	stream.linear.scatter [tilespmem:s2], [sflag:$0x3], $0x4000, $0x38;
	[tilespmem:$0x1C880] =	vst v63  }
0x421: {  	_ = 	snop  }
0x422: {  	[spmem:s1] =	stream.linear.scatter [tilespmem:s5], [sflag:$0x4], $0x4000, $0x38;
	[tilespmem:$0x1C880] =	vst v63  }
0x423: {  	_ =	swait.ge [sflag:s10], $0x4000  }
0x424: {  	[sflag:s10] =	ssyncset.done $0x0  }
0x425: {  	[sflag:s10] =	ssyncadd.s32 $0xFFFFC000  }
0x426: {  	_ =	swait.ge [sflag:s10], $0x4000  }
0x427: {  	[sflag:s10] =	ssyncset.done $0x0  }
0x428: {  	[sflag:s10] =	ssyncadd.s32 $0xFFFFC000  }
0x429: {  	_ =	swait.ge [sflag:s7], $0x4000  }
0x42a: {  	[sflag:s7] =	ssyncset.done $0x0  }
0x42b: {  	[sflag:s7] =	ssyncadd.s32 $0xFFFFC000  }
0x42c: {  	_ =	swait.ge [sflag:s7], $0x4000  }
0x42d: {  	[sflag:s7] =	ssyncset.done $0x0  }
0x42e: {  	[sflag:s7] =	ssyncadd.s32 $0xFFFFC000  }
0x42f: {  	_ =	swait.ge [sflag:s7], $0x4000  }
0x430: {  	[sflag:s7] =	ssyncset.done $0x0  }
0x431: {  	[sflag:s7] =	ssyncadd.s32 $0xFFFFC000  }
0x432: {  	_ =	swait.ge [sflag:s7], $0x4000  }
0x433: {  	[sflag:s7] =	ssyncset.done $0x0  }
0x434: {  	[sflag:s7] =	ssyncadd.s32 $0xFFFFC000  }
0x435: {  	[bflag:$0x0] =	sbarrier.arrive $0xFFFF  }
0x436: {  	s17 =	rddreg [dreg:$0x7]  }
0x437: {  	[tilespmem:s8], [sflag:$0x5] =	stream.linear.gather [hbm4b:s17+s12], $0x800, $0x38;
	[tilespmem:$0x1C880] =	vst v63  }
0x438: {  	_ =	swait.ge [sflag:s4], $0x800  }
0x439: {  	[sflag:s4] =	ssyncset.done $0x0  }
0x43a: {  	[sflag:s4] =	ssyncadd.s32 $0xFFFFF800  }
0x43b: {  	[spmem:s28] =	stream.indirect.scatter.add.f32 [tilespmem:s3], [sflag:$0x1], $0x1, s8, s9, $0xb8;
	[tilespmem:$0x1C880] =	vst v63  }
0x43c: {  	s18 =	simm.s32 $0x10080  }
0x43d: {  	[spmem:s28] =	stream.indirect.scatter.add.f32 [tilespmem:s3], [sflag:$0x1], $0x1, s18, s9, $0xb8;
	[tilespmem:$0x1C880] =	vst v63  }
0x43e: {  	s19 =	simm.s32 $0x10100  }
0x43f: {  	[spmem:s28] =	stream.indirect.scatter.add.f32 [tilespmem:s3], [sflag:$0x1], $0x1, s19, s9, $0xb8;
	[tilespmem:$0x1C880] =	vst v63  }
0x440: {  	s20 =	simm.s32 $0x10180  }
0x441: {  	[spmem:s28] =	stream.indirect.scatter.add.f32 [tilespmem:s3], [sflag:$0x1], $0x1, s20, s9, $0xb8;
	[tilespmem:$0x1C880] =	vst v63  }
0x442: {  	s21 =	simm.s32 $0x10200  }
0x443: {  	[spmem:s28] =	stream.indirect.scatter.add.f32 [tilespmem:s3], [sflag:$0x1], $0x1, s21, s9, $0xb8;
	[tilespmem:$0x1C880] =	vst v63  }
0x444: {  	s22 =	simm.s32 $0x10280  }
0x445: {  	[spmem:s28] =	stream.indirect.scatter.add.f32 [tilespmem:s3], [sflag:$0x1], $0x1, s22, s9, $0xb8;
	[tilespmem:$0x1C880] =	vst v63  }
0x446: {  	s14 =	simm.s32 $0x10300  }
0x447: {  	[spmem:s28] =	stream.indirect.scatter.add.f32 [tilespmem:s3], [sflag:$0x1], $0x1, s14, s9, $0xb8;
	[tilespmem:$0x1C880] =	vst v63  }
0x448: {  	s15 =	simm.s32 $0x10380  }
0x449: {  	[spmem:s28] =	stream.indirect.scatter.add.f32 [tilespmem:s3], [sflag:$0x1], $0x1, s15, s9, $0xb8;
	[tilespmem:$0x1C880] =	vst v63  }
0x44a: {  	s16 =	simm.s32 $0x10400  }
0x44b: {  	[spmem:s28] =	stream.indirect.scatter.add.f32 [tilespmem:s3], [sflag:$0x1], $0x1, s16, s9, $0xb8;
	[tilespmem:$0x1C880] =	vst v63  }
0x44c: {  	s17 =	simm.s32 $0x10480  }
0x44d: {  	[spmem:s28] =	stream.indirect.scatter.add.f32 [tilespmem:s3], [sflag:$0x1], $0x1, s17, s9, $0xb8;
	[tilespmem:$0x1C880] =	vst v63  }
0x44e: {  	s18 =	simm.s32 $0x10500  }
0x44f: {  	[spmem:s28] =	stream.indirect.scatter.add.f32 [tilespmem:s3], [sflag:$0x1], $0x1, s18, s9, $0xb8;
	[tilespmem:$0x1C880] =	vst v63  }
0x450: {  	s19 =	simm.s32 $0x10580  }
0x451: {  	[spmem:s28] =	stream.indirect.scatter.add.f32 [tilespmem:s3], [sflag:$0x1], $0x1, s19, s9, $0xb8;
	[tilespmem:$0x1C880] =	vst v63  }
0x452: {  	s20 =	simm.s32 $0x10600  }
0x453: {  	[spmem:s28] =	stream.indirect.scatter.add.f32 [tilespmem:s3], [sflag:$0x1], $0x1, s20, s9, $0xb8;
	[tilespmem:$0x1C880] =	vst v63  }
0x454: {  	s21 =	simm.s32 $0x10680  }
0x455: {  	[spmem:s28] =	stream.indirect.scatter.add.f32 [tilespmem:s3], [sflag:$0x1], $0x1, s21, s9, $0xb8;
	[tilespmem:$0x1C880] =	vst v63  }
0x456: {  	_ = 	snop  }
0x457: {  	[spmem:s28] =	stream.indirect.scatter.add.f32 [tilespmem:s3], [sflag:$0x1], $0x1, s23, s9, $0xb8;
	[tilespmem:$0x1C880] =	vst v63  }
0x458: {  	_ = 	snop  }
0x459: {  	[spmem:s28] =	stream.indirect.scatter.add.f32 [tilespmem:s3], [sflag:$0x1], $0x1, s26, s9, $0xb8;
	[tilespmem:$0x1C880] =	vst v63  }
0x45a: {  	_ =	swait.ge [sflag:s29], $0x7D  }
0x45b: {  	[sflag:s29] =	ssyncset.done $0x0  }
0x45c: {  	[sflag:s29] =	ssyncadd.s32 $0xFFFFFF83  }
0x45d: {  	_ =	swait.ge [sflag:s29], $0x7D  }
0x45e: {  	[sflag:s29] =	ssyncset.done $0x0  }
0x45f: {  	[sflag:s29] =	ssyncadd.s32 $0xFFFFFF83  }
0x460: {  	_ =	swait.ge [sflag:s29], $0x7D  }
0x461: {  	[sflag:s29] =	ssyncset.done $0x0  }
0x462: {  	[sflag:s29] =	ssyncadd.s32 $0xFFFFFF83  }
0x463: {  	_ =	swait.ge [sflag:s29], $0x7D  }
0x464: {  	[sflag:s29] =	ssyncset.done $0x0  }
0x465: {  	[sflag:s29] =	ssyncadd.s32 $0xFFFFFF83  }
0x466: {  	_ =	swait.ge [sflag:s29], $0x7D  }
0x467: {  	[sflag:s29] =	ssyncset.done $0x0  }
0x468: {  	[sflag:s29] =	ssyncadd.s32 $0xFFFFFF83  }
0x469: {  	_ =	swait.ge [sflag:s29], $0x7D  }
0x46a: {  	[sflag:s29] =	ssyncset.done $0x0  }
0x46b: {  	[sflag:s29] =	ssyncadd.s32 $0xFFFFFF83  }
0x46c: {  	_ =	swait.ge [sflag:s29], $0x7D  }
0x46d: {  	[sflag:s29] =	ssyncset.done $0x0  }
0x46e: {  	[sflag:s29] =	ssyncadd.s32 $0xFFFFFF83  }
0x46f: {  	_ =	swait.ge [sflag:s29], $0x7D  }
0x470: {  	[sflag:s29] =	ssyncset.done $0x0  }
0x471: {  	[sflag:s29] =	ssyncadd.s32 $0xFFFFFF83  }
0x472: {  	_ =	swait.ge [sflag:s29], $0x7D  }
0x473: {  	[sflag:s29] =	ssyncset.done $0x0  }
0x474: {  	[sflag:s29] =	ssyncadd.s32 $0xFFFFFF83  }
0x475: {  	_ =	swait.ge [sflag:s29], $0x7D  }
0x476: {  	[sflag:s29] =	ssyncset.done $0x0  }
0x477: {  	[sflag:s29] =	ssyncadd.s32 $0xFFFFFF83  }
0x478: {  	_ =	swait.ge [sflag:s29], $0x7D  }
0x479: {  	[sflag:s29] =	ssyncset.done $0x0  }
0x47a: {  	[sflag:s29] =	ssyncadd.s32 $0xFFFFFF83  }
0x47b: {  	_ =	swait.ge [sflag:s29], $0x7D  }
0x47c: {  	[sflag:s29] =	ssyncset.done $0x0  }
0x47d: {  	[sflag:s29] =	ssyncadd.s32 $0xFFFFFF83  }
0x47e: {  	_ =	swait.ge [sflag:s29], $0x7D  }
0x47f: {  	[sflag:s29] =	ssyncset.done $0x0  }
0x480: {  	[sflag:s29] =	ssyncadd.s32 $0xFFFFFF83  }
0x481: {  	_ =	swait.ge [sflag:s29], $0x7D  }
0x482: {  	[sflag:s29] =	ssyncset.done $0x0  }
0x483: {  	[sflag:s29] =	ssyncadd.s32 $0xFFFFFF83  }
0x484: {  	_ =	swait.ge [sflag:s29], $0x7D  }
0x485: {  	[sflag:s29] =	ssyncset.done $0x0  }
0x486: {  	s22 =	sand.u32 $0x2000, s12;
	s12 =	sand.u32 $0x380, s12;
	[sflag:s29] =	ssyncadd.s32 $0xFFFFFF83  }
0x487: {  	s12 =	sor.u32 s12, s22;
	_ =	swait.ge [sflag:s29], $0x7D  }
0x488: {  	s22 =	simm.s32 $0x80;
	s18 =	sadd.s32 $0x0, s24;
	[sflag:s29] =	ssyncset.done $0x0  }
0x489: {  	s17 =	simm.s32 $0x400;
	s13 =	sadd.s32 $0x80, s18;
	[sflag:s29] =	ssyncadd.s32 $0xFFFFFF83  }
0x48a: {  	s15 =	sadd.s32 $0x100, s18;
	s19 =	sadd.s32 $0x14880, s12;
	[bflag:$0x0] =	sbarrier.arrive $0xFFFF  }
0x48b: {  	[tilespmem:s19], [sflag:$0x2] =	stream.linear.gather [spmem:s18], $0x80, $0x38;
	[tilespmem:$0x1C880] =	vst v63  }
0x48c: {  	s12 =	sand.u32 $0x2000, s17;
	s17 =	sadd.s32 $0x280, s18;
	s14 =	sadd.s32 $0x400, s19  }
0x48d: {  	[tilespmem:s14], [sflag:$0x2] =	stream.linear.gather [spmem:s13], $0x80, $0x38;
	[tilespmem:$0x1C880] =	vst v63  }
0x48e: {  	s16 =	sadd.s32 $0x800, s19;
	s20 =	sadd.s32 $0x180, s18;
	s21 =	sadd.s32 $0xC00, s19  }
0x48f: {  	[tilespmem:s16], [sflag:$0x2] =	stream.linear.gather [spmem:s15], $0x80, $0x38;
	[tilespmem:$0x1C880] =	vst v63  }
0x490: {  	s13 =	sand.u32 $0x380, s22;
	s22 =	sadd.s32 $0x1800, s19;
	s14 =	simm.s32 $0x800  }
0x491: {  	[tilespmem:s21], [sflag:$0x2] =	stream.linear.gather [spmem:s20], $0x80, $0x38;
	[tilespmem:$0x1C880] =	vst v63  }
0x492: {  	s15 =	sadd.s32 $0x200, s18;
	s16 =	sor.u32 $0x1000, s19;
	s20 =	sadd.s32 $0x1400, s19  }
0x493: {  	[tilespmem:s16], [sflag:$0x2] =	stream.linear.gather [spmem:s15], $0x80, $0x38;
	[tilespmem:$0x1C880] =	vst v63  }
0x494: {  	s21 =	sadd.s32 $0x300, s18;
	s18 =	sadd.s32 $0x380, s18;
	s19 =	sadd.s32 $0x1C00, s19  }
0x495: {  	[tilespmem:s20], [sflag:$0x2] =	stream.linear.gather [spmem:s17], $0x80, $0x38;
	[tilespmem:$0x1C880] =	vst v63  }
0x496: {  	s15 =	simm.s32 $0x100;
	s16 =	simm.s32 $0x400;
	s17 =	simm.s32 $0x2000  }
0x497: {  	[tilespmem:s22], [sflag:$0x2] =	stream.linear.gather [spmem:s21], $0x80, $0x38;
	[tilespmem:$0x1C880] =	vst v63  }
.LBB2_26:
0x498: {  	[tilespmem:s19], [sflag:$0x2] =	stream.linear.gather [spmem:s18], $0x80, $0x38;
	[tilespmem:$0x1C880] =	vst v63  }
0x499: {  	s18 =	smov.u32 s17  }
0x49a: {  	s19 =	sor.u32 s13, s12;
	s13 =	sand.u32 $0x380, s15;
	s12 =	sand.u32 $0x2000, s14  }
0x49b: {  	s20 =	sadd.s32 $0x1000, s17;
	s21 =	sadd.s32 s16, s24;
	s19 =	sadd.s32 $0x14880, s19  }
0x49c: {  	[tilespmem:s19], [sflag:$0x2] =	stream.linear.gather [spmem:s21], $0x80, $0x38;
	[tilespmem:$0x1C880] =	vst v63  }
0x49d: {  	p0 =	sne.s32 s17, $0xF000;
	s16 =	sadd.s32 $0x80, s21;
	s17 =	sadd.s32 $0x400, s19  }
0x49e: {  	[tilespmem:s17], [sflag:$0x2] =	stream.linear.gather [spmem:s16], $0x80, $0x38;
	[tilespmem:$0x1C880] =	vst v63  }
0x49f: {  	s16 =	sadd.s32 $0x100, s21;
	s17 =	sadd.s32 $0x800, s19  }
0x4a0: {  	[tilespmem:s17], [sflag:$0x2] =	stream.linear.gather [spmem:s16], $0x80, $0x38;
	[tilespmem:$0x1C880] =	vst v63  }
0x4a1: {  	s14 =	sadd.s32 $0x400, s14;
	s16 =	sadd.s32 $0x180, s21;
	s17 =	sadd.s32 $0xC00, s19  }
0x4a2: {  	[tilespmem:s17], [sflag:$0x2] =	stream.linear.gather [spmem:s16], $0x80, $0x38;
	[tilespmem:$0x1C880] =	vst v63  }
0x4a3: {  	s15 =	sadd.s32 $0x80, s15;
	s16 =	sadd.s32 $0x200, s21;
	s17 =	sor.u32 $0x1000, s19  }
0x4a4: {  	[tilespmem:s17], [sflag:$0x2] =	stream.linear.gather [spmem:s16], $0x80, $0x38;
	[tilespmem:$0x1C880] =	vst v63  }
.Ltmp12:
0x4a5: {  	s16 =	sadd.s32 $0x280, s21;
	s17 =	sadd.s32 $0x1400, s19;
	(pc) =	sbr.rel @p0 .LBB2_26-.Ltmp12, $4  }
0x4a6: {  	[tilespmem:s17], [sflag:$0x2] =	stream.linear.gather [spmem:s16], $0x80, $0x38;
	[tilespmem:$0x1C880] =	vst v63  }
0x4a7: {  	s16 =	sadd.s32 $0x300, s21;
	s17 =	sadd.s32 $0x1800, s19;
	s19 =	sadd.s32 $0x1C00, s19  }
0x4a8: {  	[tilespmem:s17], [sflag:$0x2] =	stream.linear.gather [spmem:s16], $0x80, $0x38;
	[tilespmem:$0x1C880] =	vst v63  }
0x4a9: {  	s16 =	sshra.s32 s18, $0x2;
	s18 =	sadd.s32 $0x380, s21;
	s17 =	smov.u32 s20  }
0x4aa: {  	[tilespmem:s19], [sflag:$0x2] =	stream.linear.gather [spmem:s18], $0x80, $0x38;
	[tilespmem:$0x1C880] =	vst v63  }
0x4ab: {  	s12 =	sor.u32 s13, s12  }
0x4ac: {  	s13 =	sadd.s32 s16, s24;
	s12 =	sadd.s32 $0x14880, s12  }
0x4ad: {  	[tilespmem:s12], [sflag:$0x2] =	stream.linear.gather [spmem:s13], $0x80, $0x38;
	[tilespmem:$0x1C880] =	vst v63  }
0x4ae: {  	s14 =	sadd.s32 $0x80, s13;
	s15 =	sadd.s32 $0x400, s12  }
0x4af: {  	[tilespmem:s15], [sflag:$0x2] =	stream.linear.gather [spmem:s14], $0x80, $0x38;
	[tilespmem:$0x1C880] =	vst v63  }
0x4b0: {  	s17 =	sadd.s32 $0x100, s13;
	s18 =	sadd.s32 $0x800, s12  }
0x4b1: {  	[tilespmem:s18], [sflag:$0x2] =	stream.linear.gather [spmem:s17], $0x80, $0x38;
	[tilespmem:$0x1C880] =	vst v63  }
0x4b2: {  	s19 =	sadd.s32 $0x180, s13;
	s20 =	sadd.s32 $0xC00, s12  }
0x4b3: {  	[tilespmem:s20], [sflag:$0x2] =	stream.linear.gather [spmem:s19], $0x80, $0x38;
	[tilespmem:$0x1C880] =	vst v63  }
0x4b4: {  	s21 =	sadd.s32 $0x200, s13;
	s22 =	sor.u32 $0x1000, s12  }
0x4b5: {  	[tilespmem:s22], [sflag:$0x2] =	stream.linear.gather [spmem:s21], $0x80, $0x38;
	[tilespmem:$0x1C880] =	vst v63  }
0x4b6: {  	s16 =	sadd.s32 $0x280, s13;
	s17 =	sadd.s32 $0x1400, s12  }
0x4b7: {  	[tilespmem:s17], [sflag:$0x2] =	stream.linear.gather [spmem:s16], $0x80, $0x38;
	[tilespmem:$0x1C880] =	vst v63  }
0x4b8: {  	s18 =	sadd.s32 $0x300, s13;
	s19 =	sadd.s32 $0x1800, s12  }
0x4b9: {  	[tilespmem:s19], [sflag:$0x2] =	stream.linear.gather [spmem:s18], $0x80, $0x38;
	[tilespmem:$0x1C880] =	vst v63  }
0x4ba: {  	s13 =	sadd.s32 $0x380, s13;
	s12 =	sadd.s32 $0x1C00, s12  }
0x4bb: {  	[tilespmem:s12], [sflag:$0x2] =	stream.linear.gather [spmem:s13], $0x80, $0x38;
	[tilespmem:$0x1C880] =	vst v63  }
0x4bc: {  	s20 =	simm.s32 $0x0;
	s18 =	sadd.s32 $0x0, s24;
	_ =	swait.ge [sflag:s30], $0x4000  }
0x4bd: {  	s22 =	sand.u32 $0x380, s20;
	s14 =	sadd.s32 $0x40080, s18;
	[sflag:s30] =	ssyncset.done $0x0  }
0x4be: {  	s12 =	sand.u32 $0x2000, s20;
	s21 =	rddreg [dreg:$0x15];
	[sflag:s30] =	ssyncadd.s32 $0xFFFFC000  }
0x4bf: {  	[hbm4b:s21+s20] =	stream.linear.scatter [tilespmem:s31], [sflag:$0x3], $0x4000, $0x38;
	[tilespmem:$0x1C880] =	vst v63  }
0x4c0: {  	s16 =	sadd.s32 $0x40100, s18;
	s12 =	sor.u32 s22, s12;
	s22 =	simm.s32 $0x80  }
0x4c1: {  	[spmem:s24] =	stream.linear.scatter [tilespmem:s5], [sflag:$0x4], $0x4000, $0x38;
	[tilespmem:$0x1C880] =	vst v63  }
0x4c2: {  	s13 =	sadd.s32 $0x40000, s18;
	s19 =	sadd.s32 $0x18880, s12;
	s12 =	sand.u32 $0x380, s22  }
0x4c3: {  	[tilespmem:s19], [sflag:$0x2] =	stream.linear.gather [spmem:s13], $0x80, $0x38;
	[tilespmem:$0x1C880] =	vst v63  }
0x4c4: {  	s15 =	sadd.s32 $0x400, s19;
	s17 =	sadd.s32 $0x800, s19;
	s22 =	sadd.s32 $0x1800, s19  }
0x4c5: {  	[tilespmem:s15], [sflag:$0x2] =	stream.linear.gather [spmem:s14], $0x80, $0x38;
	[tilespmem:$0x1C880] =	vst v63  }
0x4c6: {  	s20 =	sadd.s32 $0x40180, s18;
	s21 =	sadd.s32 $0xC00, s19;
	s13 =	simm.s32 $0x400  }
0x4c7: {  	[tilespmem:s17], [sflag:$0x2] =	stream.linear.gather [spmem:s16], $0x80, $0x38;
	[tilespmem:$0x1C880] =	vst v63  }
0x4c8: {  	s14 =	simm.s32 $0x400;
	s15 =	sadd.s32 $0x40200, s18;
	s16 =	sor.u32 $0x1000, s19  }
0x4c9: {  	[tilespmem:s21], [sflag:$0x2] =	stream.linear.gather [spmem:s20], $0x80, $0x38;
	[tilespmem:$0x1C880] =	vst v63  }
0x4ca: {  	s17 =	sadd.s32 $0x40280, s18;
	s20 =	sadd.s32 $0x1400, s19;
	s21 =	sadd.s32 $0x40300, s18  }
0x4cb: {  	[tilespmem:s16], [sflag:$0x2] =	stream.linear.gather [spmem:s15], $0x80, $0x38;
	[tilespmem:$0x1C880] =	vst v63  }
0x4cc: {  	s18 =	sadd.s32 $0x40380, s18;
	s19 =	sadd.s32 $0x1C00, s19;
	s16 =	sand.u32 $0x2000, s14  }
0x4cd: {  	[tilespmem:s20], [sflag:$0x2] =	stream.linear.gather [spmem:s17], $0x80, $0x38;
	[tilespmem:$0x1C880] =	vst v63  }
0x4ce: {  	s14 =	simm.s32 $0x800;
	s15 =	simm.s32 $0x100;
	s17 =	simm.s32 $0x2000  }
0x4cf: {  	[tilespmem:s22], [sflag:$0x2] =	stream.linear.gather [spmem:s21], $0x80, $0x38;
	[tilespmem:$0x1C880] =	vst v63  }
.LBB2_28:
0x4d0: {  	[tilespmem:s19], [sflag:$0x2] =	stream.linear.gather [spmem:s18], $0x80, $0x38;
	[tilespmem:$0x1C880] =	vst v63  }
0x4d1: {  	s18 =	smov.u32 s17  }
0x4d2: {  	s16 =	sor.u32 s12, s16;
	s12 =	sand.u32 $0x380, s15;
	s18 =	sadd.s32 s13, s24  }
0x4d3: {  	s13 =	sshra.s32 s17, $0x2;
	s19 =	sadd.s32 $0x18880, s16;
	s16 =	sadd.s32 $0x40000, s18  }
0x4d4: {  	[tilespmem:s19], [sflag:$0x2] =	stream.linear.gather [spmem:s16], $0x80, $0x38;
	[tilespmem:$0x1C880] =	vst v63  }
0x4d5: {  	s20 =	sadd.s32 $0x40080, s18;
	s21 =	sadd.s32 $0x400, s19;
	s16 =	sand.u32 $0x2000, s14  }
0x4d6: {  	[tilespmem:s21], [sflag:$0x2] =	stream.linear.gather [spmem:s20], $0x80, $0x38;
	[tilespmem:$0x1C880] =	vst v63  }
0x4d7: {  	s22 =	sadd.s32 $0x800, s19;
	s20 =	sadd.s32 $0x1000, s17;
	s21 =	sadd.s32 $0x40100, s18  }
0x4d8: {  	[tilespmem:s22], [sflag:$0x2] =	stream.linear.gather [spmem:s21], $0x80, $0x38;
	[tilespmem:$0x1C880] =	vst v63  }
0x4d9: {  	p0 =	sne.s32 s17, $0xF000;
	s17 =	sadd.s32 $0x40180, s18;
	s21 =	sadd.s32 $0xC00, s19  }
0x4da: {  	[tilespmem:s21], [sflag:$0x2] =	stream.linear.gather [spmem:s17], $0x80, $0x38;
	[tilespmem:$0x1C880] =	vst v63  }
0x4db: {  	s15 =	sadd.s32 $0x80, s15;
	s17 =	sadd.s32 $0x40200, s18;
	s21 =	sor.u32 $0x1000, s19  }
0x4dc: {  	[tilespmem:s21], [sflag:$0x2] =	stream.linear.gather [spmem:s17], $0x80, $0x38;
	[tilespmem:$0x1C880] =	vst v63  }
.Ltmp13:
0x4dd: {  	s17 =	sadd.s32 $0x40280, s18;
	s21 =	sadd.s32 $0x1400, s19;
	(pc) =	sbr.rel @p0 .LBB2_28-.Ltmp13, $4  }
0x4de: {  	[tilespmem:s21], [sflag:$0x2] =	stream.linear.gather [spmem:s17], $0x80, $0x38;
	[tilespmem:$0x1C880] =	vst v63  }
0x4df: {  	s14 =	sadd.s32 $0x400, s14;
	s17 =	sadd.s32 $0x40300, s18;
	s21 =	sadd.s32 $0x1800, s19  }
0x4e0: {  	[tilespmem:s21], [sflag:$0x2] =	stream.linear.gather [spmem:s17], $0x80, $0x38;
	[tilespmem:$0x1C880] =	vst v63  }
0x4e1: {  	s18 =	sadd.s32 $0x40380, s18;
	s19 =	sadd.s32 $0x1C00, s19;
	s17 =	smov.u32 s20  }
0x4e2: {  	[tilespmem:s19], [sflag:$0x2] =	stream.linear.gather [spmem:s18], $0x80, $0x38;
	[tilespmem:$0x1C880] =	vst v63  }
0x4e3: {  	s12 =	sor.u32 s12, s16;
	s13 =	sadd.s32 s13, s24  }
0x4e4: {  	s12 =	sadd.s32 $0x18880, s12;
	s14 =	sadd.s32 $0x40000, s13  }
0x4e5: {  	[tilespmem:s12], [sflag:$0x2] =	stream.linear.gather [spmem:s14], $0x80, $0x38;
	[tilespmem:$0x1C880] =	vst v63  }
0x4e6: {  	s16 =	sadd.s32 $0x40080, s13;
	s15 =	sadd.s32 $0x400, s12  }
0x4e7: {  	[tilespmem:s15], [sflag:$0x2] =	stream.linear.gather [spmem:s16], $0x80, $0x38;
	[tilespmem:$0x1C880] =	vst v63  }
0x4e8: {  	s17 =	sadd.s32 $0x40100, s13;
	s18 =	sadd.s32 $0x800, s12  }
0x4e9: {  	[tilespmem:s18], [sflag:$0x2] =	stream.linear.gather [spmem:s17], $0x80, $0x38;
	[tilespmem:$0x1C880] =	vst v63  }
0x4ea: {  	s19 =	sadd.s32 $0x40180, s13;
	s20 =	sadd.s32 $0xC00, s12  }
0x4eb: {  	[tilespmem:s20], [sflag:$0x2] =	stream.linear.gather [spmem:s19], $0x80, $0x38;
	[tilespmem:$0x1C880] =	vst v63  }
0x4ec: {  	s21 =	sadd.s32 $0x40200, s13;
	s22 =	sor.u32 $0x1000, s12  }
0x4ed: {  	[tilespmem:s22], [sflag:$0x2] =	stream.linear.gather [spmem:s21], $0x80, $0x38;
	[tilespmem:$0x1C880] =	vst v63  }
0x4ee: {  	s16 =	sadd.s32 $0x40280, s13;
	s17 =	sadd.s32 $0x1400, s12  }
0x4ef: {  	[tilespmem:s17], [sflag:$0x2] =	stream.linear.gather [spmem:s16], $0x80, $0x38;
	[tilespmem:$0x1C880] =	vst v63  }
0x4f0: {  	s18 =	sadd.s32 $0x40300, s13;
	s19 =	sadd.s32 $0x1800, s12  }
0x4f1: {  	[tilespmem:s19], [sflag:$0x2] =	stream.linear.gather [spmem:s18], $0x80, $0x38;
	[tilespmem:$0x1C880] =	vst v63  }
0x4f2: {  	s13 =	sadd.s32 $0x40380, s13;
	s12 =	sadd.s32 $0x1C00, s12  }
0x4f3: {  	[tilespmem:s12], [sflag:$0x2] =	stream.linear.gather [spmem:s13], $0x80, $0x38;
	[tilespmem:$0x1C880] =	vst v63  }
0x4f4: {  	_ =	swait.ge [sflag:s30], $0x4000  }
0x4f5: {  	s20 =	simm.s32 $0x0;
	[sflag:s30] =	ssyncset.done $0x0  }
0x4f6: {  	s18 =	sadd.s32 $0x0, s24;
	s21 =	rddreg [dreg:$0x16];
	[sflag:s30] =	ssyncadd.s32 $0xFFFFC000  }
0x4f7: {  	[hbm4b:s21+s20] =	stream.linear.scatter [tilespmem:s2], [sflag:$0x3], $0x4000, $0x38;
	[tilespmem:$0x1C880] =	vst v63  }
0x4f8: {  	s22 =	sand.u32 $0x380, s20;
	s14 =	sadd.s32 $0x80080, s18;
	s16 =	sadd.s32 $0x80100, s18  }
0x4f9: {  	[spmem:s0] =	stream.linear.scatter [tilespmem:s5], [sflag:$0x4], $0x4000, $0x38;
	[tilespmem:$0x1C880] =	vst v63  }
0x4fa: {  	s12 =	sand.u32 $0x2000, s20;
	s13 =	sadd.s32 $0x80000, s18;
	_ =	swait.ge [sflag:s10], $0x4000  }
0x4fb: {  	s12 =	sor.u32 s22, s12;
	s22 =	simm.s32 $0x80;
	[sflag:s10] =	ssyncset.done $0x0  }
0x4fc: {  	s19 =	sadd.s32 $0x14880, s12;
	s12 =	sand.u32 $0x380, s22;
	[sflag:s10] =	ssyncadd.s32 $0xFFFFC000  }
0x4fd: {  	[tilespmem:s19], [sflag:$0x2] =	stream.linear.gather [spmem:s13], $0x80, $0x38;
	[tilespmem:$0x1C880] =	vst v63  }
0x4fe: {  	s15 =	sadd.s32 $0x400, s19;
	s17 =	sadd.s32 $0x800, s19;
	s22 =	sadd.s32 $0x1800, s19  }
0x4ff: {  	[tilespmem:s15], [sflag:$0x2] =	stream.linear.gather [spmem:s14], $0x80, $0x38;
	[tilespmem:$0x1C880] =	vst v63  }
0x500: {  	s20 =	sadd.s32 $0x80180, s18;
	s21 =	sadd.s32 $0xC00, s19;
	s13 =	simm.s32 $0x400  }
0x501: {  	[tilespmem:s17], [sflag:$0x2] =	stream.linear.gather [spmem:s16], $0x80, $0x38;
	[tilespmem:$0x1C880] =	vst v63  }
0x502: {  	s14 =	simm.s32 $0x400;
	s15 =	sadd.s32 $0x80200, s18;
	s16 =	sor.u32 $0x1000, s19  }
0x503: {  	[tilespmem:s21], [sflag:$0x2] =	stream.linear.gather [spmem:s20], $0x80, $0x38;
	[tilespmem:$0x1C880] =	vst v63  }
0x504: {  	s17 =	sadd.s32 $0x80280, s18;
	s20 =	sadd.s32 $0x1400, s19;
	s21 =	sadd.s32 $0x80300, s18  }
0x505: {  	[tilespmem:s16], [sflag:$0x2] =	stream.linear.gather [spmem:s15], $0x80, $0x38;
	[tilespmem:$0x1C880] =	vst v63  }
0x506: {  	s18 =	sadd.s32 $0x80380, s18;
	s19 =	sadd.s32 $0x1C00, s19;
	s16 =	sand.u32 $0x2000, s14  }
0x507: {  	[tilespmem:s20], [sflag:$0x2] =	stream.linear.gather [spmem:s17], $0x80, $0x38;
	[tilespmem:$0x1C880] =	vst v63  }
0x508: {  	s14 =	simm.s32 $0x800;
	s15 =	simm.s32 $0x100;
	s17 =	simm.s32 $0x2000  }
0x509: {  	[tilespmem:s22], [sflag:$0x2] =	stream.linear.gather [spmem:s21], $0x80, $0x38;
	[tilespmem:$0x1C880] =	vst v63  }
.LBB2_30:
0x50a: {  	[tilespmem:s19], [sflag:$0x2] =	stream.linear.gather [spmem:s18], $0x80, $0x38;
	[tilespmem:$0x1C880] =	vst v63  }
0x50b: {  	s18 =	smov.u32 s17  }
0x50c: {  	s16 =	sor.u32 s12, s16;
	s12 =	sand.u32 $0x380, s15;
	s18 =	sadd.s32 s13, s24  }
0x50d: {  	s13 =	sshra.s32 s17, $0x2;
	s19 =	sadd.s32 $0x14880, s16;
	s16 =	sadd.s32 $0x80000, s18  }
0x50e: {  	[tilespmem:s19], [sflag:$0x2] =	stream.linear.gather [spmem:s16], $0x80, $0x38;
	[tilespmem:$0x1C880] =	vst v63  }
0x50f: {  	s20 =	sadd.s32 $0x80080, s18;
	s21 =	sadd.s32 $0x400, s19;
	s16 =	sand.u32 $0x2000, s14  }
0x510: {  	[tilespmem:s21], [sflag:$0x2] =	stream.linear.gather [spmem:s20], $0x80, $0x38;
	[tilespmem:$0x1C880] =	vst v63  }
0x511: {  	s22 =	sadd.s32 $0x800, s19;
	s20 =	sadd.s32 $0x1000, s17;
	s21 =	sadd.s32 $0x80100, s18  }
0x512: {  	[tilespmem:s22], [sflag:$0x2] =	stream.linear.gather [spmem:s21], $0x80, $0x38;
	[tilespmem:$0x1C880] =	vst v63  }
0x513: {  	p0 =	sne.s32 s17, $0xF000;
	s17 =	sadd.s32 $0x80180, s18;
	s21 =	sadd.s32 $0xC00, s19  }
0x514: {  	[tilespmem:s21], [sflag:$0x2] =	stream.linear.gather [spmem:s17], $0x80, $0x38;
	[tilespmem:$0x1C880] =	vst v63  }
0x515: {  	s15 =	sadd.s32 $0x80, s15;
	s17 =	sadd.s32 $0x80200, s18;
	s21 =	sor.u32 $0x1000, s19  }
0x516: {  	[tilespmem:s21], [sflag:$0x2] =	stream.linear.gather [spmem:s17], $0x80, $0x38;
	[tilespmem:$0x1C880] =	vst v63  }
.Ltmp14:
0x517: {  	s17 =	sadd.s32 $0x80280, s18;
	s21 =	sadd.s32 $0x1400, s19;
	(pc) =	sbr.rel @p0 .LBB2_30-.Ltmp14, $4  }
0x518: {  	[tilespmem:s21], [sflag:$0x2] =	stream.linear.gather [spmem:s17], $0x80, $0x38;
	[tilespmem:$0x1C880] =	vst v63  }
0x519: {  	s14 =	sadd.s32 $0x400, s14;
	s17 =	sadd.s32 $0x80300, s18;
	s21 =	sadd.s32 $0x1800, s19  }
0x51a: {  	[tilespmem:s21], [sflag:$0x2] =	stream.linear.gather [spmem:s17], $0x80, $0x38;
	[tilespmem:$0x1C880] =	vst v63  }
0x51b: {  	s18 =	sadd.s32 $0x80380, s18;
	s19 =	sadd.s32 $0x1C00, s19;
	s17 =	smov.u32 s20  }
0x51c: {  	[tilespmem:s19], [sflag:$0x2] =	stream.linear.gather [spmem:s18], $0x80, $0x38;
	[tilespmem:$0x1C880] =	vst v63  }
0x51d: {  	s12 =	sor.u32 s12, s16;
	s13 =	sadd.s32 s13, s24  }
0x51e: {  	s12 =	sadd.s32 $0x14880, s12;
	s14 =	sadd.s32 $0x80000, s13  }
0x51f: {  	[tilespmem:s12], [sflag:$0x2] =	stream.linear.gather [spmem:s14], $0x80, $0x38;
	[tilespmem:$0x1C880] =	vst v63  }
0x520: {  	s16 =	sadd.s32 $0x80080, s13;
	s15 =	sadd.s32 $0x400, s12  }
0x521: {  	[tilespmem:s15], [sflag:$0x2] =	stream.linear.gather [spmem:s16], $0x80, $0x38;
	[tilespmem:$0x1C880] =	vst v63  }
0x522: {  	s17 =	sadd.s32 $0x80100, s13;
	s18 =	sadd.s32 $0x800, s12  }
0x523: {  	[tilespmem:s18], [sflag:$0x2] =	stream.linear.gather [spmem:s17], $0x80, $0x38;
	[tilespmem:$0x1C880] =	vst v63  }
0x524: {  	s19 =	sadd.s32 $0x80180, s13;
	s20 =	sadd.s32 $0xC00, s12  }
0x525: {  	[tilespmem:s20], [sflag:$0x2] =	stream.linear.gather [spmem:s19], $0x80, $0x38;
	[tilespmem:$0x1C880] =	vst v63  }
0x526: {  	s21 =	sadd.s32 $0x80200, s13;
	s22 =	sor.u32 $0x1000, s12  }
0x527: {  	[tilespmem:s22], [sflag:$0x2] =	stream.linear.gather [spmem:s21], $0x80, $0x38;
	[tilespmem:$0x1C880] =	vst v63  }
0x528: {  	s16 =	sadd.s32 $0x80280, s13;
	s17 =	sadd.s32 $0x1400, s12  }
0x529: {  	[tilespmem:s17], [sflag:$0x2] =	stream.linear.gather [spmem:s16], $0x80, $0x38;
	[tilespmem:$0x1C880] =	vst v63  }
0x52a: {  	s18 =	sadd.s32 $0x80300, s13;
	s19 =	sadd.s32 $0x1800, s12  }
0x52b: {  	[tilespmem:s19], [sflag:$0x2] =	stream.linear.gather [spmem:s18], $0x80, $0x38;
	[tilespmem:$0x1C880] =	vst v63  }
0x52c: {  	s13 =	sadd.s32 $0x80380, s13;
	s12 =	sadd.s32 $0x1C00, s12  }
0x52d: {  	[tilespmem:s12], [sflag:$0x2] =	stream.linear.gather [spmem:s13], $0x80, $0x38;
	[tilespmem:$0x1C880] =	vst v63  }
0x52e: {  	_ =	swait.ge [sflag:s30], $0x4000  }
0x52f: {  	s20 =	simm.s32 $0x0;
	[sflag:s30] =	ssyncset.done $0x0  }
0x530: {  	s18 =	sadd.s32 $0x0, s24;
	s21 =	rddreg [dreg:$0x17];
	[sflag:s30] =	ssyncadd.s32 $0xFFFFC000  }
0x531: {  	[hbm4b:s21+s20] =	stream.linear.scatter [tilespmem:s31], [sflag:$0x3], $0x4000, $0x38;
	[tilespmem:$0x1C880] =	vst v63  }
0x532: {  	s22 =	sand.u32 $0x380, s20;
	s14 =	sadd.s32 $0xC0080, s18;
	s16 =	sadd.s32 $0xC0100, s18  }
0x533: {  	[spmem:s25] =	stream.linear.scatter [tilespmem:s5], [sflag:$0x4], $0x4000, $0x38;
	[tilespmem:$0x1C880] =	vst v63  }
0x534: {  	s12 =	sand.u32 $0x2000, s20;
	s13 =	sadd.s32 $0xC0000, s18;
	_ =	swait.ge [sflag:s10], $0x4000  }
0x535: {  	s12 =	sor.u32 s22, s12;
	s22 =	simm.s32 $0x80;
	[sflag:s10] =	ssyncset.done $0x0  }
0x536: {  	s19 =	sadd.s32 $0x18880, s12;
	s12 =	sand.u32 $0x380, s22;
	[sflag:s10] =	ssyncadd.s32 $0xFFFFC000  }
0x537: {  	[tilespmem:s19], [sflag:$0x2] =	stream.linear.gather [spmem:s13], $0x80, $0x38;
	[tilespmem:$0x1C880] =	vst v63  }
0x538: {  	s15 =	sadd.s32 $0x400, s19;
	s17 =	sadd.s32 $0x800, s19;
	s22 =	sadd.s32 $0x1800, s19  }
0x539: {  	[tilespmem:s15], [sflag:$0x2] =	stream.linear.gather [spmem:s14], $0x80, $0x38;
	[tilespmem:$0x1C880] =	vst v63  }
0x53a: {  	s20 =	sadd.s32 $0xC0180, s18;
	s21 =	sadd.s32 $0xC00, s19;
	s13 =	simm.s32 $0x400  }
0x53b: {  	[tilespmem:s17], [sflag:$0x2] =	stream.linear.gather [spmem:s16], $0x80, $0x38;
	[tilespmem:$0x1C880] =	vst v63  }
0x53c: {  	s14 =	simm.s32 $0x400;
	s15 =	sadd.s32 $0xC0200, s18;
	s16 =	sor.u32 $0x1000, s19  }
0x53d: {  	[tilespmem:s21], [sflag:$0x2] =	stream.linear.gather [spmem:s20], $0x80, $0x38;
	[tilespmem:$0x1C880] =	vst v63  }
0x53e: {  	s17 =	sadd.s32 $0xC0280, s18;
	s20 =	sadd.s32 $0x1400, s19;
	s21 =	sadd.s32 $0xC0300, s18  }
0x53f: {  	[tilespmem:s16], [sflag:$0x2] =	stream.linear.gather [spmem:s15], $0x80, $0x38;
	[tilespmem:$0x1C880] =	vst v63  }
0x540: {  	s18 =	sadd.s32 $0xC0380, s18;
	s19 =	sadd.s32 $0x1C00, s19;
	s16 =	sand.u32 $0x2000, s14  }
0x541: {  	[tilespmem:s20], [sflag:$0x2] =	stream.linear.gather [spmem:s17], $0x80, $0x38;
	[tilespmem:$0x1C880] =	vst v63  }
0x542: {  	s14 =	simm.s32 $0x800;
	s15 =	simm.s32 $0x100;
	s17 =	simm.s32 $0x2000  }
0x543: {  	[tilespmem:s22], [sflag:$0x2] =	stream.linear.gather [spmem:s21], $0x80, $0x38;
	[tilespmem:$0x1C880] =	vst v63  }
.LBB2_32:
0x544: {  	[tilespmem:s19], [sflag:$0x2] =	stream.linear.gather [spmem:s18], $0x80, $0x38;
	[tilespmem:$0x1C880] =	vst v63  }
0x545: {  	s18 =	smov.u32 s17  }
0x546: {  	s16 =	sor.u32 s12, s16;
	s12 =	sand.u32 $0x380, s15;
	s18 =	sadd.s32 s13, s24  }
0x547: {  	s13 =	sshra.s32 s17, $0x2;
	s19 =	sadd.s32 $0x18880, s16;
	s16 =	sadd.s32 $0xC0000, s18  }
0x548: {  	[tilespmem:s19], [sflag:$0x2] =	stream.linear.gather [spmem:s16], $0x80, $0x38;
	[tilespmem:$0x1C880] =	vst v63  }
0x549: {  	s20 =	sadd.s32 $0xC0080, s18;
	s21 =	sadd.s32 $0x400, s19;
	s16 =	sand.u32 $0x2000, s14  }
0x54a: {  	[tilespmem:s21], [sflag:$0x2] =	stream.linear.gather [spmem:s20], $0x80, $0x38;
	[tilespmem:$0x1C880] =	vst v63  }
0x54b: {  	s22 =	sadd.s32 $0x800, s19;
	s20 =	sadd.s32 $0x1000, s17;
	s21 =	sadd.s32 $0xC0100, s18  }
0x54c: {  	[tilespmem:s22], [sflag:$0x2] =	stream.linear.gather [spmem:s21], $0x80, $0x38;
	[tilespmem:$0x1C880] =	vst v63  }
0x54d: {  	p0 =	sne.s32 s17, $0xF000;
	s17 =	sadd.s32 $0xC0180, s18;
	s21 =	sadd.s32 $0xC00, s19  }
0x54e: {  	[tilespmem:s21], [sflag:$0x2] =	stream.linear.gather [spmem:s17], $0x80, $0x38;
	[tilespmem:$0x1C880] =	vst v63  }
0x54f: {  	s15 =	sadd.s32 $0x80, s15;
	s17 =	sadd.s32 $0xC0200, s18;
	s21 =	sor.u32 $0x1000, s19  }
0x550: {  	[tilespmem:s21], [sflag:$0x2] =	stream.linear.gather [spmem:s17], $0x80, $0x38;
	[tilespmem:$0x1C880] =	vst v63  }
.Ltmp15:
0x551: {  	s17 =	sadd.s32 $0xC0280, s18;
	s21 =	sadd.s32 $0x1400, s19;
	(pc) =	sbr.rel @p0 .LBB2_32-.Ltmp15, $4  }
0x552: {  	[tilespmem:s21], [sflag:$0x2] =	stream.linear.gather [spmem:s17], $0x80, $0x38;
	[tilespmem:$0x1C880] =	vst v63  }
0x553: {  	s14 =	sadd.s32 $0x400, s14;
	s17 =	sadd.s32 $0xC0300, s18;
	s21 =	sadd.s32 $0x1800, s19  }
0x554: {  	[tilespmem:s21], [sflag:$0x2] =	stream.linear.gather [spmem:s17], $0x80, $0x38;
	[tilespmem:$0x1C880] =	vst v63  }
0x555: {  	s18 =	sadd.s32 $0xC0380, s18;
	s19 =	sadd.s32 $0x1C00, s19;
	s17 =	smov.u32 s20  }
0x556: {  	[tilespmem:s19], [sflag:$0x2] =	stream.linear.gather [spmem:s18], $0x80, $0x38;
	[tilespmem:$0x1C880] =	vst v63  }
0x557: {  	s12 =	sor.u32 s12, s16;
	s13 =	sadd.s32 s13, s24  }
0x558: {  	s12 =	sadd.s32 $0x18880, s12;
	s14 =	sadd.s32 $0xC0000, s13  }
0x559: {  	[tilespmem:s12], [sflag:$0x2] =	stream.linear.gather [spmem:s14], $0x80, $0x38;
	[tilespmem:$0x1C880] =	vst v63  }
0x55a: {  	s20 =	sadd.s32 $0xC0080, s13;
	s15 =	sadd.s32 $0x400, s12  }
0x55b: {  	[tilespmem:s15], [sflag:$0x2] =	stream.linear.gather [spmem:s20], $0x80, $0x38;
	[tilespmem:$0x1C880] =	vst v63  }
0x55c: {  	s21 =	sadd.s32 $0xC0100, s13;
	s22 =	sadd.s32 $0x800, s12  }
0x55d: {  	[tilespmem:s22], [sflag:$0x2] =	stream.linear.gather [spmem:s21], $0x80, $0x38;
	[tilespmem:$0x1C880] =	vst v63  }
0x55e: {  	s16 =	sadd.s32 $0xC00, s12;
	s15 =	sadd.s32 $0xC0180, s13  }
0x55f: {  	[tilespmem:s16], [sflag:$0x2] =	stream.linear.gather [spmem:s15], $0x80, $0x38;
	[tilespmem:$0x1C880] =	vst v63  }
0x560: {  	s17 =	sadd.s32 $0xC0200, s13;
	s18 =	sor.u32 $0x1000, s12  }
0x561: {  	[tilespmem:s18], [sflag:$0x2] =	stream.linear.gather [spmem:s17], $0x80, $0x38;
	[tilespmem:$0x1C880] =	vst v63  }
0x562: {  	s19 =	sadd.s32 $0xC0280, s13;
	s20 =	sadd.s32 $0x1400, s12  }
0x563: {  	[tilespmem:s20], [sflag:$0x2] =	stream.linear.gather [spmem:s19], $0x80, $0x38;
	[tilespmem:$0x1C880] =	vst v63  }
0x564: {  	s21 =	sadd.s32 $0xC0300, s13;
	s22 =	sadd.s32 $0x1800, s12  }
0x565: {  	[tilespmem:s22], [sflag:$0x2] =	stream.linear.gather [spmem:s21], $0x80, $0x38;
	[tilespmem:$0x1C880] =	vst v63  }
0x566: {  	s13 =	sadd.s32 $0xC0380, s13;
	s12 =	sadd.s32 $0x1C00, s12  }
0x567: {  	[tilespmem:s12], [sflag:$0x2] =	stream.linear.gather [spmem:s13], $0x80, $0x38;
	[tilespmem:$0x1C880] =	vst v63  }
0x568: {  	_ =	swait.ge [sflag:s30], $0x4000  }
0x569: {  	[sflag:s30] =	ssyncset.done $0x0  }
0x56a: {  	s12 =	simm.s32 $0x0;
	s16 =	rddreg [dreg:$0x18];
	[sflag:s30] =	ssyncadd.s32 $0xFFFFC000  }
0x56b: {  	[hbm4b:s16+s12] =	stream.linear.scatter [tilespmem:s2], [sflag:$0x3], $0x4000, $0x38;
	[tilespmem:$0x1C880] =	vst v63  }
0x56c: {  	_ = 	snop  }
0x56d: {  	[spmem:s1] =	stream.linear.scatter [tilespmem:s5], [sflag:$0x4], $0x4000, $0x38;
	[tilespmem:$0x1C880] =	vst v63  }
0x56e: {  	_ =	swait.ge [sflag:s10], $0x4000  }
0x56f: {  	[sflag:s10] =	ssyncset.done $0x0  }
0x570: {  	[sflag:s10] =	ssyncadd.s32 $0xFFFFC000  }
0x571: {  	_ =	swait.ge [sflag:s10], $0x4000  }
0x572: {  	[sflag:s10] =	ssyncset.done $0x0  }
0x573: {  	[sflag:s10] =	ssyncadd.s32 $0xFFFFC000  }
0x574: {  	_ =	swait.ge [sflag:s7], $0x4000  }
0x575: {  	[sflag:s7] =	ssyncset.done $0x0  }
0x576: {  	[sflag:s7] =	ssyncadd.s32 $0xFFFFC000  }
0x577: {  	_ =	swait.ge [sflag:s7], $0x4000  }
0x578: {  	[sflag:s7] =	ssyncset.done $0x0  }
0x579: {  	[sflag:s7] =	ssyncadd.s32 $0xFFFFC000  }
0x57a: {  	_ =	swait.ge [sflag:s7], $0x4000  }
0x57b: {  	[sflag:s7] =	ssyncset.done $0x0  }
0x57c: {  	[sflag:s7] =	ssyncadd.s32 $0xFFFFC000  }
0x57d: {  	_ =	swait.ge [sflag:s7], $0x4000  }
0x57e: {  	[sflag:s7] =	ssyncset.done $0x0  }
0x57f: {  	[sflag:s7] =	ssyncadd.s32 $0xFFFFC000  }
0x580: {  	[bflag:$0x0] =	sbarrier.arrive $0xFFFF  }
0x581: {  	s17 =	rddreg [dreg:$0x8]  }
0x582: {  	[tilespmem:s8], [sflag:$0x5] =	stream.linear.gather [hbm4b:s17+s12], $0x800, $0x38;
	[tilespmem:$0x1C880] =	vst v63  }
0x583: {  	_ =	swait.ge [sflag:s4], $0x800  }
0x584: {  	[sflag:s4] =	ssyncset.done $0x0  }
0x585: {  	[sflag:s4] =	ssyncadd.s32 $0xFFFFF800  }
0x586: {  	[spmem:s28] =	stream.indirect.scatter.add.f32 [tilespmem:s3], [sflag:$0x1], $0x1, s8, s9, $0xb8;
	[tilespmem:$0x1C880] =	vst v63  }
0x587: {  	s18 =	simm.s32 $0x10080  }
0x588: {  	[spmem:s28] =	stream.indirect.scatter.add.f32 [tilespmem:s3], [sflag:$0x1], $0x1, s18, s9, $0xb8;
	[tilespmem:$0x1C880] =	vst v63  }
0x589: {  	s19 =	simm.s32 $0x10100  }
0x58a: {  	[spmem:s28] =	stream.indirect.scatter.add.f32 [tilespmem:s3], [sflag:$0x1], $0x1, s19, s9, $0xb8;
	[tilespmem:$0x1C880] =	vst v63  }
0x58b: {  	s20 =	simm.s32 $0x10180  }
0x58c: {  	[spmem:s28] =	stream.indirect.scatter.add.f32 [tilespmem:s3], [sflag:$0x1], $0x1, s20, s9, $0xb8;
	[tilespmem:$0x1C880] =	vst v63  }
0x58d: {  	s21 =	simm.s32 $0x10200  }
0x58e: {  	[spmem:s28] =	stream.indirect.scatter.add.f32 [tilespmem:s3], [sflag:$0x1], $0x1, s21, s9, $0xb8;
	[tilespmem:$0x1C880] =	vst v63  }
0x58f: {  	s22 =	simm.s32 $0x10280  }
0x590: {  	[spmem:s28] =	stream.indirect.scatter.add.f32 [tilespmem:s3], [sflag:$0x1], $0x1, s22, s9, $0xb8;
	[tilespmem:$0x1C880] =	vst v63  }
0x591: {  	s14 =	simm.s32 $0x10300  }
0x592: {  	[spmem:s28] =	stream.indirect.scatter.add.f32 [tilespmem:s3], [sflag:$0x1], $0x1, s14, s9, $0xb8;
	[tilespmem:$0x1C880] =	vst v63  }
0x593: {  	s15 =	simm.s32 $0x10380  }
0x594: {  	[spmem:s28] =	stream.indirect.scatter.add.f32 [tilespmem:s3], [sflag:$0x1], $0x1, s15, s9, $0xb8;
	[tilespmem:$0x1C880] =	vst v63  }
0x595: {  	s16 =	simm.s32 $0x10400  }
0x596: {  	[spmem:s28] =	stream.indirect.scatter.add.f32 [tilespmem:s3], [sflag:$0x1], $0x1, s16, s9, $0xb8;
	[tilespmem:$0x1C880] =	vst v63  }
0x597: {  	s17 =	simm.s32 $0x10480  }
0x598: {  	[spmem:s28] =	stream.indirect.scatter.add.f32 [tilespmem:s3], [sflag:$0x1], $0x1, s17, s9, $0xb8;
	[tilespmem:$0x1C880] =	vst v63  }
0x599: {  	s18 =	simm.s32 $0x10500  }
0x59a: {  	[spmem:s28] =	stream.indirect.scatter.add.f32 [tilespmem:s3], [sflag:$0x1], $0x1, s18, s9, $0xb8;
	[tilespmem:$0x1C880] =	vst v63  }
0x59b: {  	s19 =	simm.s32 $0x10580  }
0x59c: {  	[spmem:s28] =	stream.indirect.scatter.add.f32 [tilespmem:s3], [sflag:$0x1], $0x1, s19, s9, $0xb8;
	[tilespmem:$0x1C880] =	vst v63  }
0x59d: {  	s20 =	simm.s32 $0x10600  }
0x59e: {  	[spmem:s28] =	stream.indirect.scatter.add.f32 [tilespmem:s3], [sflag:$0x1], $0x1, s20, s9, $0xb8;
	[tilespmem:$0x1C880] =	vst v63  }
0x59f: {  	s21 =	simm.s32 $0x10680  }
0x5a0: {  	[spmem:s28] =	stream.indirect.scatter.add.f32 [tilespmem:s3], [sflag:$0x1], $0x1, s21, s9, $0xb8;
	[tilespmem:$0x1C880] =	vst v63  }
0x5a1: {  	_ = 	snop  }
0x5a2: {  	[spmem:s28] =	stream.indirect.scatter.add.f32 [tilespmem:s3], [sflag:$0x1], $0x1, s23, s9, $0xb8;
	[tilespmem:$0x1C880] =	vst v63  }
0x5a3: {  	_ = 	snop  }
0x5a4: {  	[spmem:s28] =	stream.indirect.scatter.add.f32 [tilespmem:s3], [sflag:$0x1], $0x1, s26, s9, $0xb8;
	[tilespmem:$0x1C880] =	vst v63  }
0x5a5: {  	_ =	swait.ge [sflag:s29], $0x7D  }
0x5a6: {  	[sflag:s29] =	ssyncset.done $0x0  }
0x5a7: {  	[sflag:s29] =	ssyncadd.s32 $0xFFFFFF83  }
0x5a8: {  	_ =	swait.ge [sflag:s29], $0x7D  }
0x5a9: {  	[sflag:s29] =	ssyncset.done $0x0  }
0x5aa: {  	[sflag:s29] =	ssyncadd.s32 $0xFFFFFF83  }
0x5ab: {  	_ =	swait.ge [sflag:s29], $0x7D  }
0x5ac: {  	[sflag:s29] =	ssyncset.done $0x0  }
0x5ad: {  	[sflag:s29] =	ssyncadd.s32 $0xFFFFFF83  }
0x5ae: {  	_ =	swait.ge [sflag:s29], $0x7D  }
0x5af: {  	[sflag:s29] =	ssyncset.done $0x0  }
0x5b0: {  	[sflag:s29] =	ssyncadd.s32 $0xFFFFFF83  }
0x5b1: {  	_ =	swait.ge [sflag:s29], $0x7D  }
0x5b2: {  	[sflag:s29] =	ssyncset.done $0x0  }
0x5b3: {  	[sflag:s29] =	ssyncadd.s32 $0xFFFFFF83  }
0x5b4: {  	_ =	swait.ge [sflag:s29], $0x7D  }
0x5b5: {  	[sflag:s29] =	ssyncset.done $0x0  }
0x5b6: {  	[sflag:s29] =	ssyncadd.s32 $0xFFFFFF83  }
0x5b7: {  	_ =	swait.ge [sflag:s29], $0x7D  }
0x5b8: {  	[sflag:s29] =	ssyncset.done $0x0  }
0x5b9: {  	[sflag:s29] =	ssyncadd.s32 $0xFFFFFF83  }
0x5ba: {  	_ =	swait.ge [sflag:s29], $0x7D  }
0x5bb: {  	[sflag:s29] =	ssyncset.done $0x0  }
0x5bc: {  	[sflag:s29] =	ssyncadd.s32 $0xFFFFFF83  }
0x5bd: {  	_ =	swait.ge [sflag:s29], $0x7D  }
0x5be: {  	[sflag:s29] =	ssyncset.done $0x0  }
0x5bf: {  	[sflag:s29] =	ssyncadd.s32 $0xFFFFFF83  }
0x5c0: {  	_ =	swait.ge [sflag:s29], $0x7D  }
0x5c1: {  	[sflag:s29] =	ssyncset.done $0x0  }
0x5c2: {  	[sflag:s29] =	ssyncadd.s32 $0xFFFFFF83  }
0x5c3: {  	_ =	swait.ge [sflag:s29], $0x7D  }
0x5c4: {  	[sflag:s29] =	ssyncset.done $0x0  }
0x5c5: {  	[sflag:s29] =	ssyncadd.s32 $0xFFFFFF83  }
0x5c6: {  	_ =	swait.ge [sflag:s29], $0x7D  }
0x5c7: {  	[sflag:s29] =	ssyncset.done $0x0  }
0x5c8: {  	[sflag:s29] =	ssyncadd.s32 $0xFFFFFF83  }
0x5c9: {  	_ =	swait.ge [sflag:s29], $0x7D  }
0x5ca: {  	[sflag:s29] =	ssyncset.done $0x0  }
0x5cb: {  	[sflag:s29] =	ssyncadd.s32 $0xFFFFFF83  }
0x5cc: {  	_ =	swait.ge [sflag:s29], $0x7D  }
0x5cd: {  	[sflag:s29] =	ssyncset.done $0x0  }
0x5ce: {  	[sflag:s29] =	ssyncadd.s32 $0xFFFFFF83  }
0x5cf: {  	_ =	swait.ge [sflag:s29], $0x7D  }
0x5d0: {  	[sflag:s29] =	ssyncset.done $0x0  }
0x5d1: {  	s22 =	sand.u32 $0x2000, s12;
	s12 =	sand.u32 $0x380, s12;
	[sflag:s29] =	ssyncadd.s32 $0xFFFFFF83  }
0x5d2: {  	s12 =	sor.u32 s12, s22;
	_ =	swait.ge [sflag:s29], $0x7D  }
0x5d3: {  	s22 =	simm.s32 $0x80;
	s18 =	sadd.s32 $0x0, s24;
	[sflag:s29] =	ssyncset.done $0x0  }
0x5d4: {  	s17 =	simm.s32 $0x400;
	s13 =	sadd.s32 $0x80, s18;
	[sflag:s29] =	ssyncadd.s32 $0xFFFFFF83  }
0x5d5: {  	s15 =	sadd.s32 $0x100, s18;
	s19 =	sadd.s32 $0x14880, s12;
	[bflag:$0x0] =	sbarrier.arrive $0xFFFF  }
0x5d6: {  	[tilespmem:s19], [sflag:$0x2] =	stream.linear.gather [spmem:s18], $0x80, $0x38;
	[tilespmem:$0x1C880] =	vst v63  }
0x5d7: {  	s12 =	sand.u32 $0x2000, s17;
	s17 =	sadd.s32 $0x280, s18;
	s14 =	sadd.s32 $0x400, s19  }
0x5d8: {  	[tilespmem:s14], [sflag:$0x2] =	stream.linear.gather [spmem:s13], $0x80, $0x38;
	[tilespmem:$0x1C880] =	vst v63  }
0x5d9: {  	s16 =	sadd.s32 $0x800, s19;
	s20 =	sadd.s32 $0x180, s18;
	s21 =	sadd.s32 $0xC00, s19  }
0x5da: {  	[tilespmem:s16], [sflag:$0x2] =	stream.linear.gather [spmem:s15], $0x80, $0x38;
	[tilespmem:$0x1C880] =	vst v63  }
0x5db: {  	s13 =	sand.u32 $0x380, s22;
	s22 =	sadd.s32 $0x1800, s19;
	s14 =	simm.s32 $0x800  }
0x5dc: {  	[tilespmem:s21], [sflag:$0x2] =	stream.linear.gather [spmem:s20], $0x80, $0x38;
	[tilespmem:$0x1C880] =	vst v63  }
0x5dd: {  	s15 =	sadd.s32 $0x200, s18;
	s16 =	sor.u32 $0x1000, s19;
	s20 =	sadd.s32 $0x1400, s19  }
0x5de: {  	[tilespmem:s16], [sflag:$0x2] =	stream.linear.gather [spmem:s15], $0x80, $0x38;
	[tilespmem:$0x1C880] =	vst v63  }
0x5df: {  	s21 =	sadd.s32 $0x300, s18;
	s18 =	sadd.s32 $0x380, s18;
	s19 =	sadd.s32 $0x1C00, s19  }
0x5e0: {  	[tilespmem:s20], [sflag:$0x2] =	stream.linear.gather [spmem:s17], $0x80, $0x38;
	[tilespmem:$0x1C880] =	vst v63  }
0x5e1: {  	s15 =	simm.s32 $0x100;
	s16 =	simm.s32 $0x400;
	s17 =	simm.s32 $0x2000  }
0x5e2: {  	[tilespmem:s22], [sflag:$0x2] =	stream.linear.gather [spmem:s21], $0x80, $0x38;
	[tilespmem:$0x1C880] =	vst v63  }
.LBB2_34:
0x5e3: {  	[tilespmem:s19], [sflag:$0x2] =	stream.linear.gather [spmem:s18], $0x80, $0x38;
	[tilespmem:$0x1C880] =	vst v63  }
0x5e4: {  	s18 =	smov.u32 s17  }
0x5e5: {  	s19 =	sor.u32 s13, s12;
	s13 =	sand.u32 $0x380, s15;
	s12 =	sand.u32 $0x2000, s14  }
0x5e6: {  	s20 =	sadd.s32 $0x1000, s17;
	s21 =	sadd.s32 s16, s24;
	s19 =	sadd.s32 $0x14880, s19  }
0x5e7: {  	[tilespmem:s19], [sflag:$0x2] =	stream.linear.gather [spmem:s21], $0x80, $0x38;
	[tilespmem:$0x1C880] =	vst v63  }
0x5e8: {  	p0 =	sne.s32 s17, $0xF000;
	s16 =	sadd.s32 $0x80, s21;
	s17 =	sadd.s32 $0x400, s19  }
0x5e9: {  	[tilespmem:s17], [sflag:$0x2] =	stream.linear.gather [spmem:s16], $0x80, $0x38;
	[tilespmem:$0x1C880] =	vst v63  }
0x5ea: {  	s16 =	sadd.s32 $0x100, s21;
	s17 =	sadd.s32 $0x800, s19  }
0x5eb: {  	[tilespmem:s17], [sflag:$0x2] =	stream.linear.gather [spmem:s16], $0x80, $0x38;
	[tilespmem:$0x1C880] =	vst v63  }
0x5ec: {  	s14 =	sadd.s32 $0x400, s14;
	s16 =	sadd.s32 $0x180, s21;
	s17 =	sadd.s32 $0xC00, s19  }
0x5ed: {  	[tilespmem:s17], [sflag:$0x2] =	stream.linear.gather [spmem:s16], $0x80, $0x38;
	[tilespmem:$0x1C880] =	vst v63  }
0x5ee: {  	s15 =	sadd.s32 $0x80, s15;
	s16 =	sadd.s32 $0x200, s21;
	s17 =	sor.u32 $0x1000, s19  }
0x5ef: {  	[tilespmem:s17], [sflag:$0x2] =	stream.linear.gather [spmem:s16], $0x80, $0x38;
	[tilespmem:$0x1C880] =	vst v63  }
.Ltmp16:
0x5f0: {  	s16 =	sadd.s32 $0x280, s21;
	s17 =	sadd.s32 $0x1400, s19;
	(pc) =	sbr.rel @p0 .LBB2_34-.Ltmp16, $4  }
0x5f1: {  	[tilespmem:s17], [sflag:$0x2] =	stream.linear.gather [spmem:s16], $0x80, $0x38;
	[tilespmem:$0x1C880] =	vst v63  }
0x5f2: {  	s16 =	sadd.s32 $0x300, s21;
	s17 =	sadd.s32 $0x1800, s19;
	s19 =	sadd.s32 $0x1C00, s19  }
0x5f3: {  	[tilespmem:s17], [sflag:$0x2] =	stream.linear.gather [spmem:s16], $0x80, $0x38;
	[tilespmem:$0x1C880] =	vst v63  }
0x5f4: {  	s16 =	sshra.s32 s18, $0x2;
	s18 =	sadd.s32 $0x380, s21;
	s17 =	smov.u32 s20  }
0x5f5: {  	[tilespmem:s19], [sflag:$0x2] =	stream.linear.gather [spmem:s18], $0x80, $0x38;
	[tilespmem:$0x1C880] =	vst v63  }
0x5f6: {  	s12 =	sor.u32 s13, s12  }
0x5f7: {  	s13 =	sadd.s32 s16, s24;
	s12 =	sadd.s32 $0x14880, s12  }
0x5f8: {  	[tilespmem:s12], [sflag:$0x2] =	stream.linear.gather [spmem:s13], $0x80, $0x38;
	[tilespmem:$0x1C880] =	vst v63  }
0x5f9: {  	s14 =	sadd.s32 $0x80, s13;
	s15 =	sadd.s32 $0x400, s12  }
0x5fa: {  	[tilespmem:s15], [sflag:$0x2] =	stream.linear.gather [spmem:s14], $0x80, $0x38;
	[tilespmem:$0x1C880] =	vst v63  }
0x5fb: {  	s17 =	sadd.s32 $0x100, s13;
	s18 =	sadd.s32 $0x800, s12  }
0x5fc: {  	[tilespmem:s18], [sflag:$0x2] =	stream.linear.gather [spmem:s17], $0x80, $0x38;
	[tilespmem:$0x1C880] =	vst v63  }
0x5fd: {  	s19 =	sadd.s32 $0x180, s13;
	s20 =	sadd.s32 $0xC00, s12  }
0x5fe: {  	[tilespmem:s20], [sflag:$0x2] =	stream.linear.gather [spmem:s19], $0x80, $0x38;
	[tilespmem:$0x1C880] =	vst v63  }
0x5ff: {  	s21 =	sadd.s32 $0x200, s13;
	s22 =	sor.u32 $0x1000, s12  }
0x600: {  	[tilespmem:s22], [sflag:$0x2] =	stream.linear.gather [spmem:s21], $0x80, $0x38;
	[tilespmem:$0x1C880] =	vst v63  }
0x601: {  	s16 =	sadd.s32 $0x280, s13;
	s17 =	sadd.s32 $0x1400, s12  }
0x602: {  	[tilespmem:s17], [sflag:$0x2] =	stream.linear.gather [spmem:s16], $0x80, $0x38;
	[tilespmem:$0x1C880] =	vst v63  }
0x603: {  	s18 =	sadd.s32 $0x300, s13;
	s19 =	sadd.s32 $0x1800, s12  }
0x604: {  	[tilespmem:s19], [sflag:$0x2] =	stream.linear.gather [spmem:s18], $0x80, $0x38;
	[tilespmem:$0x1C880] =	vst v63  }
0x605: {  	s13 =	sadd.s32 $0x380, s13;
	s12 =	sadd.s32 $0x1C00, s12  }
0x606: {  	[tilespmem:s12], [sflag:$0x2] =	stream.linear.gather [spmem:s13], $0x80, $0x38;
	[tilespmem:$0x1C880] =	vst v63  }
0x607: {  	s20 =	simm.s32 $0x0;
	s18 =	sadd.s32 $0x0, s24;
	_ =	swait.ge [sflag:s30], $0x4000  }
0x608: {  	s22 =	sand.u32 $0x380, s20;
	s14 =	sadd.s32 $0x40080, s18;
	[sflag:s30] =	ssyncset.done $0x0  }
0x609: {  	s12 =	sand.u32 $0x2000, s20;
	s21 =	rddreg [dreg:$0x19];
	[sflag:s30] =	ssyncadd.s32 $0xFFFFC000  }
0x60a: {  	[hbm4b:s21+s20] =	stream.linear.scatter [tilespmem:s31], [sflag:$0x3], $0x4000, $0x38;
	[tilespmem:$0x1C880] =	vst v63  }
0x60b: {  	s16 =	sadd.s32 $0x40100, s18;
	s12 =	sor.u32 s22, s12;
	s22 =	simm.s32 $0x80  }
0x60c: {  	[spmem:s24] =	stream.linear.scatter [tilespmem:s5], [sflag:$0x4], $0x4000, $0x38;
	[tilespmem:$0x1C880] =	vst v63  }
0x60d: {  	s13 =	sadd.s32 $0x40000, s18;
	s19 =	sadd.s32 $0x18880, s12;
	s12 =	sand.u32 $0x380, s22  }
0x60e: {  	[tilespmem:s19], [sflag:$0x2] =	stream.linear.gather [spmem:s13], $0x80, $0x38;
	[tilespmem:$0x1C880] =	vst v63  }
0x60f: {  	s15 =	sadd.s32 $0x400, s19;
	s17 =	sadd.s32 $0x800, s19;
	s22 =	sadd.s32 $0x1800, s19  }
0x610: {  	[tilespmem:s15], [sflag:$0x2] =	stream.linear.gather [spmem:s14], $0x80, $0x38;
	[tilespmem:$0x1C880] =	vst v63  }
0x611: {  	s20 =	sadd.s32 $0x40180, s18;
	s21 =	sadd.s32 $0xC00, s19;
	s13 =	simm.s32 $0x400  }
0x612: {  	[tilespmem:s17], [sflag:$0x2] =	stream.linear.gather [spmem:s16], $0x80, $0x38;
	[tilespmem:$0x1C880] =	vst v63  }
0x613: {  	s14 =	simm.s32 $0x400;
	s15 =	sadd.s32 $0x40200, s18;
	s16 =	sor.u32 $0x1000, s19  }
0x614: {  	[tilespmem:s21], [sflag:$0x2] =	stream.linear.gather [spmem:s20], $0x80, $0x38;
	[tilespmem:$0x1C880] =	vst v63  }
0x615: {  	s17 =	sadd.s32 $0x40280, s18;
	s20 =	sadd.s32 $0x1400, s19;
	s21 =	sadd.s32 $0x40300, s18  }
0x616: {  	[tilespmem:s16], [sflag:$0x2] =	stream.linear.gather [spmem:s15], $0x80, $0x38;
	[tilespmem:$0x1C880] =	vst v63  }
0x617: {  	s18 =	sadd.s32 $0x40380, s18;
	s19 =	sadd.s32 $0x1C00, s19;
	s16 =	sand.u32 $0x2000, s14  }
0x618: {  	[tilespmem:s20], [sflag:$0x2] =	stream.linear.gather [spmem:s17], $0x80, $0x38;
	[tilespmem:$0x1C880] =	vst v63  }
0x619: {  	s14 =	simm.s32 $0x800;
	s15 =	simm.s32 $0x100;
	s17 =	simm.s32 $0x2000  }
0x61a: {  	[tilespmem:s22], [sflag:$0x2] =	stream.linear.gather [spmem:s21], $0x80, $0x38;
	[tilespmem:$0x1C880] =	vst v63  }
.LBB2_36:
0x61b: {  	[tilespmem:s19], [sflag:$0x2] =	stream.linear.gather [spmem:s18], $0x80, $0x38;
	[tilespmem:$0x1C880] =	vst v63  }
0x61c: {  	s18 =	smov.u32 s17  }
0x61d: {  	s16 =	sor.u32 s12, s16;
	s12 =	sand.u32 $0x380, s15;
	s18 =	sadd.s32 s13, s24  }
0x61e: {  	s13 =	sshra.s32 s17, $0x2;
	s19 =	sadd.s32 $0x18880, s16;
	s16 =	sadd.s32 $0x40000, s18  }
0x61f: {  	[tilespmem:s19], [sflag:$0x2] =	stream.linear.gather [spmem:s16], $0x80, $0x38;
	[tilespmem:$0x1C880] =	vst v63  }
0x620: {  	s20 =	sadd.s32 $0x40080, s18;
	s21 =	sadd.s32 $0x400, s19;
	s16 =	sand.u32 $0x2000, s14  }
0x621: {  	[tilespmem:s21], [sflag:$0x2] =	stream.linear.gather [spmem:s20], $0x80, $0x38;
	[tilespmem:$0x1C880] =	vst v63  }
0x622: {  	s22 =	sadd.s32 $0x800, s19;
	s20 =	sadd.s32 $0x1000, s17;
	s21 =	sadd.s32 $0x40100, s18  }
0x623: {  	[tilespmem:s22], [sflag:$0x2] =	stream.linear.gather [spmem:s21], $0x80, $0x38;
	[tilespmem:$0x1C880] =	vst v63  }
0x624: {  	p0 =	sne.s32 s17, $0xF000;
	s17 =	sadd.s32 $0x40180, s18;
	s21 =	sadd.s32 $0xC00, s19  }
0x625: {  	[tilespmem:s21], [sflag:$0x2] =	stream.linear.gather [spmem:s17], $0x80, $0x38;
	[tilespmem:$0x1C880] =	vst v63  }
0x626: {  	s15 =	sadd.s32 $0x80, s15;
	s17 =	sadd.s32 $0x40200, s18;
	s21 =	sor.u32 $0x1000, s19  }
0x627: {  	[tilespmem:s21], [sflag:$0x2] =	stream.linear.gather [spmem:s17], $0x80, $0x38;
	[tilespmem:$0x1C880] =	vst v63  }
.Ltmp17:
0x628: {  	s17 =	sadd.s32 $0x40280, s18;
	s21 =	sadd.s32 $0x1400, s19;
	(pc) =	sbr.rel @p0 .LBB2_36-.Ltmp17, $4  }
0x629: {  	[tilespmem:s21], [sflag:$0x2] =	stream.linear.gather [spmem:s17], $0x80, $0x38;
	[tilespmem:$0x1C880] =	vst v63  }
0x62a: {  	s14 =	sadd.s32 $0x400, s14;
	s17 =	sadd.s32 $0x40300, s18;
	s21 =	sadd.s32 $0x1800, s19  }
0x62b: {  	[tilespmem:s21], [sflag:$0x2] =	stream.linear.gather [spmem:s17], $0x80, $0x38;
	[tilespmem:$0x1C880] =	vst v63  }
0x62c: {  	s18 =	sadd.s32 $0x40380, s18;
	s19 =	sadd.s32 $0x1C00, s19;
	s17 =	smov.u32 s20  }
0x62d: {  	[tilespmem:s19], [sflag:$0x2] =	stream.linear.gather [spmem:s18], $0x80, $0x38;
	[tilespmem:$0x1C880] =	vst v63  }
0x62e: {  	s12 =	sor.u32 s12, s16;
	s13 =	sadd.s32 s13, s24  }
0x62f: {  	s12 =	sadd.s32 $0x18880, s12;
	s14 =	sadd.s32 $0x40000, s13  }
0x630: {  	[tilespmem:s12], [sflag:$0x2] =	stream.linear.gather [spmem:s14], $0x80, $0x38;
	[tilespmem:$0x1C880] =	vst v63  }
0x631: {  	s16 =	sadd.s32 $0x40080, s13;
	s15 =	sadd.s32 $0x400, s12  }
0x632: {  	[tilespmem:s15], [sflag:$0x2] =	stream.linear.gather [spmem:s16], $0x80, $0x38;
	[tilespmem:$0x1C880] =	vst v63  }
0x633: {  	s17 =	sadd.s32 $0x40100, s13;
	s18 =	sadd.s32 $0x800, s12  }
0x634: {  	[tilespmem:s18], [sflag:$0x2] =	stream.linear.gather [spmem:s17], $0x80, $0x38;
	[tilespmem:$0x1C880] =	vst v63  }
0x635: {  	s19 =	sadd.s32 $0x40180, s13;
	s20 =	sadd.s32 $0xC00, s12  }
0x636: {  	[tilespmem:s20], [sflag:$0x2] =	stream.linear.gather [spmem:s19], $0x80, $0x38;
	[tilespmem:$0x1C880] =	vst v63  }
0x637: {  	s21 =	sadd.s32 $0x40200, s13;
	s22 =	sor.u32 $0x1000, s12  }
0x638: {  	[tilespmem:s22], [sflag:$0x2] =	stream.linear.gather [spmem:s21], $0x80, $0x38;
	[tilespmem:$0x1C880] =	vst v63  }
0x639: {  	s16 =	sadd.s32 $0x40280, s13;
	s17 =	sadd.s32 $0x1400, s12  }
0x63a: {  	[tilespmem:s17], [sflag:$0x2] =	stream.linear.gather [spmem:s16], $0x80, $0x38;
	[tilespmem:$0x1C880] =	vst v63  }
0x63b: {  	s18 =	sadd.s32 $0x40300, s13;
	s19 =	sadd.s32 $0x1800, s12  }
0x63c: {  	[tilespmem:s19], [sflag:$0x2] =	stream.linear.gather [spmem:s18], $0x80, $0x38;
	[tilespmem:$0x1C880] =	vst v63  }
0x63d: {  	s13 =	sadd.s32 $0x40380, s13;
	s12 =	sadd.s32 $0x1C00, s12  }
0x63e: {  	[tilespmem:s12], [sflag:$0x2] =	stream.linear.gather [spmem:s13], $0x80, $0x38;
	[tilespmem:$0x1C880] =	vst v63  }
0x63f: {  	_ =	swait.ge [sflag:s30], $0x4000  }
0x640: {  	s20 =	simm.s32 $0x0;
	[sflag:s30] =	ssyncset.done $0x0  }
0x641: {  	s18 =	sadd.s32 $0x0, s24;
	s21 =	rddreg [dreg:$0x1a];
	[sflag:s30] =	ssyncadd.s32 $0xFFFFC000  }
0x642: {  	[hbm4b:s21+s20] =	stream.linear.scatter [tilespmem:s2], [sflag:$0x3], $0x4000, $0x38;
	[tilespmem:$0x1C880] =	vst v63  }
0x643: {  	s22 =	sand.u32 $0x380, s20;
	s14 =	sadd.s32 $0x80080, s18;
	s16 =	sadd.s32 $0x80100, s18  }
0x644: {  	[spmem:s0] =	stream.linear.scatter [tilespmem:s5], [sflag:$0x4], $0x4000, $0x38;
	[tilespmem:$0x1C880] =	vst v63  }
0x645: {  	s12 =	sand.u32 $0x2000, s20;
	s13 =	sadd.s32 $0x80000, s18;
	_ =	swait.ge [sflag:s10], $0x4000  }
0x646: {  	s12 =	sor.u32 s22, s12;
	s22 =	simm.s32 $0x80;
	[sflag:s10] =	ssyncset.done $0x0  }
0x647: {  	s19 =	sadd.s32 $0x14880, s12;
	s12 =	sand.u32 $0x380, s22;
	[sflag:s10] =	ssyncadd.s32 $0xFFFFC000  }
0x648: {  	[tilespmem:s19], [sflag:$0x2] =	stream.linear.gather [spmem:s13], $0x80, $0x38;
	[tilespmem:$0x1C880] =	vst v63  }
0x649: {  	s15 =	sadd.s32 $0x400, s19;
	s17 =	sadd.s32 $0x800, s19;
	s22 =	sadd.s32 $0x1800, s19  }
0x64a: {  	[tilespmem:s15], [sflag:$0x2] =	stream.linear.gather [spmem:s14], $0x80, $0x38;
	[tilespmem:$0x1C880] =	vst v63  }
0x64b: {  	s20 =	sadd.s32 $0x80180, s18;
	s21 =	sadd.s32 $0xC00, s19;
	s13 =	simm.s32 $0x400  }
0x64c: {  	[tilespmem:s17], [sflag:$0x2] =	stream.linear.gather [spmem:s16], $0x80, $0x38;
	[tilespmem:$0x1C880] =	vst v63  }
0x64d: {  	s14 =	simm.s32 $0x400;
	s15 =	sadd.s32 $0x80200, s18;
	s16 =	sor.u32 $0x1000, s19  }
0x64e: {  	[tilespmem:s21], [sflag:$0x2] =	stream.linear.gather [spmem:s20], $0x80, $0x38;
	[tilespmem:$0x1C880] =	vst v63  }
0x64f: {  	s17 =	sadd.s32 $0x80280, s18;
	s20 =	sadd.s32 $0x1400, s19;
	s21 =	sadd.s32 $0x80300, s18  }
0x650: {  	[tilespmem:s16], [sflag:$0x2] =	stream.linear.gather [spmem:s15], $0x80, $0x38;
	[tilespmem:$0x1C880] =	vst v63  }
0x651: {  	s18 =	sadd.s32 $0x80380, s18;
	s19 =	sadd.s32 $0x1C00, s19;
	s16 =	sand.u32 $0x2000, s14  }
0x652: {  	[tilespmem:s20], [sflag:$0x2] =	stream.linear.gather [spmem:s17], $0x80, $0x38;
	[tilespmem:$0x1C880] =	vst v63  }
0x653: {  	s14 =	simm.s32 $0x800;
	s15 =	simm.s32 $0x100;
	s17 =	simm.s32 $0x2000  }
0x654: {  	[tilespmem:s22], [sflag:$0x2] =	stream.linear.gather [spmem:s21], $0x80, $0x38;
	[tilespmem:$0x1C880] =	vst v63  }
.LBB2_38:
0x655: {  	[tilespmem:s19], [sflag:$0x2] =	stream.linear.gather [spmem:s18], $0x80, $0x38;
	[tilespmem:$0x1C880] =	vst v63  }
0x656: {  	s18 =	smov.u32 s17  }
0x657: {  	s16 =	sor.u32 s12, s16;
	s12 =	sand.u32 $0x380, s15;
	s18 =	sadd.s32 s13, s24  }
0x658: {  	s13 =	sshra.s32 s17, $0x2;
	s19 =	sadd.s32 $0x14880, s16;
	s16 =	sadd.s32 $0x80000, s18  }
0x659: {  	[tilespmem:s19], [sflag:$0x2] =	stream.linear.gather [spmem:s16], $0x80, $0x38;
	[tilespmem:$0x1C880] =	vst v63  }
0x65a: {  	s20 =	sadd.s32 $0x80080, s18;
	s21 =	sadd.s32 $0x400, s19;
	s16 =	sand.u32 $0x2000, s14  }
0x65b: {  	[tilespmem:s21], [sflag:$0x2] =	stream.linear.gather [spmem:s20], $0x80, $0x38;
	[tilespmem:$0x1C880] =	vst v63  }
0x65c: {  	s22 =	sadd.s32 $0x800, s19;
	s20 =	sadd.s32 $0x1000, s17;
	s21 =	sadd.s32 $0x80100, s18  }
0x65d: {  	[tilespmem:s22], [sflag:$0x2] =	stream.linear.gather [spmem:s21], $0x80, $0x38;
	[tilespmem:$0x1C880] =	vst v63  }
0x65e: {  	p0 =	sne.s32 s17, $0xF000;
	s17 =	sadd.s32 $0x80180, s18;
	s21 =	sadd.s32 $0xC00, s19  }
0x65f: {  	[tilespmem:s21], [sflag:$0x2] =	stream.linear.gather [spmem:s17], $0x80, $0x38;
	[tilespmem:$0x1C880] =	vst v63  }
0x660: {  	s15 =	sadd.s32 $0x80, s15;
	s17 =	sadd.s32 $0x80200, s18;
	s21 =	sor.u32 $0x1000, s19  }
0x661: {  	[tilespmem:s21], [sflag:$0x2] =	stream.linear.gather [spmem:s17], $0x80, $0x38;
	[tilespmem:$0x1C880] =	vst v63  }
.Ltmp18:
0x662: {  	s17 =	sadd.s32 $0x80280, s18;
	s21 =	sadd.s32 $0x1400, s19;
	(pc) =	sbr.rel @p0 .LBB2_38-.Ltmp18, $4  }
0x663: {  	[tilespmem:s21], [sflag:$0x2] =	stream.linear.gather [spmem:s17], $0x80, $0x38;
	[tilespmem:$0x1C880] =	vst v63  }
0x664: {  	s14 =	sadd.s32 $0x400, s14;
	s17 =	sadd.s32 $0x80300, s18;
	s21 =	sadd.s32 $0x1800, s19  }
0x665: {  	[tilespmem:s21], [sflag:$0x2] =	stream.linear.gather [spmem:s17], $0x80, $0x38;
	[tilespmem:$0x1C880] =	vst v63  }
0x666: {  	s18 =	sadd.s32 $0x80380, s18;
	s19 =	sadd.s32 $0x1C00, s19;
	s17 =	smov.u32 s20  }
0x667: {  	[tilespmem:s19], [sflag:$0x2] =	stream.linear.gather [spmem:s18], $0x80, $0x38;
	[tilespmem:$0x1C880] =	vst v63  }
0x668: {  	s12 =	sor.u32 s12, s16;
	s13 =	sadd.s32 s13, s24  }
0x669: {  	s12 =	sadd.s32 $0x14880, s12;
	s14 =	sadd.s32 $0x80000, s13  }
0x66a: {  	[tilespmem:s12], [sflag:$0x2] =	stream.linear.gather [spmem:s14], $0x80, $0x38;
	[tilespmem:$0x1C880] =	vst v63  }
0x66b: {  	s16 =	sadd.s32 $0x80080, s13;
	s15 =	sadd.s32 $0x400, s12  }
0x66c: {  	[tilespmem:s15], [sflag:$0x2] =	stream.linear.gather [spmem:s16], $0x80, $0x38;
	[tilespmem:$0x1C880] =	vst v63  }
0x66d: {  	s17 =	sadd.s32 $0x80100, s13;
	s18 =	sadd.s32 $0x800, s12  }
0x66e: {  	[tilespmem:s18], [sflag:$0x2] =	stream.linear.gather [spmem:s17], $0x80, $0x38;
	[tilespmem:$0x1C880] =	vst v63  }
0x66f: {  	s19 =	sadd.s32 $0x80180, s13;
	s20 =	sadd.s32 $0xC00, s12  }
0x670: {  	[tilespmem:s20], [sflag:$0x2] =	stream.linear.gather [spmem:s19], $0x80, $0x38;
	[tilespmem:$0x1C880] =	vst v63  }
0x671: {  	s21 =	sadd.s32 $0x80200, s13;
	s22 =	sor.u32 $0x1000, s12  }
0x672: {  	[tilespmem:s22], [sflag:$0x2] =	stream.linear.gather [spmem:s21], $0x80, $0x38;
	[tilespmem:$0x1C880] =	vst v63  }
0x673: {  	s16 =	sadd.s32 $0x80280, s13;
	s17 =	sadd.s32 $0x1400, s12  }
0x674: {  	[tilespmem:s17], [sflag:$0x2] =	stream.linear.gather [spmem:s16], $0x80, $0x38;
	[tilespmem:$0x1C880] =	vst v63  }
0x675: {  	s18 =	sadd.s32 $0x80300, s13;
	s19 =	sadd.s32 $0x1800, s12  }
0x676: {  	[tilespmem:s19], [sflag:$0x2] =	stream.linear.gather [spmem:s18], $0x80, $0x38;
	[tilespmem:$0x1C880] =	vst v63  }
0x677: {  	s13 =	sadd.s32 $0x80380, s13;
	s12 =	sadd.s32 $0x1C00, s12  }
0x678: {  	[tilespmem:s12], [sflag:$0x2] =	stream.linear.gather [spmem:s13], $0x80, $0x38;
	[tilespmem:$0x1C880] =	vst v63  }
0x679: {  	_ =	swait.ge [sflag:s30], $0x4000  }
0x67a: {  	s20 =	simm.s32 $0x0;
	[sflag:s30] =	ssyncset.done $0x0  }
0x67b: {  	s18 =	sadd.s32 $0x0, s24;
	s21 =	rddreg [dreg:$0x1b];
	[sflag:s30] =	ssyncadd.s32 $0xFFFFC000  }
0x67c: {  	[hbm4b:s21+s20] =	stream.linear.scatter [tilespmem:s31], [sflag:$0x3], $0x4000, $0x38;
	[tilespmem:$0x1C880] =	vst v63  }
0x67d: {  	s22 =	sand.u32 $0x380, s20;
	s14 =	sadd.s32 $0xC0080, s18;
	s16 =	sadd.s32 $0xC0100, s18  }
0x67e: {  	[spmem:s25] =	stream.linear.scatter [tilespmem:s5], [sflag:$0x4], $0x4000, $0x38;
	[tilespmem:$0x1C880] =	vst v63  }
0x67f: {  	s12 =	sand.u32 $0x2000, s20;
	s13 =	sadd.s32 $0xC0000, s18;
	_ =	swait.ge [sflag:s10], $0x4000  }
0x680: {  	s12 =	sor.u32 s22, s12;
	s22 =	simm.s32 $0x80;
	[sflag:s10] =	ssyncset.done $0x0  }
0x681: {  	s19 =	sadd.s32 $0x18880, s12;
	s12 =	sand.u32 $0x380, s22;
	[sflag:s10] =	ssyncadd.s32 $0xFFFFC000  }
0x682: {  	[tilespmem:s19], [sflag:$0x2] =	stream.linear.gather [spmem:s13], $0x80, $0x38;
	[tilespmem:$0x1C880] =	vst v63  }
0x683: {  	s15 =	sadd.s32 $0x400, s19;
	s17 =	sadd.s32 $0x800, s19;
	s22 =	sadd.s32 $0x1800, s19  }
0x684: {  	[tilespmem:s15], [sflag:$0x2] =	stream.linear.gather [spmem:s14], $0x80, $0x38;
	[tilespmem:$0x1C880] =	vst v63  }
0x685: {  	s20 =	sadd.s32 $0xC0180, s18;
	s21 =	sadd.s32 $0xC00, s19;
	s13 =	simm.s32 $0x400  }
0x686: {  	[tilespmem:s17], [sflag:$0x2] =	stream.linear.gather [spmem:s16], $0x80, $0x38;
	[tilespmem:$0x1C880] =	vst v63  }
0x687: {  	s14 =	simm.s32 $0x400;
	s15 =	sadd.s32 $0xC0200, s18;
	s16 =	sor.u32 $0x1000, s19  }
0x688: {  	[tilespmem:s21], [sflag:$0x2] =	stream.linear.gather [spmem:s20], $0x80, $0x38;
	[tilespmem:$0x1C880] =	vst v63  }
0x689: {  	s17 =	sadd.s32 $0xC0280, s18;
	s20 =	sadd.s32 $0x1400, s19;
	s21 =	sadd.s32 $0xC0300, s18  }
0x68a: {  	[tilespmem:s16], [sflag:$0x2] =	stream.linear.gather [spmem:s15], $0x80, $0x38;
	[tilespmem:$0x1C880] =	vst v63  }
0x68b: {  	s18 =	sadd.s32 $0xC0380, s18;
	s19 =	sadd.s32 $0x1C00, s19;
	s16 =	sand.u32 $0x2000, s14  }
0x68c: {  	[tilespmem:s20], [sflag:$0x2] =	stream.linear.gather [spmem:s17], $0x80, $0x38;
	[tilespmem:$0x1C880] =	vst v63  }
0x68d: {  	s14 =	simm.s32 $0x800;
	s15 =	simm.s32 $0x100;
	s17 =	simm.s32 $0x2000  }
0x68e: {  	[tilespmem:s22], [sflag:$0x2] =	stream.linear.gather [spmem:s21], $0x80, $0x38;
	[tilespmem:$0x1C880] =	vst v63  }
.LBB2_40:
0x68f: {  	[tilespmem:s19], [sflag:$0x2] =	stream.linear.gather [spmem:s18], $0x80, $0x38;
	[tilespmem:$0x1C880] =	vst v63  }
0x690: {  	s18 =	smov.u32 s17  }
0x691: {  	s16 =	sor.u32 s12, s16;
	s12 =	sand.u32 $0x380, s15;
	s18 =	sadd.s32 s13, s24  }
0x692: {  	s13 =	sshra.s32 s17, $0x2;
	s19 =	sadd.s32 $0x18880, s16;
	s16 =	sadd.s32 $0xC0000, s18  }
0x693: {  	[tilespmem:s19], [sflag:$0x2] =	stream.linear.gather [spmem:s16], $0x80, $0x38;
	[tilespmem:$0x1C880] =	vst v63  }
0x694: {  	s20 =	sadd.s32 $0xC0080, s18;
	s21 =	sadd.s32 $0x400, s19;
	s16 =	sand.u32 $0x2000, s14  }
0x695: {  	[tilespmem:s21], [sflag:$0x2] =	stream.linear.gather [spmem:s20], $0x80, $0x38;
	[tilespmem:$0x1C880] =	vst v63  }
0x696: {  	s22 =	sadd.s32 $0x800, s19;
	s20 =	sadd.s32 $0x1000, s17;
	s21 =	sadd.s32 $0xC0100, s18  }
0x697: {  	[tilespmem:s22], [sflag:$0x2] =	stream.linear.gather [spmem:s21], $0x80, $0x38;
	[tilespmem:$0x1C880] =	vst v63  }
0x698: {  	p0 =	sne.s32 s17, $0xF000;
	s17 =	sadd.s32 $0xC0180, s18;
	s21 =	sadd.s32 $0xC00, s19  }
0x699: {  	[tilespmem:s21], [sflag:$0x2] =	stream.linear.gather [spmem:s17], $0x80, $0x38;
	[tilespmem:$0x1C880] =	vst v63  }
0x69a: {  	s15 =	sadd.s32 $0x80, s15;
	s17 =	sadd.s32 $0xC0200, s18;
	s21 =	sor.u32 $0x1000, s19  }
0x69b: {  	[tilespmem:s21], [sflag:$0x2] =	stream.linear.gather [spmem:s17], $0x80, $0x38;
	[tilespmem:$0x1C880] =	vst v63  }
.Ltmp19:
0x69c: {  	s17 =	sadd.s32 $0xC0280, s18;
	s21 =	sadd.s32 $0x1400, s19;
	(pc) =	sbr.rel @p0 .LBB2_40-.Ltmp19, $4  }
0x69d: {  	[tilespmem:s21], [sflag:$0x2] =	stream.linear.gather [spmem:s17], $0x80, $0x38;
	[tilespmem:$0x1C880] =	vst v63  }
0x69e: {  	s14 =	sadd.s32 $0x400, s14;
	s17 =	sadd.s32 $0xC0300, s18;
	s21 =	sadd.s32 $0x1800, s19  }
0x69f: {  	[tilespmem:s21], [sflag:$0x2] =	stream.linear.gather [spmem:s17], $0x80, $0x38;
	[tilespmem:$0x1C880] =	vst v63  }
0x6a0: {  	s18 =	sadd.s32 $0xC0380, s18;
	s19 =	sadd.s32 $0x1C00, s19;
	s17 =	smov.u32 s20  }
0x6a1: {  	[tilespmem:s19], [sflag:$0x2] =	stream.linear.gather [spmem:s18], $0x80, $0x38;
	[tilespmem:$0x1C880] =	vst v63  }
0x6a2: {  	s12 =	sor.u32 s12, s16;
	s13 =	sadd.s32 s13, s24  }
0x6a3: {  	s12 =	sadd.s32 $0x18880, s12;
	s14 =	sadd.s32 $0xC0000, s13  }
0x6a4: {  	[tilespmem:s12], [sflag:$0x2] =	stream.linear.gather [spmem:s14], $0x80, $0x38;
	[tilespmem:$0x1C880] =	vst v63  }
0x6a5: {  	s18 =	sadd.s32 $0xC0080, s13;
	s15 =	sadd.s32 $0x400, s12  }
0x6a6: {  	[tilespmem:s15], [sflag:$0x2] =	stream.linear.gather [spmem:s18], $0x80, $0x38;
	[tilespmem:$0x1C880] =	vst v63  }
0x6a7: {  	s19 =	sadd.s32 $0xC0100, s13;
	s20 =	sadd.s32 $0x800, s12  }
0x6a8: {  	[tilespmem:s20], [sflag:$0x2] =	stream.linear.gather [spmem:s19], $0x80, $0x38;
	[tilespmem:$0x1C880] =	vst v63  }
0x6a9: {  	s21 =	sadd.s32 $0xC0180, s13;
	s22 =	sadd.s32 $0xC00, s12  }
0x6aa: {  	[tilespmem:s22], [sflag:$0x2] =	stream.linear.gather [spmem:s21], $0x80, $0x38;
	[tilespmem:$0x1C880] =	vst v63  }
0x6ab: {  	s16 =	sor.u32 $0x1000, s12;
	s15 =	sadd.s32 $0xC0200, s13  }
0x6ac: {  	[tilespmem:s16], [sflag:$0x2] =	stream.linear.gather [spmem:s15], $0x80, $0x38;
	[tilespmem:$0x1C880] =	vst v63  }
0x6ad: {  	s17 =	sadd.s32 $0xC0280, s13;
	s18 =	sadd.s32 $0x1400, s12  }
0x6ae: {  	[tilespmem:s18], [sflag:$0x2] =	stream.linear.gather [spmem:s17], $0x80, $0x38;
	[tilespmem:$0x1C880] =	vst v63  }
0x6af: {  	s19 =	sadd.s32 $0xC0300, s13;
	s20 =	sadd.s32 $0x1800, s12  }
0x6b0: {  	[tilespmem:s20], [sflag:$0x2] =	stream.linear.gather [spmem:s19], $0x80, $0x38;
	[tilespmem:$0x1C880] =	vst v63  }
0x6b1: {  	s13 =	sadd.s32 $0xC0380, s13;
	s12 =	sadd.s32 $0x1C00, s12  }
0x6b2: {  	[tilespmem:s12], [sflag:$0x2] =	stream.linear.gather [spmem:s13], $0x80, $0x38;
	[tilespmem:$0x1C880] =	vst v63  }
0x6b3: {  	_ =	swait.ge [sflag:s30], $0x4000  }
0x6b4: {  	[sflag:s30] =	ssyncset.done $0x0  }
0x6b5: {  	s21 =	rddreg [dreg:$0x1c];
	[sflag:s30] =	ssyncadd.s32 $0xFFFFC000  }
0x6b6: {  	[hbm4b:s21+s6] =	stream.linear.scatter [tilespmem:s2], [sflag:$0x3], $0x4000, $0x38;
	[tilespmem:$0x1C880] =	vst v63  }
0x6b7: {  	_ = 	snop  }
0x6b8: {  	[spmem:s1] =	stream.linear.scatter [tilespmem:s5], [sflag:$0x4], $0x4000, $0x38;
	[tilespmem:$0x1C880] =	vst v63  }
0x6b9: {  	_ =	swait.ge [sflag:s10], $0x4000  }
0x6ba: {  	[sflag:s10] =	ssyncset.done $0x0  }
0x6bb: {  	[sflag:s10] =	ssyncadd.s32 $0xFFFFC000  }
0x6bc: {  	_ =	swait.ge [sflag:s10], $0x4000  }
0x6bd: {  	[sflag:s10] =	ssyncset.done $0x0  }
0x6be: {  	[sflag:s10] =	ssyncadd.s32 $0xFFFFC000  }
0x6bf: {  	_ =	swait.ge [sflag:s7], $0x4000  }
0x6c0: {  	[sflag:s7] =	ssyncset.done $0x0  }
0x6c1: {  	[sflag:s7] =	ssyncadd.s32 $0xFFFFC000  }
0x6c2: {  	_ =	swait.ge [sflag:s7], $0x4000  }
0x6c3: {  	[sflag:s7] =	ssyncset.done $0x0  }
0x6c4: {  	[sflag:s7] =	ssyncadd.s32 $0xFFFFC000  }
0x6c5: {  	_ =	swait.ge [sflag:s7], $0x4000  }
0x6c6: {  	[sflag:s7] =	ssyncset.done $0x0  }
0x6c7: {  	[sflag:s7] =	ssyncadd.s32 $0xFFFFC000  }
0x6c8: {  	_ =	swait.ge [sflag:s7], $0x4000  }
0x6c9: {  	s11 =	sadd.s32 $0x1, s11;
	s22 =	rddreg [dreg:$0x1e]  }
0x6ca: {  	p0 =	sne.s32 s11, s22  }
.Ltmp20:
0x6cb: {  	_ = 	snop;
	(pc) =	sbr.rel @p0 .LBB2_1-.Ltmp20, $3  }
0x6cc: {  	[sflag:s7] =	ssyncset.done $0x0  }
0x6cd: {  	[sflag:s7] =	ssyncadd.s32 $0xFFFFC000  }
0x6ce: {  	[bflag:$0x0] =	sbarrier.arrive $0xFFFF;
	_ =	sdelay $0x1  }
0x6cf: {  	_ =	sfence.sel $0x180000  }
0x6d0: {  	[bflag:$0x0] =	sbarrier.arrive $0xFFFF  }
0x6d1: {  	_ =	strace $0x90000047  }
0x6d2: {  	s0 =	stileid.u32;
	[bflag:$0x2] =	sbarrier.arrive $0xFFFF  }
0x6d3: {  	p0 =	sne.s32 s0, $0x0;
	s0 =	rddreg [dreg:$0x3]  }
0x6d4: {  	s0 =	sadd.s32 @!p0 $0x100000, s0  }
0x6d5: {  	[sflag:s0] =	ssyncadd.tile.s32 @!p0 $0x1;
	_ =	shalt  }
.Lfunc_end2:
_tile_overlayer_lowered:
.L_overlay_start_2:
0x6d6: {  	(tag) =	ssettag $0x2  }
0x6d7: {  	s0 =	rddreg [dreg:$0x0];
	s2 =	stileid.u32  }
0x6d8: {  	s1 =	rddreg [dreg:$0x1];
	p0 =	sne.s32 s2, $0x0  }
0x6d9: {  	s3 =	rddreg [dreg:$0x2];
	[bflag:$0x3] =	sbarrier.arrive $0xFFFF;
	s2 =	simm.s32 @!p0 $0x1C05  }
0x6da: {  	[timem:s3], [sflag:s2] =	dma.local @!p0 [hbm:s0], s1  }
0x6db: {  	s0 =	simm.s32 @!p0 $0x5  }
0x6dc: {  	_ =	swait.ge @!p0 [sflag:s0], s1  }
0x6dd: {  	s1 =	ssub.s32 @!p0 $0x0, s1;
	[sflag:s0] =	ssyncset.done @!p0 $0x0  }
0x6de: {  	[sflag:s0] =	ssyncadd.s32 @!p0 s1  }
0x6df: {  	[bflag:$0x3] =	sbarrier.arrive $0xFFFF  }
0x6e0: {  	_ =	shalt  }

</sc_bundles>
